<compile_context>
chip_gen: v7x
topology: tpu7x:2x2x1
jax: 0.10.2.dev20260603
libtpu: 0.0.44.dev20260713+nightly
codegen_flags: <defaults>
</compile_context>

<pallas_src>
import jax
import jax.numpy as jnp
from jax.experimental import pallas as pl


_NB = 1000


def _elu(x):
    return jnp.where(x > 0, x, jnp.exp(jnp.minimum(x, 0.0)) - 1.0)


def _dense1_body(x_ref, w1_ref, asrc_ref, adst_ref, sel_ref,
                 h_ref, as_ref, ad_ref):
    h = jnp.dot(x_ref[...], w1_ref[...], preferred_element_type=jnp.float32)
    h_ref[...] = h
    sel = sel_ref[...]
    as_ref[...] = jnp.dot(h * asrc_ref[...], sel,
                          preferred_element_type=jnp.float32)
    ad_ref[...] = jnp.dot(h * adst_ref[...], sel,
                          preferred_element_type=jnp.float32)


def _dense2_body(agg_ref, b1_ref, w2_ref, asrc_ref, adst_ref, ones_ref,
                 h_ref, as_ref, ad_ref):
    x = _elu(agg_ref[...] + b1_ref[...])
    h = jnp.dot(x, w2_ref[...], preferred_element_type=jnp.float32)
    h_ref[...] = h
    ones = ones_ref[...]
    as_ref[...] = jnp.dot(h * asrc_ref[...], ones,
                          preferred_element_type=jnp.float32)
    ad_ref[...] = jnp.dot(h * adst_ref[...], ones,
                          preferred_element_type=jnp.float32)


def _heads_body(agg_ref, b2_ref, fcw_ref, fcb_ref, muw_ref, mub_ref,
                varw_ref, varb_ref, piw_ref, pib_ref,
                mu_ref, var_ref, pi_ref):
    x = _elu(agg_ref[...] + b2_ref[...])
    f = _elu(jnp.dot(x, fcw_ref[...], preferred_element_type=jnp.float32)
             + fcb_ref[...])
    mu_ref[...] = jnp.dot(f, muw_ref[...],
                          preferred_element_type=jnp.float32) + mub_ref[...]
    v = jnp.dot(f, varw_ref[...],
                preferred_element_type=jnp.float32) + varb_ref[...]
    var_ref[...] = jnp.where(v > 0, v, 0.0) + jnp.log(1.0 + jnp.exp(-jnp.abs(v)))
    p = jnp.dot(f, piw_ref[...],
                preferred_element_type=jnp.float32) + pib_ref[...]
    p = p - jnp.max(p, axis=-1, keepdims=True)
    e = jnp.exp(p)
    pi_ref[...] = e / jnp.sum(e, axis=-1, keepdims=True)


def _full(shape):
    return pl.BlockSpec(shape, lambda i: (0, 0))


def _rows(cols):
    return pl.BlockSpec((_NB, cols), lambda i: (i, 0))


def kernel(node_ids, edge_index, emb, W1, att_src1, att_dst1, b1,
           W2, att_src2, att_dst2, b2, fc_W, fc_b,
           mu_W, mu_b, var_W, var_b, pi_W, pi_b):
    N = node_ids.shape[0]
    D = emb.shape[1]
    heads, H = att_src1.shape[1], att_src1.shape[2]
    F1 = heads * H
    grid = (N // _NB,)

    x = emb[node_ids]

    sel = (jnp.arange(F1)[:, None] // H
           == jnp.arange(heads)[None, :]).astype(jnp.float32)

    h1, as1, ad1 = pl.pallas_call(
        _dense1_body,
        grid=grid,
        in_specs=[_rows(D), _full((D, F1)), _full((1, F1)), _full((1, F1)),
                  _full((F1, heads))],
        out_specs=[_rows(F1), _rows(heads), _rows(heads)],
        out_shape=[jax.ShapeDtypeStruct((N, F1), jnp.float32),
                   jax.ShapeDtypeStruct((N, heads), jnp.float32),
                   jax.ShapeDtypeStruct((N, heads), jnp.float32)],
    )(x, W1, att_src1.reshape(1, F1), att_dst1.reshape(1, F1), sel)

    loops = jnp.arange(N, dtype=edge_index.dtype)
    ei = jnp.concatenate([edge_index, jnp.stack([loops, loops])], axis=1)
    src, dst = ei[0], ei[1]

    def edge_softmax(a_src, a_dst, h, nheads, hdim):
        alpha = a_src[src] + a_dst[dst]
        alpha = jnp.where(alpha > 0, alpha, 0.2 * alpha)
        amax = jax.ops.segment_max(alpha, dst, num_segments=N)
        alpha = jnp.exp(alpha - amax[dst])
        msg = (h[src].reshape(-1, nheads, hdim) * alpha[:, :, None])
        cat = jnp.concatenate([msg.reshape(-1, nheads * hdim), alpha], axis=1)
        aggc = jax.ops.segment_sum(cat, dst, num_segments=N)
        agg, denom = aggc[:, :nheads * hdim], aggc[:, nheads * hdim:]
        scale = 1.0 / (denom + 1e-16)
        out = agg.reshape(N, nheads, hdim) * scale[:, :, None]
        return out.reshape(N, nheads * hdim)

    agg1 = edge_softmax(as1, ad1, h1, heads, H)

    h2, as2, ad2 = pl.pallas_call(
        _dense2_body,
        grid=grid,
        in_specs=[_rows(F1), _full((1, F1)), _full((F1, H)), _full((1, H)),
                  _full((1, H)), _full((H, 1))],
        out_specs=[_rows(H), _rows(1), _rows(1)],
        out_shape=[jax.ShapeDtypeStruct((N, H), jnp.float32),
                   jax.ShapeDtypeStruct((N, 1), jnp.float32),
                   jax.ShapeDtypeStruct((N, 1), jnp.float32)],
    )(agg1, b1.reshape(1, F1), W2, att_src2.reshape(1, H),
      att_dst2.reshape(1, H), jnp.ones((H, 1), jnp.float32))

    agg2 = edge_softmax(as2, ad2, h2, 1, H)

    M = mu_W.shape[1]
    mu, var, pi = pl.pallas_call(
        _heads_body,
        grid=grid,
        in_specs=[_rows(H), _full((1, H)), _full((H, H)), _full((1, H)),
                  _full((H, M)), _full((1, M)), _full((H, M)), _full((1, M)),
                  _full((H, M)), _full((1, M))],
        out_specs=[_rows(M), _rows(M), _rows(M)],
        out_shape=[jax.ShapeDtypeStruct((N, M), jnp.float32),
                   jax.ShapeDtypeStruct((N, M), jnp.float32),
                   jax.ShapeDtypeStruct((N, M), jnp.float32)],
    )(agg2, b2.reshape(1, H), fc_W, fc_b.reshape(1, H),
      mu_W, mu_b.reshape(1, M), var_W, var_b.reshape(1, M),
      pi_W, pi_b.reshape(1, M))

    return (mu, var, pi)

# --- scband reference (transcript-rebuilt; emitter-appended) ---
"""Pipeline reference for scband-gnn-mdn-44779329028529 (READ-ONLY COPY).

The authoritative reference and input builder live on the scoring server;
editing this copy changes nothing except your own understanding.
"""

import jax, jax.numpy as jnp
import numpy as np


def gat_conv(x, edge_index, W, att_src, att_dst, bias, heads, out_ch):
    N = x.shape[0]
    loops = jnp.arange(N, dtype=edge_index.dtype)
    ei = jnp.concatenate([edge_index, jnp.stack([loops, loops])], axis=1)
    src, dst = ei[0], ei[1]
    h = (x @ W).reshape(N, heads, out_ch)
    a_src = (h * att_src).sum(-1)
    a_dst = (h * att_dst).sum(-1)
    alpha = a_src[src] + a_dst[dst]
    alpha = jax.nn.leaky_relu(alpha, negative_slope=0.2)
    amax = jax.ops.segment_max(alpha, dst, num_segments=N)
    alpha = jnp.exp(alpha - amax[dst])
    denom = jax.ops.segment_sum(alpha, dst, num_segments=N)
    alpha = alpha / (denom[dst] + 1e-16)
    msg = h[src] * alpha[:, :, None]
    out = jax.ops.segment_sum(msg, dst, num_segments=N)
    return out.reshape(N, heads * out_ch) + bias


def setup_inputs(seed: int = 0):
    key = jax.random.key(seed)
    ks = jax.random.split(key, 20)
    N, E, V, D, H = 10000, 320000, 50000, 128, 64
    M = 5
    node_ids = jax.random.randint(ks[0], (N,), 0, V, dtype=jnp.int32)
    edge_index = jax.random.randint(ks[1], (2, E), 0, N, dtype=jnp.int32)
    emb = jax.random.normal(ks[2], (V, D), dtype=jnp.float32) * 0.02
    W1 = jax.random.normal(ks[3], (D, 8 * H), dtype=jnp.float32) * 0.05
    att_src1 = jax.random.normal(ks[4], (1, 8, H), dtype=jnp.float32) * 0.05
    att_dst1 = jax.random.normal(ks[5], (1, 8, H), dtype=jnp.float32) * 0.05
    b1 = jnp.zeros((8 * H,), dtype=jnp.float32)
    W2 = jax.random.normal(ks[6], (8 * H, H), dtype=jnp.float32) * 0.05
    att_src2 = jax.random.normal(ks[7], (1, 1, H), dtype=jnp.float32) * 0.05
    att_dst2 = jax.random.normal(ks[8], (1, 1, H), dtype=jnp.float32) * 0.05
    b2 = jnp.zeros((H,), dtype=jnp.float32)
    fc_W = jax.random.normal(ks[9], (H, H), dtype=jnp.float32) * 0.05
    fc_b = jnp.zeros((H,), dtype=jnp.float32)
    mu_W = jax.random.normal(ks[10], (H, M), dtype=jnp.float32) * 0.05
    mu_b = jnp.zeros((M,), dtype=jnp.float32)
    var_W = jax.random.normal(ks[11], (H, M), dtype=jnp.float32) * 0.05
    var_b = jnp.zeros((M,), dtype=jnp.float32)
    pi_W = jax.random.normal(ks[12], (H, M), dtype=jnp.float32) * 0.05
    pi_b = jnp.zeros((M,), dtype=jnp.float32)
    return {"node_ids": node_ids, "edge_index": edge_index, "emb": emb,
            "W1": W1, "att_src1": att_src1, "att_dst1": att_dst1, "b1": b1,
            "W2": W2, "att_src2": att_src2, "att_dst2": att_dst2, "b2": b2,
            "fc_W": fc_W, "fc_b": fc_b, "mu_W": mu_W, "mu_b": mu_b,
            "var_W": var_W, "var_b": var_b, "pi_W": pi_W, "pi_b": pi_b}


def reference(node_ids, edge_index, emb, W1, att_src1, att_dst1, b1,
              W2, att_src2, att_dst2, b2, fc_W, fc_b,
              mu_W, mu_b, var_W, var_b, pi_W, pi_b):
    x = emb[node_ids]
    x = jax.nn.elu(gat_conv(x, edge_index, W1, att_src1, att_dst1, b1, 8, 64))
    x = jax.nn.elu(gat_conv(x, edge_index, W2, att_src2, att_dst2, b2, 1, 64))
    # dropout is identity in eval mode
    x = jax.nn.elu(x @ fc_W + fc_b)
    mu = x @ mu_W + mu_b
    var = jax.nn.softplus(x @ var_W + var_b)
    pi = jax.nn.softmax(x @ pi_W + pi_b, axis=1)
    return (mu, var, pi)

if __name__ == "__main__":
    import jax
    _d = setup_inputs()
    print(jax.jit(kernel)(*tuple(_d.values())))

</pallas_src>

<mosaic_0001>
module attributes {stable_mosaic.version = 14 : i64} {
  func.func @_dense1_body(%arg0: i32, %arg1: memref<1000x128xf32, #tpu.memory_space<vmem>>, %arg2: memref<128x512xf32, #tpu.memory_space<vmem>>, %arg3: memref<1x512xf32, #tpu.memory_space<vmem>>, %arg4: memref<1x512xf32, #tpu.memory_space<vmem>>, %arg5: memref<512x8xf32, #tpu.memory_space<vmem>>, %arg6: memref<1000x512xf32, #tpu.memory_space<vmem>>, %arg7: memref<1000x8xf32, #tpu.memory_space<vmem>>, %arg8: memref<1000x8xf32, #tpu.memory_space<vmem>>) attributes {dimension_semantics = [#tpu.dimension_semantics<arbitrary>], iteration_bounds = array<i64: 10>, scalar_prefetch = 0 : i64, scratch_operands = 0 : i64, tpu.core_type = #tpu.core_type<tc>, window_params = [{transform_indices = @transform_0, window_bounds = array<i64: 1000, 128>}, {pipeline_mode = #tpu.pipeline_mode<synchronous>, transform_indices = @transform_1, window_bounds = array<i64: 128, 512>}, {pipeline_mode = #tpu.pipeline_mode<synchronous>, transform_indices = @transform_2, window_bounds = array<i64: 1, 512>}, {pipeline_mode = #tpu.pipeline_mode<synchronous>, transform_indices = @transform_3, window_bounds = array<i64: 1, 512>}, {pipeline_mode = #tpu.pipeline_mode<synchronous>, transform_indices = @transform_4, window_bounds = array<i64: 512, 8>}, {transform_indices = @transform_5, window_bounds = array<i64: 1000, 512>}, {transform_indices = @transform_6, window_bounds = array<i64: 1000, 8>}, {transform_indices = @transform_7, window_bounds = array<i64: 1000, 8>}]} {
    %get3A = arith.constant 0 : index
    %get3A_0 = arith.constant 0 : index
    %get3A_1 = vector.load %arg1[%get3A, %get3A_0] : memref<1000x128xf32, #tpu.memory_space<vmem>>, vector<1000x128xf32>
    %get3A_2 = arith.constant 0 : index
    %get3A_3 = arith.constant 0 : index
    %get3A_4 = vector.load %arg2[%get3A_2, %get3A_3] : memref<128x512xf32, #tpu.memory_space<vmem>>, vector<128x512xf32>
    %dot_general3A = arith.constant dense<0.000000e+00> : vector<1000x512xf32>
    %dot_general3A_5 = tpu.matmul %get3A_1, %get3A_4, %dot_general3A {dimension_numbers = #tpu.dot_dimension_numbers<[1], [0], [0], [1], [0, 0, 1, 1], [], []>, transpose_lhs_hint = false} : vector<1000x128xf32>, vector<128x512xf32>, vector<1000x512xf32> -> vector<1000x512xf32>
    %swap3A = arith.constant 0 : index
    %swap3A_6 = arith.constant 0 : index
    %swap3A_7 = vector.load %arg6[%swap3A, %swap3A_6] : memref<1000x512xf32, #tpu.memory_space<vmem>>, vector<1000x512xf32>
    tpu.vector_store %arg6[%swap3A, %swap3A_6], %dot_general3A_5 {strides = array<i32>} : memref<1000x512xf32, #tpu.memory_space<vmem>>, vector<1000x512xf32>,
    %get3A_8 = arith.constant 0 : index
    %get3A_9 = arith.constant 0 : index
    %get3A_10 = vector.load %arg5[%get3A_8, %get3A_9] : memref<512x8xf32, #tpu.memory_space<vmem>>, vector<512x8xf32>
    %get3A_11 = arith.constant 0 : index
    %get3A_12 = arith.constant 0 : index
    %get3A_13 = vector.load %arg3[%get3A_11, %get3A_12] : memref<1x512xf32, #tpu.memory_space<vmem>>, vector<1x512xf32>
    %mul3A = vector.broadcast %get3A_13 : vector<1x512xf32> to vector<1000x512xf32>
    %mul3A_14 = arith.mulf %dot_general3A_5, %mul3A : vector<1000x512xf32>
    %dot_general3A_15 = arith.constant dense<0.000000e+00> : vector<1000x8xf32>
    %dot_general3A_16 = tpu.matmul %mul3A_14, %get3A_10, %dot_general3A_15 {dimension_numbers = #tpu.dot_dimension_numbers<[1], [0], [0], [1], [0, 0, 1, 1], [], []>, transpose_lhs_hint = false} : vector<1000x512xf32>, vector<512x8xf32>, vector<1000x8xf32> -> vector<1000x8xf32>
    %swap3A_17 = arith.constant 0 : index
    %swap3A_18 = arith.constant 0 : index
    %swap3A_19 = vector.load %arg7[%swap3A_17, %swap3A_18] : memref<1000x8xf32, #tpu.memory_space<vmem>>, vector<1000x8xf32>
    tpu.vector_store %arg7[%swap3A_17, %swap3A_18], %dot_general3A_16 {strides = array<i32>} : memref<1000x8xf32, #tpu.memory_space<vmem>>, vector<1000x8xf32>,
    %get3A_20 = arith.constant 0 : index
    %get3A_21 = arith.constant 0 : index
    %get3A_22 = vector.load %arg4[%get3A_20, %get3A_21] : memref<1x512xf32, #tpu.memory_space<vmem>>, vector<1x512xf32>
    %mul3A_23 = vector.broadcast %get3A_22 : vector<1x512xf32> to vector<1000x512xf32>
    %mul3A_24 = arith.mulf %dot_general3A_5, %mul3A_23 : vector<1000x512xf32>
    %dot_general3A_25 = arith.constant dense<0.000000e+00> : vector<1000x8xf32>
    %dot_general3A_26 = tpu.matmul %mul3A_24, %get3A_10, %dot_general3A_25 {dimension_numbers = #tpu.dot_dimension_numbers<[1], [0], [0], [1], [0, 0, 1, 1], [], []>, transpose_lhs_hint = false} : vector<1000x512xf32>, vector<512x8xf32>, vector<1000x8xf32> -> vector<1000x8xf32>
    %swap3A_27 = arith.constant 0 : index
    %swap3A_28 = arith.constant 0 : index
    %swap3A_29 = vector.load %arg8[%swap3A_27, %swap3A_28] : memref<1000x8xf32, #tpu.memory_space<vmem>>, vector<1000x8xf32>
    tpu.vector_store %arg8[%swap3A_27, %swap3A_28], %dot_general3A_26 {strides = array<i32>} : memref<1000x8xf32, #tpu.memory_space<vmem>>, vector<1000x8xf32>,
    return
  }
  func.func @transform_0(%arg0: i32) -> (i32, i32) {
    %c0_i32 = arith.constant 0 : i32
    %c0_i32_0 = arith.constant 0 : i32
    return %arg0, %c0_i32 : i32, i32
  }
  func.func @transform_1(%arg0: i32) -> (i32, i32) {
    %c0_i32 = arith.constant 0 : i32
    %c0_i32_0 = arith.constant 0 : i32
    %c0_i32_1 = arith.constant 0 : i32
    return %c0_i32, %c0_i32_0 : i32, i32
  }
  func.func @transform_2(%arg0: i32) -> (i32, i32) {
    %c0_i32 = arith.constant 0 : i32
    %c0_i32_0 = arith.constant 0 : i32
    %c0_i32_1 = arith.constant 0 : i32
    return %c0_i32, %c0_i32_0 : i32, i32
  }
  func.func @transform_3(%arg0: i32) -> (i32, i32) {
    %c0_i32 = arith.constant 0 : i32
    %c0_i32_0 = arith.constant 0 : i32
    %c0_i32_1 = arith.constant 0 : i32
    return %c0_i32, %c0_i32_0 : i32, i32
  }
  func.func @transform_4(%arg0: i32) -> (i32, i32) {
    %c0_i32 = arith.constant 0 : i32
    %c0_i32_0 = arith.constant 0 : i32
    %c0_i32_1 = arith.constant 0 : i32
    return %c0_i32, %c0_i32_0 : i32, i32
  }
  func.func @transform_5(%arg0: i32) -> (i32, i32) {
    %c0_i32 = arith.constant 0 : i32
    %c0_i32_0 = arith.constant 0 : i32
    return %arg0, %c0_i32 : i32, i32
  }
  func.func @transform_6(%arg0: i32) -> (i32, i32) {
    %c0_i32 = arith.constant 0 : i32
    %c0_i32_0 = arith.constant 0 : i32
    return %arg0, %c0_i32 : i32, i32
  }
  func.func @transform_7(%arg0: i32) -> (i32, i32) {
    %c0_i32 = arith.constant 0 : i32
    %c0_i32_0 = arith.constant 0 : i32
    return %arg0, %c0_i32 : i32, i32
  }
}

module attributes {stable_mosaic.version = 14 : i64} {
  func.func @_dense2_body(%arg0: i32, %arg1: memref<1000x512xf32, #tpu.memory_space<vmem>>, %arg2: memref<1x512xf32, #tpu.memory_space<vmem>>, %arg3: memref<512x64xf32, #tpu.memory_space<vmem>>, %arg4: memref<1x64xf32, #tpu.memory_space<vmem>>, %arg5: memref<1x64xf32, #tpu.memory_space<vmem>>, %arg6: memref<64x1xf32, #tpu.memory_space<vmem>>, %arg7: memref<1000x64xf32, #tpu.memory_space<vmem>>, %arg8: memref<1000x1xf32, #tpu.memory_space<vmem>>, %arg9: memref<1000x1xf32, #tpu.memory_space<vmem>>) attributes {dimension_semantics = [#tpu.dimension_semantics<arbitrary>], iteration_bounds = array<i64: 10>, scalar_prefetch = 0 : i64, scratch_operands = 0 : i64, tpu.core_type = #tpu.core_type<tc>, window_params = [{transform_indices = @transform_0, window_bounds = array<i64: 1000, 512>}, {pipeline_mode = #tpu.pipeline_mode<synchronous>, transform_indices = @transform_1, window_bounds = array<i64: 1, 512>}, {pipeline_mode = #tpu.pipeline_mode<synchronous>, transform_indices = @transform_2, window_bounds = array<i64: 512, 64>}, {pipeline_mode = #tpu.pipeline_mode<synchronous>, transform_indices = @transform_3, window_bounds = array<i64: 1, 64>}, {pipeline_mode = #tpu.pipeline_mode<synchronous>, transform_indices = @transform_4, window_bounds = array<i64: 1, 64>}, {pipeline_mode = #tpu.pipeline_mode<synchronous>, transform_indices = @transform_5, window_bounds = array<i64: 64, 1>}, {transform_indices = @transform_6, window_bounds = array<i64: 1000, 64>}, {transform_indices = @transform_7, window_bounds = array<i64: 1000, 1>}, {transform_indices = @transform_8, window_bounds = array<i64: 1000, 1>}]} {
    %get3A = arith.constant 0 : index
    %get3A_0 = arith.constant 0 : index
    %get3A_1 = vector.load %arg1[%get3A, %get3A_0] : memref<1000x512xf32, #tpu.memory_space<vmem>>, vector<1000x512xf32>
    %get3A_2 = arith.constant 0 : index
    %get3A_3 = arith.constant 0 : index
    %get3A_4 = vector.load %arg2[%get3A_2, %get3A_3] : memref<1x512xf32, #tpu.memory_space<vmem>>, vector<1x512xf32>
    %add3A = vector.broadcast %get3A_4 : vector<1x512xf32> to vector<1000x512xf32>
    %add3A_5 = arith.addf %get3A_1, %add3A : vector<1000x512xf32>
    %gt3A = arith.constant 0.000000e+00 : f32
    %gt3A_6 = vector.broadcast %gt3A : f32 to vector<1000x512xf32>
    %gt3A_7 = arith.cmpf ogt, %add3A_5, %gt3A_6 : vector<1000x512xf32>
    %min3A = arith.constant 0.000000e+00 : f32
    %min3A_8 = vector.broadcast %min3A : f32 to vector<1000x512xf32>
    %min3A_9 = arith.minimumf %add3A_5, %min3A_8 : vector<1000x512xf32>
    %exp3A = math.exp %min3A_9 : vector<1000x512xf32>
    %sub3A = arith.constant 1.000000e+00 : f32
    %sub3A_10 = vector.broadcast %sub3A : f32 to vector<1000x512xf32>
    %sub3A_11 = arith.subf %exp3A, %sub3A_10 : vector<1000x512xf32>
    %select_n3A = arith.select %gt3A_7, %add3A_5, %sub3A_11 : vector<1000x512xi1>, vector<1000x512xf32>
    %get3A_12 = arith.constant 0 : index
    %get3A_13 = arith.constant 0 : index
    %get3A_14 = vector.load %arg3[%get3A_12, %get3A_13] : memref<512x64xf32, #tpu.memory_space<vmem>>, vector<512x64xf32>
    %dot_general3A = arith.constant dense<0.000000e+00> : vector<1000x64xf32>
    %dot_general3A_15 = tpu.matmul %select_n3A, %get3A_14, %dot_general3A {dimension_numbers = #tpu.dot_dimension_numbers<[1], [0], [0], [1], [0, 0, 1, 1], [], []>, transpose_lhs_hint = false} : vector<1000x512xf32>, vector<512x64xf32>, vector<1000x64xf32> -> vector<1000x64xf32>
    %swap3A = arith.constant 0 : index
    %swap3A_16 = arith.constant 0 : index
    %swap3A_17 = vector.load %arg7[%swap3A, %swap3A_16] : memref<1000x64xf32, #tpu.memory_space<vmem>>, vector<1000x64xf32>
    tpu.vector_store %arg7[%swap3A, %swap3A_16], %dot_general3A_15 {strides = array<i32>} : memref<1000x64xf32, #tpu.memory_space<vmem>>, vector<1000x64xf32>,
    %get3A_18 = arith.constant 0 : index
    %get3A_19 = arith.constant 0 : index
    %get3A_20 = vector.load %arg6[%get3A_18, %get3A_19] : memref<64x1xf32, #tpu.memory_space<vmem>>, vector<64x1xf32>
    %get3A_21 = arith.constant 0 : index
    %get3A_22 = arith.constant 0 : index
    %get3A_23 = vector.load %arg4[%get3A_21, %get3A_22] : memref<1x64xf32, #tpu.memory_space<vmem>>, vector<1x64xf32>
    %mul3A = vector.broadcast %get3A_23 : vector<1x64xf32> to vector<1000x64xf32>
    %mul3A_24 = arith.mulf %dot_general3A_15, %mul3A : vector<1000x64xf32>
    %dot_general3A_25 = arith.constant dense<0.000000e+00> : vector<1000x1xf32>
    %dot_general3A_26 = tpu.matmul %mul3A_24, %get3A_20, %dot_general3A_25 {dimension_numbers = #tpu.dot_dimension_numbers<[1], [0], [0], [1], [0, 0, 1, 1], [], []>, transpose_lhs_hint = false} : vector<1000x64xf32>, vector<64x1xf32>, vector<1000x1xf32> -> vector<1000x1xf32>
    %swap3A_27 = arith.constant 0 : index
    %swap3A_28 = arith.constant 0 : index
    %swap3A_29 = vector.load %arg8[%swap3A_27, %swap3A_28] : memref<1000x1xf32, #tpu.memory_space<vmem>>, vector<1000x1xf32>
    tpu.vector_store %arg8[%swap3A_27, %swap3A_28], %dot_general3A_26 {strides = array<i32>} : memref<1000x1xf32, #tpu.memory_space<vmem>>, vector<1000x1xf32>,
    %get3A_30 = arith.constant 0 : index
    %get3A_31 = arith.constant 0 : index
    %get3A_32 = vector.load %arg5[%get3A_30, %get3A_31] : memref<1x64xf32, #tpu.memory_space<vmem>>, vector<1x64xf32>
    %mul3A_33 = vector.broadcast %get3A_32 : vector<1x64xf32> to vector<1000x64xf32>
    %mul3A_34 = arith.mulf %dot_general3A_15, %mul3A_33 : vector<1000x64xf32>
    %dot_general3A_35 = arith.constant dense<0.000000e+00> : vector<1000x1xf32>
    %dot_general3A_36 = tpu.matmul %mul3A_34, %get3A_20, %dot_general3A_35 {dimension_numbers = #tpu.dot_dimension_numbers<[1], [0], [0], [1], [0, 0, 1, 1], [], []>, transpose_lhs_hint = false} : vector<1000x64xf32>, vector<64x1xf32>, vector<1000x1xf32> -> vector<1000x1xf32>
    %swap3A_37 = arith.constant 0 : index
    %swap3A_38 = arith.constant 0 : index
    %swap3A_39 = vector.load %arg9[%swap3A_37, %swap3A_38] : memref<1000x1xf32, #tpu.memory_space<vmem>>, vector<1000x1xf32>
    tpu.vector_store %arg9[%swap3A_37, %swap3A_38], %dot_general3A_36 {strides = array<i32>} : memref<1000x1xf32, #tpu.memory_space<vmem>>, vector<1000x1xf32>,
    return
  }
  func.func @transform_0(%arg0: i32) -> (i32, i32) {
    %c0_i32 = arith.constant 0 : i32
    %c0_i32_0 = arith.constant 0 : i32
    return %arg0, %c0_i32 : i32, i32
  }
  func.func @transform_1(%arg0: i32) -> (i32, i32) {
    %c0_i32 = arith.constant 0 : i32
    %c0_i32_0 = arith.constant 0 : i32
    %c0_i32_1 = arith.constant 0 : i32
    return %c0_i32, %c0_i32_0 : i32, i32
  }
  func.func @transform_2(%arg0: i32) -> (i32, i32) {
    %c0_i32 = arith.constant 0 : i32
    %c0_i32_0 = arith.constant 0 : i32
    %c0_i32_1 = arith.constant 0 : i32
    return %c0_i32, %c0_i32_0 : i32, i32
  }
  func.func @transform_3(%arg0: i32) -> (i32, i32) {
    %c0_i32 = arith.constant 0 : i32
    %c0_i32_0 = arith.constant 0 : i32
    %c0_i32_1 = arith.constant 0 : i32
    return %c0_i32, %c0_i32_0 : i32, i32
  }
  func.func @transform_4(%arg0: i32) -> (i32, i32) {
    %c0_i32 = arith.constant 0 : i32
    %c0_i32_0 = arith.constant 0 : i32
    %c0_i32_1 = arith.constant 0 : i32
    return %c0_i32, %c0_i32_0 : i32, i32
  }
  func.func @transform_5(%arg0: i32) -> (i32, i32) {
    %c0_i32 = arith.constant 0 : i32
    %c0_i32_0 = arith.constant 0 : i32
    %c0_i32_1 = arith.constant 0 : i32
    return %c0_i32, %c0_i32_0 : i32, i32
  }
  func.func @transform_6(%arg0: i32) -> (i32, i32) {
    %c0_i32 = arith.constant 0 : i32
    %c0_i32_0 = arith.constant 0 : i32
    return %arg0, %c0_i32 : i32, i32
  }
  func.func @transform_7(%arg0: i32) -> (i32, i32) {
    %c0_i32 = arith.constant 0 : i32
    %c0_i32_0 = arith.constant 0 : i32
    return %arg0, %c0_i32 : i32, i32
  }
  func.func @transform_8(%arg0: i32) -> (i32, i32) {
    %c0_i32 = arith.constant 0 : i32
    %c0_i32_0 = arith.constant 0 : i32
    return %arg0, %c0_i32 : i32, i32
  }
}

module attributes {stable_mosaic.version = 14 : i64} {
  func.func @_heads_body(%arg0: i32, %arg1: memref<1000x64xf32, #tpu.memory_space<vmem>>, %arg2: memref<1x64xf32, #tpu.memory_space<vmem>>, %arg3: memref<64x64xf32, #tpu.memory_space<vmem>>, %arg4: memref<1x64xf32, #tpu.memory_space<vmem>>, %arg5: memref<64x5xf32, #tpu.memory_space<vmem>>, %arg6: memref<1x5xf32, #tpu.memory_space<vmem>>, %arg7: memref<64x5xf32, #tpu.memory_space<vmem>>, %arg8: memref<1x5xf32, #tpu.memory_space<vmem>>, %arg9: memref<64x5xf32, #tpu.memory_space<vmem>>, %arg10: memref<1x5xf32, #tpu.memory_space<vmem>>, %arg11: memref<1000x5xf32, #tpu.memory_space<vmem>>, %arg12: memref<1000x5xf32, #tpu.memory_space<vmem>>, %arg13: memref<1000x5xf32, #tpu.memory_space<vmem>>) attributes {dimension_semantics = [#tpu.dimension_semantics<arbitrary>], iteration_bounds = array<i64: 10>, scalar_prefetch = 0 : i64, scratch_operands = 0 : i64, tpu.core_type = #tpu.core_type<tc>, window_params = [{transform_indices = @transform_0, window_bounds = array<i64: 1000, 64>}, {pipeline_mode = #tpu.pipeline_mode<synchronous>, transform_indices = @transform_1, window_bounds = array<i64: 1, 64>}, {pipeline_mode = #tpu.pipeline_mode<synchronous>, transform_indices = @transform_2, window_bounds = array<i64: 64, 64>}, {pipeline_mode = #tpu.pipeline_mode<synchronous>, transform_indices = @transform_3, window_bounds = array<i64: 1, 64>}, {pipeline_mode = #tpu.pipeline_mode<synchronous>, transform_indices = @transform_4, window_bounds = array<i64: 64, 5>}, {pipeline_mode = #tpu.pipeline_mode<synchronous>, transform_indices = @transform_5, window_bounds = array<i64: 1, 5>}, {pipeline_mode = #tpu.pipeline_mode<synchronous>, transform_indices = @transform_6, window_bounds = array<i64: 64, 5>}, {pipeline_mode = #tpu.pipeline_mode<synchronous>, transform_indices = @transform_7, window_bounds = array<i64: 1, 5>}, {pipeline_mode = #tpu.pipeline_mode<synchronous>, transform_indices = @transform_8, window_bounds = array<i64: 64, 5>}, {pipeline_mode = #tpu.pipeline_mode<synchronous>, transform_indices = @transform_9, window_bounds = array<i64: 1, 5>}, {transform_indices = @transform_10, window_bounds = array<i64: 1000, 5>}, {transform_indices = @transform_11, window_bounds = array<i64: 1000, 5>}, {transform_indices = @transform_12, window_bounds = array<i64: 1000, 5>}]} {
    %get3A = arith.constant 0 : index
    %get3A_0 = arith.constant 0 : index
    %get3A_1 = vector.load %arg1[%get3A, %get3A_0] : memref<1000x64xf32, #tpu.memory_space<vmem>>, vector<1000x64xf32>
    %get3A_2 = arith.constant 0 : index
    %get3A_3 = arith.constant 0 : index
    %get3A_4 = vector.load %arg2[%get3A_2, %get3A_3] : memref<1x64xf32, #tpu.memory_space<vmem>>, vector<1x64xf32>
    %add3A = vector.broadcast %get3A_4 : vector<1x64xf32> to vector<1000x64xf32>
    %add3A_5 = arith.addf %get3A_1, %add3A : vector<1000x64xf32>
    %gt3A = arith.constant 0.000000e+00 : f32
    %gt3A_6 = vector.broadcast %gt3A : f32 to vector<1000x64xf32>
    %gt3A_7 = arith.cmpf ogt, %add3A_5, %gt3A_6 : vector<1000x64xf32>
    %min3A = arith.constant 0.000000e+00 : f32
    %min3A_8 = vector.broadcast %min3A : f32 to vector<1000x64xf32>
    %min3A_9 = arith.minimumf %add3A_5, %min3A_8 : vector<1000x64xf32>
    %exp3A = math.exp %min3A_9 : vector<1000x64xf32>
    %sub3A = arith.constant 1.000000e+00 : f32
    %sub3A_10 = vector.broadcast %sub3A : f32 to vector<1000x64xf32>
    %sub3A_11 = arith.subf %exp3A, %sub3A_10 : vector<1000x64xf32>
    %select_n3A = arith.select %gt3A_7, %add3A_5, %sub3A_11 : vector<1000x64xi1>, vector<1000x64xf32>
    %get3A_12 = arith.constant 0 : index
    %get3A_13 = arith.constant 0 : index
    %get3A_14 = vector.load %arg3[%get3A_12, %get3A_13] : memref<64x64xf32, #tpu.memory_space<vmem>>, vector<64x64xf32>
    %dot_general3A = arith.constant dense<0.000000e+00> : vector<1000x64xf32>
    %dot_general3A_15 = tpu.matmul %select_n3A, %get3A_14, %dot_general3A {dimension_numbers = #tpu.dot_dimension_numbers<[1], [0], [0], [1], [0, 0, 1, 1], [], []>, transpose_lhs_hint = false} : vector<1000x64xf32>, vector<64x64xf32>, vector<1000x64xf32> -> vector<1000x64xf32>
    %get3A_16 = arith.constant 0 : index
    %get3A_17 = arith.constant 0 : index
    %get3A_18 = vector.load %arg4[%get3A_16, %get3A_17] : memref<1x64xf32, #tpu.memory_space<vmem>>, vector<1x64xf32>
    %add3A_19 = vector.broadcast %get3A_18 : vector<1x64xf32> to vector<1000x64xf32>
    %add3A_20 = arith.addf %dot_general3A_15, %add3A_19 : vector<1000x64xf32>
    %gt3A_21 = arith.constant 0.000000e+00 : f32
    %gt3A_22 = vector.broadcast %gt3A_21 : f32 to vector<1000x64xf32>
    %gt3A_23 = arith.cmpf ogt, %add3A_20, %gt3A_22 : vector<1000x64xf32>
    %min3A_24 = arith.constant 0.000000e+00 : f32
    %min3A_25 = vector.broadcast %min3A_24 : f32 to vector<1000x64xf32>
    %min3A_26 = arith.minimumf %add3A_20, %min3A_25 : vector<1000x64xf32>
    %exp3A_27 = math.exp %min3A_26 : vector<1000x64xf32>
    %sub3A_28 = arith.constant 1.000000e+00 : f32
    %sub3A_29 = vector.broadcast %sub3A_28 : f32 to vector<1000x64xf32>
    %sub3A_30 = arith.subf %exp3A_27, %sub3A_29 : vector<1000x64xf32>
    %select_n3A_31 = arith.select %gt3A_23, %add3A_20, %sub3A_30 : vector<1000x64xi1>, vector<1000x64xf32>
    %get3A_32 = arith.constant 0 : index
    %get3A_33 = arith.constant 0 : index
    %get3A_34 = vector.load %arg5[%get3A_32, %get3A_33] : memref<64x5xf32, #tpu.memory_space<vmem>>, vector<64x5xf32>
    %dot_general3A_35 = arith.constant dense<0.000000e+00> : vector<1000x5xf32>
    %dot_general3A_36 = tpu.matmul %select_n3A_31, %get3A_34, %dot_general3A_35 {dimension_numbers = #tpu.dot_dimension_numbers<[1], [0], [0], [1], [0, 0, 1, 1], [], []>, transpose_lhs_hint = false} : vector<1000x64xf32>, vector<64x5xf32>, vector<1000x5xf32> -> vector<1000x5xf32>
    %get3A_37 = arith.constant 0 : index
    %get3A_38 = arith.constant 0 : index
    %get3A_39 = vector.load %arg6[%get3A_37, %get3A_38] : memref<1x5xf32, #tpu.memory_space<vmem>>, vector<1x5xf32>
    %add3A_40 = vector.broadcast %get3A_39 : vector<1x5xf32> to vector<1000x5xf32>
    %add3A_41 = arith.addf %dot_general3A_36, %add3A_40 : vector<1000x5xf32>
    %swap3A = arith.constant 0 : index
    %swap3A_42 = arith.constant 0 : index
    %swap3A_43 = vector.load %arg11[%swap3A, %swap3A_42] : memref<1000x5xf32, #tpu.memory_space<vmem>>, vector<1000x5xf32>
    tpu.vector_store %arg11[%swap3A, %swap3A_42], %add3A_41 {strides = array<i32>} : memref<1000x5xf32, #tpu.memory_space<vmem>>, vector<1000x5xf32>,
    %get3A_44 = arith.constant 0 : index
    %get3A_45 = arith.constant 0 : index
    %get3A_46 = vector.load %arg7[%get3A_44, %get3A_45] : memref<64x5xf32, #tpu.memory_space<vmem>>, vector<64x5xf32>
    %dot_general3A_47 = arith.constant dense<0.000000e+00> : vector<1000x5xf32>
    %dot_general3A_48 = tpu.matmul %select_n3A_31, %get3A_46, %dot_general3A_47 {dimension_numbers = #tpu.dot_dimension_numbers<[1], [0], [0], [1], [0, 0, 1, 1], [], []>, transpose_lhs_hint = false} : vector<1000x64xf32>, vector<64x5xf32>, vector<1000x5xf32> -> vector<1000x5xf32>
    %get3A_49 = arith.constant 0 : index
    %get3A_50 = arith.constant 0 : index
    %get3A_51 = vector.load %arg8[%get3A_49, %get3A_50] : memref<1x5xf32, #tpu.memory_space<vmem>>, vector<1x5xf32>
    %add3A_52 = vector.broadcast %get3A_51 : vector<1x5xf32> to vector<1000x5xf32>
    %add3A_53 = arith.addf %dot_general3A_48, %add3A_52 : vector<1000x5xf32>
    %gt3A_54 = arith.constant 0.000000e+00 : f32
    %gt3A_55 = vector.broadcast %gt3A_54 : f32 to vector<1000x5xf32>
    %gt3A_56 = arith.cmpf ogt, %add3A_53, %gt3A_55 : vector<1000x5xf32>
    %jit3A = arith.constant 0.000000e+00 : f32
    %broadcast_in_dim3A = vector.broadcast %jit3A : f32 to vector<1000x5xf32>
    %select_n3A_57 = arith.select %gt3A_56, %add3A_53, %broadcast_in_dim3A : vector<1000x5xi1>, vector<1000x5xf32>
    %abs3A = math.absf %add3A_53 : vector<1000x5xf32>
    %neg3A = arith.constant 0.000000e+00 : f32
    %neg3A_58 = vector.broadcast %neg3A : f32 to vector<1000x5xf32>
    %neg3A_59 = arith.subf %neg3A_58, %abs3A : vector<1000x5xf32>
    %exp3A_60 = math.exp %neg3A_59 : vector<1000x5xf32>
    %add3A_61 = arith.constant 1.000000e+00 : f32
    %add3A_62 = vector.broadcast %add3A_61 : f32 to vector<1000x5xf32>
    %add3A_63 = arith.addf %add3A_62, %exp3A_60 : vector<1000x5xf32>
    %log3A = math.log %add3A_63 : vector<1000x5xf32>
    %add3A_64 = arith.addf %select_n3A_57, %log3A : vector<1000x5xf32>
    %swap3A_65 = arith.constant 0 : index
    %swap3A_66 = arith.constant 0 : index
    %swap3A_67 = vector.load %arg12[%swap3A_65, %swap3A_66] : memref<1000x5xf32, #tpu.memory_space<vmem>>, vector<1000x5xf32>
    tpu.vector_store %arg12[%swap3A_65, %swap3A_66], %add3A_64 {strides = array<i32>} : memref<1000x5xf32, #tpu.memory_space<vmem>>, vector<1000x5xf32>,
    %get3A_68 = arith.constant 0 : index
    %get3A_69 = arith.constant 0 : index
    %get3A_70 = vector.load %arg9[%get3A_68, %get3A_69] : memref<64x5xf32, #tpu.memory_space<vmem>>, vector<64x5xf32>
    %dot_general3A_71 = arith.constant dense<0.000000e+00> : vector<1000x5xf32>
    %dot_general3A_72 = tpu.matmul %select_n3A_31, %get3A_70, %dot_general3A_71 {dimension_numbers = #tpu.dot_dimension_numbers<[1], [0], [0], [1], [0, 0, 1, 1], [], []>, transpose_lhs_hint = false} : vector<1000x64xf32>, vector<64x5xf32>, vector<1000x5xf32> -> vector<1000x5xf32>
    %get3A_73 = arith.constant 0 : index
    %get3A_74 = arith.constant 0 : index
    %get3A_75 = vector.load %arg10[%get3A_73, %get3A_74] : memref<1x5xf32, #tpu.memory_space<vmem>>, vector<1x5xf32>
    %add3A_76 = vector.broadcast %get3A_75 : vector<1x5xf32> to vector<1000x5xf32>
    %add3A_77 = arith.addf %dot_general3A_72, %add3A_76 : vector<1000x5xf32>
    %reduce_max3A = arith.constant dense<0xFF800000> : vector<1000xf32>
    %reduce_max3A_78 = vector.multi_reduction <maximumf>, %add3A_77, %reduce_max3A [1] : vector<1000x5xf32> to vector<1000xf32>
    %broadcast_in_dim3A_79 = vector.shape_cast %reduce_max3A_78 : vector<1000xf32> to vector<1000x1xf32>
    %sub3A_80 = vector.broadcast %broadcast_in_dim3A_79 : vector<1000x1xf32> to vector<1000x5xf32>
    %sub3A_81 = arith.subf %add3A_77, %sub3A_80 : vector<1000x5xf32>
    %exp3A_82 = math.exp %sub3A_81 : vector<1000x5xf32>
    %reduce_sum3A = arith.constant dense<0.000000e+00> : vector<1000xf32>
    %reduce_sum3A_83 = vector.multi_reduction <add>, %exp3A_82, %reduce_sum3A [1] : vector<1000x5xf32> to vector<1000xf32>
    %broadcast_in_dim3A_84 = vector.shape_cast %reduce_sum3A_83 : vector<1000xf32> to vector<1000x1xf32>
    %div3A = vector.broadcast %broadcast_in_dim3A_84 : vector<1000x1xf32> to vector<1000x5xf32>
    %div3A_85 = arith.divf %exp3A_82, %div3A : vector<1000x5xf32>
    %swap3A_86 = arith.constant 0 : index
    %swap3A_87 = arith.constant 0 : index
    %swap3A_88 = vector.load %arg13[%swap3A_86, %swap3A_87] : memref<1000x5xf32, #tpu.memory_space<vmem>>, vector<1000x5xf32>
    tpu.vector_store %arg13[%swap3A_86, %swap3A_87], %div3A_85 {strides = array<i32>} : memref<1000x5xf32, #tpu.memory_space<vmem>>, vector<1000x5xf32>,
    return
  }
  func.func @transform_0(%arg0: i32) -> (i32, i32) {
    %c0_i32 = arith.constant 0 : i32
    %c0_i32_0 = arith.constant 0 : i32
    return %arg0, %c0_i32 : i32, i32
  }
  func.func @transform_1(%arg0: i32) -> (i32, i32) {
    %c0_i32 = arith.constant 0 : i32
    %c0_i32_0 = arith.constant 0 : i32
    %c0_i32_1 = arith.constant 0 : i32
    return %c0_i32, %c0_i32_0 : i32, i32
  }
  func.func @transform_2(%arg0: i32) -> (i32, i32) {
    %c0_i32 = arith.constant 0 : i32
    %c0_i32_0 = arith.constant 0 : i32
    %c0_i32_1 = arith.constant 0 : i32
    return %c0_i32, %c0_i32_0 : i32, i32
  }
  func.func @transform_3(%arg0: i32) -> (i32, i32) {
    %c0_i32 = arith.constant 0 : i32
    %c0_i32_0 = arith.constant 0 : i32
    %c0_i32_1 = arith.constant 0 : i32
    return %c0_i32, %c0_i32_0 : i32, i32
  }
  func.func @transform_4(%arg0: i32) -> (i32, i32) {
    %c0_i32 = arith.constant 0 : i32
    %c0_i32_0 = arith.constant 0 : i32
    %c0_i32_1 = arith.constant 0 : i32
    return %c0_i32, %c0_i32_0 : i32, i32
  }
  func.func @transform_5(%arg0: i32) -> (i32, i32) {
    %c0_i32 = arith.constant 0 : i32
    %c0_i32_0 = arith.constant 0 : i32
    %c0_i32_1 = arith.constant 0 : i32
    return %c0_i32, %c0_i32_0 : i32, i32
  }
  func.func @transform_6(%arg0: i32) -> (i32, i32) {
    %c0_i32 = arith.constant 0 : i32
    %c0_i32_0 = arith.constant 0 : i32
    %c0_i32_1 = arith.constant 0 : i32
    return %c0_i32, %c0_i32_0 : i32, i32
  }
  func.func @transform_7(%arg0: i32) -> (i32, i32) {
    %c0_i32 = arith.constant 0 : i32
    %c0_i32_0 = arith.constant 0 : i32
    %c0_i32_1 = arith.constant 0 : i32
    return %c0_i32, %c0_i32_0 : i32, i32
  }
  func.func @transform_8(%arg0: i32) -> (i32, i32) {
    %c0_i32 = arith.constant 0 : i32
    %c0_i32_0 = arith.constant 0 : i32
    %c0_i32_1 = arith.constant 0 : i32
    return %c0_i32, %c0_i32_0 : i32, i32
  }
  func.func @transform_9(%arg0: i32) -> (i32, i32) {
    %c0_i32 = arith.constant 0 : i32
    %c0_i32_0 = arith.constant 0 : i32
    %c0_i32_1 = arith.constant 0 : i32
    return %c0_i32, %c0_i32_0 : i32, i32
  }
  func.func @transform_10(%arg0: i32) -> (i32, i32) {
    %c0_i32 = arith.constant 0 : i32
    %c0_i32_0 = arith.constant 0 : i32
    return %arg0, %c0_i32 : i32, i32
  }
  func.func @transform_11(%arg0: i32) -> (i32, i32) {
    %c0_i32 = arith.constant 0 : i32
    %c0_i32_0 = arith.constant 0 : i32
    return %arg0, %c0_i32 : i32, i32
  }
  func.func @transform_12(%arg0: i32) -> (i32, i32) {
    %c0_i32 = arith.constant 0 : i32
    %c0_i32_0 = arith.constant 0 : i32
    return %arg0, %c0_i32 : i32, i32
  }
}

</mosaic_0001>

<sc_bundles>
// kernel: gather_offload_async_start
scs
__scs_entry_jumppad:
0x0: {  	(pc) =	sbr.rel $0x88, $3  }
0x1: {  	(tag) =	ssettag $0x0;
	lr =	simm.s32 $0x1  }
0x2: {  	[smem:$0x3F8E] =	sst lr;
	_ =	strace $0xD0000000  }
0x3: {  	_ = 	snop  }
0x4: {  	_ = 	snop  }
0x5: {  	_ = 	snop  }
0x6: {  	_ = 	snop  }
0x7: {  	_ = 	snop  }
__scs_overlays_trampoline_lowered:
0x8: {  	[smem:$0x3F9D] =	sst s0  }
0x9: {  	[smem:$0x3F9E] =	sst s1  }
0xa: {  	[smem:$0x3F9F] =	sst s2  }
0xb: {  	[smem:$0x3FA0] =	sst s3  }
0xc: {  	[smem:$0x3FA1] =	sst s4  }
0xd: {  	[smem:$0x3FA2] =	sst s5  }
0xe: {  	[smem:$0x3FA3] =	sst s6  }
0xf: {  	[smem:$0x3FA4] =	sst s7  }
0x10: {  	[smem:$0x3FA5] =	sst s8  }
0x11: {  	[smem:$0x3FA6] =	sst s9;
	s0 =	simm.s32 @!p0 $0x0  }
0x12: {  	s1 =	sld [smem:$0x3F8C];
	s0 =	simm.s32 @p0 $0x1  }
0x13: {  	[smem:$0x3FA7] =	sst s0;
	s0 =	simm.s32 @!p1 $0x0  }
0x14: {  	s2 =	sld [smem:$0x3F8B];
	s0 =	simm.s32 @p1 $0x1  }
0x15: {  	[smem:$0x3FA8] =	sst s0;
	s0 =	simm.s32 @!p2 $0x0  }
0x16: {  	s3 =	sld [smem:$0x3FDB];
	s0 =	simm.s32 @p2 $0x1  }
0x17: {  	s4 =	simm.s32 $0x1BF5;
	[smem:$0x3FAA] =	sst s0  }
0x18: {  	s0 =	sld [smem:$0x3F8D];
	_ =	swait.ge [sflag:s4], $0x0  }
0x19: {  	s7 =	sld [smem:$0x3F8E]  }
0x1a: {  	s8 =	sadd.s32 $0xFFFFE003, lr  }
0x1b: {  	s9 =	sadd.s32 $0xFFFFFEF7, lr;
	s5 =	simm.s32 $0xFFFFFFFF;
	p2 =	slt.u32 s8, $0xFFFFF086  }
0x1c: {  	p1 =	slt.u32 s9, $0xF7A;
	s5 =	simm.s32 @!p2 $0x0  }
0x1d: {  	s5 =	simm.s32 @p1 $0x1;
	p0 =	seq.s32 s7, s2  }
0x1e: {  	s7 =	smul.u32 @!p0 $0xF7A, s2;
	p2 =	seq.s32 @!p0 s5, $0x0  }
0x1f: {  	s9 =	smul.u32 $0xF7A, s1;
	s8 =	simm.s32 @!p0 $0x1BF5;
	p2 =	por !p2, p0  }
0x20: {  	[sflag:s8] =	ssyncset.s32 @!p0 $0xFFFFF086;
	s6 =	sadd.s32 @!p0 s3, s7;
	s7 =	simm.s32 @!p0 $0x108  }
0x21: {  	s3 =	sadd.s32 s3, s9;
	s6 =	sadd.s32 @!p0 $0x88, s6;
	s7 =	simm.s32 @p2 $0x1082  }
0x22: {  	[simem:s7], [sflag:s8] =	dma.local @!p0 [hbm:s6], $0xF7A  }
0x23: {  	s9 =	sor.u32 $0xD0000000, s2;
	s6 =	simm.s32 $0x108;
	_ =	swait.ge @!p0 [sflag:s8], $0x0  }
0x24: {  	s3 =	sadd.s32 $0x88, s3;
	s6 =	simm.s32 @!p1 $0x1082;
	[sflag:s4] =	ssyncset.s32 $0xFFFFF086  }
0x25: {  	[simem:s6], [sflag:s4] =	dma.local [hbm:s3], $0xF7A  }
0x26: {  	[smem:$0x3F8E] =	sst s1;
	(tag) =	ssettag s2;
	_ =	strace s9  }
0x27: {  	s1 =	sld [smem:$0x3F9E]  }
0x28: {  	s2 =	sld [smem:$0x3F9F]  }
0x29: {  	s4 =	sld [smem:$0x3FA1]  }
0x2a: {  	p0 =	seq.s32 s5, $0x0;
	s5 =	sld [smem:$0x3FA2]  }
0x2b: {  	s6 =	sld [smem:$0x3FA3]  }
0x2c: {  	s7 =	sld [smem:$0x3FA4]  }
0x2d: {  	s3 =	simm.s32 $0x108;
	s8 =	sld [smem:$0x3FA5]  }
0x2e: {  	s3 =	simm.s32 @!p0 $0x1082;
	s9 =	sld [smem:$0x3FA6]  }
0x2f: {  	lr =	sadd.s32 s0, s3;
	s0 =	sld [smem:$0x3F9D]  }
0x30: {  	s3 =	sld [smem:$0x3FA0]  }
0x31: {  	[smem:$0x3FA9] =	sst s10  }
0x32: {  	s10 =	sld [smem:$0x3FA7];
	_ =	sdelay $0x3  }
0x33: {  	p0 =	seq.s32 s10, $0x1;
	s10 =	sld [smem:$0x3FA9];
	_ =	sdelay $0x3  }
0x34: {  	[smem:$0x3FA9] =	sst s10  }
0x35: {  	s10 =	sld [smem:$0x3FA8];
	_ =	sdelay $0x3  }
0x36: {  	p1 =	seq.s32 s10, $0x1;
	s10 =	sld [smem:$0x3FA9];
	_ =	sdelay $0x3  }
0x37: {  	[smem:$0x3FA9] =	sst s10  }
0x38: {  	s10 =	sld [smem:$0x3FAA]  }
0x39: {  	_ = 	snop;
	(pc) =	sbr.ind lr, $3  }
0x3a: {  	_ = 	snop  }
0x3b: {  	_ = 	snop  }
0x3c: {  	p2 =	seq.s32 s10, $0x1;
	s10 =	sld [smem:$0x3FA9]  }
0x3d: {  	_ =	shalt  }
0x3e: {  	_ =	shalt  }
0x3f: {  	_ =	shalt  }
0x40: {  	_ =	shalt  }
0x41: {  	_ =	shalt  }
0x42: {  	_ =	shalt  }
0x43: {  	_ =	shalt  }
0x44: {  	_ =	shalt  }
0x45: {  	_ =	shalt  }
0x46: {  	_ =	shalt  }
0x47: {  	_ =	shalt  }
0x48: {  	_ =	shalt  }
0x49: {  	_ =	shalt  }
0x4a: {  	_ =	shalt  }
0x4b: {  	_ =	shalt  }
0x4c: {  	_ =	shalt  }
0x4d: {  	_ =	shalt  }
0x4e: {  	_ =	shalt  }
0x4f: {  	_ =	shalt  }
0x50: {  	_ =	shalt  }
0x51: {  	_ =	shalt  }
0x52: {  	_ =	shalt  }
0x53: {  	_ =	shalt  }
0x54: {  	_ =	shalt  }
0x55: {  	_ =	shalt  }
0x56: {  	_ =	shalt  }
0x57: {  	_ =	shalt  }
0x58: {  	_ =	shalt  }
0x59: {  	_ =	shalt  }
0x5a: {  	_ =	shalt  }
0x5b: {  	_ =	shalt  }
0x5c: {  	_ =	shalt  }
0x5d: {  	_ =	shalt  }
0x5e: {  	_ =	shalt  }
0x5f: {  	_ =	shalt  }
0x60: {  	_ =	shalt  }
0x61: {  	_ =	shalt  }
0x62: {  	_ =	shalt  }
0x63: {  	_ =	shalt  }
0x64: {  	_ =	shalt  }
0x65: {  	_ =	shalt  }
0x66: {  	_ =	shalt  }
0x67: {  	_ =	shalt  }
0x68: {  	_ =	shalt  }
0x69: {  	_ =	shalt  }
0x6a: {  	_ =	shalt  }
0x6b: {  	_ =	shalt  }
0x6c: {  	_ =	shalt  }
0x6d: {  	_ =	shalt  }
0x6e: {  	_ =	shalt  }
0x6f: {  	_ =	shalt  }
0x70: {  	_ =	shalt  }
0x71: {  	_ =	shalt  }
0x72: {  	_ =	shalt  }
0x73: {  	_ =	shalt  }
0x74: {  	_ =	shalt  }
0x75: {  	_ =	shalt  }
0x76: {  	_ =	shalt  }
0x77: {  	_ =	shalt  }
0x78: {  	_ =	shalt  }
0x79: {  	_ =	shalt  }
0x7a: {  	_ =	shalt  }
0x7b: {  	_ =	shalt  }
0x7c: {  	_ =	shalt  }
0x7d: {  	_ =	shalt  }
0x7e: {  	_ =	shalt  }
0x7f: {  	_ =	shalt  }
0x80: {  	_ =	shalt  }
0x81: {  	_ =	shalt  }
0x82: {  	_ =	shalt  }
0x83: {  	_ =	shalt  }
0x84: {  	_ =	shalt  }
0x85: {  	_ =	shalt  }
0x86: {  	_ =	shalt  }
0x87: {  	_ =	shalt  }
.Lfunc_end0:
.L_simem_size_0:
called_computation.5_lowered:
.L_overlay_start_0:
0x88: {  	s0 =	sld [smem:$0x3FD9]  }
0x89: {  	s1 =	sld [smem:$0x3FFE];
	_ =	sdelay $0x3  }
0x8a: {  	s0 =	sadd.s32 s1, s0  }
0x8b: {  	[smem:$0x3FB5] =	sst s0  }
0x8c: {  	_ = 	snop  }
0x8d: {  	s0 =	sld [smem:$0x3FD0];
	_ =	sdelay $0x2  }
0x8e: {  	s2 =	simm.s32 $0xA;
	s3 =	simm.s32 $0x10;
	s13 =	sld [smem:$0x3FC7]  }
0x8f: {  	[smem:s3], [sflag:s2] =	dma.local [hbm:s0], $0x1  }
0x90: {  	_ =	swait.eq [sflag:s2], $0x1  }
0x91: {  	[sflag:s2] =	ssyncset.done $0x0  }
0x92: {  	[sflag:s2] =	ssyncadd.s32 $0xFFFFFFFF  }
0x93: {  	s14 =	sld [smem:$0x12];
	(tm) =	ssettm $0x1  }
0x94: {  	s15 =	sld [smem:$0x3FFB];
	_ =	sdelay $0x3  }
0x95: {  	_ =	strace s15  }
0x96: {  	s2 =	sld [smem:$0x3FFC];
	_ =	sdelay $0x3  }
0x97: {  	_ =	strace s2  }
0x98: {  	s2 =	sld [smem:$0x3FFD];
	_ =	sdelay $0x3  }
0x99: {  	_ =	strace s2  }
0x9a: {  	_ =	strace $0x8FFFFFFF  }
0x9b: {  	s16 =	sld [smem:$0x3FDB];
	_ =	sdelay $0x1  }
0x9c: {  	s17 =	simm.s32 $_scs_section_size  }
0x9d: {  	s4 =	simm.s32 $_size__tile_overlayer_lowered;
	s5 =	simm.s32 $_tile_overlayer_lowered  }
0x9e: {  	s20 =	simm.s32 $0x1BFF;
	s19 =	sshll.u32 s5, $0x1;
	s2 =	sadd.s32 s17, s16  }
0x9f: {  	s6 =	simm.s32 $0x0;
	s18 =	sshll.u32 s4, $0x1;
	s4 =	sadd.s32 s19, s2  }
0xa0: {  	[timem:s6], [sflag:s20] =	dma.local [hbm:s4], s18  }
0xa1: {  	_ =	swait.ge [sflag:s20], s18  }
0xa2: {  	s3 =	ssub.s32 $0x0, s18;
	[sflag:s20] =	ssyncset.done $0x0  }
0xa3: {  	[sflag:s20] =	ssyncadd.s32 s3;
	_ =	sdelay $0x1  }
0xa4: {  	s21 =	simm.s32 $0x1B8B  }
0xa5: {  	_ =	swait.ge [sflag:s21], $0x1  }
0xa6: {  	[sflag:s21] =	ssyncset.done $0x0  }
0xa7: {  	s23 =	simm.s32 $0x1B8E;
	s22 =	sld [smem:$0x3FFE];
	[sflag:s21] =	ssyncadd.s32 $0xFFFFFFFF  }
0xa8: {  	s24 =	simm.s32 $execute0_lowered;
	[smem:$0x3FD2] =	sst s23  }
0xa9: {  	s4 =	sshll.u32 s24, $0x1;
	_ =	strace $0x80000046;
	[dreg:$0x1] =	wrdreg $0xFFFFFFFF  }
0xaa: {  	s25 =	simm.s32 $_size_execute0_lowered;
	s2 =	sadd.s32 s2, s4;
	[dreg:$0x0] =	wrdreg $0x0  }
0xab: {  	s4 =	sshll.u32 s25, $0x1;
	[dreg:$0x2] =	wrdreg s2  }
0xac: {  	[dreg:$0x3] =	wrdreg s4  }
0xad: {  	[dreg:$0x4] =	wrdreg $0xC0  }
0xae: {  	_ =	task [dreg:s6], $0x5FFFF  }
0xaf: {  	[dreg:$0x1] =	wrdreg $0xFFFFFFFF  }
0xb0: {  	[dreg:$0x0] =	wrdreg $0x60  }
0xb1: {  	[dreg:$0x2] =	wrdreg s13  }
0xb2: {  	[dreg:$0x3] =	wrdreg s14  }
0xb3: {  	[dreg:$0x4] =	wrdreg s22  }
0xb4: {  	[dreg:$0x5] =	wrdreg $0x9  }
0xb5: {  	_ =	task.clear_ibuf [dreg:s6], $0x6FFFF;
	_ =	strace $0x90000046  }
0xb6: {  	s26 =	simm.s32 $0x9;
	_ =	strace $0x80000048  }
0xb7: {  	_ =	swait.ge [sflag:s26], $0x1  }
0xb8: {  	[sflag:s26] =	ssyncadd.s32 $0xFFFFFFFF  }
0xb9: {  	_ =	strace $0x90000048  }
0xba: {  	_ =	sfence  }
0xbb: {  	s28 =	sld [smem:$0x0];
	_ =	sdelay $0x1  }
0xbc: {  	s29 =	srdreg.scid  }
0xbd: {  	s30 =	sshll.u32 s29, $0xD;
	s31 =	sshrl.u32 s29, $0x2  }
0xbe: {  	s1 =	sand.u32 $0x1, s29;
	s2 =	sand.u32 $0x4000, s30;
	s0 =	sadd.s32 s31, s28  }
0xbf: {  	s1 =	sor.u32 s2, s1;
	s0 =	sshll.u32 s0, $0x11  }
0xc0: {  	s0 =	sor.u32 s0, s1  }
0xc1: {  	s0 =	sadd.s32 $0x8F2B, s0  }
0xc2: {  	[sflag:s0] =	ssyncadd.remote.s32 $0x1  }
0xc3: {  	_ =	sfence.sel $0xFFFF  }
0xc4: {  	[dreg:$0x0] =	wrdreg $0xFFFFFFFF;
	(pc) =	sbr.abs _section_cstart, $3  }
0xc5: {  	[dreg:$0x1] =	wrdreg $0xFFFFFFFF  }
0xc6: {  	_ =	task.clear_ibuf [dreg:s6], $0x2FFFF;
	_ =	strace $0x9FFFFFFF  }
0xc7: {  	(tm) =	ssettm $0x7FFFFFFF  }
tec
execute0_lowered:
.L_overlay_start_1:
0x0: {  	(tag) =	ssettag $0x1  }
0x1: {  	s0 =	stileid.u32  }
0x2: {  	s1 =	smin.u32 s0, $0x9  }
0x3: {  	s1 =	sadd.s32 s0, s1  }
0x4: {  	s2 =	simm.s32 $0x320;
	p0 =	slt.u32 s0, $0x9;
	s1 =	smul.u32 $0x190, s1  }
0x5: {  	s2 =	simm.s32 @!p0 $0x190  }
0x6: {  	s2 =	sadd.s32 s2, s1  }
0x7: {  	s3 =	smin.u32 s2, $0x2710  }
0x8: {  	s7 =	ssub.s32 s3, s1  }
0x9: {  	p0 =	sgt.s32 s7, $0x0  }
0xa: {  	s7 =	simm.s32 @!p0 $0x0  }
0xb: {  	s31 =	sand.u32 $0xFFF0, s7  }
0xc: {  	s4 =	rddreg [dreg:$0x0];
	s2 =	sshrl.u32 s31, $0x4  }
0xd: {  	s5 =	rddreg [dreg:$0x1];
	s2 =	smul.u32 $0xA3E, s2  }
0xe: {  	s9 =	rddreg [dreg:$0x2]  }
0xf: {  	s6 =	simm.s32 $0x1;
	s11 =	simm.s32 $0x3;
	s8 =	sshrl.u32 s2, $0x10  }
0x10: {  	s13 =	simm.s32 $0x0;
	s12 =	simm.s32 $0x0;
	s10 =	smul.u32 $0x190, s8  }
.Ltmp0:
0x11: {  	s9 =	sadd.s32 $0x2E00, s9;
	s2 =	rddreg [dreg:$0x3];
	(pc) =	sbr.rel .LBB2_1-.Ltmp0, $4  }
0x12: {  	_ =	strace $0x80000047;
	p0 =	sne.s32 s7, s10;
	s10 =	simm.s32 $0x1  }
0x13: {  	[sflag:s6] =	ssyncpa.u1 $0x0;
	s7 =	simm.s32 $0x2;
	s10 =	simm.s32 @!p0 $0x0  }
0x14: {  	[sflag:s7] =	ssyncpa.u1 $0x0;
	p0 =	por $0x0, $0x0;
	s8 =	sadd.s32 s8, s10  }
0x15: {  	vm0 =	vmmov $0xff;
	vm1 =	vcmask $0x3F20;
	[sflag:s11] =	ssyncpa.u1 $0x0;
	s11 =	smov.u32 s1;
	s10 =	sadd.s32 $0x1, s8  }
.LBB2_6:
0x16: {  	[hbm:s17] =	stream.linear.scatter [tilespmem:s14], [sflag:$0x3], $0x400, $0x38;
	[tilespmem:$0x19320] =	vst v63  }
.LBB2_7:
0x17: {  	s13 =	sadd.s32 $0x190, s11  }
0x18: {  	s15 =	smov.u32 s1;
	p2 =	slt.s32 s13, s3  }
0x19: {  	s15 =	smov.u32 @p2 s13;
	p2 =	sne.s32 s12, s10  }
.Ltmp1:
0x1a: {  	p1 =	slt.u32 s12, $0x2;
	(pc) =	sbr.rel @!p2 .LBB2_8-.Ltmp1, $4  }
0x1b: {  	s14 =	simm.s32 @!p1 $0x3  }
0x1c: {  	s16 =	sadd.s32 $0x1, s12;
	_ =	swait.ge @!p1 [sflag:s14], $0xC800  }
0x1d: {  	p0 =	por !p0, !p0;
	s13 =	smov.u32 s11;
	[sflag:s14] =	ssyncset.done @!p1 $0x0  }
0x1e: {  	s12 =	smov.u32 s16;
	s11 =	smov.u32 s15;
	[sflag:s14] =	ssyncadd.s32 @!p1 $0xFFFF3800  }
.LBB2_1:
0x1f: {  	p1 =	sge.u32 s12, s8  }
0x20: {  	s14 =	sxor.u32 @!p1 $0xFFFFFFFF, s12  }
0x21: {  	s14 =	sand.u32 @!p1 $0x1, s14  }
0x22: {  	s14 =	smul.u32 @!p1 $0x640, s14  }
0x23: {  	s31 =	sadd.s32 $0xFFFFFFFF, s12;
	s15 =	sshrl.u32 @!p1 s11, $0x3  }
0x24: {  	s16 =	sand.u32 @!p1 $0x7, s11;
	s15 =	sadd.s32 @!p1 s5, s15;
	s14 =	sshrl.u32 @!p1 s14, $0x2  }
0x25: {  	[tilespmem:s14], [sflag:$0x2] =	stream.linear.gather @!p1 [hbm4b:s15+s16], $0x190, $0x38;
	[tilespmem:$0x19320] =	vst v63  }
0x26: {  	p1 =	sge.u32 s31, s8  }
.Ltmp2:
0x27: {  	_ = 	snop;
	(pc) =	sbr.rel @p1 .LBB2_7-.Ltmp2, $1  }
0x28: {  	_ =	sdelay $0x3  }
0x29: {  	s14 =	simm.s32 $0x1  }
0x2a: {  	s14 =	simm.s32 @!p0 $0x0  }
0x2b: {  	s15 =	smul.u32 $0x640, s14  }
0x2c: {  	_ =	swait.ge [sflag:s7], $0x190  }
0x2d: {  	[sflag:s7] =	ssyncset.done $0x0;
	s16 =	sshrl.u32 s15, $0x2  }
0x2e: {  	[sflag:s7] =	ssyncadd.s32 $0xFFFFFE70;
	s15 =	sadd.s32 $0x0, s16  }
0x2f: {  	v0 =	vld.msk [tilespmem:s15+$0x0 ss:$0x1], $0xffff;
	_ =	sdelay $0x4  }
0x30: {  	vm2 =	vgt.s32 v0, $0x0  }
0x31: {  	v0 =	vnsel vm2, $0x0, v0  }
0x32: {  	v0 =	vmin.u32 v0, $0xC34F  }
0x33: {  	v0 =	vshll.u32 v0, $0x4  }
0x34: {  	s14 =	smul.u32 $0x32000, s14;
	_ =	sdelay $0x1  }
0x35: {  	s14 =	sshrl.u32 s14, $0x2  }
0x36: {  	s14 =	sor.u32 $0x320, s14  }
0x37: {  	[tilespmem:s14], [sflag:$0x1] =	stream.indirect_vreg.gather [hbm:s4], $0x80, v0, vm0, $0x38;
	[tilespmem:$0x19320] =	vst v63  }
0x38: {  	s17 =	sadd.s32 $0x10, s16;
	s15 =	sadd.s32 $0x400, s14  }
0x39: {  	[tilespmem:s15], [sflag:$0x1] =	stream.indirect_vreg.gather [hbm:s4], $0x80, v0, vm1, $0x38;
	[tilespmem:$0x19320] =	vst v63  }
0x3a: {  	s18 =	simm.s32 $0x80;
	v0 =	vld.msk [tilespmem:s17+$0x0 ss:$0x1], $0xffff;
	s17 =	smov.u32 s14  }
.LBB2_3:
0x3b: {  	p1 =	sne.s32 s18, $0x600;
	_ =	sdelay $0x4  }
0x3c: {  	vm2 =	vgt.s32 v0, $0x0  }
0x3d: {  	v0 =	vnsel vm2, $0x0, v0  }
0x3e: {  	v0 =	vmin.u32 v0, $0xC34F  }
0x3f: {  	v0 =	vshll.u32 v0, $0x4;
	_ =	sdelay $0x3  }
.Ltmp3:
0x40: {  	s19 =	sshra.s32 s18, $0x2;
	s17 =	sadd.s32 $0x800, s17;
	(pc) =	sbr.rel @p1 .LBB2_3-.Ltmp3, $4  }
0x41: {  	[tilespmem:s17], [sflag:$0x1] =	stream.indirect_vreg.gather [hbm:s4], $0x80, v0, vm0, $0x38;
	[tilespmem:$0x19320] =	vst v63  }
0x42: {  	s19 =	sadd.s32 s19, s16;
	s20 =	sadd.s32 $0x400, s17  }
0x43: {  	[tilespmem:s20], [sflag:$0x1] =	stream.indirect_vreg.gather [hbm:s4], $0x80, v0, vm1, $0x38;
	[tilespmem:$0x19320] =	vst v63  }
0x44: {  	s18 =	sadd.s32 $0x40, s18;
	v0 =	vld.msk [tilespmem:s19+$0x0 ss:$0x1], $0xffff  }
0x45: {  	_ =	sdelay $0x3  }
0x46: {  	vm2 =	vgt.s32 v0, $0x0  }
0x47: {  	v0 =	vnsel vm2, $0x0, v0  }
0x48: {  	v0 =	vmin.u32 v0, $0xC34F  }
0x49: {  	v0 =	vshll.u32 v0, $0x4;
	_ =	sdelay $0x3  }
0x4a: {  	s16 =	sadd.s32 $0x800, s17  }
0x4b: {  	[tilespmem:s16], [sflag:$0x1] =	stream.indirect_vreg.gather [hbm:s4], $0x80, v0, vm0, $0x38;
	[tilespmem:$0x19320] =	vst v63  }
0x4c: {  	s16 =	sadd.s32 $0x400, s16  }
0x4d: {  	[tilespmem:s16], [sflag:$0x1] =	stream.indirect_vreg.gather [hbm:s4], $0x80, v0, vm1, $0x38;
	[tilespmem:$0x19320] =	vst v63  }
0x4e: {  	s13 =	sshll.u32 s13, $0x4;
	_ =	swait.ge [sflag:s6], $0xC800  }
0x4f: {  	s13 =	sadd.s32 s13, s9;
	[sflag:s6] =	ssyncset.done $0x0  }
0x50: {  	s17 =	sadd.s32 $0x0, s13;
	s16 =	simm.s32 $0x80;
	[sflag:s6] =	ssyncadd.s32 $0xFFFF3800  }
.LBB2_5:
0x51: {  	[hbm:s17] =	stream.linear.scatter [tilespmem:s14], [sflag:$0x3], $0x400, $0x38;
	[tilespmem:$0x19320] =	vst v63  }
0x52: {  	s17 =	smov.u32 s16;
	s14 =	smov.u32 s15;
	p1 =	sne.s32 s16, $0x1880  }
.Ltmp4:
0x53: {  	s16 =	sadd.s32 $0x80, s16;
	(pc) =	sbr.rel @p1 .LBB2_5-.Ltmp4, $2  }
0x54: {  	_ =	sdelay $0x2  }
0x55: {  	s15 =	sadd.s32 $0x400, s15;
	s17 =	sadd.s32 s17, s13  }
.Ltmp5:
0x56: {  	_ = 	snop;
	(pc) =	sbr.rel .LBB2_6-.Ltmp5, $1  }
0x57: {  	_ =	sdelay $0x3  }
.LBB2_8:
0x58: {  	_ =	sfence.sel $0x180000  }
0x59: {  	s1 =	simm.s32 $0x2;
	[bflag:$0x0] =	sbarrier.arrive $0xFFFF  }
0x5a: {  	s30 =	simm.s32 $0x3;
	[sflag:s1] =	ssyncpa.u1 $0x1  }
0x5b: {  	s31 =	simm.s32 $0x1;
	[sflag:s30] =	ssyncpa.u1 $0x1  }
0x5c: {  	[sflag:s31] =	ssyncpa.u1 $0x1  }
0x5d: {  	p0 =	sne.s32 s0, $0x0;
	_ =	strace $0x90000047  }
0x5e: {  	s0 =	sadd.s32 @!p0 $0x100000, s2;
	[bflag:$0x2] =	sbarrier.arrive $0xFFFF  }
0x5f: {  	[sflag:s0] =	ssyncadd.tile.s32 @!p0 $0x1;
	_ =	shalt  }
.Lfunc_end2:
_tile_overlayer_lowered:
.L_overlay_start_2:
0x60: {  	(tag) =	ssettag $0x2  }
0x61: {  	s0 =	rddreg [dreg:$0x0];
	s2 =	stileid.u32  }
0x62: {  	s1 =	rddreg [dreg:$0x1];
	p0 =	sne.s32 s2, $0x0  }
0x63: {  	s3 =	rddreg [dreg:$0x2];
	[bflag:$0x3] =	sbarrier.arrive $0xFFFF;
	s2 =	simm.s32 @!p0 $0x1C01  }
0x64: {  	[timem:s3], [sflag:s2] =	dma.local @!p0 [hbm:s0], s1  }
0x65: {  	s0 =	simm.s32 @!p0 $0x1  }
0x66: {  	_ =	swait.ge @!p0 [sflag:s0], s1  }
0x67: {  	s1 =	ssub.s32 @!p0 $0x0, s1;
	[sflag:s0] =	ssyncset.done @!p0 $0x0  }
0x68: {  	[sflag:s0] =	ssyncadd.s32 @!p0 s1  }
0x69: {  	[bflag:$0x3] =	sbarrier.arrive $0xFFFF  }
0x6a: {  	_ =	shalt  }

// kernel: scatter_offload_async_start.1
scs
__scs_entry_jumppad:
0x0: {  	(pc) =	sbr.rel $0x88, $3  }
0x1: {  	(tag) =	ssettag $0x0;
	lr =	simm.s32 $0x1  }
0x2: {  	[smem:$0x3F8E] =	sst lr;
	_ =	strace $0xD0000000  }
0x3: {  	_ = 	snop  }
0x4: {  	_ = 	snop  }
0x5: {  	_ = 	snop  }
0x6: {  	_ = 	snop  }
0x7: {  	_ = 	snop  }
__scs_overlays_trampoline_lowered:
0x8: {  	[smem:$0x3F9D] =	sst s0  }
0x9: {  	[smem:$0x3F9E] =	sst s1  }
0xa: {  	[smem:$0x3F9F] =	sst s2  }
0xb: {  	[smem:$0x3FA0] =	sst s3  }
0xc: {  	[smem:$0x3FA1] =	sst s4  }
0xd: {  	[smem:$0x3FA2] =	sst s5  }
0xe: {  	[smem:$0x3FA3] =	sst s6  }
0xf: {  	[smem:$0x3FA4] =	sst s7  }
0x10: {  	[smem:$0x3FA5] =	sst s8  }
0x11: {  	[smem:$0x3FA6] =	sst s9;
	s0 =	simm.s32 @!p0 $0x0  }
0x12: {  	s1 =	sld [smem:$0x3F8C];
	s0 =	simm.s32 @p0 $0x1  }
0x13: {  	[smem:$0x3FA7] =	sst s0;
	s0 =	simm.s32 @!p1 $0x0  }
0x14: {  	s2 =	sld [smem:$0x3F8B];
	s0 =	simm.s32 @p1 $0x1  }
0x15: {  	[smem:$0x3FA8] =	sst s0;
	s0 =	simm.s32 @!p2 $0x0  }
0x16: {  	s3 =	sld [smem:$0x3FDB];
	s0 =	simm.s32 @p2 $0x1  }
0x17: {  	s4 =	simm.s32 $0x1BF5;
	[smem:$0x3FAA] =	sst s0  }
0x18: {  	s0 =	sld [smem:$0x3F8D];
	_ =	swait.ge [sflag:s4], $0x0  }
0x19: {  	s7 =	sld [smem:$0x3F8E]  }
0x1a: {  	s8 =	sadd.s32 $0xFFFFE003, lr  }
0x1b: {  	s9 =	sadd.s32 $0xFFFFFEF7, lr;
	s5 =	simm.s32 $0xFFFFFFFF;
	p2 =	slt.u32 s8, $0xFFFFF086  }
0x1c: {  	p1 =	slt.u32 s9, $0xF7A;
	s5 =	simm.s32 @!p2 $0x0  }
0x1d: {  	s5 =	simm.s32 @p1 $0x1;
	p0 =	seq.s32 s7, s2  }
0x1e: {  	s7 =	smul.u32 @!p0 $0xF7A, s2;
	p2 =	seq.s32 @!p0 s5, $0x0  }
0x1f: {  	s9 =	smul.u32 $0xF7A, s1;
	s8 =	simm.s32 @!p0 $0x1BF5;
	p2 =	por !p2, p0  }
0x20: {  	[sflag:s8] =	ssyncset.s32 @!p0 $0xFFFFF086;
	s6 =	sadd.s32 @!p0 s3, s7;
	s7 =	simm.s32 @!p0 $0x108  }
0x21: {  	s3 =	sadd.s32 s3, s9;
	s6 =	sadd.s32 @!p0 $0x88, s6;
	s7 =	simm.s32 @p2 $0x1082  }
0x22: {  	[simem:s7], [sflag:s8] =	dma.local @!p0 [hbm:s6], $0xF7A  }
0x23: {  	s9 =	sor.u32 $0xD0000000, s2;
	s6 =	simm.s32 $0x108;
	_ =	swait.ge @!p0 [sflag:s8], $0x0  }
0x24: {  	s3 =	sadd.s32 $0x88, s3;
	s6 =	simm.s32 @!p1 $0x1082;
	[sflag:s4] =	ssyncset.s32 $0xFFFFF086  }
0x25: {  	[simem:s6], [sflag:s4] =	dma.local [hbm:s3], $0xF7A  }
0x26: {  	[smem:$0x3F8E] =	sst s1;
	(tag) =	ssettag s2;
	_ =	strace s9  }
0x27: {  	s1 =	sld [smem:$0x3F9E]  }
0x28: {  	s2 =	sld [smem:$0x3F9F]  }
0x29: {  	s4 =	sld [smem:$0x3FA1]  }
0x2a: {  	p0 =	seq.s32 s5, $0x0;
	s5 =	sld [smem:$0x3FA2]  }
0x2b: {  	s6 =	sld [smem:$0x3FA3]  }
0x2c: {  	s7 =	sld [smem:$0x3FA4]  }
0x2d: {  	s3 =	simm.s32 $0x108;
	s8 =	sld [smem:$0x3FA5]  }
0x2e: {  	s3 =	simm.s32 @!p0 $0x1082;
	s9 =	sld [smem:$0x3FA6]  }
0x2f: {  	lr =	sadd.s32 s0, s3;
	s0 =	sld [smem:$0x3F9D]  }
0x30: {  	s3 =	sld [smem:$0x3FA0]  }
0x31: {  	[smem:$0x3FA9] =	sst s10  }
0x32: {  	s10 =	sld [smem:$0x3FA7];
	_ =	sdelay $0x3  }
0x33: {  	p0 =	seq.s32 s10, $0x1;
	s10 =	sld [smem:$0x3FA9];
	_ =	sdelay $0x3  }
0x34: {  	[smem:$0x3FA9] =	sst s10  }
0x35: {  	s10 =	sld [smem:$0x3FA8];
	_ =	sdelay $0x3  }
0x36: {  	p1 =	seq.s32 s10, $0x1;
	s10 =	sld [smem:$0x3FA9];
	_ =	sdelay $0x3  }
0x37: {  	[smem:$0x3FA9] =	sst s10  }
0x38: {  	s10 =	sld [smem:$0x3FAA]  }
0x39: {  	_ = 	snop;
	(pc) =	sbr.ind lr, $3  }
0x3a: {  	_ = 	snop  }
0x3b: {  	_ = 	snop  }
0x3c: {  	p2 =	seq.s32 s10, $0x1;
	s10 =	sld [smem:$0x3FA9]  }
0x3d: {  	_ =	shalt  }
0x3e: {  	_ =	shalt  }
0x3f: {  	_ =	shalt  }
0x40: {  	_ =	shalt  }
0x41: {  	_ =	shalt  }
0x42: {  	_ =	shalt  }
0x43: {  	_ =	shalt  }
0x44: {  	_ =	shalt  }
0x45: {  	_ =	shalt  }
0x46: {  	_ =	shalt  }
0x47: {  	_ =	shalt  }
0x48: {  	_ =	shalt  }
0x49: {  	_ =	shalt  }
0x4a: {  	_ =	shalt  }
0x4b: {  	_ =	shalt  }
0x4c: {  	_ =	shalt  }
0x4d: {  	_ =	shalt  }
0x4e: {  	_ =	shalt  }
0x4f: {  	_ =	shalt  }
0x50: {  	_ =	shalt  }
0x51: {  	_ =	shalt  }
0x52: {  	_ =	shalt  }
0x53: {  	_ =	shalt  }
0x54: {  	_ =	shalt  }
0x55: {  	_ =	shalt  }
0x56: {  	_ =	shalt  }
0x57: {  	_ =	shalt  }
0x58: {  	_ =	shalt  }
0x59: {  	_ =	shalt  }
0x5a: {  	_ =	shalt  }
0x5b: {  	_ =	shalt  }
0x5c: {  	_ =	shalt  }
0x5d: {  	_ =	shalt  }
0x5e: {  	_ =	shalt  }
0x5f: {  	_ =	shalt  }
0x60: {  	_ =	shalt  }
0x61: {  	_ =	shalt  }
0x62: {  	_ =	shalt  }
0x63: {  	_ =	shalt  }
0x64: {  	_ =	shalt  }
0x65: {  	_ =	shalt  }
0x66: {  	_ =	shalt  }
0x67: {  	_ =	shalt  }
0x68: {  	_ =	shalt  }
0x69: {  	_ =	shalt  }
0x6a: {  	_ =	shalt  }
0x6b: {  	_ =	shalt  }
0x6c: {  	_ =	shalt  }
0x6d: {  	_ =	shalt  }
0x6e: {  	_ =	shalt  }
0x6f: {  	_ =	shalt  }
0x70: {  	_ =	shalt  }
0x71: {  	_ =	shalt  }
0x72: {  	_ =	shalt  }
0x73: {  	_ =	shalt  }
0x74: {  	_ =	shalt  }
0x75: {  	_ =	shalt  }
0x76: {  	_ =	shalt  }
0x77: {  	_ =	shalt  }
0x78: {  	_ =	shalt  }
0x79: {  	_ =	shalt  }
0x7a: {  	_ =	shalt  }
0x7b: {  	_ =	shalt  }
0x7c: {  	_ =	shalt  }
0x7d: {  	_ =	shalt  }
0x7e: {  	_ =	shalt  }
0x7f: {  	_ =	shalt  }
0x80: {  	_ =	shalt  }
0x81: {  	_ =	shalt  }
0x82: {  	_ =	shalt  }
0x83: {  	_ =	shalt  }
0x84: {  	_ =	shalt  }
0x85: {  	_ =	shalt  }
0x86: {  	_ =	shalt  }
0x87: {  	_ =	shalt  }
.Lfunc_end0:
.L_simem_size_0:
called_computation.1_lowered:
.L_overlay_start_0:
0x88: {  	s0 =	sld [smem:$0x3FD9]  }
0x89: {  	s1 =	sld [smem:$0x3FFE];
	_ =	sdelay $0x3  }
0x8a: {  	s0 =	sadd.s32 s1, s0  }
0x8b: {  	[smem:$0x3FB5] =	sst s0  }
0x8c: {  	_ = 	snop  }
0x8d: {  	(tm) =	ssettm $0x1  }
0x8e: {  	s15 =	sld [smem:$0x3FFB];
	_ =	sdelay $0x3  }
0x8f: {  	_ =	strace s15  }
0x90: {  	s0 =	sld [smem:$0x3FFC];
	_ =	sdelay $0x3  }
0x91: {  	_ =	strace s0  }
0x92: {  	s0 =	sld [smem:$0x3FFD];
	_ =	sdelay $0x3  }
0x93: {  	_ =	strace s0  }
0x94: {  	_ =	strace $0x8FFFFFFF  }
0x95: {  	s16 =	sld [smem:$0x3FDB];
	_ =	sdelay $0x1  }
0x96: {  	s17 =	simm.s32 $_scs_section_size  }
0x97: {  	s2 =	simm.s32 $_size__tile_overlayer_lowered;
	s3 =	simm.s32 $_tile_overlayer_lowered  }
0x98: {  	s20 =	simm.s32 $0x1BFF;
	s19 =	sshll.u32 s3, $0x1;
	s0 =	sadd.s32 s17, s16  }
0x99: {  	s4 =	simm.s32 $0x0;
	s18 =	sshll.u32 s2, $0x1;
	s2 =	sadd.s32 s19, s0  }
0x9a: {  	[timem:s4], [sflag:s20] =	dma.local [hbm:s2], s18  }
0x9b: {  	_ =	swait.ge [sflag:s20], s18  }
0x9c: {  	s1 =	ssub.s32 $0x0, s18;
	[sflag:s20] =	ssyncset.done $0x0  }
0x9d: {  	[sflag:s20] =	ssyncadd.s32 s1;
	_ =	sdelay $0x1  }
0x9e: {  	s21 =	simm.s32 $0x1B8B  }
0x9f: {  	_ =	swait.ge [sflag:s21], $0x1  }
0xa0: {  	[sflag:s21] =	ssyncset.done $0x0  }
0xa1: {  	s23 =	simm.s32 $0x1B8E;
	s22 =	sld [smem:$0x3FFE];
	[sflag:s21] =	ssyncadd.s32 $0xFFFFFFFF  }
0xa2: {  	s24 =	simm.s32 $execute0_lowered;
	[smem:$0x3FD2] =	sst s23  }
0xa3: {  	s2 =	sshll.u32 s24, $0x1;
	_ =	strace $0x8000004F;
	[dreg:$0x1] =	wrdreg $0xFFFFFFFF  }
0xa4: {  	s25 =	simm.s32 $_size_execute0_lowered;
	s0 =	sadd.s32 s0, s2;
	[dreg:$0x0] =	wrdreg $0x0  }
0xa5: {  	s2 =	sshll.u32 s25, $0x1;
	[dreg:$0x2] =	wrdreg s0  }
0xa6: {  	[dreg:$0x3] =	wrdreg s2  }
0xa7: {  	[dreg:$0x4] =	wrdreg $0xC0  }
0xa8: {  	_ =	task [dreg:s4], $0x5FFFF  }
0xa9: {  	[dreg:$0x1] =	wrdreg $0xFFFFFFFF  }
0xaa: {  	[dreg:$0x0] =	wrdreg $0x60  }
0xab: {  	[dreg:$0x2] =	wrdreg s22  }
0xac: {  	[dreg:$0x3] =	wrdreg $0x9  }
0xad: {  	_ =	task.clear_ibuf [dreg:s4], $0x4FFFF;
	_ =	strace $0x9000004F  }
0xae: {  	s26 =	simm.s32 $0x9;
	_ =	strace $0x80000051  }
0xaf: {  	_ =	swait.ge [sflag:s26], $0x1  }
0xb0: {  	[sflag:s26] =	ssyncadd.s32 $0xFFFFFFFF  }
0xb1: {  	_ =	strace $0x90000051  }
0xb2: {  	_ =	sfence  }
0xb3: {  	s28 =	sld [smem:$0x0];
	_ =	sdelay $0x1  }
0xb4: {  	s29 =	srdreg.scid  }
0xb5: {  	s30 =	sshll.u32 s29, $0xD;
	s31 =	sshrl.u32 s29, $0x2  }
0xb6: {  	s1 =	sand.u32 $0x1, s29;
	s2 =	sand.u32 $0x4000, s30;
	s0 =	sadd.s32 s31, s28  }
0xb7: {  	s1 =	sor.u32 s2, s1;
	s0 =	sshll.u32 s0, $0x11  }
0xb8: {  	s0 =	sor.u32 s0, s1  }
0xb9: {  	s0 =	sadd.s32 $0x8F2B, s0  }
0xba: {  	[sflag:s0] =	ssyncadd.remote.s32 $0x1  }
0xbb: {  	_ =	sfence.sel $0xFFFF  }
0xbc: {  	[dreg:$0x0] =	wrdreg $0xFFFFFFFF;
	(pc) =	sbr.abs _section_cstart, $3  }
0xbd: {  	[dreg:$0x1] =	wrdreg $0xFFFFFFFF  }
0xbe: {  	_ =	task.clear_ibuf [dreg:s4], $0x2FFFF;
	_ =	strace $0x9FFFFFFF  }
0xbf: {  	(tm) =	ssettm $0x7FFFFFFF  }
tec
execute0_lowered:
.L_overlay_start_1:
0x0: {  	(tag) =	ssettag $0x1  }
0x1: {  	s2 =	rddreg [dreg:$0x0];
	_ =	strace $0x80000050;
	s0 =	simm.s32 $0x1  }
0x2: {  	v0 =	vimm.s32 $0x0;
	[sflag:s0] =	ssyncpa.u1 $0x0  }
0x3: {  	[tilespmem:$0x428] =	vst v0  }
0x4: {  	[tilespmem:$0x438] =	vst v0  }
0x5: {  	[tilespmem:$0x448] =	vst v0  }
0x6: {  	[tilespmem:$0x458] =	vst v0  }
0x7: {  	[tilespmem:$0x468] =	vst v0  }
0x8: {  	[tilespmem:$0x478] =	vst v0  }
0x9: {  	[tilespmem:$0x488] =	vst v0  }
0xa: {  	[tilespmem:$0x498] =	vst v0  }
0xb: {  	[tilespmem:$0x4A8] =	vst v0  }
0xc: {  	[tilespmem:$0x4B8] =	vst v0  }
0xd: {  	[tilespmem:$0x4C8] =	vst v0  }
0xe: {  	[tilespmem:$0x4D8] =	vst v0  }
0xf: {  	[tilespmem:$0x4E8] =	vst v0  }
0x10: {  	[tilespmem:$0x4F8] =	vst v0  }
0x11: {  	[tilespmem:$0x508] =	vst v0  }
0x12: {  	[tilespmem:$0x518] =	vst v0  }
0x13: {  	[tilespmem:$0x528] =	vst v0  }
0x14: {  	[tilespmem:$0x538] =	vst v0  }
0x15: {  	[tilespmem:$0x548] =	vst v0  }
0x16: {  	[tilespmem:$0x558] =	vst v0  }
0x17: {  	[tilespmem:$0x568] =	vst v0  }
0x18: {  	[tilespmem:$0x578] =	vst v0  }
0x19: {  	[tilespmem:$0x588] =	vst v0  }
0x1a: {  	[tilespmem:$0x598] =	vst v0  }
0x1b: {  	[tilespmem:$0x5A8] =	vst v0  }
0x1c: {  	[tilespmem:$0x5B8] =	vst v0  }
0x1d: {  	[tilespmem:$0x5C8] =	vst v0  }
0x1e: {  	[tilespmem:$0x5D8] =	vst v0  }
0x1f: {  	[tilespmem:$0x5E8] =	vst v0  }
0x20: {  	[tilespmem:$0x5F8] =	vst v0  }
0x21: {  	[tilespmem:$0x608] =	vst v0  }
0x22: {  	[tilespmem:$0x618] =	vst v0  }
0x23: {  	[tilespmem:$0x628] =	vst v0  }
0x24: {  	[tilespmem:$0x638] =	vst v0  }
0x25: {  	[tilespmem:$0x648] =	vst v0  }
0x26: {  	[tilespmem:$0x658] =	vst v0  }
0x27: {  	[tilespmem:$0x668] =	vst v0  }
0x28: {  	[tilespmem:$0x678] =	vst v0  }
0x29: {  	[tilespmem:$0x688] =	vst v0  }
0x2a: {  	[tilespmem:$0x698] =	vst v0  }
0x2b: {  	[tilespmem:$0x6A8] =	vst v0  }
0x2c: {  	[tilespmem:$0x6B8] =	vst v0  }
0x2d: {  	[tilespmem:$0x6C8] =	vst v0  }
0x2e: {  	[tilespmem:$0x6D8] =	vst v0  }
0x2f: {  	[tilespmem:$0x6E8] =	vst v0  }
0x30: {  	[tilespmem:$0x6F8] =	vst v0  }
0x31: {  	[tilespmem:$0x708] =	vst v0  }
0x32: {  	[tilespmem:$0x718] =	vst v0  }
0x33: {  	[tilespmem:$0x728] =	vst v0  }
0x34: {  	[tilespmem:$0x738] =	vst v0  }
0x35: {  	[tilespmem:$0x748] =	vst v0  }
0x36: {  	[tilespmem:$0x758] =	vst v0  }
0x37: {  	[tilespmem:$0x768] =	vst v0  }
0x38: {  	[tilespmem:$0x778] =	vst v0  }
0x39: {  	[tilespmem:$0x788] =	vst v0  }
0x3a: {  	[tilespmem:$0x798] =	vst v0  }
0x3b: {  	[tilespmem:$0x7A8] =	vst v0  }
0x3c: {  	[tilespmem:$0x7B8] =	vst v0  }
0x3d: {  	[tilespmem:$0x7C8] =	vst v0  }
0x3e: {  	[tilespmem:$0x7D8] =	vst v0  }
0x3f: {  	[tilespmem:$0x7E8] =	vst v0  }
0x40: {  	[tilespmem:$0x7F8] =	vst v0  }
0x41: {  	[tilespmem:$0x808] =	vst v0  }
0x42: {  	[tilespmem:$0x818] =	vst v0  }
0x43: {  	[tilespmem:$0x828] =	vst v0  }
0x44: {  	[tilespmem:$0x838] =	vst v0  }
0x45: {  	[tilespmem:$0x848] =	vst v0  }
0x46: {  	[tilespmem:$0x858] =	vst v0  }
0x47: {  	[tilespmem:$0x868] =	vst v0  }
0x48: {  	[tilespmem:$0x878] =	vst v0  }
0x49: {  	[tilespmem:$0x888] =	vst v0  }
0x4a: {  	[tilespmem:$0x898] =	vst v0  }
0x4b: {  	[tilespmem:$0x8A8] =	vst v0  }
0x4c: {  	[tilespmem:$0x8B8] =	vst v0  }
0x4d: {  	[tilespmem:$0x8C8] =	vst v0  }
0x4e: {  	[tilespmem:$0x8D8] =	vst v0  }
0x4f: {  	[tilespmem:$0x8E8] =	vst v0  }
0x50: {  	[tilespmem:$0x8F8] =	vst v0  }
0x51: {  	[tilespmem:$0x908] =	vst v0  }
0x52: {  	[tilespmem:$0x918] =	vst v0  }
0x53: {  	[tilespmem:$0x928] =	vst v0  }
0x54: {  	[tilespmem:$0x938] =	vst v0  }
0x55: {  	[tilespmem:$0x948] =	vst v0  }
0x56: {  	[tilespmem:$0x958] =	vst v0  }
0x57: {  	[tilespmem:$0x968] =	vst v0  }
0x58: {  	[tilespmem:$0x978] =	vst v0  }
0x59: {  	[tilespmem:$0x988] =	vst v0  }
0x5a: {  	[tilespmem:$0x998] =	vst v0  }
0x5b: {  	[tilespmem:$0x9A8] =	vst v0  }
0x5c: {  	[tilespmem:$0x9B8] =	vst v0  }
0x5d: {  	[tilespmem:$0x9C8] =	vst v0  }
0x5e: {  	[tilespmem:$0x9D8] =	vst v0  }
0x5f: {  	[tilespmem:$0x9E8] =	vst v0  }
0x60: {  	[tilespmem:$0x9F8] =	vst v0  }
0x61: {  	[tilespmem:$0xA08] =	vst v0  }
0x62: {  	[tilespmem:$0xA18] =	vst v0  }
0x63: {  	[tilespmem:$0xA28] =	vst v0  }
0x64: {  	[tilespmem:$0xA38] =	vst v0  }
0x65: {  	[tilespmem:$0xA48] =	vst v0  }
0x66: {  	[tilespmem:$0xA58] =	vst v0  }
0x67: {  	[tilespmem:$0xA68] =	vst v0  }
0x68: {  	[tilespmem:$0xA78] =	vst v0  }
0x69: {  	[tilespmem:$0xA88] =	vst v0  }
0x6a: {  	[tilespmem:$0xA98] =	vst v0  }
0x6b: {  	[tilespmem:$0xAA8] =	vst v0  }
0x6c: {  	[tilespmem:$0xAB8] =	vst v0  }
0x6d: {  	[tilespmem:$0xAC8] =	vst v0  }
0x6e: {  	[tilespmem:$0xAD8] =	vst v0  }
0x6f: {  	[tilespmem:$0xAE8] =	vst v0  }
0x70: {  	[tilespmem:$0xAF8] =	vst v0  }
0x71: {  	[tilespmem:$0xB08] =	vst v0  }
0x72: {  	[tilespmem:$0xB18] =	vst v0  }
0x73: {  	[tilespmem:$0xB28] =	vst v0  }
0x74: {  	[tilespmem:$0xB38] =	vst v0  }
0x75: {  	[tilespmem:$0xB48] =	vst v0  }
0x76: {  	[tilespmem:$0xB58] =	vst v0  }
0x77: {  	[tilespmem:$0xB68] =	vst v0  }
0x78: {  	[tilespmem:$0xB78] =	vst v0  }
0x79: {  	[tilespmem:$0xB88] =	vst v0  }
0x7a: {  	[tilespmem:$0xB98] =	vst v0  }
0x7b: {  	[tilespmem:$0xBA8] =	vst v0  }
0x7c: {  	[tilespmem:$0xBB8] =	vst v0  }
0x7d: {  	[tilespmem:$0xBC8] =	vst v0  }
0x7e: {  	[tilespmem:$0xBD8] =	vst v0  }
0x7f: {  	[tilespmem:$0xBE8] =	vst v0  }
0x80: {  	[tilespmem:$0xBF8] =	vst v0  }
0x81: {  	[tilespmem:$0xC08] =	vst v0  }
0x82: {  	[tilespmem:$0xC18] =	vst v0  }
0x83: {  	[tilespmem:$0xC28] =	vst v0  }
0x84: {  	[tilespmem:$0xC38] =	vst v0  }
0x85: {  	[tilespmem:$0xC48] =	vst v0  }
0x86: {  	[tilespmem:$0xC58] =	vst v0  }
0x87: {  	[tilespmem:$0xC68] =	vst v0  }
0x88: {  	[tilespmem:$0xC78] =	vst v0  }
0x89: {  	[tilespmem:$0xC88] =	vst v0  }
0x8a: {  	[tilespmem:$0xC98] =	vst v0  }
0x8b: {  	[tilespmem:$0xCA8] =	vst v0  }
0x8c: {  	[tilespmem:$0xCB8] =	vst v0  }
0x8d: {  	[tilespmem:$0xCC8] =	vst v0  }
0x8e: {  	[tilespmem:$0xCD8] =	vst v0  }
0x8f: {  	[tilespmem:$0xCE8] =	vst v0  }
0x90: {  	[tilespmem:$0xCF8] =	vst v0  }
0x91: {  	[tilespmem:$0xD08] =	vst v0  }
0x92: {  	[tilespmem:$0xD18] =	vst v0  }
0x93: {  	[tilespmem:$0xD28] =	vst v0  }
0x94: {  	[tilespmem:$0xD38] =	vst v0  }
0x95: {  	[tilespmem:$0xD48] =	vst v0  }
0x96: {  	[tilespmem:$0xD58] =	vst v0  }
0x97: {  	[tilespmem:$0xD68] =	vst v0  }
0x98: {  	[tilespmem:$0xD78] =	vst v0  }
0x99: {  	[tilespmem:$0xD88] =	vst v0  }
0x9a: {  	[tilespmem:$0xD98] =	vst v0  }
0x9b: {  	[tilespmem:$0xDA8] =	vst v0  }
0x9c: {  	[tilespmem:$0xDB8] =	vst v0  }
0x9d: {  	[tilespmem:$0xDC8] =	vst v0  }
0x9e: {  	[tilespmem:$0xDD8] =	vst v0  }
0x9f: {  	[tilespmem:$0xDE8] =	vst v0  }
0xa0: {  	[tilespmem:$0xDF8] =	vst v0  }
0xa1: {  	[tilespmem:$0xE08] =	vst v0  }
0xa2: {  	[tilespmem:$0xE18] =	vst v0  }
0xa3: {  	[tilespmem:$0xE28] =	vst v0  }
0xa4: {  	[tilespmem:$0xE38] =	vst v0  }
0xa5: {  	[tilespmem:$0xE48] =	vst v0  }
0xa6: {  	[tilespmem:$0xE58] =	vst v0  }
0xa7: {  	[tilespmem:$0xE68] =	vst v0  }
0xa8: {  	[tilespmem:$0xE78] =	vst v0  }
0xa9: {  	[tilespmem:$0xE88] =	vst v0  }
0xaa: {  	[tilespmem:$0xE98] =	vst v0  }
0xab: {  	[tilespmem:$0xEA8] =	vst v0  }
0xac: {  	[tilespmem:$0xEB8] =	vst v0  }
0xad: {  	[tilespmem:$0xEC8] =	vst v0  }
0xae: {  	[tilespmem:$0xED8] =	vst v0  }
0xaf: {  	[tilespmem:$0xEE8] =	vst v0  }
0xb0: {  	[tilespmem:$0xEF8] =	vst v0  }
0xb1: {  	[tilespmem:$0xF08] =	vst v0  }
0xb2: {  	[tilespmem:$0xF18] =	vst v0  }
0xb3: {  	[tilespmem:$0xF28] =	vst v0  }
0xb4: {  	[tilespmem:$0xF38] =	vst v0  }
0xb5: {  	[tilespmem:$0xF48] =	vst v0  }
0xb6: {  	[tilespmem:$0xF58] =	vst v0  }
0xb7: {  	[tilespmem:$0xF68] =	vst v0  }
0xb8: {  	[tilespmem:$0xF78] =	vst v0  }
0xb9: {  	[tilespmem:$0xF88] =	vst v0  }
0xba: {  	[tilespmem:$0xF98] =	vst v0  }
0xbb: {  	[tilespmem:$0xFA8] =	vst v0  }
0xbc: {  	[tilespmem:$0xFB8] =	vst v0  }
0xbd: {  	[tilespmem:$0xFC8] =	vst v0  }
0xbe: {  	[tilespmem:$0xFD8] =	vst v0  }
0xbf: {  	[tilespmem:$0xFE8] =	vst v0  }
0xc0: {  	[tilespmem:$0xFF8] =	vst v0  }
0xc1: {  	[tilespmem:$0x1008] =	vst v0  }
0xc2: {  	[tilespmem:$0x1018] =	vst v0  }
0xc3: {  	[tilespmem:$0x1028] =	vst v0  }
0xc4: {  	[tilespmem:$0x1038] =	vst v0  }
0xc5: {  	[tilespmem:$0x1048] =	vst v0  }
0xc6: {  	[tilespmem:$0x1058] =	vst v0  }
0xc7: {  	[tilespmem:$0x1068] =	vst v0  }
0xc8: {  	[tilespmem:$0x1078] =	vst v0  }
0xc9: {  	[tilespmem:$0x1088] =	vst v0  }
0xca: {  	[tilespmem:$0x1098] =	vst v0  }
0xcb: {  	[tilespmem:$0x10A8] =	vst v0  }
0xcc: {  	[tilespmem:$0x10B8] =	vst v0  }
0xcd: {  	[tilespmem:$0x10C8] =	vst v0  }
0xce: {  	[tilespmem:$0x10D8] =	vst v0  }
0xcf: {  	[tilespmem:$0x10E8] =	vst v0  }
0xd0: {  	[tilespmem:$0x10F8] =	vst v0  }
0xd1: {  	[tilespmem:$0x1108] =	vst v0  }
0xd2: {  	[tilespmem:$0x1118] =	vst v0  }
0xd3: {  	[tilespmem:$0x1128] =	vst v0  }
0xd4: {  	[tilespmem:$0x1138] =	vst v0  }
0xd5: {  	[tilespmem:$0x1148] =	vst v0  }
0xd6: {  	[tilespmem:$0x1158] =	vst v0  }
0xd7: {  	[tilespmem:$0x1168] =	vst v0  }
0xd8: {  	[tilespmem:$0x1178] =	vst v0  }
0xd9: {  	[tilespmem:$0x1188] =	vst v0  }
0xda: {  	[tilespmem:$0x1198] =	vst v0  }
0xdb: {  	[tilespmem:$0x11A8] =	vst v0  }
0xdc: {  	[tilespmem:$0x11B8] =	vst v0  }
0xdd: {  	[tilespmem:$0x11C8] =	vst v0  }
0xde: {  	[tilespmem:$0x11D8] =	vst v0  }
0xdf: {  	[tilespmem:$0x11E8] =	vst v0  }
0xe0: {  	[tilespmem:$0x11F8] =	vst v0  }
0xe1: {  	[tilespmem:$0x1208] =	vst v0  }
0xe2: {  	[tilespmem:$0x1218] =	vst v0  }
0xe3: {  	[tilespmem:$0x1228] =	vst v0  }
0xe4: {  	[tilespmem:$0x1238] =	vst v0  }
0xe5: {  	[tilespmem:$0x1248] =	vst v0  }
0xe6: {  	[tilespmem:$0x1258] =	vst v0  }
0xe7: {  	[tilespmem:$0x1268] =	vst v0  }
0xe8: {  	[tilespmem:$0x1278] =	vst v0  }
0xe9: {  	[tilespmem:$0x1288] =	vst v0  }
0xea: {  	[tilespmem:$0x1298] =	vst v0  }
0xeb: {  	[tilespmem:$0x12A8] =	vst v0  }
0xec: {  	[tilespmem:$0x12B8] =	vst v0  }
0xed: {  	[tilespmem:$0x12C8] =	vst v0  }
0xee: {  	[tilespmem:$0x12D8] =	vst v0  }
0xef: {  	[tilespmem:$0x12E8] =	vst v0  }
0xf0: {  	[tilespmem:$0x12F8] =	vst v0  }
0xf1: {  	[tilespmem:$0x1308] =	vst v0  }
0xf2: {  	[tilespmem:$0x1318] =	vst v0  }
0xf3: {  	[tilespmem:$0x1328] =	vst v0  }
0xf4: {  	[tilespmem:$0x1338] =	vst v0  }
0xf5: {  	[tilespmem:$0x1348] =	vst v0  }
0xf6: {  	[tilespmem:$0x1358] =	vst v0  }
0xf7: {  	[tilespmem:$0x1368] =	vst v0  }
0xf8: {  	[tilespmem:$0x1378] =	vst v0  }
0xf9: {  	[tilespmem:$0x1388] =	vst v0  }
0xfa: {  	[tilespmem:$0x1398] =	vst v0  }
0xfb: {  	[tilespmem:$0x13A8] =	vst v0  }
0xfc: {  	[tilespmem:$0x13B8] =	vst v0  }
0xfd: {  	[tilespmem:$0x13C8] =	vst v0  }
0xfe: {  	[tilespmem:$0x13D8] =	vst v0  }
0xff: {  	[tilespmem:$0x13E8] =	vst v0  }
0x100: {  	[tilespmem:$0x13F8] =	vst v0  }
0x101: {  	[tilespmem:$0x1408] =	vst v0  }
0x102: {  	[tilespmem:$0x1418] =	vst v0  }
0x103: {  	[tilespmem:$0x1428] =	vst v0  }
0x104: {  	[tilespmem:$0x1438] =	vst v0  }
0x105: {  	[tilespmem:$0x1448] =	vst v0  }
0x106: {  	[tilespmem:$0x1458] =	vst v0  }
0x107: {  	[tilespmem:$0x1468] =	vst v0  }
0x108: {  	[tilespmem:$0x1478] =	vst v0  }
0x109: {  	[tilespmem:$0x1488] =	vst v0  }
0x10a: {  	[tilespmem:$0x1498] =	vst v0  }
0x10b: {  	[tilespmem:$0x14A8] =	vst v0  }
0x10c: {  	[tilespmem:$0x14B8] =	vst v0  }
0x10d: {  	[tilespmem:$0x14C8] =	vst v0  }
0x10e: {  	[tilespmem:$0x14D8] =	vst v0  }
0x10f: {  	[tilespmem:$0x14E8] =	vst v0  }
0x110: {  	[tilespmem:$0x14F8] =	vst v0  }
0x111: {  	[tilespmem:$0x1508] =	vst v0  }
0x112: {  	[tilespmem:$0x1518] =	vst v0  }
0x113: {  	[tilespmem:$0x1528] =	vst v0  }
0x114: {  	[tilespmem:$0x1538] =	vst v0  }
0x115: {  	[tilespmem:$0x1548] =	vst v0  }
0x116: {  	[tilespmem:$0x1558] =	vst v0  }
0x117: {  	[tilespmem:$0x1568] =	vst v0  }
0x118: {  	[tilespmem:$0x1578] =	vst v0  }
0x119: {  	[tilespmem:$0x1588] =	vst v0  }
0x11a: {  	[tilespmem:$0x1598] =	vst v0  }
0x11b: {  	[tilespmem:$0x15A8] =	vst v0  }
0x11c: {  	[tilespmem:$0x15B8] =	vst v0  }
0x11d: {  	[tilespmem:$0x15C8] =	vst v0  }
0x11e: {  	[tilespmem:$0x15D8] =	vst v0  }
0x11f: {  	[tilespmem:$0x15E8] =	vst v0  }
0x120: {  	[tilespmem:$0x15F8] =	vst v0  }
0x121: {  	[tilespmem:$0x1608] =	vst v0  }
0x122: {  	[tilespmem:$0x1618] =	vst v0  }
0x123: {  	[tilespmem:$0x1628] =	vst v0  }
0x124: {  	[tilespmem:$0x1638] =	vst v0  }
0x125: {  	[tilespmem:$0x1648] =	vst v0  }
0x126: {  	[tilespmem:$0x1658] =	vst v0  }
0x127: {  	[tilespmem:$0x1668] =	vst v0  }
0x128: {  	[tilespmem:$0x1678] =	vst v0  }
0x129: {  	[tilespmem:$0x1688] =	vst v0  }
0x12a: {  	[tilespmem:$0x1698] =	vst v0  }
0x12b: {  	[tilespmem:$0x16A8] =	vst v0  }
0x12c: {  	[tilespmem:$0x16B8] =	vst v0  }
0x12d: {  	[tilespmem:$0x16C8] =	vst v0  }
0x12e: {  	[tilespmem:$0x16D8] =	vst v0  }
0x12f: {  	[tilespmem:$0x16E8] =	vst v0  }
0x130: {  	[tilespmem:$0x16F8] =	vst v0  }
0x131: {  	[tilespmem:$0x1708] =	vst v0  }
0x132: {  	[tilespmem:$0x1718] =	vst v0  }
0x133: {  	[tilespmem:$0x1728] =	vst v0  }
0x134: {  	[tilespmem:$0x1738] =	vst v0  }
0x135: {  	[tilespmem:$0x1748] =	vst v0  }
0x136: {  	[tilespmem:$0x1758] =	vst v0  }
0x137: {  	[tilespmem:$0x1768] =	vst v0  }
0x138: {  	[tilespmem:$0x1778] =	vst v0  }
0x139: {  	[tilespmem:$0x1788] =	vst v0  }
0x13a: {  	[tilespmem:$0x1798] =	vst v0  }
0x13b: {  	[tilespmem:$0x17A8] =	vst v0  }
0x13c: {  	[tilespmem:$0x17B8] =	vst v0  }
0x13d: {  	[tilespmem:$0x17C8] =	vst v0  }
0x13e: {  	[tilespmem:$0x17D8] =	vst v0  }
0x13f: {  	[tilespmem:$0x17E8] =	vst v0  }
0x140: {  	[tilespmem:$0x17F8] =	vst v0  }
0x141: {  	[tilespmem:$0x1808] =	vst v0  }
0x142: {  	[tilespmem:$0x1818] =	vst v0  }
0x143: {  	[tilespmem:$0x1828] =	vst v0  }
0x144: {  	[tilespmem:$0x1838] =	vst v0  }
0x145: {  	[tilespmem:$0x1848] =	vst v0  }
0x146: {  	[tilespmem:$0x1858] =	vst v0  }
0x147: {  	[tilespmem:$0x1868] =	vst v0  }
0x148: {  	[tilespmem:$0x1878] =	vst v0  }
0x149: {  	[tilespmem:$0x1888] =	vst v0  }
0x14a: {  	[tilespmem:$0x1898] =	vst v0  }
0x14b: {  	[tilespmem:$0x18A8] =	vst v0  }
0x14c: {  	[tilespmem:$0x18B8] =	vst v0  }
0x14d: {  	[tilespmem:$0x18C8] =	vst v0  }
0x14e: {  	[tilespmem:$0x18D8] =	vst v0  }
0x14f: {  	[tilespmem:$0x18E8] =	vst v0  }
0x150: {  	[tilespmem:$0x18F8] =	vst v0  }
0x151: {  	[tilespmem:$0x1908] =	vst v0  }
0x152: {  	[tilespmem:$0x1918] =	vst v0  }
0x153: {  	[tilespmem:$0x1928] =	vst v0  }
0x154: {  	[tilespmem:$0x1938] =	vst v0  }
0x155: {  	[tilespmem:$0x1948] =	vst v0  }
0x156: {  	[tilespmem:$0x1958] =	vst v0  }
0x157: {  	[tilespmem:$0x1968] =	vst v0  }
0x158: {  	[tilespmem:$0x1978] =	vst v0  }
0x159: {  	[tilespmem:$0x1988] =	vst v0  }
0x15a: {  	[tilespmem:$0x1998] =	vst v0  }
0x15b: {  	[tilespmem:$0x19A8] =	vst v0  }
0x15c: {  	[tilespmem:$0x19B8] =	vst v0  }
0x15d: {  	[tilespmem:$0x19C8] =	vst v0  }
0x15e: {  	[tilespmem:$0x19D8] =	vst v0  }
0x15f: {  	[tilespmem:$0x19E8] =	vst v0  }
0x160: {  	[tilespmem:$0x19F8] =	vst v0  }
0x161: {  	[tilespmem:$0x2928] =	vst v0  }
0x162: {  	[tilespmem:$0x2918] =	vst v0  }
0x163: {  	[tilespmem:$0x2908] =	vst v0  }
0x164: {  	[tilespmem:$0x2958] =	vst v0  }
0x165: {  	[tilespmem:$0x2948] =	vst v0  }
0x166: {  	[tilespmem:$0x2938] =	vst v0  }
0x167: {  	[tilespmem:$0x1A08] =	vst v0  }
0x168: {  	[tilespmem:$0x1A18] =	vst v0  }
0x169: {  	[tilespmem:$0x1A28] =	vst v0  }
0x16a: {  	[tilespmem:$0x1A38] =	vst v0  }
0x16b: {  	[tilespmem:$0x1A48] =	vst v0  }
0x16c: {  	[tilespmem:$0x1A58] =	vst v0  }
0x16d: {  	[tilespmem:$0x1A68] =	vst v0  }
0x16e: {  	[tilespmem:$0x1A78] =	vst v0  }
0x16f: {  	[tilespmem:$0x1A88] =	vst v0  }
0x170: {  	[tilespmem:$0x1A98] =	vst v0  }
0x171: {  	[tilespmem:$0x1AA8] =	vst v0  }
0x172: {  	[tilespmem:$0x1AB8] =	vst v0  }
0x173: {  	[tilespmem:$0x1AC8] =	vst v0  }
0x174: {  	[tilespmem:$0x1AD8] =	vst v0  }
0x175: {  	[tilespmem:$0x1AE8] =	vst v0  }
0x176: {  	[tilespmem:$0x1AF8] =	vst v0  }
0x177: {  	[tilespmem:$0x1B08] =	vst v0  }
0x178: {  	[tilespmem:$0x1B18] =	vst v0  }
0x179: {  	[tilespmem:$0x1B28] =	vst v0  }
0x17a: {  	[tilespmem:$0x1B38] =	vst v0  }
0x17b: {  	[tilespmem:$0x1B48] =	vst v0  }
0x17c: {  	[tilespmem:$0x1B58] =	vst v0  }
0x17d: {  	[tilespmem:$0x1B68] =	vst v0  }
0x17e: {  	[tilespmem:$0x1B78] =	vst v0  }
0x17f: {  	[tilespmem:$0x1B88] =	vst v0  }
0x180: {  	[tilespmem:$0x1B98] =	vst v0  }
0x181: {  	[tilespmem:$0x1BA8] =	vst v0  }
0x182: {  	[tilespmem:$0x1BB8] =	vst v0  }
0x183: {  	[tilespmem:$0x1BC8] =	vst v0  }
0x184: {  	[tilespmem:$0x1BD8] =	vst v0  }
0x185: {  	[tilespmem:$0x1BE8] =	vst v0  }
0x186: {  	[tilespmem:$0x1BF8] =	vst v0  }
0x187: {  	[tilespmem:$0x1C08] =	vst v0  }
0x188: {  	[tilespmem:$0x1C18] =	vst v0  }
0x189: {  	[tilespmem:$0x1C28] =	vst v0  }
0x18a: {  	[tilespmem:$0x1C38] =	vst v0  }
0x18b: {  	[tilespmem:$0x1C48] =	vst v0  }
0x18c: {  	[tilespmem:$0x1C58] =	vst v0  }
0x18d: {  	[tilespmem:$0x1C68] =	vst v0  }
0x18e: {  	[tilespmem:$0x1C78] =	vst v0  }
0x18f: {  	[tilespmem:$0x1C88] =	vst v0  }
0x190: {  	[tilespmem:$0x1C98] =	vst v0  }
0x191: {  	[tilespmem:$0x1CA8] =	vst v0  }
0x192: {  	[tilespmem:$0x1CB8] =	vst v0  }
0x193: {  	[tilespmem:$0x1CC8] =	vst v0  }
0x194: {  	[tilespmem:$0x1CD8] =	vst v0  }
0x195: {  	[tilespmem:$0x1CE8] =	vst v0  }
0x196: {  	[tilespmem:$0x1CF8] =	vst v0  }
0x197: {  	[tilespmem:$0x1D08] =	vst v0  }
0x198: {  	[tilespmem:$0x1D18] =	vst v0  }
0x199: {  	[tilespmem:$0x1D28] =	vst v0  }
0x19a: {  	[tilespmem:$0x1D38] =	vst v0  }
0x19b: {  	[tilespmem:$0x1D48] =	vst v0  }
0x19c: {  	[tilespmem:$0x1D58] =	vst v0  }
0x19d: {  	[tilespmem:$0x1D68] =	vst v0  }
0x19e: {  	[tilespmem:$0x1D78] =	vst v0  }
0x19f: {  	[tilespmem:$0x1D88] =	vst v0  }
0x1a0: {  	[tilespmem:$0x1D98] =	vst v0  }
0x1a1: {  	[tilespmem:$0x1DA8] =	vst v0  }
0x1a2: {  	[tilespmem:$0x1DB8] =	vst v0  }
0x1a3: {  	[tilespmem:$0x1DC8] =	vst v0  }
0x1a4: {  	[tilespmem:$0x1DD8] =	vst v0  }
0x1a5: {  	[tilespmem:$0x1DE8] =	vst v0  }
0x1a6: {  	[tilespmem:$0x1DF8] =	vst v0  }
0x1a7: {  	[tilespmem:$0x1E08] =	vst v0  }
0x1a8: {  	[tilespmem:$0x1E18] =	vst v0  }
0x1a9: {  	[tilespmem:$0x1E28] =	vst v0  }
0x1aa: {  	[tilespmem:$0x1E38] =	vst v0  }
0x1ab: {  	[tilespmem:$0x1E48] =	vst v0  }
0x1ac: {  	[tilespmem:$0x1E58] =	vst v0  }
0x1ad: {  	[tilespmem:$0x1E68] =	vst v0  }
0x1ae: {  	[tilespmem:$0x1E78] =	vst v0  }
0x1af: {  	[tilespmem:$0x1E88] =	vst v0  }
0x1b0: {  	[tilespmem:$0x1E98] =	vst v0  }
0x1b1: {  	[tilespmem:$0x1EA8] =	vst v0  }
0x1b2: {  	[tilespmem:$0x1EB8] =	vst v0  }
0x1b3: {  	[tilespmem:$0x1EC8] =	vst v0  }
0x1b4: {  	[tilespmem:$0x1ED8] =	vst v0  }
0x1b5: {  	[tilespmem:$0x1EE8] =	vst v0  }
0x1b6: {  	[tilespmem:$0x1EF8] =	vst v0  }
0x1b7: {  	[tilespmem:$0x1F08] =	vst v0  }
0x1b8: {  	[tilespmem:$0x1F18] =	vst v0  }
0x1b9: {  	[tilespmem:$0x1F28] =	vst v0  }
0x1ba: {  	[tilespmem:$0x1F38] =	vst v0  }
0x1bb: {  	[tilespmem:$0x1F48] =	vst v0  }
0x1bc: {  	[tilespmem:$0x1F58] =	vst v0  }
0x1bd: {  	[tilespmem:$0x1F68] =	vst v0  }
0x1be: {  	[tilespmem:$0x1F78] =	vst v0  }
0x1bf: {  	[tilespmem:$0x1F88] =	vst v0  }
0x1c0: {  	[tilespmem:$0x1F98] =	vst v0  }
0x1c1: {  	[tilespmem:$0x1FA8] =	vst v0  }
0x1c2: {  	[tilespmem:$0x1FB8] =	vst v0  }
0x1c3: {  	[tilespmem:$0x1FC8] =	vst v0  }
0x1c4: {  	[tilespmem:$0x1FD8] =	vst v0  }
0x1c5: {  	[tilespmem:$0x1FE8] =	vst v0  }
0x1c6: {  	[tilespmem:$0x1FF8] =	vst v0  }
0x1c7: {  	[tilespmem:$0x2008] =	vst v0  }
0x1c8: {  	[tilespmem:$0x2018] =	vst v0  }
0x1c9: {  	[tilespmem:$0x2028] =	vst v0  }
0x1ca: {  	[tilespmem:$0x2038] =	vst v0  }
0x1cb: {  	[tilespmem:$0x2048] =	vst v0  }
0x1cc: {  	[tilespmem:$0x2058] =	vst v0  }
0x1cd: {  	[tilespmem:$0x2068] =	vst v0  }
0x1ce: {  	[tilespmem:$0x2078] =	vst v0  }
0x1cf: {  	[tilespmem:$0x2088] =	vst v0  }
0x1d0: {  	[tilespmem:$0x2098] =	vst v0  }
0x1d1: {  	[tilespmem:$0x20A8] =	vst v0  }
0x1d2: {  	[tilespmem:$0x20B8] =	vst v0  }
0x1d3: {  	[tilespmem:$0x20C8] =	vst v0  }
0x1d4: {  	[tilespmem:$0x20D8] =	vst v0  }
0x1d5: {  	[tilespmem:$0x20E8] =	vst v0  }
0x1d6: {  	[tilespmem:$0x20F8] =	vst v0  }
0x1d7: {  	[tilespmem:$0x2108] =	vst v0  }
0x1d8: {  	[tilespmem:$0x2118] =	vst v0  }
0x1d9: {  	[tilespmem:$0x2128] =	vst v0  }
0x1da: {  	[tilespmem:$0x2138] =	vst v0  }
0x1db: {  	[tilespmem:$0x2148] =	vst v0  }
0x1dc: {  	[tilespmem:$0x2158] =	vst v0  }
0x1dd: {  	[tilespmem:$0x2168] =	vst v0  }
0x1de: {  	[tilespmem:$0x2178] =	vst v0  }
0x1df: {  	[tilespmem:$0x2188] =	vst v0  }
0x1e0: {  	[tilespmem:$0x2198] =	vst v0  }
0x1e1: {  	[tilespmem:$0x21A8] =	vst v0  }
0x1e2: {  	[tilespmem:$0x21B8] =	vst v0  }
0x1e3: {  	[tilespmem:$0x21C8] =	vst v0  }
0x1e4: {  	[tilespmem:$0x21D8] =	vst v0  }
0x1e5: {  	[tilespmem:$0x21E8] =	vst v0  }
0x1e6: {  	[tilespmem:$0x21F8] =	vst v0  }
0x1e7: {  	[tilespmem:$0x2208] =	vst v0  }
0x1e8: {  	[tilespmem:$0x2218] =	vst v0  }
0x1e9: {  	[tilespmem:$0x2228] =	vst v0  }
0x1ea: {  	[tilespmem:$0x2238] =	vst v0  }
0x1eb: {  	[tilespmem:$0x2248] =	vst v0  }
0x1ec: {  	[tilespmem:$0x2258] =	vst v0  }
0x1ed: {  	[tilespmem:$0x2268] =	vst v0  }
0x1ee: {  	[tilespmem:$0x2278] =	vst v0  }
0x1ef: {  	[tilespmem:$0x2288] =	vst v0  }
0x1f0: {  	[tilespmem:$0x2298] =	vst v0  }
0x1f1: {  	[tilespmem:$0x22A8] =	vst v0  }
0x1f2: {  	[tilespmem:$0x22B8] =	vst v0  }
0x1f3: {  	[tilespmem:$0x22C8] =	vst v0  }
0x1f4: {  	[tilespmem:$0x22D8] =	vst v0  }
0x1f5: {  	[tilespmem:$0x22E8] =	vst v0  }
0x1f6: {  	[tilespmem:$0x22F8] =	vst v0  }
0x1f7: {  	[tilespmem:$0x2308] =	vst v0  }
0x1f8: {  	[tilespmem:$0x2318] =	vst v0  }
0x1f9: {  	[tilespmem:$0x2328] =	vst v0  }
0x1fa: {  	[tilespmem:$0x2338] =	vst v0  }
0x1fb: {  	[tilespmem:$0x2348] =	vst v0  }
0x1fc: {  	[tilespmem:$0x2358] =	vst v0  }
0x1fd: {  	[tilespmem:$0x2368] =	vst v0  }
0x1fe: {  	[tilespmem:$0x2378] =	vst v0  }
0x1ff: {  	[tilespmem:$0x2388] =	vst v0  }
0x200: {  	[tilespmem:$0x2398] =	vst v0  }
0x201: {  	[tilespmem:$0x23A8] =	vst v0  }
0x202: {  	[tilespmem:$0x23B8] =	vst v0  }
0x203: {  	[tilespmem:$0x23C8] =	vst v0  }
0x204: {  	[tilespmem:$0x23D8] =	vst v0  }
0x205: {  	[tilespmem:$0x23E8] =	vst v0  }
0x206: {  	[tilespmem:$0x23F8] =	vst v0  }
0x207: {  	[tilespmem:$0x2408] =	vst v0  }
0x208: {  	[tilespmem:$0x2418] =	vst v0  }
0x209: {  	[tilespmem:$0x2428] =	vst v0  }
0x20a: {  	[tilespmem:$0x2438] =	vst v0  }
0x20b: {  	[tilespmem:$0x2448] =	vst v0  }
0x20c: {  	[tilespmem:$0x2458] =	vst v0  }
0x20d: {  	[tilespmem:$0x2468] =	vst v0  }
0x20e: {  	[tilespmem:$0x2478] =	vst v0  }
0x20f: {  	[tilespmem:$0x2488] =	vst v0  }
0x210: {  	[tilespmem:$0x2498] =	vst v0  }
0x211: {  	[tilespmem:$0x24A8] =	vst v0  }
0x212: {  	[tilespmem:$0x24B8] =	vst v0  }
0x213: {  	[tilespmem:$0x24C8] =	vst v0  }
0x214: {  	[tilespmem:$0x24D8] =	vst v0  }
0x215: {  	[tilespmem:$0x24E8] =	vst v0  }
0x216: {  	[tilespmem:$0x24F8] =	vst v0  }
0x217: {  	[tilespmem:$0x2508] =	vst v0  }
0x218: {  	[tilespmem:$0x2518] =	vst v0  }
0x219: {  	[tilespmem:$0x2528] =	vst v0  }
0x21a: {  	[tilespmem:$0x2538] =	vst v0  }
0x21b: {  	[tilespmem:$0x2548] =	vst v0  }
0x21c: {  	[tilespmem:$0x2558] =	vst v0  }
0x21d: {  	[tilespmem:$0x2568] =	vst v0  }
0x21e: {  	[tilespmem:$0x2578] =	vst v0  }
0x21f: {  	[tilespmem:$0x2588] =	vst v0  }
0x220: {  	[tilespmem:$0x2598] =	vst v0  }
0x221: {  	[tilespmem:$0x25A8] =	vst v0  }
0x222: {  	[tilespmem:$0x25B8] =	vst v0  }
0x223: {  	[tilespmem:$0x25C8] =	vst v0  }
0x224: {  	[tilespmem:$0x25D8] =	vst v0  }
0x225: {  	[tilespmem:$0x25E8] =	vst v0  }
0x226: {  	[tilespmem:$0x25F8] =	vst v0  }
0x227: {  	[tilespmem:$0x2608] =	vst v0  }
0x228: {  	[tilespmem:$0x2618] =	vst v0  }
0x229: {  	[tilespmem:$0x2628] =	vst v0  }
0x22a: {  	[tilespmem:$0x2638] =	vst v0  }
0x22b: {  	[tilespmem:$0x2648] =	vst v0  }
0x22c: {  	[tilespmem:$0x2658] =	vst v0  }
0x22d: {  	[tilespmem:$0x2668] =	vst v0  }
0x22e: {  	[tilespmem:$0x2678] =	vst v0  }
0x22f: {  	[tilespmem:$0x2688] =	vst v0  }
0x230: {  	[tilespmem:$0x2698] =	vst v0  }
0x231: {  	[tilespmem:$0x26A8] =	vst v0  }
0x232: {  	[tilespmem:$0x26B8] =	vst v0  }
0x233: {  	[tilespmem:$0x26C8] =	vst v0  }
0x234: {  	[tilespmem:$0x26D8] =	vst v0  }
0x235: {  	[tilespmem:$0x26E8] =	vst v0  }
0x236: {  	[tilespmem:$0x26F8] =	vst v0  }
0x237: {  	[tilespmem:$0x2708] =	vst v0  }
0x238: {  	[tilespmem:$0x2718] =	vst v0  }
0x239: {  	[tilespmem:$0x2728] =	vst v0  }
0x23a: {  	[tilespmem:$0x2738] =	vst v0  }
0x23b: {  	[tilespmem:$0x2748] =	vst v0  }
0x23c: {  	[tilespmem:$0x2758] =	vst v0  }
0x23d: {  	[tilespmem:$0x2768] =	vst v0  }
0x23e: {  	[tilespmem:$0x2778] =	vst v0  }
0x23f: {  	[tilespmem:$0x2788] =	vst v0  }
0x240: {  	[tilespmem:$0x2798] =	vst v0  }
0x241: {  	[tilespmem:$0x27A8] =	vst v0  }
0x242: {  	[tilespmem:$0x27B8] =	vst v0  }
0x243: {  	[tilespmem:$0x27C8] =	vst v0  }
0x244: {  	[tilespmem:$0x27D8] =	vst v0  }
0x245: {  	[tilespmem:$0x27E8] =	vst v0  }
0x246: {  	[tilespmem:$0x27F8] =	vst v0  }
0x247: {  	[tilespmem:$0x2808] =	vst v0  }
0x248: {  	[tilespmem:$0x2818] =	vst v0  }
0x249: {  	[tilespmem:$0x2828] =	vst v0  }
0x24a: {  	[tilespmem:$0x2838] =	vst v0  }
0x24b: {  	[tilespmem:$0x2848] =	vst v0  }
0x24c: {  	[tilespmem:$0x2858] =	vst v0  }
0x24d: {  	[tilespmem:$0x2868] =	vst v0  }
0x24e: {  	[tilespmem:$0x2878] =	vst v0  }
0x24f: {  	[tilespmem:$0x2888] =	vst v0  }
0x250: {  	[tilespmem:$0x2898] =	vst v0  }
0x251: {  	[tilespmem:$0x28A8] =	vst v0  }
0x252: {  	[tilespmem:$0x28B8] =	vst v0  }
0x253: {  	[tilespmem:$0x28C8] =	vst v0  }
0x254: {  	[tilespmem:$0x28D8] =	vst v0  }
0x255: {  	[tilespmem:$0x28E8] =	vst v0  }
0x256: {  	[tilespmem:$0x28F8] =	vst v0  }
0x257: {  	[tilespmem:$0x2968] =	vst v0  }
0x258: {  	[tilespmem:$0x2978] =	vst v0  }
0x259: {  	[tilespmem:$0x2988] =	vst v0  }
0x25a: {  	[tilespmem:$0x2998] =	vst v0  }
0x25b: {  	[tilespmem:$0x29A8] =	vst v0  }
0x25c: {  	[tilespmem:$0x29B8] =	vst v0  }
0x25d: {  	[tilespmem:$0x29C8] =	vst v0  }
0x25e: {  	[tilespmem:$0x29D8] =	vst v0  }
0x25f: {  	[tilespmem:$0x29E8] =	vst v0  }
0x260: {  	[tilespmem:$0x29F8] =	vst v0  }
0x261: {  	[tilespmem:$0x2A08] =	vst v0  }
0x262: {  	[tilespmem:$0x2A18] =	vst v0  }
0x263: {  	[tilespmem:$0x2A28] =	vst v0  }
0x264: {  	[tilespmem:$0x2A38] =	vst v0  }
0x265: {  	[tilespmem:$0x2A48] =	vst v0  }
0x266: {  	[tilespmem:$0x2A58] =	vst v0  }
0x267: {  	[tilespmem:$0x2A68] =	vst v0  }
0x268: {  	[tilespmem:$0x2A78] =	vst v0  }
0x269: {  	[tilespmem:$0x2A88] =	vst v0  }
0x26a: {  	[tilespmem:$0x2A98] =	vst v0  }
0x26b: {  	[tilespmem:$0x2AA8] =	vst v0  }
0x26c: {  	[tilespmem:$0x2AB8] =	vst v0  }
0x26d: {  	[tilespmem:$0x2AC8] =	vst v0  }
0x26e: {  	[tilespmem:$0x2AD8] =	vst v0  }
0x26f: {  	[tilespmem:$0x2AE8] =	vst v0  }
0x270: {  	[tilespmem:$0x2AF8] =	vst v0  }
0x271: {  	[tilespmem:$0x2B08] =	vst v0  }
0x272: {  	[tilespmem:$0x2B18] =	vst v0  }
0x273: {  	[tilespmem:$0x2B28] =	vst v0  }
0x274: {  	[tilespmem:$0x2B38] =	vst v0  }
0x275: {  	[tilespmem:$0x2B48] =	vst v0  }
0x276: {  	[tilespmem:$0x2B58] =	vst v0  }
0x277: {  	[tilespmem:$0x2B68] =	vst v0  }
0x278: {  	[tilespmem:$0x2B78] =	vst v0  }
0x279: {  	[tilespmem:$0x2B88] =	vst v0  }
0x27a: {  	[tilespmem:$0x2B98] =	vst v0  }
0x27b: {  	[tilespmem:$0x2BA8] =	vst v0  }
0x27c: {  	[tilespmem:$0x2BB8] =	vst v0  }
0x27d: {  	[tilespmem:$0x2BC8] =	vst v0  }
0x27e: {  	[tilespmem:$0x2BD8] =	vst v0  }
0x27f: {  	[tilespmem:$0x2BE8] =	vst v0  }
0x280: {  	[tilespmem:$0x2BF8] =	vst v0  }
0x281: {  	[tilespmem:$0x2C08] =	vst v0  }
0x282: {  	[tilespmem:$0x2C18] =	vst v0  }
0x283: {  	[tilespmem:$0x2C28] =	vst v0  }
0x284: {  	[tilespmem:$0x2C38] =	vst v0  }
0x285: {  	[tilespmem:$0x2C48] =	vst v0  }
0x286: {  	[tilespmem:$0x2C58] =	vst v0  }
0x287: {  	[tilespmem:$0x2C68] =	vst v0  }
0x288: {  	[tilespmem:$0x2C78] =	vst v0  }
0x289: {  	[tilespmem:$0x2C88] =	vst v0  }
0x28a: {  	[tilespmem:$0x2C98] =	vst v0  }
0x28b: {  	[tilespmem:$0x2CA8] =	vst v0  }
0x28c: {  	[tilespmem:$0x2CB8] =	vst v0  }
0x28d: {  	[tilespmem:$0x2CC8] =	vst v0  }
0x28e: {  	[tilespmem:$0x2CD8] =	vst v0  }
0x28f: {  	[tilespmem:$0x2CE8] =	vst v0  }
0x290: {  	[tilespmem:$0x2CF8] =	vst v0  }
0x291: {  	[tilespmem:$0x2D08] =	vst v0  }
0x292: {  	[tilespmem:$0x2D18] =	vst v0  }
0x293: {  	[tilespmem:$0x2D28] =	vst v0  }
0x294: {  	[tilespmem:$0x2D38] =	vst v0  }
0x295: {  	[tilespmem:$0x2D48] =	vst v0  }
0x296: {  	[tilespmem:$0x2D58] =	vst v0  }
0x297: {  	[tilespmem:$0x2D68] =	vst v0  }
0x298: {  	[tilespmem:$0x2D78] =	vst v0  }
0x299: {  	[tilespmem:$0x2D88] =	vst v0  }
0x29a: {  	[tilespmem:$0x2D98] =	vst v0  }
0x29b: {  	[tilespmem:$0x2DA8] =	vst v0  }
0x29c: {  	[tilespmem:$0x2DB8] =	vst v0  }
0x29d: {  	[tilespmem:$0x2DC8] =	vst v0  }
0x29e: {  	[tilespmem:$0x2DD8] =	vst v0  }
0x29f: {  	[tilespmem:$0x2DE8] =	vst v0  }
0x2a0: {  	[tilespmem:$0x2DF8] =	vst v0  }
0x2a1: {  	[tilespmem:$0x2E08] =	vst v0  }
0x2a2: {  	[tilespmem:$0x2E18] =	vst v0  }
0x2a3: {  	[tilespmem:$0x2E28] =	vst v0  }
0x2a4: {  	[tilespmem:$0x2E38] =	vst v0  }
0x2a5: {  	[tilespmem:$0x2E48] =	vst v0  }
0x2a6: {  	[tilespmem:$0x2E58] =	vst v0  }
0x2a7: {  	[tilespmem:$0x2E68] =	vst v0  }
0x2a8: {  	[tilespmem:$0x2E78] =	vst v0  }
0x2a9: {  	[tilespmem:$0x2E88] =	vst v0  }
0x2aa: {  	[tilespmem:$0x2E98] =	vst v0  }
0x2ab: {  	[tilespmem:$0x2EA8] =	vst v0  }
0x2ac: {  	[tilespmem:$0x2EB8] =	vst v0  }
0x2ad: {  	[tilespmem:$0x2EC8] =	vst v0  }
0x2ae: {  	[tilespmem:$0x2ED8] =	vst v0  }
0x2af: {  	[tilespmem:$0x2EE8] =	vst v0  }
0x2b0: {  	[tilespmem:$0x2EF8] =	vst v0  }
0x2b1: {  	[tilespmem:$0x2F08] =	vst v0  }
0x2b2: {  	[tilespmem:$0x2F18] =	vst v0  }
0x2b3: {  	[tilespmem:$0x2F28] =	vst v0  }
0x2b4: {  	[tilespmem:$0x2F38] =	vst v0  }
0x2b5: {  	[tilespmem:$0x2F48] =	vst v0  }
0x2b6: {  	[tilespmem:$0x2F58] =	vst v0  }
0x2b7: {  	[tilespmem:$0x2F68] =	vst v0  }
0x2b8: {  	[tilespmem:$0x2F78] =	vst v0  }
0x2b9: {  	[tilespmem:$0x2F88] =	vst v0  }
0x2ba: {  	[tilespmem:$0x2F98] =	vst v0  }
0x2bb: {  	[tilespmem:$0x2FA8] =	vst v0  }
0x2bc: {  	[tilespmem:$0x2FB8] =	vst v0  }
0x2bd: {  	[tilespmem:$0x2FC8] =	vst v0  }
0x2be: {  	[tilespmem:$0x2FD8] =	vst v0  }
0x2bf: {  	[tilespmem:$0x2FE8] =	vst v0  }
0x2c0: {  	[tilespmem:$0x2FF8] =	vst v0  }
0x2c1: {  	[tilespmem:$0x3008] =	vst v0  }
0x2c2: {  	[tilespmem:$0x3018] =	vst v0  }
0x2c3: {  	[tilespmem:$0x3028] =	vst v0  }
0x2c4: {  	[tilespmem:$0x3038] =	vst v0  }
0x2c5: {  	[tilespmem:$0x3048] =	vst v0  }
0x2c6: {  	[tilespmem:$0x3058] =	vst v0  }
0x2c7: {  	[tilespmem:$0x3068] =	vst v0  }
0x2c8: {  	[tilespmem:$0x3078] =	vst v0  }
0x2c9: {  	[tilespmem:$0x3088] =	vst v0  }
0x2ca: {  	[tilespmem:$0x3098] =	vst v0  }
0x2cb: {  	[tilespmem:$0x30A8] =	vst v0  }
0x2cc: {  	[tilespmem:$0x30B8] =	vst v0  }
0x2cd: {  	[tilespmem:$0x30C8] =	vst v0  }
0x2ce: {  	[tilespmem:$0x30D8] =	vst v0  }
0x2cf: {  	[tilespmem:$0x30E8] =	vst v0  }
0x2d0: {  	[tilespmem:$0x30F8] =	vst v0  }
0x2d1: {  	[tilespmem:$0x3108] =	vst v0  }
0x2d2: {  	[tilespmem:$0x3118] =	vst v0  }
0x2d3: {  	[tilespmem:$0x3128] =	vst v0  }
0x2d4: {  	[tilespmem:$0x3138] =	vst v0  }
0x2d5: {  	[tilespmem:$0x3148] =	vst v0  }
0x2d6: {  	[tilespmem:$0x3158] =	vst v0  }
0x2d7: {  	[tilespmem:$0x3168] =	vst v0  }
0x2d8: {  	[tilespmem:$0x3178] =	vst v0  }
0x2d9: {  	[tilespmem:$0x3188] =	vst v0  }
0x2da: {  	[tilespmem:$0x3198] =	vst v0  }
0x2db: {  	[tilespmem:$0x31A8] =	vst v0  }
0x2dc: {  	[tilespmem:$0x31B8] =	vst v0  }
0x2dd: {  	[tilespmem:$0x31C8] =	vst v0  }
0x2de: {  	[tilespmem:$0x31D8] =	vst v0  }
0x2df: {  	[tilespmem:$0x31E8] =	vst v0  }
0x2e0: {  	[tilespmem:$0x31F8] =	vst v0  }
0x2e1: {  	[tilespmem:$0x3208] =	vst v0  }
0x2e2: {  	[tilespmem:$0x3218] =	vst v0  }
0x2e3: {  	[tilespmem:$0x3228] =	vst v0  }
0x2e4: {  	[tilespmem:$0x3238] =	vst v0  }
0x2e5: {  	[tilespmem:$0x3248] =	vst v0  }
0x2e6: {  	[tilespmem:$0x3258] =	vst v0  }
0x2e7: {  	[tilespmem:$0x3268] =	vst v0  }
0x2e8: {  	[tilespmem:$0x3278] =	vst v0  }
0x2e9: {  	[tilespmem:$0x3288] =	vst v0  }
0x2ea: {  	[tilespmem:$0x3298] =	vst v0  }
0x2eb: {  	[tilespmem:$0x32A8] =	vst v0  }
0x2ec: {  	[tilespmem:$0x32B8] =	vst v0  }
0x2ed: {  	[tilespmem:$0x32C8] =	vst v0  }
0x2ee: {  	[tilespmem:$0x32D8] =	vst v0  }
0x2ef: {  	[tilespmem:$0x32E8] =	vst v0  }
0x2f0: {  	[tilespmem:$0x32F8] =	vst v0  }
0x2f1: {  	[tilespmem:$0x3308] =	vst v0  }
0x2f2: {  	[tilespmem:$0x3318] =	vst v0  }
0x2f3: {  	[tilespmem:$0x3328] =	vst v0  }
0x2f4: {  	[tilespmem:$0x3338] =	vst v0  }
0x2f5: {  	[tilespmem:$0x3348] =	vst v0  }
0x2f6: {  	[tilespmem:$0x3358] =	vst v0  }
0x2f7: {  	[tilespmem:$0x3368] =	vst v0  }
0x2f8: {  	[tilespmem:$0x3378] =	vst v0  }
0x2f9: {  	[tilespmem:$0x3388] =	vst v0  }
0x2fa: {  	[tilespmem:$0x3398] =	vst v0  }
0x2fb: {  	[tilespmem:$0x33A8] =	vst v0  }
0x2fc: {  	[tilespmem:$0x33B8] =	vst v0  }
0x2fd: {  	[tilespmem:$0x33C8] =	vst v0  }
0x2fe: {  	[tilespmem:$0x33D8] =	vst v0  }
0x2ff: {  	[tilespmem:$0x33E8] =	vst v0  }
0x300: {  	[tilespmem:$0x33F8] =	vst v0  }
0x301: {  	[tilespmem:$0x3408] =	vst v0  }
0x302: {  	[tilespmem:$0x3418] =	vst v0  }
0x303: {  	[tilespmem:$0x3428] =	vst v0  }
0x304: {  	[tilespmem:$0x3438] =	vst v0  }
0x305: {  	[tilespmem:$0x3448] =	vst v0  }
0x306: {  	[tilespmem:$0x3458] =	vst v0  }
0x307: {  	[tilespmem:$0x3468] =	vst v0  }
0x308: {  	[tilespmem:$0x3478] =	vst v0  }
0x309: {  	[tilespmem:$0x3488] =	vst v0  }
0x30a: {  	[tilespmem:$0x3498] =	vst v0  }
0x30b: {  	[tilespmem:$0x34A8] =	vst v0  }
0x30c: {  	[tilespmem:$0x34B8] =	vst v0  }
0x30d: {  	[tilespmem:$0x34C8] =	vst v0  }
0x30e: {  	[tilespmem:$0x34D8] =	vst v0  }
0x30f: {  	[tilespmem:$0x34E8] =	vst v0  }
0x310: {  	[tilespmem:$0x34F8] =	vst v0  }
0x311: {  	[tilespmem:$0x3508] =	vst v0  }
0x312: {  	[tilespmem:$0x3518] =	vst v0  }
0x313: {  	[tilespmem:$0x3528] =	vst v0  }
0x314: {  	[tilespmem:$0x3538] =	vst v0  }
0x315: {  	[tilespmem:$0x3548] =	vst v0  }
0x316: {  	[tilespmem:$0x3558] =	vst v0  }
0x317: {  	[tilespmem:$0x3568] =	vst v0  }
0x318: {  	[tilespmem:$0x3578] =	vst v0  }
0x319: {  	[tilespmem:$0x3588] =	vst v0  }
0x31a: {  	[tilespmem:$0x3598] =	vst v0  }
0x31b: {  	[tilespmem:$0x35A8] =	vst v0  }
0x31c: {  	[tilespmem:$0x35B8] =	vst v0  }
0x31d: {  	[tilespmem:$0x35C8] =	vst v0  }
0x31e: {  	[tilespmem:$0x35D8] =	vst v0  }
0x31f: {  	[tilespmem:$0x35E8] =	vst v0  }
0x320: {  	[tilespmem:$0x35F8] =	vst v0  }
0x321: {  	[tilespmem:$0x3608] =	vst v0  }
0x322: {  	[tilespmem:$0x3618] =	vst v0  }
0x323: {  	[tilespmem:$0x3628] =	vst v0  }
0x324: {  	[tilespmem:$0x3638] =	vst v0  }
0x325: {  	[tilespmem:$0x3648] =	vst v0  }
0x326: {  	[tilespmem:$0x3658] =	vst v0  }
0x327: {  	[tilespmem:$0x3668] =	vst v0  }
0x328: {  	[tilespmem:$0x3678] =	vst v0  }
0x329: {  	[tilespmem:$0x3688] =	vst v0  }
0x32a: {  	[tilespmem:$0x3698] =	vst v0  }
0x32b: {  	[tilespmem:$0x36A8] =	vst v0  }
0x32c: {  	[tilespmem:$0x36B8] =	vst v0  }
0x32d: {  	[tilespmem:$0x36C8] =	vst v0  }
0x32e: {  	[tilespmem:$0x36D8] =	vst v0  }
0x32f: {  	[tilespmem:$0x36E8] =	vst v0  }
0x330: {  	[tilespmem:$0x36F8] =	vst v0  }
0x331: {  	[tilespmem:$0x3708] =	vst v0  }
0x332: {  	[tilespmem:$0x3718] =	vst v0  }
0x333: {  	[tilespmem:$0x3728] =	vst v0  }
0x334: {  	[tilespmem:$0x3738] =	vst v0  }
0x335: {  	[tilespmem:$0x3748] =	vst v0  }
0x336: {  	[tilespmem:$0x3758] =	vst v0  }
0x337: {  	[tilespmem:$0x3768] =	vst v0  }
0x338: {  	[tilespmem:$0x3778] =	vst v0  }
0x339: {  	[tilespmem:$0x3788] =	vst v0  }
0x33a: {  	[tilespmem:$0x3798] =	vst v0  }
0x33b: {  	[tilespmem:$0x37A8] =	vst v0  }
0x33c: {  	[tilespmem:$0x37B8] =	vst v0  }
0x33d: {  	[tilespmem:$0x37C8] =	vst v0  }
0x33e: {  	[tilespmem:$0x37D8] =	vst v0  }
0x33f: {  	[tilespmem:$0x37E8] =	vst v0  }
0x340: {  	[tilespmem:$0x37F8] =	vst v0  }
0x341: {  	[tilespmem:$0x3808] =	vst v0  }
0x342: {  	[tilespmem:$0x3818] =	vst v0  }
0x343: {  	[tilespmem:$0x3828] =	vst v0  }
0x344: {  	[tilespmem:$0x3838] =	vst v0  }
0x345: {  	[tilespmem:$0x3848] =	vst v0  }
0x346: {  	[tilespmem:$0x3858] =	vst v0  }
0x347: {  	[tilespmem:$0x3868] =	vst v0  }
0x348: {  	[tilespmem:$0x3878] =	vst v0  }
0x349: {  	[tilespmem:$0x3888] =	vst v0  }
0x34a: {  	[tilespmem:$0x3898] =	vst v0  }
0x34b: {  	[tilespmem:$0x38A8] =	vst v0  }
0x34c: {  	[tilespmem:$0x38B8] =	vst v0  }
0x34d: {  	[tilespmem:$0x38C8] =	vst v0  }
0x34e: {  	[tilespmem:$0x38D8] =	vst v0  }
0x34f: {  	[tilespmem:$0x38E8] =	vst v0  }
0x350: {  	[tilespmem:$0x38F8] =	vst v0  }
0x351: {  	[tilespmem:$0x3908] =	vst v0  }
0x352: {  	[tilespmem:$0x3918] =	vst v0  }
0x353: {  	[tilespmem:$0x3938] =	vst v0  }
0x354: {  	[tilespmem:$0x3948] =	vst v0  }
0x355: {  	[tilespmem:$0x3988] =	vst v0  }
0x356: {  	[tilespmem:$0x4828] =	vst v0  }
0x357: {  	[tilespmem:$0x4818] =	vst v0  }
0x358: {  	[tilespmem:$0x4808] =	vst v0  }
0x359: {  	[tilespmem:$0x3968] =	vst v0  }
0x35a: {  	[tilespmem:$0x47F8] =	vst v0  }
0x35b: {  	[tilespmem:$0x47E8] =	vst v0  }
0x35c: {  	[tilespmem:$0x47D8] =	vst v0  }
0x35d: {  	[tilespmem:$0x47C8] =	vst v0  }
0x35e: {  	[tilespmem:$0x47B8] =	vst v0  }
0x35f: {  	[tilespmem:$0x47A8] =	vst v0  }
0x360: {  	[tilespmem:$0x4798] =	vst v0  }
0x361: {  	[tilespmem:$0x4788] =	vst v0  }
0x362: {  	[tilespmem:$0x4778] =	vst v0  }
0x363: {  	[tilespmem:$0x4768] =	vst v0  }
0x364: {  	[tilespmem:$0x4758] =	vst v0  }
0x365: {  	[tilespmem:$0x4748] =	vst v0  }
0x366: {  	[tilespmem:$0x4738] =	vst v0  }
0x367: {  	[tilespmem:$0x4728] =	vst v0  }
0x368: {  	[tilespmem:$0x4718] =	vst v0  }
0x369: {  	[tilespmem:$0x4708] =	vst v0  }
0x36a: {  	[tilespmem:$0x46F8] =	vst v0  }
0x36b: {  	[tilespmem:$0x46E8] =	vst v0  }
0x36c: {  	[tilespmem:$0x46D8] =	vst v0  }
0x36d: {  	[tilespmem:$0x46C8] =	vst v0  }
0x36e: {  	[tilespmem:$0x46B8] =	vst v0  }
0x36f: {  	[tilespmem:$0x46A8] =	vst v0  }
0x370: {  	[tilespmem:$0x4698] =	vst v0  }
0x371: {  	[tilespmem:$0x4688] =	vst v0  }
0x372: {  	[tilespmem:$0x4678] =	vst v0  }
0x373: {  	[tilespmem:$0x4668] =	vst v0  }
0x374: {  	[tilespmem:$0x4658] =	vst v0  }
0x375: {  	[tilespmem:$0x4648] =	vst v0  }
0x376: {  	[tilespmem:$0x4638] =	vst v0  }
0x377: {  	[tilespmem:$0x4628] =	vst v0  }
0x378: {  	[tilespmem:$0x4618] =	vst v0  }
0x379: {  	[tilespmem:$0x4608] =	vst v0  }
0x37a: {  	[tilespmem:$0x45F8] =	vst v0  }
0x37b: {  	[tilespmem:$0x45E8] =	vst v0  }
0x37c: {  	[tilespmem:$0x45D8] =	vst v0  }
0x37d: {  	[tilespmem:$0x45C8] =	vst v0  }
0x37e: {  	[tilespmem:$0x45B8] =	vst v0  }
0x37f: {  	[tilespmem:$0x45A8] =	vst v0  }
0x380: {  	[tilespmem:$0x4598] =	vst v0  }
0x381: {  	[tilespmem:$0x4588] =	vst v0  }
0x382: {  	[tilespmem:$0x4578] =	vst v0  }
0x383: {  	[tilespmem:$0x4568] =	vst v0  }
0x384: {  	[tilespmem:$0x4558] =	vst v0  }
0x385: {  	[tilespmem:$0x4548] =	vst v0  }
0x386: {  	[tilespmem:$0x4538] =	vst v0  }
0x387: {  	[tilespmem:$0x4528] =	vst v0  }
0x388: {  	[tilespmem:$0x4518] =	vst v0  }
0x389: {  	[tilespmem:$0x4508] =	vst v0  }
0x38a: {  	[tilespmem:$0x44F8] =	vst v0  }
0x38b: {  	[tilespmem:$0x44E8] =	vst v0  }
0x38c: {  	[tilespmem:$0x44D8] =	vst v0  }
0x38d: {  	[tilespmem:$0x44C8] =	vst v0  }
0x38e: {  	[tilespmem:$0x44B8] =	vst v0  }
0x38f: {  	[tilespmem:$0x44A8] =	vst v0  }
0x390: {  	[tilespmem:$0x4498] =	vst v0  }
0x391: {  	[tilespmem:$0x4488] =	vst v0  }
0x392: {  	[tilespmem:$0x4478] =	vst v0  }
0x393: {  	[tilespmem:$0x4468] =	vst v0  }
0x394: {  	[tilespmem:$0x4458] =	vst v0  }
0x395: {  	[tilespmem:$0x4448] =	vst v0  }
0x396: {  	[tilespmem:$0x4438] =	vst v0  }
0x397: {  	[tilespmem:$0x4428] =	vst v0  }
0x398: {  	[tilespmem:$0x4418] =	vst v0  }
0x399: {  	[tilespmem:$0x4408] =	vst v0  }
0x39a: {  	[tilespmem:$0x43F8] =	vst v0  }
0x39b: {  	[tilespmem:$0x43E8] =	vst v0  }
0x39c: {  	[tilespmem:$0x43D8] =	vst v0  }
0x39d: {  	[tilespmem:$0x43C8] =	vst v0  }
0x39e: {  	[tilespmem:$0x43B8] =	vst v0  }
0x39f: {  	[tilespmem:$0x43A8] =	vst v0  }
0x3a0: {  	[tilespmem:$0x4398] =	vst v0  }
0x3a1: {  	[tilespmem:$0x4388] =	vst v0  }
0x3a2: {  	[tilespmem:$0x4378] =	vst v0  }
0x3a3: {  	[tilespmem:$0x4368] =	vst v0  }
0x3a4: {  	[tilespmem:$0x4358] =	vst v0  }
0x3a5: {  	[tilespmem:$0x4348] =	vst v0  }
0x3a6: {  	[tilespmem:$0x4338] =	vst v0  }
0x3a7: {  	[tilespmem:$0x4328] =	vst v0  }
0x3a8: {  	[tilespmem:$0x4318] =	vst v0  }
0x3a9: {  	[tilespmem:$0x4308] =	vst v0  }
0x3aa: {  	[tilespmem:$0x42F8] =	vst v0  }
0x3ab: {  	[tilespmem:$0x42E8] =	vst v0  }
0x3ac: {  	[tilespmem:$0x42D8] =	vst v0  }
0x3ad: {  	[tilespmem:$0x42C8] =	vst v0  }
0x3ae: {  	[tilespmem:$0x42B8] =	vst v0  }
0x3af: {  	[tilespmem:$0x42A8] =	vst v0  }
0x3b0: {  	[tilespmem:$0x4298] =	vst v0  }
0x3b1: {  	[tilespmem:$0x4288] =	vst v0  }
0x3b2: {  	[tilespmem:$0x4278] =	vst v0  }
0x3b3: {  	[tilespmem:$0x4268] =	vst v0  }
0x3b4: {  	[tilespmem:$0x4258] =	vst v0  }
0x3b5: {  	[tilespmem:$0x4248] =	vst v0  }
0x3b6: {  	[tilespmem:$0x4238] =	vst v0  }
0x3b7: {  	[tilespmem:$0x4228] =	vst v0  }
0x3b8: {  	[tilespmem:$0x4218] =	vst v0  }
0x3b9: {  	[tilespmem:$0x4208] =	vst v0  }
0x3ba: {  	[tilespmem:$0x41F8] =	vst v0  }
0x3bb: {  	[tilespmem:$0x41E8] =	vst v0  }
0x3bc: {  	[tilespmem:$0x41D8] =	vst v0  }
0x3bd: {  	[tilespmem:$0x41C8] =	vst v0  }
0x3be: {  	[tilespmem:$0x41B8] =	vst v0  }
0x3bf: {  	[tilespmem:$0x41A8] =	vst v0  }
0x3c0: {  	[tilespmem:$0x4198] =	vst v0  }
0x3c1: {  	[tilespmem:$0x4188] =	vst v0  }
0x3c2: {  	[tilespmem:$0x4178] =	vst v0  }
0x3c3: {  	[tilespmem:$0x4168] =	vst v0  }
0x3c4: {  	[tilespmem:$0x4158] =	vst v0  }
0x3c5: {  	[tilespmem:$0x4148] =	vst v0  }
0x3c6: {  	[tilespmem:$0x4138] =	vst v0  }
0x3c7: {  	[tilespmem:$0x4128] =	vst v0  }
0x3c8: {  	[tilespmem:$0x4118] =	vst v0  }
0x3c9: {  	[tilespmem:$0x4108] =	vst v0  }
0x3ca: {  	[tilespmem:$0x40F8] =	vst v0  }
0x3cb: {  	[tilespmem:$0x40E8] =	vst v0  }
0x3cc: {  	[tilespmem:$0x40D8] =	vst v0  }
0x3cd: {  	[tilespmem:$0x40C8] =	vst v0  }
0x3ce: {  	[tilespmem:$0x40B8] =	vst v0  }
0x3cf: {  	[tilespmem:$0x40A8] =	vst v0  }
0x3d0: {  	[tilespmem:$0x4098] =	vst v0  }
0x3d1: {  	[tilespmem:$0x4088] =	vst v0  }
0x3d2: {  	[tilespmem:$0x4078] =	vst v0  }
0x3d3: {  	[tilespmem:$0x4068] =	vst v0  }
0x3d4: {  	[tilespmem:$0x4058] =	vst v0  }
0x3d5: {  	[tilespmem:$0x4048] =	vst v0  }
0x3d6: {  	[tilespmem:$0x4038] =	vst v0  }
0x3d7: {  	[tilespmem:$0x4028] =	vst v0  }
0x3d8: {  	[tilespmem:$0x4018] =	vst v0  }
0x3d9: {  	[tilespmem:$0x4008] =	vst v0  }
0x3da: {  	[tilespmem:$0x3FF8] =	vst v0  }
0x3db: {  	[tilespmem:$0x3FE8] =	vst v0  }
0x3dc: {  	[tilespmem:$0x3FD8] =	vst v0  }
0x3dd: {  	[tilespmem:$0x3FC8] =	vst v0  }
0x3de: {  	[tilespmem:$0x3FB8] =	vst v0  }
0x3df: {  	[tilespmem:$0x3FA8] =	vst v0  }
0x3e0: {  	[tilespmem:$0x3F98] =	vst v0  }
0x3e1: {  	[tilespmem:$0x3F88] =	vst v0  }
0x3e2: {  	[tilespmem:$0x3F78] =	vst v0  }
0x3e3: {  	[tilespmem:$0x3F68] =	vst v0  }
0x3e4: {  	[tilespmem:$0x3F58] =	vst v0  }
0x3e5: {  	[tilespmem:$0x3F48] =	vst v0  }
0x3e6: {  	[tilespmem:$0x3F38] =	vst v0  }
0x3e7: {  	[tilespmem:$0x3F28] =	vst v0  }
0x3e8: {  	[tilespmem:$0x3F18] =	vst v0  }
0x3e9: {  	[tilespmem:$0x3F08] =	vst v0  }
0x3ea: {  	[tilespmem:$0x3EF8] =	vst v0  }
0x3eb: {  	[tilespmem:$0x3EE8] =	vst v0  }
0x3ec: {  	[tilespmem:$0x3ED8] =	vst v0  }
0x3ed: {  	[tilespmem:$0x3EC8] =	vst v0  }
0x3ee: {  	[tilespmem:$0x3EB8] =	vst v0  }
0x3ef: {  	[tilespmem:$0x3EA8] =	vst v0  }
0x3f0: {  	[tilespmem:$0x3E98] =	vst v0  }
0x3f1: {  	[tilespmem:$0x3E88] =	vst v0  }
0x3f2: {  	[tilespmem:$0x3E78] =	vst v0  }
0x3f3: {  	[tilespmem:$0x3E68] =	vst v0  }
0x3f4: {  	[tilespmem:$0x3E58] =	vst v0  }
0x3f5: {  	[tilespmem:$0x3E48] =	vst v0  }
0x3f6: {  	[tilespmem:$0x3E38] =	vst v0  }
0x3f7: {  	[tilespmem:$0x3E28] =	vst v0  }
0x3f8: {  	[tilespmem:$0x3E18] =	vst v0  }
0x3f9: {  	[tilespmem:$0x3E08] =	vst v0  }
0x3fa: {  	[tilespmem:$0x3DF8] =	vst v0  }
0x3fb: {  	[tilespmem:$0x3DE8] =	vst v0  }
0x3fc: {  	[tilespmem:$0x3DD8] =	vst v0  }
0x3fd: {  	[tilespmem:$0x3DC8] =	vst v0  }
0x3fe: {  	[tilespmem:$0x3DB8] =	vst v0  }
0x3ff: {  	[tilespmem:$0x3DA8] =	vst v0  }
0x400: {  	[tilespmem:$0x3D98] =	vst v0  }
0x401: {  	[tilespmem:$0x3D88] =	vst v0  }
0x402: {  	[tilespmem:$0x3D78] =	vst v0  }
0x403: {  	[tilespmem:$0x3D68] =	vst v0  }
0x404: {  	[tilespmem:$0x3D58] =	vst v0  }
0x405: {  	[tilespmem:$0x3D48] =	vst v0  }
0x406: {  	[tilespmem:$0x3D38] =	vst v0  }
0x407: {  	[tilespmem:$0x3D28] =	vst v0  }
0x408: {  	[tilespmem:$0x3D18] =	vst v0  }
0x409: {  	[tilespmem:$0x3D08] =	vst v0  }
0x40a: {  	[tilespmem:$0x3CF8] =	vst v0  }
0x40b: {  	[tilespmem:$0x3CE8] =	vst v0  }
0x40c: {  	[tilespmem:$0x3CD8] =	vst v0  }
0x40d: {  	[tilespmem:$0x3CC8] =	vst v0  }
0x40e: {  	[tilespmem:$0x3CB8] =	vst v0  }
0x40f: {  	[tilespmem:$0x3CA8] =	vst v0  }
0x410: {  	[tilespmem:$0x3C98] =	vst v0  }
0x411: {  	[tilespmem:$0x3C88] =	vst v0  }
0x412: {  	[tilespmem:$0x3C78] =	vst v0  }
0x413: {  	[tilespmem:$0x3C68] =	vst v0  }
0x414: {  	[tilespmem:$0x3C58] =	vst v0  }
0x415: {  	[tilespmem:$0x3C48] =	vst v0  }
0x416: {  	[tilespmem:$0x3C38] =	vst v0  }
0x417: {  	[tilespmem:$0x3C28] =	vst v0  }
0x418: {  	[tilespmem:$0x3C18] =	vst v0  }
0x419: {  	[tilespmem:$0x3C08] =	vst v0  }
0x41a: {  	[tilespmem:$0x3BF8] =	vst v0  }
0x41b: {  	[tilespmem:$0x3BE8] =	vst v0  }
0x41c: {  	[tilespmem:$0x3BD8] =	vst v0  }
0x41d: {  	[tilespmem:$0x3BC8] =	vst v0  }
0x41e: {  	[tilespmem:$0x3BB8] =	vst v0  }
0x41f: {  	[tilespmem:$0x3BA8] =	vst v0  }
0x420: {  	[tilespmem:$0x3B98] =	vst v0  }
0x421: {  	[tilespmem:$0x3B88] =	vst v0  }
0x422: {  	[tilespmem:$0x3B78] =	vst v0  }
0x423: {  	[tilespmem:$0x3B68] =	vst v0  }
0x424: {  	[tilespmem:$0x3B58] =	vst v0  }
0x425: {  	[tilespmem:$0x3B48] =	vst v0  }
0x426: {  	[tilespmem:$0x3B38] =	vst v0  }
0x427: {  	[tilespmem:$0x3B28] =	vst v0  }
0x428: {  	[tilespmem:$0x3B18] =	vst v0  }
0x429: {  	[tilespmem:$0x3B08] =	vst v0  }
0x42a: {  	[tilespmem:$0x3AF8] =	vst v0  }
0x42b: {  	[tilespmem:$0x3AE8] =	vst v0  }
0x42c: {  	[tilespmem:$0x3AD8] =	vst v0  }
0x42d: {  	[tilespmem:$0x3AC8] =	vst v0  }
0x42e: {  	[tilespmem:$0x3AB8] =	vst v0  }
0x42f: {  	[tilespmem:$0x3AA8] =	vst v0  }
0x430: {  	[tilespmem:$0x3A98] =	vst v0  }
0x431: {  	[tilespmem:$0x3A88] =	vst v0  }
0x432: {  	[tilespmem:$0x3A78] =	vst v0  }
0x433: {  	[tilespmem:$0x3A68] =	vst v0  }
0x434: {  	[tilespmem:$0x3A58] =	vst v0  }
0x435: {  	[tilespmem:$0x3A48] =	vst v0  }
0x436: {  	[tilespmem:$0x3A38] =	vst v0  }
0x437: {  	[tilespmem:$0x3A28] =	vst v0  }
0x438: {  	[tilespmem:$0x3A18] =	vst v0  }
0x439: {  	[tilespmem:$0x3A08] =	vst v0  }
0x43a: {  	s5 =	stileid.u32;
	s4 =	simm.s32 $0x50A0;
	s24 =	simm.s32 $0x2;
	[tilespmem:$0x39F8] =	vst v0  }
0x43b: {  	s25 =	simm.s32 $0x7;
	s26 =	simm.s32 $0x8;
	s23 =	smul.u32 $0x284, s5;
	[tilespmem:$0x39E8] =	vst v0  }
0x43c: {  	s31 =	simm.s32 $0x9;
	s21 =	simm.s32 $0x0;
	s3 =	smin.u32 s5, $0x9;
	[tilespmem:$0x39D8] =	vst v0  }
0x43d: {  	p1 =	por $0x0, $0x0;
	p0 =	slt.u32 s5, $0x9;
	[tilespmem:$0x39C8] =	vst v0;
	s0 =	sadd.s32 s3, s23  }
0x43e: {  	s15 =	simm.s32 $0x80;
	[tilespmem:$0x39B8] =	vst v0;
	s4 =	simm.s32 @!p0 $0x5080;
	s14 =	sshll.u32 s0, $0x5  }
0x43f: {  	s16 =	simm.s32 $0x400;
	s30 =	simm.s32 $0xA;
	[tilespmem:$0x39A8] =	vst v0;
	s0 =	sadd.s32 s4, s14  }
0x440: {  	s18 =	simm.s32 $0x0;
	s20 =	simm.s32 $0x0;
	[tilespmem:$0x3998] =	vst v0;
	s8 =	smin.u32 s0, $0x50910  }
0x441: {  	s1 =	sadd.s32 $0x48600, s2;
	s9 =	sadd.s32 $0x602000, s2;
	[tilespmem:$0x3978] =	vst v0;
	s0 =	ssub.s32 s8, s14  }
0x442: {  	s17 =	sadd.s32 $0x52800, s2;
	s29 =	smul.u32 $0x1080, s5;
	[tilespmem:$0x3958] =	vst v0;
	p0 =	sgt.s32 s0, $0x0  }
0x443: {  	[tilespmem:$0x3928] =	vst v0;
	[sflag:s24] =	ssyncpa.u1 $0x0;
	[dreg:$0x2] =	wrdreg s1;
	s0 =	simm.s32 @!p0 $0x0  }
.Ltmp0:
0x444: {  	v0 =	vimm.s32 $0xFFFFFFFF;
	s3 =	sadd.s32 $0x5CA00, s2;
	s28 =	sshrl.u32 s0, $0x4;
	(pc) =	sbr.rel .LBB2_1-.Ltmp0, $4  }
0x445: {  	[tilespmem:$0x8C48] =	vst v0;
	[sflag:s25] =	ssyncpa.u1 $0x0;
	s0 =	sshrl.u32 s0, $0x5;
	s2 =	sand.u32 $0x1, s28  }
0x446: {  	s13 =	sshrl.u32 s29, $0x2;
	[sflag:s26] =	ssyncpa.u1 $0x0;
	s12 =	sadd.s32 s0, s2  }
0x447: {  	[sflag:s31] =	ssyncpa.u1 $0x0;
	s11 =	sadd.s32 $0x1, s12;
	[dreg:$0x3] =	wrdreg s12  }
0x448: {  	v0 =	vlaneseq.u32;
	s19 =	smov.u32 s14;
	p0 =	por $0x1, $0x1;
	[dreg:$0x4] =	wrdreg s11  }
.LBB2_28:
0x449: {  	s1 =	rddreg [dreg:$0x2]  }
0x44a: {  	s0 =	sshrl.u32 s30, $0x2;
	s11 =	rddreg [dreg:$0x4];
	s30 =	simm.s32 $0xA  }
.LBB2_30:
0x44b: {  	_ =	swait.ge [sflag:s30], s0  }
0x44c: {  	s31 =	ssub.s32 $0x0, s0;
	v1 =	vmov s23;
	vm0 =	veq.s32 v0, $0x0;
	[sflag:s30] =	ssyncset.done $0x0  }
0x44d: {  	vm15 =	veq.s32 v0, $0x2;
	v1 =	vsel vm0, s28, v1;
	[sflag:s30] =	ssyncadd.s32 s31  }
0x44e: {  	v1 =	vsel vm15, s21, v1;
	[sflag:s30] =	ssyncpa.u1 $0x1  }
0x44f: {  	[tilespmem:$0x8C48] =	vst v1  }
.LBB2_31:
0x450: {  	s0 =	sadd.s32 $0x20, s19  }
0x451: {  	s2 =	smov.u32 s14;
	p2 =	slt.s32 s0, s8  }
0x452: {  	s2 =	smov.u32 @p2 s0;
	p2 =	sne.s32 s20, s11  }
.Ltmp1:
0x453: {  	_ = 	snop;
	(pc) =	sbr.rel @!p2 .LBB2_32-.Ltmp1, $4  }
0x454: {  	_ = 	snop  }
0x455: {  	s21 =	smov.u32 s18  }
0x456: {  	s31 =	sadd.s32 $0x1, s20;
	s18 =	smov.u32 s19;
	p0 =	por !p0, !p0  }
0x457: {  	p1 =	por !p1, !p1;
	s20 =	smov.u32 s31;
	s19 =	smov.u32 s2  }
.LBB2_1:
0x458: {  	p2 =	sge.u32 s20, s12  }
0x459: {  	s0 =	smov.u32 s19;
	p3 =	sgt.s32 @!p2 s19, $0x508F0  }
0x45a: {  	s2 =	sshra.s32 @!p2 s19, $0x1F;
	s4 =	smulhi.u32 @!p2 $0xAAAAAAAB, s20;
	p3 =	por !p3, p2  }
0x45b: {  	s2 =	sand.u32 @!p2 s2, s19;
	s0 =	simm.s32 @p3 $0x508F0  }
0x45c: {  	s0 =	ssub.s32 @!p2 s0, s2;
	s2 =	sshrl.u32 @!p2 s4, $0x1  }
0x45d: {  	s0 =	sadd.s32 @!p2 $0xFFFAF710, s0;
	s2 =	smul.u32 @!p2 $0x3, s2  }
0x45e: {  	s6 =	sand.u32 @!p2 $0x7, s19;
	s4 =	sshll.u32 @!p2 s0, $0x2;
	p3 =	sgt.s32 @!p2 s0, $0x1F  }
0x45f: {  	s0 =	ssub.s32 @!p2 $0x80, s4;
	s2 =	ssub.s32 @!p2 s20, s2;
	p3 =	por !p3, p2  }
0x460: {  	s4 =	sshrl.u32 @!p2 s19, $0x3;
	s0 =	sshrl.u32 @!p2 s0, $0x2;
	s2 =	sshll.u32 @!p2 s2, $0x5  }
0x461: {  	s4 =	sadd.s32 @!p2 s17, s4;
	s0 =	simm.s32 @!p3 $0x0;
	s2 =	sadd.s32 @!p2 $0xCE78, s2  }
0x462: {  	[tilespmem:s2], [sflag:$0x8] =	stream.linear.gather @!p2 [hbm4b:s4+s6], s0, $0x38;
	[tilespmem:$0x16F18] =	vst v63  }
0x463: {  	s4 =	sadd.s32 $0xFFFFFFFF, s20  }
0x464: {  	p2 =	sge.u32 s4, s12  }
0x465: {  	p3 =	sgt.s32 @!p2 s18, $0x508F0  }
0x466: {  	s0 =	smov.u32 s18;
	s2 =	sshra.s32 @!p2 s18, $0x1F;
	p3 =	por !p3, p2  }
0x467: {  	s2 =	sand.u32 @!p2 s2, s18;
	s0 =	simm.s32 @p3 $0x508F0  }
0x468: {  	s0 =	ssub.s32 @!p2 s0, s2  }
0x469: {  	s0 =	sadd.s32 @!p2 $0xFFFAF710, s0  }
0x46a: {  	s2 =	sshll.u32 @!p2 s0, $0x2  }
0x46b: {  	p3 =	sgt.s32 @!p2 s0, $0x1F;
	s0 =	ssub.s32 @!p2 $0x80, s2  }
0x46c: {  	p3 =	por !p3, p2;
	s0 =	sshrl.u32 @!p2 s0, $0x2  }
0x46d: {  	s2 =	simm.s32 @!p2 $0x8;
	s0 =	simm.s32 @!p3 $0x0  }
0x46e: {  	_ =	swait.ge @!p2 [sflag:s2], s0  }
0x46f: {  	s6 =	sand.u32 @!p2 $0x1, s4;
	s7 =	ssub.s32 @!p2 $0x0, s0;
	[sflag:s2] =	ssyncset.done @!p2 $0x0  }
0x470: {  	s6 =	sshll.u32 @!p2 s6, $0x5;
	[sflag:s2] =	ssyncadd.s32 @!p2 s7;
	s2 =	sshrl.u32 @!p2 s18, $0x3  }
0x471: {  	s6 =	sor.u32 @!p2 $0xCED8, s6;
	s7 =	sand.u32 @!p2 $0x7, s18;
	s2 =	sadd.s32 @!p2 s1, s2  }
0x472: {  	[tilespmem:s6], [sflag:$0x9] =	stream.linear.gather @!p2 [hbm4b:s2+s7], s0, $0x38;
	[tilespmem:$0x16F18] =	vst v63  }
0x473: {  	s0 =	ssub.s32 @!p2 $0x50910, s18  }
0x474: {  	p3 =	slt.s32 @!p2 s0, $0x1  }
0x475: {  	p3 =	por p2, p3  }
.Ltmp2:
0x476: {  	_ = 	snop;
	(pc) =	sbr.rel @p3 .LBB2_7-.Ltmp2, $1  }
0x477: {  	_ =	sdelay $0x3  }
0x478: {  	s2 =	smulhi.u32 $0xAAAAAAAB, s4;
	_ =	sdelay $0x1  }
0x479: {  	s2 =	sshrl.u32 s2, $0x1  }
0x47a: {  	s6 =	simm.s32 $0x1;
	s2 =	smul.u32 $0x3, s2  }
.Ltmp3:
0x47b: {  	s6 =	simm.s32 @!p0 $0x0;
	(pc) =	sbr.rel .LBB2_4-.Ltmp3, $4  }
0x47c: {  	s6 =	smul.u32 $0x14000, s6;
	s2 =	ssub.s32 s4, s2  }
0x47d: {  	p3 =	slt.s32 @!p2 s0, $0x20;
	s2 =	sshll.u32 s2, $0x5  }
0x47e: {  	p2 =	por !p3, p2;
	s31 =	sshrl.u32 s6, $0x2;
	s2 =	sadd.s32 $0xCE78, s2  }
0x47f: {  	s7 =	simm.s32 $0x0;
	s0 =	simm.s32 @p2 $0x20;
	s4 =	sadd.s32 $0xCF18, s31;
	v1 =	vmov s2  }
.LBB2_3:
0x480: {  	p2 =	sge.s32 s7, s0  }
.Ltmp4:
0x481: {  	_ = 	snop;
	(pc) =	sbr.rel @p2 .LBB2_7-.Ltmp4, $2  }
0x482: {  	_ =	sdelay $0x2  }
0x483: {  	s4 =	sadd.s32 $0x2800, s4  }
.LBB2_4:
0x484: {  	p2 =	sle.s32 s0, s7  }
.Ltmp5:
0x485: {  	_ = 	snop;
	(pc) =	sbr.rel @p2 .LBB2_3-.Ltmp5, $2  }
0x486: {  	_ =	sdelay $0x2  }
0x487: {  	s22 =	smov.u32 s7;
	s7 =	sadd.s32 $0x10, s7  }
0x488: {  	s2 =	ssub.s32 s0, s22  }
0x489: {  	p2 =	slt.s32 s2, $0x10  }
0x48a: {  	s2 =	simm.s32 @!p2 $0x10  }
0x48b: {  	v2 =	vmov s2  }
0x48c: {  	vm0 =	vgt.s32 v2, v0;
	_ =	sdelay $0x5  }
0x48d: {  	v2 =	vld.idx.msk [tilespmem:v1+s22+$0x0 ss:$0x1], vm0;
	_ =	sdelay $0x2  }
0x48e: {  	s23 =	smov.u32 s0;
	p2 =	slt.s32 s7, s0  }
0x48f: {  	s10 =	smov.u32 s4;
	s24 =	simm.s32 $0x0;
	s23 =	smov.u32 @p2 s7  }
.LBB2_6:
0x490: {  	(v2sf) =	vpush v2, s24;
	_ =	sdelay $0xe  }
0x491: {  	s2 =	spop (v2sf)  }
0x492: {  	s24 =	sadd.s32 $0x1, s24;
	s6 =	sshrl.u32 s2, $0x3  }
0x493: {  	s31 =	sadd.s32 s24, s22;
	s2 =	sshll.u32 s2, $0x7;
	s6 =	smul.u32 $0x1400, s6  }
0x494: {  	p2 =	slt.s32 s31, s23;
	s2 =	sand.u32 $0x380, s2  }
.Ltmp6:
0x495: {  	s2 =	sor.u32 s2, s6;
	(pc) =	sbr.rel @p2 .LBB2_6-.Ltmp6, $4  }
0x496: {  	s2 =	sshrl.u32 s2, $0x3  }
0x497: {  	s2 =	sadd.s32 s9, s2  }
0x498: {  	[tilespmem:s10], [sflag:$0x7] =	stream.strided.gather [hbm4b:s2+s15], $0x280, s16, s15, $0x38;
	[tilespmem:$0x16F18] =	vst v63  }
0x499: {  	s10 =	sadd.s32 $0x280, s10  }
.Ltmp7:
0x49a: {  	_ = 	snop;
	(pc) =	sbr.rel .LBB2_3-.Ltmp7, $1  }
0x49b: {  	_ =	sdelay $0x3  }
.LBB2_7:
0x49c: {  	p2 =	slt.u32 s20, $0x2  }
.Ltmp8:
0x49d: {  	_ = 	snop;
	(pc) =	sbr.rel @p2 .LBB2_31-.Ltmp8, $1  }
0x49e: {  	_ =	sdelay $0x3  }
0x49f: {  	s2 =	ssub.s32 $0x50910, s21;
	p2 =	sgt.s32 s21, $0x508F0;
	s0 =	smov.u32 s21  }
0x4a0: {  	s4 =	sshra.s32 s21, $0x1F;
	p3 =	slt.s32 s2, $0x20;
	s6 =	smov.u32 s2  }
0x4a1: {  	s0 =	simm.s32 @!p2 $0x508F0;
	s4 =	sand.u32 s4, s21;
	s6 =	simm.s32 @!p3 $0x20  }
0x4a2: {  	s0 =	ssub.s32 s0, s4;
	s24 =	smul.u32 $0xA00, s6  }
0x4a3: {  	s0 =	sadd.s32 $0xFFFAF710, s0  }
0x4a4: {  	s5 =	simm.s32 $0x7;
	s25 =	sshll.u32 s0, $0x2;
	s4 =	sshrl.u32 s24, $0x2  }
0x4a5: {  	p2 =	sgt.s32 s0, $0x1F;
	s26 =	ssub.s32 $0x80, s25;
	_ =	swait.ge [sflag:s5], s4  }
0x4a6: {  	s4 =	ssub.s32 $0x0, s4;
	s0 =	sshrl.u32 s26, $0x2;
	[sflag:s5] =	ssyncset.done $0x0  }
0x4a7: {  	s29 =	simm.s32 $0x9;
	s0 =	simm.s32 @p2 $0x0;
	[sflag:s5] =	ssyncadd.s32 s4  }
0x4a8: {  	_ =	swait.ge [sflag:s29], s0  }
0x4a9: {  	s0 =	ssub.s32 $0x0, s0;
	[sflag:s29] =	ssyncset.done $0x0  }
0x4aa: {  	[sflag:s29] =	ssyncadd.s32 s0  }
0x4ab: {  	v1 =	vld [tilespmem:$0x8C48];
	_ =	sdelay $0x4  }
0x4ac: {  	(v2sf) =	vpush v1, $0x0  }
0x4ad: {  	(v2sf) =	vpush v1, $0x1  }
0x4ae: {  	(v2sf) =	vpush v1, $0x2;
	_ =	sdelay $0x3  }
0x4af: {  	s0 =	sadd.s32 $0x20, s21  }
0x4b0: {  	p2 =	slt.s32 s8, s0  }
0x4b1: {  	s0 =	smov.u32 @p2 s8;
	p2 =	sgt.s32 s2, $0x0  }
0x4b2: {  	s22 =	ssub.s32 s0, s21;
	s2 =	simm.s32 @!p2 $0x0  }
0x4b3: {  	p2 =	slt.s32 s2, s22  }
0x4b4: {  	s22 =	smov.u32 @p2 s2  }
0x4b5: {  	p2 =	slt.s32 s22, $0x1  }
.Ltmp9:
0x4b6: {  	_ = 	snop;
	(pc) =	sbr.rel @p2 .LBB2_12-.Ltmp9, $4  }
0x4b7: {  	s0 =	simm.s32 $0x1  }
0x4b8: {  	s0 =	simm.s32 @!p1 $0x0;
	s4 =	spop (v2sf)  }
0x4b9: {  	s31 =	sshll.u32 s0, $0x5;
	s24 =	spop (v2sf)  }
0x4ba: {  	s28 =	sor.u32 $0xCED8, s31;
	s21 =	spop (v2sf)  }
0x4bb: {  	s2 =	smin.u32 s22, $0x10  }
0x4bc: {  	v1 =	vmov s2  }
0x4bd: {  	vm1 =	vgt.u32 v1, v0;
	_ =	sdelay $0x1  }
0x4be: {  	p3 =	sgt.s32 s22, $0x10  }
.Ltmp10:
0x4bf: {  	_ = 	snop;
	(pc) =	sbr.rel @!p3 .LBB2_11-.Ltmp10, $3  }
0x4c0: {  	_ =	sdelay $0x1  }
0x4c1: {  	v1 =	vld.msk [tilespmem:s28+$0x0 ss:$0x1], vm1  }
0x4c2: {  	s23 =	simm.s32 $0x10;
	s25 =	sadd.s32 $0xFFFFFFF0, s22;
	s7 =	smov.u32 s28;
	vm0 =	vmmov vm1  }
.LBB2_10:
0x4c3: {  	s2 =	smin.u32 s25, $0x10;
	s23 =	sadd.s32 $0x10, s23  }
0x4c4: {  	v2 =	vmov s2;
	p3 =	slt.s32 s23, s22  }
0x4c5: {  	vm1 =	vgt.u32 v2, v0  }
0x4c6: {  	v2 =	vshrl.u32 v1, $0x3  }
0x4c7: {  	v1 =	vshll.u32 v1, $0x4;
	v2 =	vmul.u32 $0x280, v2  }
0x4c8: {  	v1 =	vand.u32 $0x70, v1  }
.Ltmp11:
0x4c9: {  	v1 =	vor.u32 v1, v2;
	(pc) =	sbr.rel @p3 .LBB2_10-.Ltmp11, $3  }
0x4ca: {  	[tilespmem:s7+$0x0] =	vst.msk vm0, v1;
	s7 =	sadd.s32 $0x10, s7;
	vm0 =	vmmov vm1  }
0x4cb: {  	v1 =	vld.msk [tilespmem:s7+$0x0 ss:$0x1], vm1;
	_ =	sdelay $0x1  }
0x4cc: {  	s25 =	sadd.s32 $0xFFFFFFF0, s25  }
.LBB2_11:
0x4cd: {  	_ =	sdelay $0x2  }
0x4ce: {  	v2 =	vshrl.u32 v1, $0x3  }
0x4cf: {  	v1 =	vshll.u32 v1, $0x4;
	v2 =	vmul.u32 $0x280, v2  }
0x4d0: {  	v1 =	vand.u32 $0x70, v1  }
0x4d1: {  	v1 =	vor.u32 v1, v2  }
0x4d2: {  	[tilespmem:s7+$0x0] =	vst.msk vm0, v1  }
.LBB2_12:
0x4d3: {  	s29 =	sand.u32 $0x1, s20  }
0x4d4: {  	p3 =	sne.s32 s24, $0xFFFFFFFF;
	s7 =	sshll.u32 s29, $0x5  }
0x4d5: {  	v1 =	vld.msk @!p3 [tilespmem:s7+$0xCED8], $0x1;
	_ =	sdelay $0x4  }
0x4d6: {  	(v2sf) =	vpush @!p3 v1, $0x0;
	_ =	sdelay $0xc  }
.Ltmp12:
0x4d7: {  	_ = 	snop;
	(pc) =	sbr.rel @p2 .LBB2_29-.Ltmp12, $4  }
0x4d8: {  	_ = 	snop  }
0x4d9: {  	s26 =	spop @!p3 (v2sf)  }
0x4da: {  	s21 =	simm.s32 @!p3 $0x0;
	s23 =	smov.u32 s26  }
0x4db: {  	[sflag:s30] =	ssyncpa.u1 $0x0;
	s26 =	smov.u32 @p3 s4;
	s23 =	smov.u32 @p3 s24  }
0x4dc: {  	v1 =	vld.msk [tilespmem:s28+$0x0], $0x1;
	_ =	sdelay $0x4  }
0x4dd: {  	(v2sf) =	vpush v1, $0x0;
	_ =	sdelay $0xe  }
0x4de: {  	s0 =	smul.u32 $0x14000, s0;
	s31 =	spop (v2sf)  }
0x4df: {  	s24 =	simm.s32 $0x0;
	p2 =	seq.s32 s26, s31  }
0x4e0: {  	s0 =	sshrl.u32 s0, $0x2;
	p3 =	sgt.s32 @!p2 s26, $0x0;
	s2 =	smul.u32 @!p2 $0x840, s24  }
0x4e1: {  	s25 =	sadd.s32 $0xCF18, s0;
	s0 =	smov.u32 s26;
	p3 =	por !p3, p2  }
0x4e2: {  	s1 =	smov.u32 s14;
	s0 =	simm.s32 @p3 $0x0;
	s2 =	sshra.s32 @!p2 s2, $0x2  }
0x4e3: {  	s30 =	sadd.s32 $0xCED8, s7;
	s10 =	smin.u32 @!p2 s0, $0xC32FF;
	s0 =	sadd.s32 @!p2 $0x4838, s2  }
0x4e4: {  	s4 =	sand.u32 @!p2 $0xFFFF8, s10;
	s11 =	sadd.s32 @!p2 $0x80, s10;
	s14 =	sadd.s32 @!p2 $0x100, s10  }
0x4e5: {  	s5 =	sadd.s32 @!p2 s3, s4;
	s4 =	sand.u32 @!p2 $0x7, s10;
	s11 =	sand.u32 @!p2 $0x1FFFF8, s11  }
0x4e6: {  	[tilespmem:s0], [sflag:$0x2] =	stream.linear.gather @!p2 [hbm4b:s5+s4], $0x80, $0x38;
	[tilespmem:$0x16F18] =	vst v63  }
0x4e7: {  	s7 =	sadd.s32 @!p2 $0x48B8, s2;
	s0 =	sadd.s32 @!p2 s3, s11;
	s5 =	sand.u32 @!p2 $0x1FFFF8, s14  }
0x4e8: {  	[tilespmem:s7], [sflag:$0x2] =	stream.linear.gather @!p2 [hbm4b:s0+s4], $0x80, $0x38;
	[tilespmem:$0x16F18] =	vst v63  }
0x4e9: {  	s6 =	ssub.s32 $0x0, s22;
	s0 =	sadd.s32 @!p2 s3, s5;
	s5 =	sadd.s32 @!p2 $0x4938, s2  }
0x4ea: {  	[tilespmem:s5], [sflag:$0x2] =	stream.linear.gather @!p2 [hbm4b:s0+s4], $0x80, $0x38;
	[tilespmem:$0x16F18] =	vst v63  }
0x4eb: {  	s0 =	sadd.s32 $0x1, s6  }
0x4ec: {  	s11 =	sadd.s32 @!p2 $0x180, s10;
	p3 =	seq.s32 s0, $0x0  }
.Ltmp13:
0x4ed: {  	s7 =	sand.u32 @!p2 $0x1FFFF8, s11;
	(pc) =	sbr.rel @p3 .LBB2_15-.Ltmp13, $4  }
0x4ee: {  	s12 =	smov.u32 s8;
	s5 =	sadd.s32 @!p2 s3, s7;
	s6 =	sadd.s32 @!p2 $0x49B8, s2  }
0x4ef: {  	[tilespmem:s6], [sflag:$0x2] =	stream.linear.gather @!p2 [hbm4b:s5+s4], $0x80, $0x38;
	[tilespmem:$0x16F18] =	vst v63  }
0x4f0: {  	s8 =	smov.u32 s17;
	s7 =	simm.s32 @!p2 $0x1;
	s5 =	sadd.s32 @!p2 $0x200, s10  }
0x4f1: {  	s7 =	smov.u32 @p2 s24;
	s10 =	sadd.s32 @!p2 $0x4A38, s2;
	s6 =	sand.u32 @!p2 $0x1FFFF8, s5  }
.LBB2_14:
0x4f2: {  	s2 =	smov.u32 s7  }
0x4f3: {  	s0 =	sadd.s32 $0x1, s0;
	s5 =	sadd.s32 @!p2 s3, s6;
	s28 =	sadd.s32 $0x1, s28  }
0x4f4: {  	[tilespmem:s10], [sflag:$0x2] =	stream.linear.gather @!p2 [hbm4b:s5+s4], $0x8, $0x38;
	[tilespmem:$0x16F18] =	vst v63  }
0x4f5: {  	p3 =	seq.s32 s0, $0x0;
	s4 =	smov.u32 s31;
	v1 =	vld.msk [tilespmem:s28+$0x0], $0x1;
	_ =	sdelay $0x4  }
0x4f6: {  	(v2sf) =	vpush v1, $0x0;
	_ =	sdelay $0xe  }
0x4f7: {  	s31 =	spop (v2sf)  }
0x4f8: {  	p2 =	seq.s32 s4, s31  }
0x4f9: {  	p4 =	sgt.s32 @!p2 s4, $0x0;
	s5 =	smul.u32 @!p2 $0x840, s7;
	s7 =	sadd.s32 @!p2 $0x1, s7  }
0x4fa: {  	p4 =	por !p4, p2;
	s7 =	smov.u32 @p2 s2  }
0x4fb: {  	s4 =	simm.s32 @p4 $0x0;
	s2 =	sshra.s32 @!p2 s5, $0x2  }
0x4fc: {  	s5 =	smin.u32 @!p2 s4, $0xC32FF;
	s6 =	sadd.s32 @!p2 $0x4838, s2;
	s10 =	sadd.s32 @!p2 $0x48B8, s2  }
0x4fd: {  	s4 =	sand.u32 @!p2 $0xFFFF8, s5;
	s11 =	sadd.s32 @!p2 $0x80, s5;
	s14 =	sadd.s32 @!p2 $0x100, s5  }
0x4fe: {  	s17 =	sadd.s32 @!p2 s3, s4;
	s4 =	sand.u32 @!p2 $0x7, s5;
	s11 =	sand.u32 @!p2 $0x1FFFF8, s11  }
0x4ff: {  	[tilespmem:s6], [sflag:$0x2] =	stream.linear.gather @!p2 [hbm4b:s17+s4], $0x80, $0x38;
	[tilespmem:$0x16F18] =	vst v63  }
0x500: {  	s6 =	sadd.s32 @!p2 s3, s11;
	s11 =	sand.u32 @!p2 $0x1FFFF8, s14;
	s14 =	sadd.s32 @!p2 $0x180, s5  }
0x501: {  	[tilespmem:s10], [sflag:$0x2] =	stream.linear.gather @!p2 [hbm4b:s6+s4], $0x80, $0x38;
	[tilespmem:$0x16F18] =	vst v63  }
0x502: {  	s6 =	sadd.s32 @!p2 s3, s11  }
.Ltmp14:
0x503: {  	s10 =	sadd.s32 @!p2 $0x4938, s2;
	s11 =	sand.u32 @!p2 $0x1FFFF8, s14;
	(pc) =	sbr.rel @!p3 .LBB2_14-.Ltmp14, $4  }
0x504: {  	[tilespmem:s10], [sflag:$0x2] =	stream.linear.gather @!p2 [hbm4b:s6+s4], $0x80, $0x38;
	[tilespmem:$0x16F18] =	vst v63  }
0x505: {  	s5 =	sadd.s32 @!p2 $0x200, s5;
	s6 =	sadd.s32 @!p2 s3, s11;
	s10 =	sadd.s32 @!p2 $0x49B8, s2  }
0x506: {  	[tilespmem:s10], [sflag:$0x2] =	stream.linear.gather @!p2 [hbm4b:s6+s4], $0x80, $0x38;
	[tilespmem:$0x16F18] =	vst v63  }
0x507: {  	s6 =	sand.u32 @!p2 $0x1FFFF8, s5;
	s10 =	sadd.s32 @!p2 $0x4A38, s2  }
.LBB2_15:
0x508: {  	s2 =	smul.u32 $0x820, s7  }
0x509: {  	s0 =	sadd.s32 @!p2 s3, s6;
	s14 =	simm.s32 $0x2;
	s17 =	smul.u32 $0x14000, s29  }
0x50a: {  	[tilespmem:s10], [sflag:$0x2] =	stream.linear.gather @!p2 [hbm4b:s0+s4], $0x8, $0x38;
	[tilespmem:$0x16F18] =	vst v63  }
.Ltmp15:
0x50b: {  	v1 =	vmov s30;
	s30 =	simm.s32 $0x0;
	s31 =	simm.s32 $0x0;
	(pc) =	sbr.rel .LBB2_16-.Ltmp15, $4  }
0x50c: {  	s11 =	sshrl.u32 s2, $0x2;
	s28 =	sshrl.u32 s17, $0x2;
	s17 =	smov.u32 s8  }
0x50d: {  	s8 =	smov.u32 s12;
	_ =	swait.ge [sflag:s14], s11;
	s0 =	ssub.s32 $0x0, s11  }
0x50e: {  	s29 =	sadd.s32 $0xCF18, s28;
	[sflag:s14] =	ssyncset.done $0x0;
	s12 =	rddreg [dreg:$0x3]  }
0x50f: {  	[sflag:s14] =	ssyncadd.s32 s0;
	s14 =	smov.u32 s1;
	s1 =	simm.s32 $0x1  }
.LBB2_26:
0x510: {  	[tilespmem:s7+$0x0] =	vst v2  }
0x511: {  	v2 =	vld.msk [tilespmem:s4+$0x200], $0xff;
	_ =	sdelay $0x4  }
0x512: {  	s24 =	sadd.s32 $0x1, s24;
	[tilespmem:s0+$0x628] =	vst.msk $0xff, v2  }
.LBB2_27:
0x513: {  	s31 =	sadd.s32 $0x1, s31  }
0x514: {  	p2 =	sne.s32 s31, s22  }
.Ltmp16:
0x515: {  	_ = 	snop;
	(pc) =	sbr.rel @!p2 .LBB2_28-.Ltmp16, $2  }
0x516: {  	_ =	sdelay $0x2  }
0x517: {  	s25 =	sadd.s32 $0x280, s25;
	s26 =	smov.u32 s28  }
.LBB2_16:
0x518: {  	_ =	sdelay $0x3  }
0x519: {  	v2 =	vld.idx.msk [tilespmem:v1+s31+$0x0 ss:$0x1], $0x1;
	_ =	sdelay $0x4  }
0x51a: {  	(v2sf) =	vpush v2, $0x0;
	_ =	sdelay $0xe  }
0x51b: {  	s28 =	spop (v2sf)  }
0x51c: {  	p2 =	sne.s32 s26, s28  }
.Ltmp17:
0x51d: {  	_ = 	snop;
	(pc) =	sbr.rel @p2 .LBB2_20-.Ltmp17, $3  }
0x51e: {  	s0 =	smul.u32 $0xA00, s31  }
0x51f: {  	s2 =	smul.u32 $0x840, s21;
	_ =	sdelay $0x1  }
0x520: {  	s4 =	sshra.s32 s0, $0x2;
	s0 =	sshra.s32 s2, $0x2  }
0x521: {  	s4 =	sadd.s32 s4, s29  }
0x522: {  	s7 =	sadd.s32 $0x428, s0;
	s10 =	simm.s32 $0x0;
	v2 =	vld [tilespmem:s25+$0x0];
	s2 =	smov.u32 s25  }
.LBB2_18:
0x523: {  	s10 =	sadd.s32 $0x10, s10  }
0x524: {  	p2 =	slt.u32 s10, $0x1F0  }
.Ltmp18:
0x525: {  	_ = 	snop;
	(pc) =	sbr.rel @p2 .LBB2_18-.Ltmp18, $3  }
0x526: {  	_ =	sdelay $0x1  }
0x527: {  	s2 =	sadd.s32 $0x10, s2;
	[tilespmem:s7+$0x0] =	vst.add.f32.msk $0xffff, v2;
	s7 =	sadd.s32 $0x10, s7  }
0x528: {  	v2 =	vld [tilespmem:s2+$0x0]  }
0x529: {  	_ =	sdelay $0x3  }
0x52a: {  	[tilespmem:s7+$0x0] =	vst.add.f32.msk $0xffff, v2  }
0x52b: {  	v2 =	vld.msk [tilespmem:s4+$0x200], $0xff  }
.Ltmp19:
0x52c: {  	_ = 	snop;
	(pc) =	sbr.rel .LBB2_27-.Ltmp19, $2  }
0x52d: {  	_ =	sdelay $0x2  }
0x52e: {  	[tilespmem:s0+$0x628] =	vst.add.f32.msk $0xff, v2  }
.LBB2_20:
0x52f: {  	p2 =	seq.s32 s26, s23  }
.Ltmp20:
0x530: {  	_ = 	snop;
	(pc) =	sbr.rel @!p2 .LBB2_21-.Ltmp20, $1  }
0x531: {  	_ =	sdelay $0x3  }
.Ltmp21:
0x532: {  	s0 =	sadd.s32 $0x428, s0;
	(pc) =	sbr.rel .LBB2_24-.Ltmp21, $4  }
0x533: {  	[spmem:s13] =	stream.linear.scatter [tilespmem:s0], [sflag:$0x1], $0x208, $0x38;
	[tilespmem:$0x16F18] =	vst v63  }
0x534: {  	_ =	swait.ge [sflag:s1], $0x208  }
0x535: {  	[sflag:s1] =	ssyncset.done $0x0  }
0x536: {  	[sflag:s1] =	ssyncadd.s32 $0xFFFFFDF8  }
.LBB2_21:
0x537: {  	s2 =	smul.u32 $0x840, s24;
	_ =	sdelay $0x1  }
0x538: {  	s10 =	sshra.s32 s2, $0x2  }
0x539: {  	s2 =	sadd.s32 $0x428, s0;
	s11 =	sadd.s32 $0x4838, s10  }
0x53a: {  	s6 =	simm.s32 $0x0;
	s7 =	smov.u32 s2;
	v2 =	vld [tilespmem:s11+$0x0]  }
.LBB2_22:
0x53b: {  	s6 =	sadd.s32 $0x10, s6  }
0x53c: {  	p2 =	slt.u32 s6, $0x1F0  }
.Ltmp22:
0x53d: {  	_ = 	snop;
	(pc) =	sbr.rel @p2 .LBB2_22-.Ltmp22, $3  }
0x53e: {  	_ =	sdelay $0x1  }
0x53f: {  	s11 =	sadd.s32 $0x10, s11;
	[tilespmem:s7+$0x0] =	vst.add.f32.msk $0xffff, v2;
	s7 =	sadd.s32 $0x10, s7  }
0x540: {  	v2 =	vld [tilespmem:s11+$0x0]  }
0x541: {  	_ =	sdelay $0x3  }
0x542: {  	[tilespmem:s7+$0x0] =	vst.add.f32.msk $0xffff, v2  }
0x543: {  	v2 =	vld.msk [tilespmem:s10+$0x4A38], $0xff;
	_ =	sdelay $0x2  }
0x544: {  	p2 =	sgt.u32 s26, $0xC32FF  }
0x545: {  	s5 =	sand.u32 @!p2 $0xFFFF8, s26  }
0x546: {  	s6 =	sand.u32 @!p2 $0x7, s26;
	s5 =	sadd.s32 @!p2 s3, s5;
	[tilespmem:s0+$0x628] =	vst.add.f32.msk $0xff, v2  }
0x547: {  	[hbm4b:s5+s6] =	stream.linear.scatter @!p2 [tilespmem:s2], [sflag:$0xA], $0x80, $0x38;
	[tilespmem:$0x16F18] =	vst v63  }
0x548: {  	s2 =	sadd.s32 @!p2 $0x80, s26  }
0x549: {  	s2 =	sand.u32 @!p2 $0x1FFFF8, s2  }
0x54a: {  	s5 =	sadd.s32 @!p2 $0x4A8, s0;
	s2 =	sadd.s32 @!p2 s3, s2  }
0x54b: {  	[hbm4b:s2+s6] =	stream.linear.scatter @!p2 [tilespmem:s5], [sflag:$0xA], $0x80, $0x38;
	[tilespmem:$0x16F18] =	vst v63  }
0x54c: {  	s2 =	sadd.s32 @!p2 $0x100, s26  }
0x54d: {  	s2 =	sand.u32 @!p2 $0x1FFFF8, s2  }
0x54e: {  	s5 =	sadd.s32 @!p2 $0x528, s0;
	s2 =	sadd.s32 @!p2 s3, s2  }
0x54f: {  	[hbm4b:s2+s6] =	stream.linear.scatter @!p2 [tilespmem:s5], [sflag:$0xA], $0x80, $0x38;
	[tilespmem:$0x16F18] =	vst v63  }
0x550: {  	s2 =	sadd.s32 @!p2 $0x180, s26  }
0x551: {  	s2 =	sand.u32 @!p2 $0x1FFFF8, s2  }
0x552: {  	s5 =	sadd.s32 @!p2 $0x5A8, s0;
	s2 =	sadd.s32 @!p2 s3, s2  }
0x553: {  	[hbm4b:s2+s6] =	stream.linear.scatter @!p2 [tilespmem:s5], [sflag:$0xA], $0x80, $0x38;
	[tilespmem:$0x16F18] =	vst v63  }
0x554: {  	s2 =	sadd.s32 @!p2 $0x200, s26;
	s5 =	simm.s32 $0x0  }
0x555: {  	s2 =	sand.u32 @!p2 $0x1FFFF8, s2;
	s5 =	simm.s32 @!p2 $0x820  }
0x556: {  	s0 =	sadd.s32 $0x628, s0;
	s2 =	sadd.s32 @!p2 s3, s2;
	s30 =	sadd.s32 s5, s30  }
0x557: {  	[hbm4b:s2+s6] =	stream.linear.scatter @!p2 [tilespmem:s0], [sflag:$0xA], $0x8, $0x38;
	[tilespmem:$0x16F18] =	vst v63  }
.LBB2_24:
0x558: {  	s0 =	sadd.s32 $0x1, s21  }
0x559: {  	s21 =	sand.u32 $0x1F, s0  }
0x55a: {  	s0 =	smul.u32 $0x840, s21;
	_ =	sdelay $0x1  }
0x55b: {  	s4 =	sadd.s32 s4, s29;
	s0 =	sshrl.u32 s0, $0x2  }
0x55c: {  	s6 =	simm.s32 $0x0;
	v2 =	vld [tilespmem:s25+$0x0];
	s2 =	smov.u32 s25;
	s7 =	sadd.s32 $0x428, s0  }
.LBB2_25:
0x55d: {  	s6 =	sadd.s32 $0x10, s6  }
0x55e: {  	p2 =	slt.u32 s6, $0x1F0  }
.Ltmp23:
0x55f: {  	_ = 	snop;
	(pc) =	sbr.rel @p2 .LBB2_25-.Ltmp23, $3  }
0x560: {  	_ =	sdelay $0x1  }
0x561: {  	[tilespmem:s7+$0x0] =	vst v2;
	s7 =	sadd.s32 $0x10, s7;
	s2 =	sadd.s32 $0x10, s2  }
0x562: {  	v2 =	vld [tilespmem:s2+$0x0]  }
.Ltmp24:
0x563: {  	_ = 	snop;
	(pc) =	sbr.rel .LBB2_26-.Ltmp24, $1  }
0x564: {  	_ =	sdelay $0x3  }
.LBB2_29:
.Ltmp25:
0x565: {  	(pc) =	sbr.rel .LBB2_30-.Ltmp25, $4  }
0x566: {  	_ = 	snop  }
0x567: {  	s0 =	simm.s32 $0x2  }
0x568: {  	_ =	swait.ge [sflag:s0], $0x0  }
0x569: {  	s28 =	smov.u32 s26;
	[sflag:s0] =	ssyncset.done $0x0;
	s0 =	simm.s32 $0x0  }
.LBB2_32:
0x56a: {  	_ =	sfence.sel $0x180000  }
0x56b: {  	s0 =	simm.s32 $0x7;
	[bflag:$0x0] =	sbarrier.arrive $0xFFFF  }
0x56c: {  	s25 =	simm.s32 $0x8;
	[sflag:s0] =	ssyncpa.u1 $0x1  }
0x56d: {  	s26 =	simm.s32 $0x9;
	[sflag:s25] =	ssyncpa.u1 $0x1  }
0x56e: {  	s28 =	simm.s32 $0x2;
	[sflag:s26] =	ssyncpa.u1 $0x1  }
0x56f: {  	[sflag:s28] =	ssyncpa.u1 $0x1  }
0x570: {  	v0 =	vld [tilespmem:$0x8C48];
	_ =	sdelay $0x4  }
0x571: {  	(v2sf) =	vpush v0, $0x0  }
0x572: {  	(v2sf) =	vpush v0, $0x1  }
0x573: {  	(v2sf) =	vpush v0, $0x2;
	_ =	sdelay $0xc  }
0x574: {  	s0 =	spop (v2sf)  }
0x575: {  	s1 =	spop (v2sf)  }
0x576: {  	s2 =	smov.u32 s0;
	p0 =	sne.s32 s0, s1;
	s4 =	spop (v2sf)  }
0x577: {  	s2 =	simm.s32 @!p0 $0xFFFFFFFF;
	p0 =	seq.s32 s4, $0xFFFFFFFF  }
0x578: {  	v2 =	vimm.s32 $0x1;
	v3 =	vlaneseq.u32;
	v1 =	vmov s2;
	p1 =	sne.s32 @!p0 s0, s1  }
0x579: {  	s7 =	stileid.u32;
	v0 =	vperm.xlane v0, v2;
	s0 =	simm.s32 @!p0 $0x1;
	v1 =	vperm.xlane v1, v3;
	p1 =	por !p1, p0  }
0x57a: {  	vm0 =	vcmask $0x3F04;
	s2 =	sshll.u32 s7, $0x1;
	s1 =	smul.u32 @!p0 $0x840, s4;
	s0 =	simm.s32 @p1 $0x0  }
0x57b: {  	s6 =	simm.s32 $0x8C48;
	v0 =	vsel vm0, v1, v0;
	s0 =	sor.u32 @!p0 s0, s2  }
0x57c: {  	s5 =	sor.u32 $0x4200, s2;
	s1 =	sshra.s32 @!p0 s1, $0x2;
	[tilespmem:$0x8C48] =	vst v0;
	s0 =	smul.u32 @!p0 $0x840, s0  }
0x57d: {  	[spmem:s5] =	stream.linear.scatter [tilespmem:s6], [sflag:$0x1], $0x2, $0x38;
	[tilespmem:$0x16F18] =	vst v63  }
0x57e: {  	s1 =	sadd.s32 @!p0 $0x428, s1;
	s0 =	sshrl.u32 @!p0 s0, $0x2  }
0x57f: {  	[spmem:s0] =	stream.linear.scatter @!p0 [tilespmem:s1], [sflag:$0x1], $0x210, $0x38;
	[tilespmem:$0x16F18] =	vst v63  }
0x580: {  	s1 =	simm.s32 @!p0 $0x212  }
0x581: {  	s0 =	simm.s32 $0x1;
	s1 =	simm.s32 @p0 $0x2  }
0x582: {  	_ =	swait.ge [sflag:s0], s1  }
0x583: {  	s1 =	ssub.s32 $0x0, s1;
	[sflag:s0] =	ssyncset.done $0x0  }
0x584: {  	[sflag:s0] =	ssyncadd.s32 s1  }
0x585: {  	_ =	sfence.stream.spmem  }
0x586: {  	s29 =	simm.s32 $0x3;
	[bflag:$0x0] =	sbarrier.arrive $0xFFFF  }
0x587: {  	s30 =	simm.s32 $0x4;
	[sflag:s29] =	ssyncpa.u1 $0x1  }
0x588: {  	s31 =	simm.s32 $0x3C;
	[sflag:s30] =	ssyncpa.u1 $0x1  }
0x589: {  	p0 =	sne.s32 s7, $0x0;
	[sflag:s31] =	ssyncpa.u1 $0x1  }
0x58a: {  	_ =	sfence @p0  }
0x58b: {  	[sflag:s0] =	ssyncpa.u1 @p0 $0x1  }
0x58c: {  	_ =	strace @p0 $0x90000050  }
0x58d: {  	[bflag:$0x2] =	sbarrier.arrive @p0 $0xFFFF  }
0x58e: {  	_ =	shalt @p0  }
.LBB2_33:
0x58f: {  	_ =	sfence.stream.spmem;
	s0 =	simm.s32 $0x5  }
0x590: {  	s1 =	simm.s32 $0x4200;
	s2 =	simm.s32 $0x8C58;
	[sflag:s0] =	ssyncpa.u1 $0x0  }
0x591: {  	[tilespmem:s2], [sflag:$0x5] =	stream.linear.gather [spmem:s1], $0x20, $0x38;
	[tilespmem:$0x16F18] =	vst v63  }
0x592: {  	s1 =	simm.s32 $0x0;
	s2 =	simm.s32 $0x8C78  }
0x593: {  	[tilespmem:s2], [sflag:$0x5] =	stream.linear.gather [spmem:s1], $0x4200, $0x38;
	[tilespmem:$0x16F18] =	vst v63  }
.Ltmp26:
0x594: {  	_ = 	snop;
	(pc) =	sbr.rel .LBB2_34-.Ltmp26, $4  }
0x595: {  	_ =	swait.ge [sflag:s0], $0x4220  }
0x596: {  	s4 =	simm.s32 $0x6;
	s5 =	simm.s32 $0x8AB8;
	[sflag:s0] =	ssyncset.done $0x0  }
0x597: {  	s6 =	simm.s32 $0x8B38;
	s7 =	simm.s32 $0x8BB8;
	[sflag:s0] =	ssyncadd.s32 $0xFFFFBDE0  }
0x598: {  	s8 =	simm.s32 $0x8C38;
	s9 =	simm.s32 $0x0;
	[sflag:s4] =	ssyncpa.u1 $0x0  }
.LBB2_49:
0x599: {  	s9 =	sadd.s32 $0x1, s9  }
0x59a: {  	p0 =	sne.s32 s9, $0x20  }
.Ltmp27:
0x59b: {  	_ = 	snop;
	(pc) =	sbr.rel @!p0 .LBB2_50-.Ltmp27, $2  }
0x59c: {  	_ =	sdelay $0x2  }
0x59d: {  	s2 =	sadd.s32 $0x210, s2  }
.LBB2_34:
0x59e: {  	v0 =	vld.msk [tilespmem:s9+$0x8C58], $0x1;
	_ =	sdelay $0x4  }
0x59f: {  	(v2sf) =	vpush v0, $0x0;
	_ =	sdelay $0xe  }
0x5a0: {  	s0 =	spop (v2sf)  }
0x5a1: {  	p0 =	seq.s32 s0, $0xFFFFFFFF  }
.Ltmp28:
0x5a2: {  	_ = 	snop;
	(pc) =	sbr.rel @p0 .LBB2_49-.Ltmp28, $1  }
0x5a3: {  	_ =	sdelay $0x3  }
0x5a4: {  	p0 =	slt.s32 s1, $0x1  }
.Ltmp29:
0x5a5: {  	_ = 	snop;
	(pc) =	sbr.rel @p0 .LBB2_42-.Ltmp29, $1  }
0x5a6: {  	_ =	sdelay $0x3  }
0x5a7: {  	s10 =	simm.s32 $0x8C58;
	p0 =	por $0x0, $0x0  }
0x5a8: {  	v1 =	vld.msk @!p0 [tilespmem:s10+$0x0], $0x1;
	_ =	sdelay $0x4  }
0x5a9: {  	(v2sf) =	vpush @!p0 v1, $0x0;
	_ =	sdelay $0xd  }
0x5aa: {  	p2 =	sne.s32 s1, $0x1  }
.Ltmp30:
0x5ab: {  	s11 =	spop @!p0 (v2sf);
	(pc) =	sbr.rel @!p2 .LBB2_38-.Ltmp30, $4  }
0x5ac: {  	p1 =	seq.s32 @!p0 s0, s11  }
0x5ad: {  	s11 =	simm.s32 $0x0;
	p1 =	por !p1, p0  }
0x5ae: {  	s13 =	simm.s32 $0xFFFFFFFF;
	s11 =	simm.s32 @p1 $0xFFFFFFFF  }
0x5af: {  	s12 =	simm.s32 $0x1;
	s11 =	smov.u32 @p0 s13  }
.LBB2_37:
0x5b0: {  	s13 =	smov.u32 s11;
	p0 =	sne.s32 s11, $0xFFFFFFFF  }
0x5b1: {  	s10 =	sadd.s32 $0x1, s10;
	s11 =	smov.u32 s12;
	s12 =	sadd.s32 $0x1, s12  }
0x5b2: {  	p1 =	sne.s32 s1, s12;
	v1 =	vld.msk @!p0 [tilespmem:s10+$0x0], $0x1;
	_ =	sdelay $0x4  }
0x5b3: {  	(v2sf) =	vpush @!p0 v1, $0x0;
	_ =	sdelay $0xe  }
.Ltmp31:
0x5b4: {  	s14 =	spop @!p0 (v2sf);
	(pc) =	sbr.rel @p1 .LBB2_37-.Ltmp31, $4  }
0x5b5: {  	p2 =	seq.s32 @!p0 s0, s14  }
0x5b6: {  	p2 =	por !p2, p0  }
0x5b7: {  	s11 =	simm.s32 @p2 $0xFFFFFFFF  }
0x5b8: {  	s11 =	smov.u32 @p0 s13  }
.LBB2_38:
0x5b9: {  	p0 =	seq.s32 s11, $0xFFFFFFFF  }
.Ltmp32:
0x5ba: {  	_ = 	snop;
	(pc) =	sbr.rel @p0 .LBB2_42-.Ltmp32, $1  }
0x5bb: {  	_ =	sdelay $0x3  }
0x5bc: {  	s0 =	smul.u32 $0x840, s11;
	_ =	sdelay $0x1  }
0x5bd: {  	s0 =	sshra.s32 s0, $0x2  }
0x5be: {  	s10 =	simm.s32 $0x0;
	v0 =	vld [tilespmem:s2+$0x0];
	s11 =	smov.u32 s2;
	s0 =	sadd.s32 $0x8C78, s0  }
.LBB2_40:
0x5bf: {  	s10 =	sadd.s32 $0x10, s10  }
0x5c0: {  	p0 =	slt.u32 s10, $0x200  }
.Ltmp33:
0x5c1: {  	_ = 	snop;
	(pc) =	sbr.rel @p0 .LBB2_40-.Ltmp33, $3  }
0x5c2: {  	_ =	sdelay $0x1  }
0x5c3: {  	s11 =	sadd.s32 $0x10, s11;
	[tilespmem:s0+$0x0] =	vst.add.f32.msk $0xffff, v0;
	s0 =	sadd.s32 $0x10, s0  }
0x5c4: {  	v0 =	vld [tilespmem:s11+$0x0]  }
.Ltmp34:
0x5c5: {  	_ = 	snop;
	(pc) =	sbr.rel .LBB2_49-.Ltmp34, $2  }
0x5c6: {  	_ =	sdelay $0x2  }
0x5c7: {  	[tilespmem:s0+$0x0] =	vst.add.f32.msk $0xffff, v0  }
.LBB2_42:
0x5c8: {  	p0 =	sgt.u32 s0, $0xC32FF  }
.Ltmp35:
0x5c9: {  	_ = 	snop;
	(pc) =	sbr.rel @p0 .LBB2_46-.Ltmp35, $1  }
0x5ca: {  	_ =	sdelay $0x3  }
0x5cb: {  	s10 =	sand.u32 $0xFFFF8, s0;
	s12 =	sand.u32 $0x7, s0  }
0x5cc: {  	s28 =	sadd.s32 $0x80, s0;
	s11 =	sadd.s32 s3, s10;
	s10 =	simm.s32 $0x8A38  }
0x5cd: {  	[tilespmem:s10], [sflag:$0x6] =	stream.linear.gather [hbm4b:s11+s12], $0x80, $0x38;
	[tilespmem:$0x16F18] =	vst v63  }
0x5ce: {  	s11 =	sand.u32 $0x1FFFF8, s28  }
0x5cf: {  	s29 =	sadd.s32 $0x100, s0;
	s11 =	sadd.s32 s3, s11  }
0x5d0: {  	[tilespmem:s5], [sflag:$0x6] =	stream.linear.gather [hbm4b:s11+s12], $0x80, $0x38;
	[tilespmem:$0x16F18] =	vst v63  }
0x5d1: {  	s11 =	sand.u32 $0x1FFFF8, s29  }
0x5d2: {  	s30 =	sadd.s32 $0x180, s0;
	s11 =	sadd.s32 s3, s11  }
0x5d3: {  	[tilespmem:s6], [sflag:$0x6] =	stream.linear.gather [hbm4b:s11+s12], $0x80, $0x38;
	[tilespmem:$0x16F18] =	vst v63  }
0x5d4: {  	s31 =	sadd.s32 $0x200, s0;
	s11 =	sand.u32 $0x1FFFF8, s30  }
0x5d5: {  	s0 =	sand.u32 $0x1FFFF8, s31;
	s11 =	sadd.s32 s3, s11  }
0x5d6: {  	[tilespmem:s7], [sflag:$0x6] =	stream.linear.gather [hbm4b:s11+s12], $0x80, $0x38;
	[tilespmem:$0x16F18] =	vst v63  }
0x5d7: {  	s0 =	sadd.s32 s3, s0  }
0x5d8: {  	[tilespmem:s8], [sflag:$0x6] =	stream.linear.gather [hbm4b:s0+s12], $0x8, $0x38;
	[tilespmem:$0x16F18] =	vst v63  }
0x5d9: {  	_ =	swait.ge [sflag:s4], $0x208  }
0x5da: {  	[sflag:s4] =	ssyncset.done $0x0  }
0x5db: {  	[sflag:s4] =	ssyncadd.s32 $0xFFFFFDF8  }
0x5dc: {  	s11 =	smov.u32 s2;
	s0 =	simm.s32 $0x0;
	v1 =	vld [tilespmem:s10+$0x0]  }
.LBB2_44:
0x5dd: {  	s0 =	sadd.s32 $0x10, s0  }
0x5de: {  	p0 =	slt.u32 s0, $0x200  }
.Ltmp36:
0x5df: {  	_ = 	snop;
	(pc) =	sbr.rel @p0 .LBB2_44-.Ltmp36, $3  }
0x5e0: {  	_ =	sdelay $0x1  }
0x5e1: {  	s10 =	sadd.s32 $0x10, s10;
	[tilespmem:s11+$0x0] =	vst.add.f32.msk $0xffff, v1;
	s11 =	sadd.s32 $0x10, s11  }
0x5e2: {  	v1 =	vld [tilespmem:s10+$0x0]  }
0x5e3: {  	_ =	sdelay $0x3  }
0x5e4: {  	[tilespmem:s11+$0x0] =	vst.add.f32.msk $0xffff, v1  }
.LBB2_46:
0x5e5: {  	s0 =	smul.u32 $0x840, s1;
	_ =	sdelay $0x1  }
0x5e6: {  	[tilespmem:s1+$0x8C58] =	vst.msk $0x1, v0;
	s0 =	sshra.s32 s0, $0x2  }
0x5e7: {  	s10 =	simm.s32 $0x0;
	s11 =	smov.u32 s2;
	v0 =	vld [tilespmem:s2+$0x0];
	s0 =	sadd.s32 $0x8C78, s0  }
.LBB2_47:
0x5e8: {  	s10 =	sadd.s32 $0x10, s10  }
0x5e9: {  	p0 =	slt.u32 s10, $0x200  }
.Ltmp37:
0x5ea: {  	_ = 	snop;
	(pc) =	sbr.rel @p0 .LBB2_47-.Ltmp37, $3  }
0x5eb: {  	_ =	sdelay $0x1  }
0x5ec: {  	s11 =	sadd.s32 $0x10, s11;
	[tilespmem:s0+$0x0] =	vst v0;
	s0 =	sadd.s32 $0x10, s0  }
0x5ed: {  	v0 =	vld [tilespmem:s11+$0x0]  }
.Ltmp38:
0x5ee: {  	_ = 	snop;
	(pc) =	sbr.rel .LBB2_49-.Ltmp38, $2  }
0x5ef: {  	_ =	sdelay $0x2  }
0x5f0: {  	s1 =	sadd.s32 $0x1, s1;
	[tilespmem:s0+$0x0] =	vst v0  }
.LBB2_50:
0x5f1: {  	p0 =	slt.s32 s1, $0x1  }
.Ltmp39:
0x5f2: {  	_ = 	snop;
	(pc) =	sbr.rel @p0 .LBB2_54-.Ltmp39, $3  }
0x5f3: {  	_ =	sdelay $0x1  }
0x5f4: {  	s0 =	simm.s32 $0x6  }
0x5f5: {  	s2 =	simm.s32 $0x0;
	[sflag:s0] =	ssyncpa.u1 $0x1  }
0x5f6: {  	s0 =	simm.s32 $0x8C58  }
0x5f7: {  	v0 =	vld.msk [tilespmem:s0+$0x0], $0x1;
	_ =	sdelay $0x4  }
0x5f8: {  	(v2sf) =	vpush v0, $0x0;
	_ =	sdelay $0xe  }
0x5f9: {  	s5 =	spop (v2sf)  }
0x5fa: {  	s4 =	simm.s32 $0x8C78;
	p0 =	sgt.u32 s5, $0xC32FF  }
0x5fb: {  	s0 =	sand.u32 @!p0 $0xFFFF8, s5;
	s7 =	sadd.s32 @!p0 $0x80, s5;
	s8 =	sadd.s32 @!p0 $0x100, s5  }
0x5fc: {  	s6 =	sand.u32 @!p0 $0x7, s5;
	s0 =	sadd.s32 @!p0 s3, s0;
	s7 =	sand.u32 @!p0 $0x1FFFF8, s7  }
0x5fd: {  	[hbm4b:s0+s6] =	stream.linear.scatter @!p0 [tilespmem:s4], [sflag:$0x5], $0x80, $0x38;
	[tilespmem:$0x16F18] =	vst v63  }
0x5fe: {  	s8 =	sand.u32 @!p0 $0x1FFFF8, s8;
	s0 =	simm.s32 @!p0 $0x8CF8;
	s7 =	sadd.s32 @!p0 s3, s7  }
0x5ff: {  	[hbm4b:s7+s6] =	stream.linear.scatter @!p0 [tilespmem:s0], [sflag:$0x5], $0x80, $0x38;
	[tilespmem:$0x16F18] =	vst v63  }
0x600: {  	s0 =	simm.s32 @!p0 $0x8D78;
	s7 =	sadd.s32 @!p0 s3, s8  }
0x601: {  	[hbm4b:s7+s6] =	stream.linear.scatter @!p0 [tilespmem:s0], [sflag:$0x5], $0x80, $0x38;
	[tilespmem:$0x16F18] =	vst v63  }
0x602: {  	s0 =	sadd.s32 $0xFFFFFFFF, s1  }
0x603: {  	s8 =	sadd.s32 @!p0 $0x180, s5;
	p1 =	sne.s32 s0, $0x0  }
.Ltmp40:
0x604: {  	s8 =	sand.u32 @!p0 $0x1FFFF8, s8;
	(pc) =	sbr.rel @!p1 .LBB2_53-.Ltmp40, $4  }
0x605: {  	s7 =	simm.s32 $0x0;
	s1 =	simm.s32 @!p0 $0x8DF8;
	s8 =	sadd.s32 @!p0 s3, s8  }
0x606: {  	[hbm4b:s8+s6] =	stream.linear.scatter @!p0 [tilespmem:s1], [sflag:$0x5], $0x80, $0x38;
	[tilespmem:$0x16F18] =	vst v63  }
0x607: {  	s7 =	simm.s32 @!p0 $0x820;
	s8 =	sadd.s32 @!p0 $0x200, s5  }
0x608: {  	s1 =	simm.s32 $0x8C59;
	s5 =	simm.s32 $0x8E88;
	s8 =	sand.u32 @!p0 $0x1FFFF8, s8  }
.LBB2_52:
0x609: {  	s4 =	sadd.s32 @!p0 $0x200, s4;
	s8 =	sadd.s32 @!p0 s3, s8;
	s2 =	sadd.s32 s2, s7  }
0x60a: {  	[hbm4b:s8+s6] =	stream.linear.scatter @!p0 [tilespmem:s4], [sflag:$0x5], $0x8, $0x38;
	[tilespmem:$0x16F18] =	vst v63  }
0x60b: {  	s0 =	sadd.s32 $0xFFFFFFFF, s0;
	s4 =	smov.u32 s5;
	v0 =	vld.msk [tilespmem:s1+$0x0], $0x1  }
0x60c: {  	p1 =	sne.s32 s0, $0x0;
	_ =	sdelay $0x3  }
0x60d: {  	(v2sf) =	vpush v0, $0x0;
	_ =	sdelay $0xe  }
0x60e: {  	s7 =	spop (v2sf)  }
0x60f: {  	s5 =	sadd.s32 $0x210, s5;
	s1 =	sadd.s32 $0x1, s1;
	p0 =	sgt.u32 s7, $0xC32FF  }
0x610: {  	s6 =	sand.u32 @!p0 $0xFFFF8, s7;
	s8 =	sadd.s32 @!p0 $0x80, s7;
	s9 =	sadd.s32 @!p0 $0x100, s7  }
0x611: {  	s10 =	sadd.s32 @!p0 s3, s6;
	s6 =	sand.u32 @!p0 $0x7, s7;
	s8 =	sand.u32 @!p0 $0x1FFFF8, s8  }
0x612: {  	[hbm4b:s10+s6] =	stream.linear.scatter @!p0 [tilespmem:s4], [sflag:$0x5], $0x80, $0x38;
	[tilespmem:$0x16F18] =	vst v63  }
0x613: {  	s9 =	sand.u32 @!p0 $0x1FFFF8, s9;
	s10 =	sadd.s32 @!p0 $0x80, s4;
	s8 =	sadd.s32 @!p0 s3, s8  }
0x614: {  	[hbm4b:s8+s6] =	stream.linear.scatter @!p0 [tilespmem:s10], [sflag:$0x5], $0x80, $0x38;
	[tilespmem:$0x16F18] =	vst v63  }
0x615: {  	s9 =	sadd.s32 @!p0 s3, s9;
	s8 =	sadd.s32 @!p0 $0x100, s4;
	s10 =	sadd.s32 @!p0 $0x180, s7  }
0x616: {  	[hbm4b:s9+s6] =	stream.linear.scatter @!p0 [tilespmem:s8], [sflag:$0x5], $0x80, $0x38;
	[tilespmem:$0x16F18] =	vst v63  }
.Ltmp41:
0x617: {  	_ = 	snop;
	(pc) =	sbr.rel @p1 .LBB2_52-.Ltmp41, $4  }
0x618: {  	s9 =	sadd.s32 @!p0 $0x180, s4  }
0x619: {  	s8 =	sand.u32 @!p0 $0x1FFFF8, s10;
	s10 =	sadd.s32 @!p0 $0x200, s7;
	s7 =	simm.s32 $0x0  }
0x61a: {  	s7 =	simm.s32 @!p0 $0x820;
	s11 =	sadd.s32 @!p0 s3, s8;
	s8 =	sand.u32 @!p0 $0x1FFFF8, s10  }
0x61b: {  	[hbm4b:s11+s6] =	stream.linear.scatter @!p0 [tilespmem:s9], [sflag:$0x5], $0x80, $0x38;
	[tilespmem:$0x16F18] =	vst v63  }
.LBB2_53:
0x61c: {  	s0 =	sadd.s32 @!p0 $0x200, s4;
	s1 =	sadd.s32 @!p0 s3, s8;
	s31 =	sadd.s32 s2, s7  }
0x61d: {  	[hbm4b:s1+s6] =	stream.linear.scatter @!p0 [tilespmem:s0], [sflag:$0x5], $0x8, $0x38;
	[tilespmem:$0x16F18] =	vst v63  }
0x61e: {  	s2 =	sshrl.u32 s31, $0x2  }
.LBB2_54:
0x61f: {  	s0 =	simm.s32 $0x5  }
0x620: {  	_ =	swait.ge [sflag:s0], s2  }
0x621: {  	s1 =	ssub.s32 $0x0, s2;
	[sflag:s0] =	ssyncset.done $0x0  }
0x622: {  	[sflag:s0] =	ssyncadd.s32 s1  }
0x623: {  	[sflag:s0] =	ssyncpa.u1 $0x1  }
0x624: {  	s30 =	simm.s32 $0x1;
	_ =	sfence  }
0x625: {  	[sflag:s30] =	ssyncpa.u1 $0x1  }
0x626: {  	_ =	strace $0x90000050  }
0x627: {  	[bflag:$0x2] =	sbarrier.arrive $0xFFFF  }
0x628: {  	s31 =	rddreg [dreg:$0x1]  }
0x629: {  	s0 =	sadd.s32 $0x100000, s31  }
0x62a: {  	[sflag:s0] =	ssyncadd.tile.s32 $0x1;
	_ =	shalt  }
.Lfunc_end2:
_tile_overlayer_lowered:
.L_overlay_start_2:
0x62b: {  	(tag) =	ssettag $0x2  }
0x62c: {  	s0 =	rddreg [dreg:$0x0];
	s2 =	stileid.u32  }
0x62d: {  	s1 =	rddreg [dreg:$0x1];
	p0 =	sne.s32 s2, $0x0  }
0x62e: {  	s3 =	rddreg [dreg:$0x2];
	[bflag:$0x3] =	sbarrier.arrive $0xFFFF;
	s2 =	simm.s32 @!p0 $0x1C01  }
0x62f: {  	[timem:s3], [sflag:s2] =	dma.local @!p0 [hbm:s0], s1  }
0x630: {  	s0 =	simm.s32 @!p0 $0x1  }
0x631: {  	_ =	swait.ge @!p0 [sflag:s0], s1  }
0x632: {  	s1 =	ssub.s32 @!p0 $0x0, s1;
	[sflag:s0] =	ssyncset.done @!p0 $0x0  }
0x633: {  	[sflag:s0] =	ssyncadd.s32 @!p0 s1  }
0x634: {  	[bflag:$0x3] =	sbarrier.arrive $0xFFFF  }
0x635: {  	_ =	shalt  }

// kernel: scatter_offload_async_start.2
scs
__scs_entry_jumppad:
0x0: {  	(pc) =	sbr.rel $0x88, $3  }
0x1: {  	(tag) =	ssettag $0x0;
	lr =	simm.s32 $0x1  }
0x2: {  	[smem:$0x3F8E] =	sst lr;
	_ =	strace $0xD0000000  }
0x3: {  	_ = 	snop  }
0x4: {  	_ = 	snop  }
0x5: {  	_ = 	snop  }
0x6: {  	_ = 	snop  }
0x7: {  	_ = 	snop  }
__scs_overlays_trampoline_lowered:
0x8: {  	[smem:$0x3F9D] =	sst s0  }
0x9: {  	[smem:$0x3F9E] =	sst s1  }
0xa: {  	[smem:$0x3F9F] =	sst s2  }
0xb: {  	[smem:$0x3FA0] =	sst s3  }
0xc: {  	[smem:$0x3FA1] =	sst s4  }
0xd: {  	[smem:$0x3FA2] =	sst s5  }
0xe: {  	[smem:$0x3FA3] =	sst s6  }
0xf: {  	[smem:$0x3FA4] =	sst s7  }
0x10: {  	[smem:$0x3FA5] =	sst s8  }
0x11: {  	[smem:$0x3FA6] =	sst s9;
	s0 =	simm.s32 @!p0 $0x0  }
0x12: {  	s1 =	sld [smem:$0x3F8C];
	s0 =	simm.s32 @p0 $0x1  }
0x13: {  	[smem:$0x3FA7] =	sst s0;
	s0 =	simm.s32 @!p1 $0x0  }
0x14: {  	s2 =	sld [smem:$0x3F8B];
	s0 =	simm.s32 @p1 $0x1  }
0x15: {  	[smem:$0x3FA8] =	sst s0;
	s0 =	simm.s32 @!p2 $0x0  }
0x16: {  	s3 =	sld [smem:$0x3FDB];
	s0 =	simm.s32 @p2 $0x1  }
0x17: {  	s4 =	simm.s32 $0x1BF5;
	[smem:$0x3FAA] =	sst s0  }
0x18: {  	s0 =	sld [smem:$0x3F8D];
	_ =	swait.ge [sflag:s4], $0x0  }
0x19: {  	s7 =	sld [smem:$0x3F8E]  }
0x1a: {  	s8 =	sadd.s32 $0xFFFFE003, lr  }
0x1b: {  	s9 =	sadd.s32 $0xFFFFFEF7, lr;
	s5 =	simm.s32 $0xFFFFFFFF;
	p2 =	slt.u32 s8, $0xFFFFF086  }
0x1c: {  	p1 =	slt.u32 s9, $0xF7A;
	s5 =	simm.s32 @!p2 $0x0  }
0x1d: {  	s5 =	simm.s32 @p1 $0x1;
	p0 =	seq.s32 s7, s2  }
0x1e: {  	s7 =	smul.u32 @!p0 $0xF7A, s2;
	p2 =	seq.s32 @!p0 s5, $0x0  }
0x1f: {  	s9 =	smul.u32 $0xF7A, s1;
	s8 =	simm.s32 @!p0 $0x1BF5;
	p2 =	por !p2, p0  }
0x20: {  	[sflag:s8] =	ssyncset.s32 @!p0 $0xFFFFF086;
	s6 =	sadd.s32 @!p0 s3, s7;
	s7 =	simm.s32 @!p0 $0x108  }
0x21: {  	s3 =	sadd.s32 s3, s9;
	s6 =	sadd.s32 @!p0 $0x88, s6;
	s7 =	simm.s32 @p2 $0x1082  }
0x22: {  	[simem:s7], [sflag:s8] =	dma.local @!p0 [hbm:s6], $0xF7A  }
0x23: {  	s9 =	sor.u32 $0xD0000000, s2;
	s6 =	simm.s32 $0x108;
	_ =	swait.ge @!p0 [sflag:s8], $0x0  }
0x24: {  	s3 =	sadd.s32 $0x88, s3;
	s6 =	simm.s32 @!p1 $0x1082;
	[sflag:s4] =	ssyncset.s32 $0xFFFFF086  }
0x25: {  	[simem:s6], [sflag:s4] =	dma.local [hbm:s3], $0xF7A  }
0x26: {  	[smem:$0x3F8E] =	sst s1;
	(tag) =	ssettag s2;
	_ =	strace s9  }
0x27: {  	s1 =	sld [smem:$0x3F9E]  }
0x28: {  	s2 =	sld [smem:$0x3F9F]  }
0x29: {  	s4 =	sld [smem:$0x3FA1]  }
0x2a: {  	p0 =	seq.s32 s5, $0x0;
	s5 =	sld [smem:$0x3FA2]  }
0x2b: {  	s6 =	sld [smem:$0x3FA3]  }
0x2c: {  	s7 =	sld [smem:$0x3FA4]  }
0x2d: {  	s3 =	simm.s32 $0x108;
	s8 =	sld [smem:$0x3FA5]  }
0x2e: {  	s3 =	simm.s32 @!p0 $0x1082;
	s9 =	sld [smem:$0x3FA6]  }
0x2f: {  	lr =	sadd.s32 s0, s3;
	s0 =	sld [smem:$0x3F9D]  }
0x30: {  	s3 =	sld [smem:$0x3FA0]  }
0x31: {  	[smem:$0x3FA9] =	sst s10  }
0x32: {  	s10 =	sld [smem:$0x3FA7];
	_ =	sdelay $0x3  }
0x33: {  	p0 =	seq.s32 s10, $0x1;
	s10 =	sld [smem:$0x3FA9];
	_ =	sdelay $0x3  }
0x34: {  	[smem:$0x3FA9] =	sst s10  }
0x35: {  	s10 =	sld [smem:$0x3FA8];
	_ =	sdelay $0x3  }
0x36: {  	p1 =	seq.s32 s10, $0x1;
	s10 =	sld [smem:$0x3FA9];
	_ =	sdelay $0x3  }
0x37: {  	[smem:$0x3FA9] =	sst s10  }
0x38: {  	s10 =	sld [smem:$0x3FAA]  }
0x39: {  	_ = 	snop;
	(pc) =	sbr.ind lr, $3  }
0x3a: {  	_ = 	snop  }
0x3b: {  	_ = 	snop  }
0x3c: {  	p2 =	seq.s32 s10, $0x1;
	s10 =	sld [smem:$0x3FA9]  }
0x3d: {  	_ =	shalt  }
0x3e: {  	_ =	shalt  }
0x3f: {  	_ =	shalt  }
0x40: {  	_ =	shalt  }
0x41: {  	_ =	shalt  }
0x42: {  	_ =	shalt  }
0x43: {  	_ =	shalt  }
0x44: {  	_ =	shalt  }
0x45: {  	_ =	shalt  }
0x46: {  	_ =	shalt  }
0x47: {  	_ =	shalt  }
0x48: {  	_ =	shalt  }
0x49: {  	_ =	shalt  }
0x4a: {  	_ =	shalt  }
0x4b: {  	_ =	shalt  }
0x4c: {  	_ =	shalt  }
0x4d: {  	_ =	shalt  }
0x4e: {  	_ =	shalt  }
0x4f: {  	_ =	shalt  }
0x50: {  	_ =	shalt  }
0x51: {  	_ =	shalt  }
0x52: {  	_ =	shalt  }
0x53: {  	_ =	shalt  }
0x54: {  	_ =	shalt  }
0x55: {  	_ =	shalt  }
0x56: {  	_ =	shalt  }
0x57: {  	_ =	shalt  }
0x58: {  	_ =	shalt  }
0x59: {  	_ =	shalt  }
0x5a: {  	_ =	shalt  }
0x5b: {  	_ =	shalt  }
0x5c: {  	_ =	shalt  }
0x5d: {  	_ =	shalt  }
0x5e: {  	_ =	shalt  }
0x5f: {  	_ =	shalt  }
0x60: {  	_ =	shalt  }
0x61: {  	_ =	shalt  }
0x62: {  	_ =	shalt  }
0x63: {  	_ =	shalt  }
0x64: {  	_ =	shalt  }
0x65: {  	_ =	shalt  }
0x66: {  	_ =	shalt  }
0x67: {  	_ =	shalt  }
0x68: {  	_ =	shalt  }
0x69: {  	_ =	shalt  }
0x6a: {  	_ =	shalt  }
0x6b: {  	_ =	shalt  }
0x6c: {  	_ =	shalt  }
0x6d: {  	_ =	shalt  }
0x6e: {  	_ =	shalt  }
0x6f: {  	_ =	shalt  }
0x70: {  	_ =	shalt  }
0x71: {  	_ =	shalt  }
0x72: {  	_ =	shalt  }
0x73: {  	_ =	shalt  }
0x74: {  	_ =	shalt  }
0x75: {  	_ =	shalt  }
0x76: {  	_ =	shalt  }
0x77: {  	_ =	shalt  }
0x78: {  	_ =	shalt  }
0x79: {  	_ =	shalt  }
0x7a: {  	_ =	shalt  }
0x7b: {  	_ =	shalt  }
0x7c: {  	_ =	shalt  }
0x7d: {  	_ =	shalt  }
0x7e: {  	_ =	shalt  }
0x7f: {  	_ =	shalt  }
0x80: {  	_ =	shalt  }
0x81: {  	_ =	shalt  }
0x82: {  	_ =	shalt  }
0x83: {  	_ =	shalt  }
0x84: {  	_ =	shalt  }
0x85: {  	_ =	shalt  }
0x86: {  	_ =	shalt  }
0x87: {  	_ =	shalt  }
.Lfunc_end0:
.L_simem_size_0:
called_computation.2_lowered:
.L_overlay_start_0:
0x88: {  	s0 =	sld [smem:$0x3FD9]  }
0x89: {  	s1 =	sld [smem:$0x3FFE];
	_ =	sdelay $0x3  }
0x8a: {  	s0 =	sadd.s32 s1, s0  }
0x8b: {  	[smem:$0x3FB5] =	sst s0  }
0x8c: {  	_ = 	snop  }
0x8d: {  	s0 =	sld [smem:$0x3FD0];
	_ =	sdelay $0x2  }
0x8e: {  	s13 =	simm.s32 $0xA;
	s2 =	simm.s32 $0x10  }
0x8f: {  	[smem:s2], [sflag:s13] =	dma.local [hbm:s0], $0x1  }
0x90: {  	_ =	swait.eq [sflag:s13], $0x1  }
0x91: {  	[sflag:s13] =	ssyncset.done $0x0  }
0x92: {  	[sflag:s13] =	ssyncadd.s32 $0xFFFFFFFF  }
0x93: {  	s14 =	sld [smem:$0x12];
	(tm) =	ssettm $0x1  }
0x94: {  	s15 =	sld [smem:$0x3FFB];
	_ =	sdelay $0x3  }
0x95: {  	_ =	strace s15  }
0x96: {  	s1 =	sld [smem:$0x3FFC];
	_ =	sdelay $0x3  }
0x97: {  	_ =	strace s1  }
0x98: {  	s1 =	sld [smem:$0x3FFD];
	_ =	sdelay $0x3  }
0x99: {  	_ =	strace s1  }
0x9a: {  	_ =	strace $0x8FFFFFFF  }
0x9b: {  	s16 =	sld [smem:$0x3FDB];
	_ =	sdelay $0x1  }
0x9c: {  	s17 =	simm.s32 $_scs_section_size  }
0x9d: {  	s3 =	simm.s32 $_size__tile_overlayer_lowered;
	s4 =	simm.s32 $_tile_overlayer_lowered  }
0x9e: {  	s20 =	simm.s32 $0x1BFF;
	s19 =	sshll.u32 s4, $0x1;
	s1 =	sadd.s32 s17, s16  }
0x9f: {  	s5 =	simm.s32 $0x0;
	s18 =	sshll.u32 s3, $0x1;
	s3 =	sadd.s32 s19, s1  }
0xa0: {  	[timem:s5], [sflag:s20] =	dma.local [hbm:s3], s18  }
0xa1: {  	_ =	swait.ge [sflag:s20], s18  }
0xa2: {  	s2 =	ssub.s32 $0x0, s18;
	[sflag:s20] =	ssyncset.done $0x0  }
0xa3: {  	[sflag:s20] =	ssyncadd.s32 s2;
	_ =	sdelay $0x1  }
0xa4: {  	s21 =	simm.s32 $0x1B8B  }
0xa5: {  	_ =	swait.ge [sflag:s21], $0x1  }
0xa6: {  	[sflag:s21] =	ssyncset.done $0x0  }
0xa7: {  	s23 =	simm.s32 $0x1B8E;
	s22 =	sld [smem:$0x3FFE];
	[sflag:s21] =	ssyncadd.s32 $0xFFFFFFFF  }
0xa8: {  	s24 =	simm.s32 $execute0_lowered;
	[smem:$0x3FD2] =	sst s23  }
0xa9: {  	s3 =	sshll.u32 s24, $0x1;
	_ =	strace $0x80000052;
	[dreg:$0x1] =	wrdreg $0xFFFFFFFF  }
0xaa: {  	s25 =	simm.s32 $_size_execute0_lowered;
	s1 =	sadd.s32 s1, s3;
	[dreg:$0x0] =	wrdreg $0x0  }
0xab: {  	s3 =	sshll.u32 s25, $0x1;
	[dreg:$0x2] =	wrdreg s1  }
0xac: {  	[dreg:$0x3] =	wrdreg s3  }
0xad: {  	[dreg:$0x4] =	wrdreg $0xC0  }
0xae: {  	_ =	task [dreg:s5], $0x5FFFF  }
0xaf: {  	[dreg:$0x1] =	wrdreg $0xFFFFFFFF  }
0xb0: {  	[dreg:$0x0] =	wrdreg $0x60  }
0xb1: {  	[dreg:$0x2] =	wrdreg s14  }
0xb2: {  	[dreg:$0x3] =	wrdreg s22  }
0xb3: {  	[dreg:$0x4] =	wrdreg $0x9  }
0xb4: {  	_ =	task.clear_ibuf [dreg:s5], $0x5FFFF;
	_ =	strace $0x90000052  }
0xb5: {  	s26 =	simm.s32 $0x9;
	_ =	strace $0x80000054  }
0xb6: {  	_ =	swait.ge [sflag:s26], $0x1  }
0xb7: {  	[sflag:s26] =	ssyncadd.s32 $0xFFFFFFFF  }
0xb8: {  	_ =	strace $0x90000054  }
0xb9: {  	_ =	sfence  }
0xba: {  	s28 =	sld [smem:$0x0];
	_ =	sdelay $0x1  }
0xbb: {  	s29 =	srdreg.scid  }
0xbc: {  	s30 =	sshll.u32 s29, $0xD;
	s31 =	sshrl.u32 s29, $0x2  }
0xbd: {  	s2 =	sand.u32 $0x4000, s30;
	s1 =	sand.u32 $0x1, s29;
	s0 =	sadd.s32 s31, s28  }
0xbe: {  	s1 =	sor.u32 s2, s1;
	s0 =	sshll.u32 s0, $0x11  }
0xbf: {  	s0 =	sor.u32 s0, s1  }
0xc0: {  	s0 =	sadd.s32 $0x8F2B, s0  }
0xc1: {  	[sflag:s0] =	ssyncadd.remote.s32 $0x1  }
0xc2: {  	_ =	sfence.sel $0xFFFF  }
0xc3: {  	[dreg:$0x0] =	wrdreg $0xFFFFFFFF;
	(pc) =	sbr.abs _section_cstart, $3  }
0xc4: {  	[dreg:$0x1] =	wrdreg $0xFFFFFFFF  }
0xc5: {  	_ =	task.clear_ibuf [dreg:s5], $0x2FFFF;
	_ =	strace $0x9FFFFFFF  }
0xc6: {  	(tm) =	ssettm $0x7FFFFFFF  }
0xc7: {  	_ =	shalt  }
tec
execute0_lowered:
.L_overlay_start_1:
0x0: {  	(tag) =	ssettag $0x1  }
0x1: {  	s1 =	rddreg [dreg:$0x0]  }
0x2: {  	s0 =	rddreg [dreg:$0x1]  }
0x3: {  	s11 =	stileid.u32;
	_ =	strace $0x80000053;
	s6 =	simm.s32 $0x1  }
0x4: {  	v1 =	vimm.s32 $0xFFFFFFFF;
	s2 =	smul.u32 $0x3, s11;
	[sflag:s6] =	ssyncpa.u1 $0x0  }
0x5: {  	s3 =	smin.u32 s11, $0x7;
	[tilespmem:$0x10] =	vst v1  }
0x6: {  	v0 =	vimm.f32 $-Inf;
	[tilespmem:$0x20] =	vst v1;
	s2 =	sadd.s32 s3, s2  }
0x7: {  	p0 =	slt.u32 s11, $0x7;
	[tilespmem:$0x30] =	vst v0;
	s3 =	smul.u32 $0x1770, s2;
	s2 =	simm.s32 $0x5DC0  }
0x8: {  	[tilespmem:$0x40] =	vst v0;
	s2 =	simm.s32 @!p0 $0x4650  }
0x9: {  	[tilespmem:$0x50] =	vst v0;
	s2 =	sadd.s32 s2, s3  }
0xa: {  	[tilespmem:$0x60] =	vst v1;
	s4 =	smin.u32 s2, $0x50910  }
0xb: {  	s7 =	simm.s32 $0x2;
	s8 =	simm.s32 $0x8;
	[tilespmem:$0x70] =	vst v1;
	s2 =	ssub.s32 s4, s3  }
0xc: {  	s29 =	simm.s32 $0x9;
	s16 =	simm.s32 $0x0;
	[tilespmem:$0x80] =	vst v1;
	p0 =	sgt.s32 s2, $0x0  }
0xd: {  	s17 =	simm.s32 $0xF0;
	s18 =	simm.s32 $0xFFFFFFFF;
	v1 =	vimm.s32 $0x0;
	[tilespmem:$0xB0] =	vst v0;
	s2 =	simm.s32 @!p0 $0x0  }
0xe: {  	s19 =	simm.s32 $0xFFFFD220;
	s20 =	simm.s32 $0xFFFFFFFE;
	[tilespmem:$0x90] =	vst v1;
	s5 =	smulhi.u32 $0x57619F1, s2  }
0xf: {  	s21 =	simm.s32 $0xF;
	[tilespmem:$0xA0] =	vst v1;
	[sflag:s7] =	ssyncpa.u1 $0x0;
	s7 =	simm.s32 $0x7  }
0x10: {  	s25 =	simm.s32 $0x0;
	[sflag:s7] =	ssyncpa.u1 $0x0;
	s9 =	sshrl.u32 s5, $0x7  }
0x11: {  	s24 =	simm.s32 $0x0;
	[sflag:s8] =	ssyncpa.u1 $0x0;
	s10 =	smul.u32 $0x1770, s9  }
0x12: {  	s14 =	sshllo.u32 s11, $0x1;
	[sflag:s29] =	ssyncpa.u1 $0x0;
	s23 =	smov.u32 s3  }
.Ltmp0:
0x13: {  	s5 =	sadd.s32 $0x3E400, s0;
	p0 =	sne.s32 s2, s10;
	(pc) =	sbr.rel .LBB2_1-.Ltmp0, $4  }
0x14: {  	s0 =	sadd.s32 $0x2E00, s0;
	s10 =	sshll.u32 s11, $0x1;
	s6 =	simm.s32 @!p0 $0x0  }
0x15: {  	[dreg:$0x3] =	wrdreg s0;
	s31 =	sor.u32 $0x81, s10;
	s9 =	sadd.s32 s6, s9  }
0x16: {  	vm0 =	vmmov $0xffff;
	v2 =	vlaneseq.u32;
	vm1 =	vmxor vm1, vm1;
	s15 =	sor.u32 $0x80, s10;
	[dreg:$0x5] =	wrdreg s31;
	s30 =	sadd.s32 $0x1, s9  }
0x17: {  	vm2 =	vmmov $0x1;
	v3 =	vimm.f32 $0.0e+00;
	vm3 =	vcmask $0x3F3C;
	p0 =	por $0x0, $0x0;
	s12 =	sadd.s32 $0x2, s9;
	[dreg:$0x4] =	wrdreg s30  }
.LBB2_9:
0x18: {  	p1 =	slt.u32 s24, $0x3  }
0x19: {  	s0 =	simm.s32 @!p1 $0x2  }
0x1a: {  	_ =	swait.ge @!p1 [sflag:s0], $0x1770  }
0x1b: {  	[sflag:s0] =	ssyncset.done @!p1 $0x0  }
0x1c: {  	[sflag:s0] =	ssyncadd.s32 @!p1 $0xFFFFE890;
	s0 =	simm.s32 @!p1 $0x9  }
0x1d: {  	_ =	swait.ge @!p1 [sflag:s0], $0x10  }
0x1e: {  	[sflag:s0] =	ssyncset.done @!p1 $0x0  }
0x1f: {  	[sflag:s0] =	ssyncadd.s32 @!p1 $0xFFFFFFF0;
	p1 =	sne.s32 s24, s12  }
.Ltmp1:
0x20: {  	s2 =	sadd.s32 $0x1770, s23;
	(pc) =	sbr.rel @!p1 .LBB2_10-.Ltmp1, $4  }
0x21: {  	s6 =	smov.u32 s3;
	s31 =	sadd.s32 $0x1, s24;
	s17 =	sadd.s32 $0x1770, s17  }
0x22: {  	s18 =	sadd.s32 $0x1, s18;
	s25 =	smov.u32 s23;
	p2 =	slt.s32 s2, s4  }
0x23: {  	p0 =	por !p0, !p0;
	s19 =	sadd.s32 $0x1770, s19;
	s6 =	smov.u32 @p2 s2  }
0x24: {  	s20 =	sadd.s32 $0x1, s20;
	s23 =	smov.u32 s6;
	s24 =	smov.u32 s31  }
.LBB2_1:
0x25: {  	p1 =	sge.u32 s24, s9  }
0x26: {  	s0 =	smulhi.u32 @!p1 $0xAAAAAAAB, s24;
	_ =	sdelay $0x1  }
0x27: {  	s0 =	sshrl.u32 @!p1 s0, $0x1  }
0x28: {  	s0 =	smul.u32 @!p1 $0x3, s0;
	_ =	sdelay $0x1  }
0x29: {  	s0 =	ssub.s32 @!p1 s24, s0  }
0x2a: {  	s0 =	smul.u32 @!p1 $0x5DC0, s0;
	_ =	sdelay $0x1  }
0x2b: {  	s2 =	sshrl.u32 @!p1 s23, $0x3;
	s0 =	sshrl.u32 @!p1 s0, $0x2  }
0x2c: {  	s6 =	sand.u32 @!p1 $0x7, s23;
	s2 =	sadd.s32 @!p1 s5, s2;
	s0 =	sadd.s32 @!p1 $0x100, s0  }
0x2d: {  	[tilespmem:s0], [sflag:$0x7] =	stream.linear.gather @!p1 [hbm4b:s2+s6], $0x1770, $0x38;
	[tilespmem:$0xD410] =	vst v63  }
0x2e: {  	s0 =	sadd.s32 $0xFFFFFFFF, s24  }
0x2f: {  	p1 =	sge.u32 s0, s9  }
.Ltmp2:
0x30: {  	_ = 	snop;
	(pc) =	sbr.rel @p1 .LBB2_5-.Ltmp2, $1  }
0x31: {  	_ =	sdelay $0x3  }
0x32: {  	s2 =	smulhi.u32 $0xAAAAAAAB, s0;
	_ =	sdelay $0x1  }
0x33: {  	s2 =	sshrl.u32 s2, $0x1  }
0x34: {  	s2 =	smul.u32 $0x3, s2;
	_ =	sdelay $0x1  }
0x35: {  	s2 =	ssub.s32 s0, s2  }
0x36: {  	s2 =	smul.u32 $0x5DC0, s2  }
0x37: {  	_ =	swait.ge [sflag:s7], $0x1770  }
0x38: {  	[sflag:s7] =	ssyncset.done $0x0;
	s2 =	sshrl.u32 s2, $0x2  }
0x39: {  	[sflag:s7] =	ssyncadd.s32 $0xFFFFE890;
	(ifvalue) =	ssetifvalue $0xFFFFFFFF;
	v4 =	vld.msk [tilespmem:s2+$0x100 ss:$0x1], $0xffff;
	_ =	sdelay $0x2  }
0x3a: {  	s29 =	smulhi.u32 $0xAAAAAAAB, s18;
	p1 =	sne.s32 s24, $0x1  }
0x3b: {  	v5 =	vimm.s32 @!p1 $0x0  }
0x3c: {  	s2 =	sshrl.u32 s29, $0x1;
	v5 =	vperm.xlane @!p1 v4, v5  }
0x3d: {  	s6 =	sshll.u32 s24, $0x4;
	s2 =	smul.u32 $0xFFFEE6C0, s2;
	vm4 =	vlt.u32 v4, $0x2800  }
0x3e: {  	s6 =	sand.u32 $0x10, s6;
	v4 =	vnsel vm4, $0xFFFFFFFE, v4;
	vm4 =	vlt.u32 @!p1 v5, $0x2800  }
0x3f: {  	s2 =	sshra.s32 s2, $0x2;
	[tilespmem:s6+$0x60] =	vst v4;
	v4 =	vnsel @!p1 vm4, $0xFFFFFFFE, v5  }
0x40: {  	s30 =	sadd.s32 s2, s17;
	[tilespmem:$0x80] =	vst @!p1 v4  }
0x41: {  	v4 =	vld.msk [tilespmem:s30+$0x0 ss:$0x1], $0xffff;
	_ =	sdelay $0x4  }
0x42: {  	(xrf1) =	vunique.msk.u32 $0xffff, v4;
	_ =	sdelay $0xd  }
0x43: {  	v5 =	vimm.s32 $0xFFFFFFFF;
	v6, _, _ =	vpop (xrf1)  }
0x44: {  	vm5 =	vne.s32 v4, v5;
	vm4 =	veq.s32 v6, v2  }
0x45: {  	vm6 =	vlt.u32 v4, $0x2800;
	vm4 =	vmand vm5, vm4  }
0x46: {  	vm4 =	vmand vm6, vm4  }
0x47: {  	v5 =	vnsel vm4, $0xFFFFFFFF, v4  }
0x48: {  	s31 =	sand.u32 $0x1, s0  }
0x49: {  	s26 =	simm.s32 $0x1770;
	p1 =	seq.s32 s31, $0x1  }
0x4a: {  	s26 =	simm.s32 @!p1 $0x0  }
0x4b: {  	s28 =	sadd.s32 $0x5EB0, s26;
	(ifvalue) =	ssetifvalue $0xFFFFFFFF  }
0x4c: {  	v4 =	vperm.xlane v4, v1;
	[tilespmem:s28], [sflag:$0x8] =	stream.indirect_vreg.gather [hbm4b:s1+s16], $0x1, v5, vm0, $0x4038;
	v5 =	vnsel vm6, $0xFFFFFFFE, v5;
	[tilespmem:$0xD410] =	vst v63  }
0x4d: {  	s0 =	simm.s32 $0x0;
	s2 =	sadd.s32 $0xFFFFFFF0, s30;
	[tilespmem:s30+$0x0] =	vst v5  }
.LBB2_3:
0x4e: {  	v5 =	vld.msk [tilespmem:s2+$0x0 ss:$0x1], $0xffff;
	s0 =	sadd.s32 $0x10, s0;
	v6 =	vmov v4;
	s6 =	smov.u32 s2  }
0x4f: {  	p1 =	slt.u32 s0, $0x1760;
	_ =	sdelay $0x4  }
0x50: {  	v4 =	vperm.xlane v5, v1;
	(xrf1) =	vunique.msk.u32 $0xffff, v5;
	_ =	sdelay $0xd  }
0x51: {  	v7, _, _ =	vpop (xrf1)  }
0x52: {  	vm5 =	vne.s32 v5, v6;
	vm4 =	veq.s32 v7, v2  }
0x53: {  	vm6 =	vlt.u32 v5, $0x2800;
	vm4 =	vmand vm5, vm4  }
0x54: {  	vm4 =	vmand vm6, vm4  }
0x55: {  	v5 =	vnsel vm4, $0xFFFFFFFF, v5  }
.Ltmp3:
0x56: {  	v6 =	vnsel vm6, $0xFFFFFFFE, v5;
	(pc) =	sbr.rel @p1 .LBB2_3-.Ltmp3, $3  }
0x57: {  	_ =	sdelay $0x1  }
0x58: {  	s2 =	sadd.s32 $0xFFFFFFF0, s2;
	s28 =	sadd.s32 $0xFFFFFFF0, s28;
	(ifvalue) =	ssetifvalue $0xFFFFFFFF  }
0x59: {  	[tilespmem:s28], [sflag:$0x8] =	stream.indirect_vreg.gather [hbm4b:s1+s16], $0x1, v5, vm0, $0x4038;
	[tilespmem:s6+$0x0] =	vst v6  }
0x5a: {  	s0 =	sshrl.u32 s25, $0x3;
	s2 =	rddreg [dreg:$0x3]  }
0x5b: {  	s31 =	sadd.s32 $0x7630, s26;
	s0 =	sadd.s32 s2, s0  }
0x5c: {  	[tilespmem:s31], [sflag:$0x8] =	stream.linear.gather [hbm:s0], $0x1770, $0x38;
	[tilespmem:$0xD410] =	vst v63  }
.LBB2_5:
0x5d: {  	p1 =	slt.u32 s24, $0x2  }
0x5e: {  	p2 =	sge.u32 @!p1 s24, s12  }
0x5f: {  	p1 =	por p1, p2  }
.Ltmp4:
0x60: {  	_ = 	snop;
	(pc) =	sbr.rel @p1 .LBB2_9-.Ltmp4, $1  }
0x61: {  	_ =	sdelay $0x3  }
0x62: {  	s0 =	sadd.s32 $0xFFFFFFFE, s24  }
0x63: {  	s2 =	smulhi.u32 $0xAAAAAAAB, s0;
	_ =	sdelay $0x1  }
0x64: {  	s2 =	sshrl.u32 s2, $0x1  }
0x65: {  	s2 =	smul.u32 $0x3, s2;
	_ =	sdelay $0x1  }
0x66: {  	_ =	swait.ge [sflag:s8], $0x2EE0;
	s0 =	ssub.s32 s0, s2  }
0x67: {  	s6 =	rddreg [dreg:$0x4];
	s0 =	smul.u32 $0x1770, s0  }
0x68: {  	[sflag:s8] =	ssyncset.done $0x0;
	p1 =	sne.s32 s24, s6  }
0x69: {  	[sflag:s8] =	ssyncadd.s32 $0xFFFFD120;
	s6 =	rddreg [dreg:$0x5];
	s2 =	sadd.s32 @!p1 $0x186F, s0  }
0x6a: {  	[spmem:s6] =	stream.linear.scatter @!p1 [tilespmem:s2], [sflag:$0x1], $0x1, $0x38;
	[tilespmem:$0xD410] =	vst v63  }
0x6b: {  	s2 =	simm.s32 @!p1 $0x1  }
0x6c: {  	_ =	swait.ge @!p1 [sflag:s2], $0x1  }
0x6d: {  	s11 =	sshll.u32 s24, $0x4;
	[sflag:s2] =	ssyncset.done @!p1 $0x0  }
0x6e: {  	s25 =	sand.u32 $0x10, s11;
	[sflag:s2] =	ssyncadd.s32 @!p1 $0xFFFFFFFF  }
0x6f: {  	s2 =	sxor.u32 $0x10, s25;
	v5 =	vld [tilespmem:s25+$0x10]  }
0x70: {  	v6 =	vld [tilespmem:s2+$0x60]  }
0x71: {  	v4 =	vld [tilespmem:$0x80];
	_ =	sdelay $0x2  }
0x72: {  	(v2sf) =	vpush v5, $0x0  }
0x73: {  	(v2sf) =	vpush v6, $0x0  }
0x74: {  	(v2sf) =	vpush v4, $0x0;
	_ =	sdelay $0xc  }
0x75: {  	s13 =	spop (v2sf)  }
0x76: {  	s22 =	spop (v2sf)  }
0x77: {  	s26 =	spop (v2sf)  }
0x78: {  	p2 =	seq.s32 s13, s22;
	p3 =	seq.s32 s26, s13  }
0x79: {  	p3 =	por p2, p3  }
0x7a: {  	s22 =	sand.u32 $0x1, s24;
	v5 =	vpsel p3, $0xFFFFFFFF, v5  }
0x7b: {  	s28 =	smul.u32 $0x1770, s22;
	[tilespmem:s25+$0x10] =	vst.msk $0x1, v5  }
0x7c: {  	v5 =	vld [tilespmem:$0x30]  }
0x7d: {  	v6 =	vld [tilespmem:s28+$0x7630]  }
0x7e: {  	v7 =	vld [tilespmem:s25+$0x40];
	_ =	sdelay $0x2  }
0x7f: {  	vm4 =	vmmov vm1  }
0x80: {  	vm5 =	vmmov vm2;
	vm4 =	vmmov @p2 vm2;
	v6 =	vmax.f32 v5, v6  }
0x81: {  	s6 =	sshll.u32 s22, $0x4;
	vm5 =	vmmov @p3 vm1;
	v5 =	vmax.f32 v5, v7;
	[tilespmem:s28+$0x7630] =	vst.msk vm4, v6  }
0x82: {  	[tilespmem:s6+$0xD3F0] =	vst.msk vm5, v5  }
0x83: {  	v5 =	vld [tilespmem:s28+$0x5EB0];
	_ =	sdelay $0x4  }
0x84: {  	v5 =	vshift.insert v5, v3, s21  }
0x85: {  	s11 =	sor.u32 $0x40, s2  }
0x86: {  	v6 =	vimm.f32 $-Inf;
	[tilespmem:s11+$0x0] =	vst.msk $0x1, v5  }
0x87: {  	[tilespmem:s28+$0x5EBF] =	vst.msk $0x1, v6  }
0x88: {  	v5 =	vld [tilespmem:s0+$0x1860]  }
0x89: {  	s13 =	smulhi.u32 $0xAAAAAAAB, s20;
	_ =	sdelay $0x1  }
0x8a: {  	s22 =	simm.s32 $0x1;
	s0 =	sshrl.u32 s13, $0x1  }
0x8b: {  	s22 =	simm.s32 @!p0 $0x0;
	s0 =	smul.u32 $0xFFFEE6C0, s0  }
0x8c: {  	s22 =	smul.u32 $0x5DC0, s22;
	v5 =	vshift.insert v5, v1, s21  }
0x8d: {  	s0 =	sshra.s32 s0, $0x2  }
0x8e: {  	s22 =	sshrl.u32 s22, $0x2;
	s11 =	sadd.s32 s0, s19;
	[tilespmem:s2+$0x10] =	vst.msk $0x1, v5  }
0x8f: {  	s2 =	sadd.s32 $0x7630, s22;
	v7 =	vld [tilespmem:s11+$0x0]  }
0x90: {  	v8 =	vld [tilespmem:s2+$0x0];
	_ =	sdelay $0x4  }
0x91: {  	vm4 =	vne.s32 v7, $0xFFFFFFFF;
	v6 =	vmax.f32 v8, v6  }
0x92: {  	(xrf0) =	vmax.seg.scan.f32 vm4, v6  }
0x93: {  	s13 =	sadd.s32 $0x4750, s22;
	v8 =	vld [tilespmem:$0xA0]  }
0x94: {  	v9 =	vld [tilespmem:s13+$0x0];
	_ =	sdelay $0x1  }
0x95: {  	v6 =	vperm.xlane v5, v1;
	_ =	sdelay $0x1  }
0x96: {  	vm6 =	veq.s32 v7, v4;
	vm7 =	veq.s32 v7, v6;
	vm5 =	veq.s32 v8, $0x1;
	v8, _, _ =	vpop (xrf0)  }
0x97: {  	vm8 =	vgt.u32 v7, $0xFFFFFFFD;
	vm7 =	vmor vm7, vm6;
	v9 =	vmax.f32 v8, v9  }
0x98: {  	s30 =	sadd.s32 $0xA510, s22;
	v10 =	vld [tilespmem:$0x90];
	vm7 =	vmor vm7, vm8;
	v9 =	vsel vm6, v8, v9  }
0x99: {  	[tilespmem:s30+$0x0] =	vst v9;
	v9 =	vsel vm7, $0xFFFFFFFF, v7;
	_ =	sdelay $0x1  }
0x9a: {  	s31 =	simm.s32 $0x0;
	vm9 =	vmand vm4, vm3  }
0x9b: {  	s29 =	sadd.s32 $0xD3F0, s6;
	s6 =	sadd.s32 $0x10, s13;
	s22 =	sadd.s32 $0x10, s30;
	v11 =	vsel vm9, $0xFF800000, v8  }
0x9c: {  	s0 =	sadd.s32 $0x10, s2;
	s2 =	sadd.s32 $0x10, s11;
	vm4 =	vmor vm5, vm6;
	v7 =	vsel vm6, v8, v10;
	v8 =	vshift.insert v11, v0, s21;
	(ifvalue) =	ssetifvalue $0xFFFFFFFF  }
.LBB2_7:
0x9d: {  	[hbm4b:s1+s16] =	stream.indirect_vreg.scatter [tilespmem:s30], [sflag:$0x2], $0x1, v9, vm0, $0x4038;
	[tilespmem:$0xD410] =	vst v63  }
0x9e: {  	s31 =	sadd.s32 $0x10, s31;
	s30 =	smov.u32 s22;
	v9 =	vld [tilespmem:s2+$0x0]  }
0x9f: {  	p2 =	slt.u32 s31, $0x1760;
	v10 =	vld [tilespmem:s0+$0x0];
	_ =	sdelay $0x4  }
0xa0: {  	vm5 =	vne.s32 v9, $0xFFFFFFFF;
	v8 =	vmax.f32 v10, v8  }
0xa1: {  	(xrf0) =	vmax.seg.scan.f32 vm5, v8;
	_ =	sdelay $0x1  }
0xa2: {  	v8 =	vld [tilespmem:s6+$0x0]  }
0xa3: {  	vm6 =	veq.s32 v9, v4;
	vm7 =	veq.s32 v9, v6  }
0xa4: {  	vm8 =	vgt.u32 v9, $0xFFFFFFFD;
	vm4 =	vmor vm4, vm6;
	vm7 =	vmor vm7, vm6  }
0xa5: {  	vm7 =	vmor vm7, vm8  }
.Ltmp5:
0xa6: {  	vm5 =	vmand vm5, vm3;
	v9 =	vsel vm7, $0xFFFFFFFF, v9;
	v10, _, _ =	vpop (xrf0);
	(pc) =	sbr.rel @p2 .LBB2_7-.Ltmp5, $4  }
0xa7: {  	v7 =	vsel vm6, v10, v7;
	v8 =	vmax.f32 v10, v8;
	v11 =	vsel vm5, $0xFF800000, v10  }
0xa8: {  	v10 =	vsel vm6, v10, v8;
	v8 =	vshift.insert v11, v0, s21  }
0xa9: {  	s2 =	sadd.s32 $0x10, s2;
	s0 =	sadd.s32 $0x10, s0;
	[tilespmem:s22+$0x0] =	vst v10  }
0xaa: {  	s6 =	sadd.s32 $0x10, s6;
	s22 =	sadd.s32 $0x10, s22;
	(ifvalue) =	ssetifvalue $0xFFFFFFFF  }
0xab: {  	_ =	sdelay $0x3  }
0xac: {  	[hbm4b:s1+s16] =	stream.indirect_vreg.scatter [tilespmem:s30], [sflag:$0x2], $0x1, v9, vm0, $0x4038;
	[tilespmem:$0xD410] =	vst v63  }
0xad: {  	v4 =	vld [tilespmem:s28+$0xBC70];
	_ =	sdelay $0x4  }
0xae: {  	v4 =	vshift.insert v4, v3, s21  }
0xaf: {  	s0 =	simm.s32 $0x30  }
0xb0: {  	[tilespmem:s0+$0x0] =	vst.msk $0x1, v4  }
0xb1: {  	v4 =	vsel vm4, $0x1, v1;
	[tilespmem:$0x90] =	vst v7  }
0xb2: {  	s0 =	sadd.s32 @!p1 $0xBC7F, s28;
	[tilespmem:$0xA0] =	vst v4  }
0xb3: {  	[spmem:s14] =	stream.linear.scatter @!p1 [tilespmem:s0], [sflag:$0x1], $0x1, $0x38;
	[tilespmem:$0xD410] =	vst v63  }
0xb4: {  	s0 =	simm.s32 @!p1 $0x1  }
0xb5: {  	v4 =	vmctz.xlane @!p1 vm4;
	_ =	swait.ge @!p1 [sflag:s0], $0x1  }
0xb6: {  	(v2sf) =	vpush @!p1 v5, $0x0  }
0xb7: {  	(v2sf) =	vpush @!p1 v4, $0x0;
	_ =	sdelay $0xd  }
0xb8: {  	s2 =	spop @!p1 (v2sf)  }
0xb9: {  	s6 =	spop @!p1 (v2sf)  }
0xba: {  	p2 =	sne.s32 @!p1 s26, s2;
	p3 =	slt.s32 @!p1 s6, $0xF  }
0xbb: {  	[sflag:s0] =	ssyncset.done @!p1 $0x0;
	p2 =	por p2, p1;
	p3 =	por !p3, p1  }
0xbc: {  	[sflag:s0] =	ssyncadd.s32 @!p1 $0xFFFFFFFF;
	v4 =	vimm.s32 @!p2 $0xFFFFFFFF;
	s6 =	simm.s32 @p3 $0xF  }
0xbd: {  	[tilespmem:$0x80] =	vst @!p2 v4;
	s2 =	sadd.s32 @!p1 $0x90, s6  }
0xbe: {  	[spmem:s10] =	stream.linear.scatter @!p1 [tilespmem:s2], [sflag:$0x1], $0x1, $0x38;
	[tilespmem:$0xD410] =	vst v63  }
0xbf: {  	_ =	swait.ge @!p1 [sflag:s0], $0x1  }
0xc0: {  	[sflag:s0] =	ssyncset.done @!p1 $0x0  }
0xc1: {  	s2 =	simm.s32 @!p1 $0x80;
	[sflag:s0] =	ssyncadd.s32 @!p1 $0xFFFFFFFF  }
0xc2: {  	[spmem:s15] =	stream.linear.scatter @!p1 [tilespmem:s2], [sflag:$0x1], $0x1, $0x38;
	[tilespmem:$0xD410] =	vst v63  }
0xc3: {  	_ =	swait.ge @!p1 [sflag:s0], $0x1  }
0xc4: {  	[sflag:s0] =	ssyncset.done @!p1 $0x0  }
0xc5: {  	[sflag:s0] =	ssyncadd.s32 @!p1 $0xFFFFFFFF;
	(ifvalue) =	ssetifvalue $0xFFFFFFFF;
	v4 =	vld [tilespmem:s25+$0x10];
	_ =	sdelay $0x3  }
.Ltmp6:
0xc6: {  	_ = 	snop;
	(pc) =	sbr.rel .LBB2_9-.Ltmp6, $3  }
0xc7: {  	_ =	sdelay $0x1  }
0xc8: {  	(ifvalue) =	ssetifvalue $0xFFFFFFFF  }
0xc9: {  	[hbm4b:s1+s16] =	stream.indirect_vreg.scatter [tilespmem:s29], [sflag:$0x9], $0x1, v4, vm0, $0x4038;
	[tilespmem:$0xD410] =	vst v63  }
.LBB2_10:
0xca: {  	_ =	sfence.sel $0x180000  }
0xcb: {  	s0 =	simm.s32 $0x7;
	[bflag:$0x0] =	sbarrier.arrive $0xFFFF  }
0xcc: {  	s26 =	simm.s32 $0x8;
	[sflag:s0] =	ssyncpa.u1 $0x1  }
0xcd: {  	s28 =	simm.s32 $0x9;
	[sflag:s26] =	ssyncpa.u1 $0x1  }
0xce: {  	[sflag:s28] =	ssyncpa.u1 $0x1  }
0xcf: {  	_ =	sfence.stream.spmem  }
0xd0: {  	s29 =	simm.s32 $0x3;
	[bflag:$0x0] =	sbarrier.arrive $0xFFFF  }
0xd1: {  	s30 =	simm.s32 $0x4;
	[sflag:s29] =	ssyncpa.u1 $0x1  }
0xd2: {  	s31 =	simm.s32 $0x3C;
	s2 =	stileid.u32;
	[sflag:s30] =	ssyncpa.u1 $0x1  }
0xd3: {  	p0 =	sne.s32 s2, $0x0;
	[sflag:s31] =	ssyncpa.u1 $0x1  }
0xd4: {  	s0 =	simm.s32 @p0 $0x1;
	_ =	sfence @p0  }
0xd5: {  	[sflag:s0] =	ssyncpa.u1 @p0 $0x1;
	s0 =	simm.s32 @p0 $0x2  }
0xd6: {  	[sflag:s0] =	ssyncpa.u1 @p0 $0x1  }
0xd7: {  	_ =	strace @p0 $0x90000053  }
0xd8: {  	[bflag:$0x2] =	sbarrier.arrive @p0 $0xFFFF  }
0xd9: {  	_ =	shalt @p0  }
.LBB2_11:
0xda: {  	_ =	sfence.stream.spmem;
	s0 =	simm.s32 $0x5  }
0xdb: {  	s2 =	simm.s32 $0x80;
	s3 =	simm.s32 $0xC0;
	[sflag:s0] =	ssyncpa.u1 $0x0  }
0xdc: {  	[tilespmem:s3], [sflag:$0x5] =	stream.linear.gather [spmem:s2], $0x20, $0x38;
	[tilespmem:$0xD410] =	vst v63  }
0xdd: {  	s30 =	simm.s32 $0xE0;
	s2 =	simm.s32 $0x0  }
0xde: {  	[tilespmem:s30], [sflag:$0x5] =	stream.linear.gather [spmem:s2], $0x20, $0x38;
	[tilespmem:$0xD410] =	vst v63  }
.Ltmp7:
0xdf: {  	_ = 	snop;
	(pc) =	sbr.rel .LBB2_12-.Ltmp7, $4  }
0xe0: {  	_ =	swait.ge [sflag:s0], $0x40  }
0xe1: {  	[sflag:s0] =	ssyncset.done $0x0  }
0xe2: {  	s31 =	simm.s32 $0x6;
	[sflag:s0] =	ssyncadd.s32 $0xFFFFFFC0  }
0xe3: {  	s3 =	simm.s32 $0x0;
	[sflag:s31] =	ssyncpa.u1 $0x0  }
.LBB2_17:
0xe4: {  	p0 =	sgt.u32 s4, $0x27FF  }
0xe5: {  	s0 =	sshrl.u32 @!p0 s4, $0x3  }
0xe6: {  	s4 =	sand.u32 @!p0 $0x7, s4;
	s5 =	simm.s32 @!p0 $0xB0;
	s0 =	sadd.s32 @!p0 s1, s0  }
0xe7: {  	[tilespmem:s5], [sflag:$0x6] =	stream.linear.gather @!p0 [hbm4b:s0+s4], $0x1, $0x38;
	[tilespmem:$0xD410] =	vst v63  }
0xe8: {  	s0 =	simm.s32 @!p0 $0x6  }
0xe9: {  	_ =	swait.ge @!p0 [sflag:s0], $0x1  }
0xea: {  	[sflag:s0] =	ssyncset.done @!p0 $0x0  }
0xeb: {  	[sflag:s0] =	ssyncadd.s32 @!p0 $0xFFFFFFFF  }
0xec: {  	v1 =	vld.msk @!p0 [tilespmem:$0xB0], $0x1  }
0xed: {  	v2 =	vld.msk @!p0 [tilespmem:s3+$0xE0], $0x1;
	_ =	sdelay $0x4  }
0xee: {  	v1 =	vmax.f32 @!p0 v2, v1  }
0xef: {  	[tilespmem:s3+$0xE0] =	vst.msk @!p0 $0x1, v1  }
0xf0: {  	[tilespmem:s2+$0xC0] =	vst.msk $0x1, v0  }
0xf1: {  	v0 =	vld.msk [tilespmem:s3+$0xE0], $0x1;
	_ =	sdelay $0x4  }
0xf2: {  	[tilespmem:s2+$0xE0] =	vst.msk $0x1, v0;
	s2 =	sadd.s32 $0x1, s2  }
.LBB2_19:
0xf3: {  	s3 =	sadd.s32 $0x1, s3  }
0xf4: {  	p0 =	sne.s32 s3, $0x20  }
.Ltmp8:
0xf5: {  	_ = 	snop;
	(pc) =	sbr.rel @!p0 .LBB2_20-.Ltmp8, $1  }
0xf6: {  	_ =	sdelay $0x3  }
.LBB2_12:
0xf7: {  	v0 =	vld.msk [tilespmem:s3+$0xC0], $0x1;
	_ =	sdelay $0x4  }
0xf8: {  	(v2sf) =	vpush v0, $0x0;
	_ =	sdelay $0xe  }
0xf9: {  	s4 =	spop (v2sf)  }
0xfa: {  	p0 =	seq.s32 s4, $0xFFFFFFFF  }
.Ltmp9:
0xfb: {  	_ = 	snop;
	(pc) =	sbr.rel @p0 .LBB2_19-.Ltmp9, $1  }
0xfc: {  	_ =	sdelay $0x3  }
0xfd: {  	p0 =	slt.s32 s2, $0x1  }
.Ltmp10:
0xfe: {  	_ = 	snop;
	(pc) =	sbr.rel @p0 .LBB2_17-.Ltmp10, $1  }
0xff: {  	_ =	sdelay $0x3  }
0x100: {  	s0 =	simm.s32 $0xC0;
	p0 =	por $0x0, $0x0  }
0x101: {  	v1 =	vld.msk @!p0 [tilespmem:s0+$0x0], $0x1;
	_ =	sdelay $0x4  }
0x102: {  	(v2sf) =	vpush @!p0 v1, $0x0;
	_ =	sdelay $0xd  }
0x103: {  	p2 =	sne.s32 s2, $0x1  }
.Ltmp11:
0x104: {  	s5 =	spop @!p0 (v2sf);
	(pc) =	sbr.rel @!p2 .LBB2_16-.Ltmp11, $4  }
0x105: {  	p1 =	seq.s32 @!p0 s4, s5  }
0x106: {  	s5 =	simm.s32 $0x0;
	p1 =	por !p1, p0  }
0x107: {  	s7 =	simm.s32 $0xFFFFFFFF;
	s5 =	simm.s32 @p1 $0xFFFFFFFF  }
0x108: {  	s6 =	simm.s32 $0x1;
	s5 =	smov.u32 @p0 s7  }
.LBB2_15:
0x109: {  	s7 =	smov.u32 s5;
	p0 =	sne.s32 s5, $0xFFFFFFFF  }
0x10a: {  	s0 =	sadd.s32 $0x1, s0;
	s5 =	smov.u32 s6;
	s6 =	sadd.s32 $0x1, s6  }
0x10b: {  	p1 =	sne.s32 s2, s6;
	v1 =	vld.msk @!p0 [tilespmem:s0+$0x0], $0x1;
	_ =	sdelay $0x4  }
0x10c: {  	(v2sf) =	vpush @!p0 v1, $0x0;
	_ =	sdelay $0xe  }
.Ltmp12:
0x10d: {  	s8 =	spop @!p0 (v2sf);
	(pc) =	sbr.rel @p1 .LBB2_15-.Ltmp12, $4  }
0x10e: {  	p2 =	seq.s32 @!p0 s4, s8  }
0x10f: {  	p2 =	por !p2, p0  }
0x110: {  	s5 =	simm.s32 @p2 $0xFFFFFFFF  }
0x111: {  	s5 =	smov.u32 @p0 s7  }
.LBB2_16:
0x112: {  	p0 =	sne.s32 s5, $0xFFFFFFFF  }
.Ltmp13:
0x113: {  	_ = 	snop;
	(pc) =	sbr.rel @!p0 .LBB2_17-.Ltmp13, $1  }
0x114: {  	_ =	sdelay $0x3  }
0x115: {  	v0 =	vld.msk [tilespmem:s3+$0xE0], $0x1  }
0x116: {  	v1 =	vld.msk [tilespmem:s5+$0xE0], $0x1;
	_ =	sdelay $0x1  }
.Ltmp14:
0x117: {  	_ = 	snop;
	(pc) =	sbr.rel .LBB2_19-.Ltmp14, $3  }
0x118: {  	_ =	sdelay $0x1  }
0x119: {  	v0 =	vmax.f32 v1, v0  }
0x11a: {  	[tilespmem:s5+$0xE0] =	vst.msk $0x1, v0  }
.LBB2_20:
0x11b: {  	p0 =	slt.s32 s2, $0x1  }
.Ltmp15:
0x11c: {  	_ = 	snop;
	(pc) =	sbr.rel @p0 .LBB2_24-.Ltmp15, $3  }
0x11d: {  	_ =	sdelay $0x1  }
0x11e: {  	s0 =	simm.s32 $0x6  }
0x11f: {  	s3 =	simm.s32 $0x0;
	[sflag:s0] =	ssyncpa.u1 $0x1  }
0x120: {  	s0 =	simm.s32 $0xC0  }
0x121: {  	v0 =	vld.msk [tilespmem:s0+$0x0], $0x1;
	_ =	sdelay $0x4  }
0x122: {  	(v2sf) =	vpush v0, $0x0;
	_ =	sdelay $0xe  }
0x123: {  	s2 =	sadd.s32 $0xFFFFFFFF, s2;
	s4 =	spop (v2sf)  }
0x124: {  	p1 =	sne.s32 s2, $0x0;
	p0 =	sgt.u32 s4, $0x27FF  }
.Ltmp16:
0x125: {  	s5 =	sshrl.u32 @!p0 s4, $0x3;
	(pc) =	sbr.rel @!p1 .LBB2_23-.Ltmp16, $4  }
0x126: {  	s0 =	simm.s32 $0xE0;
	s4 =	sand.u32 @!p0 $0x7, s4;
	s5 =	sadd.s32 @!p0 s1, s5  }
0x127: {  	[hbm4b:s5+s4] =	stream.linear.scatter @!p0 [tilespmem:s0], [sflag:$0x5], $0x1, $0x38;
	[tilespmem:$0xD410] =	vst v63  }
0x128: {  	s5 =	simm.s32 $0x0  }
0x129: {  	s4 =	simm.s32 $0xC1;
	s5 =	simm.s32 @!p0 $0x4  }
.LBB2_22:
0x12a: {  	v0 =	vld.msk [tilespmem:s4+$0x0], $0x1;
	s2 =	sadd.s32 $0xFFFFFFFF, s2;
	s3 =	sadd.s32 s3, s5  }
0x12b: {  	p0 =	sne.s32 s2, $0x0;
	_ =	sdelay $0x3  }
0x12c: {  	(v2sf) =	vpush v0, $0x0;
	_ =	sdelay $0xe  }
.Ltmp17:
0x12d: {  	s6 =	spop (v2sf);
	(pc) =	sbr.rel @p0 .LBB2_22-.Ltmp17, $4  }
0x12e: {  	s5 =	simm.s32 $0x0;
	p1 =	sgt.u32 s6, $0x27FF  }
0x12f: {  	s0 =	sadd.s32 $0x1, s0;
	s5 =	simm.s32 @!p1 $0x4;
	s7 =	sshrl.u32 @!p1 s6, $0x3  }
0x130: {  	s4 =	sadd.s32 $0x1, s4;
	s6 =	sand.u32 @!p1 $0x7, s6;
	s7 =	sadd.s32 @!p1 s1, s7  }
0x131: {  	[hbm4b:s7+s6] =	stream.linear.scatter @!p1 [tilespmem:s0], [sflag:$0x5], $0x1, $0x38;
	[tilespmem:$0xD410] =	vst v63  }
.LBB2_23:
0x132: {  	s0 =	sadd.s32 s3, s5  }
0x133: {  	s3 =	sshrl.u32 s0, $0x2  }
.LBB2_24:
0x134: {  	s0 =	simm.s32 $0x5  }
0x135: {  	_ =	swait.ge [sflag:s0], s3  }
0x136: {  	s1 =	ssub.s32 $0x0, s3;
	[sflag:s0] =	ssyncset.done $0x0  }
0x137: {  	[sflag:s0] =	ssyncadd.s32 s1  }
0x138: {  	[sflag:s0] =	ssyncpa.u1 $0x1  }
0x139: {  	s29 =	simm.s32 $0x1;
	_ =	sfence  }
0x13a: {  	s30 =	simm.s32 $0x2;
	[sflag:s29] =	ssyncpa.u1 $0x1  }
0x13b: {  	[sflag:s30] =	ssyncpa.u1 $0x1  }
0x13c: {  	_ =	strace $0x90000053  }
0x13d: {  	[bflag:$0x2] =	sbarrier.arrive $0xFFFF  }
0x13e: {  	s31 =	rddreg [dreg:$0x2]  }
0x13f: {  	s0 =	sadd.s32 $0x100000, s31  }
0x140: {  	[sflag:s0] =	ssyncadd.tile.s32 $0x1;
	_ =	shalt  }
.Lfunc_end2:
_tile_overlayer_lowered:
.L_overlay_start_2:
0x141: {  	(tag) =	ssettag $0x2  }
0x142: {  	s0 =	rddreg [dreg:$0x0];
	s2 =	stileid.u32  }
0x143: {  	s1 =	rddreg [dreg:$0x1];
	p0 =	sne.s32 s2, $0x0  }
0x144: {  	s3 =	rddreg [dreg:$0x2];
	[bflag:$0x3] =	sbarrier.arrive $0xFFFF;
	s2 =	simm.s32 @!p0 $0x1C01  }
0x145: {  	[timem:s3], [sflag:s2] =	dma.local @!p0 [hbm:s0], s1  }
0x146: {  	s0 =	simm.s32 @!p0 $0x1  }
0x147: {  	_ =	swait.ge @!p0 [sflag:s0], s1  }
0x148: {  	s1 =	ssub.s32 @!p0 $0x0, s1;
	[sflag:s0] =	ssyncset.done @!p0 $0x0  }
0x149: {  	[sflag:s0] =	ssyncadd.s32 @!p0 s1  }
0x14a: {  	[bflag:$0x3] =	sbarrier.arrive $0xFFFF  }
0x14b: {  	_ =	shalt  }

// kernel: scatter_offload_async_start.3
scs
__scs_entry_jumppad:
0x0: {  	(pc) =	sbr.rel $0x88, $3  }
0x1: {  	(tag) =	ssettag $0x0;
	lr =	simm.s32 $0x1  }
0x2: {  	[smem:$0x3F8E] =	sst lr;
	_ =	strace $0xD0000000  }
0x3: {  	_ = 	snop  }
0x4: {  	_ = 	snop  }
0x5: {  	_ = 	snop  }
0x6: {  	_ = 	snop  }
0x7: {  	_ = 	snop  }
__scs_overlays_trampoline_lowered:
0x8: {  	[smem:$0x3F9D] =	sst s0  }
0x9: {  	[smem:$0x3F9E] =	sst s1  }
0xa: {  	[smem:$0x3F9F] =	sst s2  }
0xb: {  	[smem:$0x3FA0] =	sst s3  }
0xc: {  	[smem:$0x3FA1] =	sst s4  }
0xd: {  	[smem:$0x3FA2] =	sst s5  }
0xe: {  	[smem:$0x3FA3] =	sst s6  }
0xf: {  	[smem:$0x3FA4] =	sst s7  }
0x10: {  	[smem:$0x3FA5] =	sst s8  }
0x11: {  	[smem:$0x3FA6] =	sst s9;
	s0 =	simm.s32 @!p0 $0x0  }
0x12: {  	s1 =	sld [smem:$0x3F8C];
	s0 =	simm.s32 @p0 $0x1  }
0x13: {  	[smem:$0x3FA7] =	sst s0;
	s0 =	simm.s32 @!p1 $0x0  }
0x14: {  	s2 =	sld [smem:$0x3F8B];
	s0 =	simm.s32 @p1 $0x1  }
0x15: {  	[smem:$0x3FA8] =	sst s0;
	s0 =	simm.s32 @!p2 $0x0  }
0x16: {  	s3 =	sld [smem:$0x3FDB];
	s0 =	simm.s32 @p2 $0x1  }
0x17: {  	s4 =	simm.s32 $0x1BF5;
	[smem:$0x3FAA] =	sst s0  }
0x18: {  	s0 =	sld [smem:$0x3F8D];
	_ =	swait.ge [sflag:s4], $0x0  }
0x19: {  	s7 =	sld [smem:$0x3F8E]  }
0x1a: {  	s8 =	sadd.s32 $0xFFFFE003, lr  }
0x1b: {  	s9 =	sadd.s32 $0xFFFFFEF7, lr;
	s5 =	simm.s32 $0xFFFFFFFF;
	p2 =	slt.u32 s8, $0xFFFFF086  }
0x1c: {  	p1 =	slt.u32 s9, $0xF7A;
	s5 =	simm.s32 @!p2 $0x0  }
0x1d: {  	s5 =	simm.s32 @p1 $0x1;
	p0 =	seq.s32 s7, s2  }
0x1e: {  	s7 =	smul.u32 @!p0 $0xF7A, s2;
	p2 =	seq.s32 @!p0 s5, $0x0  }
0x1f: {  	s9 =	smul.u32 $0xF7A, s1;
	s8 =	simm.s32 @!p0 $0x1BF5;
	p2 =	por !p2, p0  }
0x20: {  	[sflag:s8] =	ssyncset.s32 @!p0 $0xFFFFF086;
	s6 =	sadd.s32 @!p0 s3, s7;
	s7 =	simm.s32 @!p0 $0x108  }
0x21: {  	s3 =	sadd.s32 s3, s9;
	s6 =	sadd.s32 @!p0 $0x88, s6;
	s7 =	simm.s32 @p2 $0x1082  }
0x22: {  	[simem:s7], [sflag:s8] =	dma.local @!p0 [hbm:s6], $0xF7A  }
0x23: {  	s9 =	sor.u32 $0xD0000000, s2;
	s6 =	simm.s32 $0x108;
	_ =	swait.ge @!p0 [sflag:s8], $0x0  }
0x24: {  	s3 =	sadd.s32 $0x88, s3;
	s6 =	simm.s32 @!p1 $0x1082;
	[sflag:s4] =	ssyncset.s32 $0xFFFFF086  }
0x25: {  	[simem:s6], [sflag:s4] =	dma.local [hbm:s3], $0xF7A  }
0x26: {  	[smem:$0x3F8E] =	sst s1;
	(tag) =	ssettag s2;
	_ =	strace s9  }
0x27: {  	s1 =	sld [smem:$0x3F9E]  }
0x28: {  	s2 =	sld [smem:$0x3F9F]  }
0x29: {  	s4 =	sld [smem:$0x3FA1]  }
0x2a: {  	p0 =	seq.s32 s5, $0x0;
	s5 =	sld [smem:$0x3FA2]  }
0x2b: {  	s6 =	sld [smem:$0x3FA3]  }
0x2c: {  	s7 =	sld [smem:$0x3FA4]  }
0x2d: {  	s3 =	simm.s32 $0x108;
	s8 =	sld [smem:$0x3FA5]  }
0x2e: {  	s3 =	simm.s32 @!p0 $0x1082;
	s9 =	sld [smem:$0x3FA6]  }
0x2f: {  	lr =	sadd.s32 s0, s3;
	s0 =	sld [smem:$0x3F9D]  }
0x30: {  	s3 =	sld [smem:$0x3FA0]  }
0x31: {  	[smem:$0x3FA9] =	sst s10  }
0x32: {  	s10 =	sld [smem:$0x3FA7];
	_ =	sdelay $0x3  }
0x33: {  	p0 =	seq.s32 s10, $0x1;
	s10 =	sld [smem:$0x3FA9];
	_ =	sdelay $0x3  }
0x34: {  	[smem:$0x3FA9] =	sst s10  }
0x35: {  	s10 =	sld [smem:$0x3FA8];
	_ =	sdelay $0x3  }
0x36: {  	p1 =	seq.s32 s10, $0x1;
	s10 =	sld [smem:$0x3FA9];
	_ =	sdelay $0x3  }
0x37: {  	[smem:$0x3FA9] =	sst s10  }
0x38: {  	s10 =	sld [smem:$0x3FAA]  }
0x39: {  	_ = 	snop;
	(pc) =	sbr.ind lr, $3  }
0x3a: {  	_ = 	snop  }
0x3b: {  	_ = 	snop  }
0x3c: {  	p2 =	seq.s32 s10, $0x1;
	s10 =	sld [smem:$0x3FA9]  }
0x3d: {  	_ =	shalt  }
0x3e: {  	_ =	shalt  }
0x3f: {  	_ =	shalt  }
0x40: {  	_ =	shalt  }
0x41: {  	_ =	shalt  }
0x42: {  	_ =	shalt  }
0x43: {  	_ =	shalt  }
0x44: {  	_ =	shalt  }
0x45: {  	_ =	shalt  }
0x46: {  	_ =	shalt  }
0x47: {  	_ =	shalt  }
0x48: {  	_ =	shalt  }
0x49: {  	_ =	shalt  }
0x4a: {  	_ =	shalt  }
0x4b: {  	_ =	shalt  }
0x4c: {  	_ =	shalt  }
0x4d: {  	_ =	shalt  }
0x4e: {  	_ =	shalt  }
0x4f: {  	_ =	shalt  }
0x50: {  	_ =	shalt  }
0x51: {  	_ =	shalt  }
0x52: {  	_ =	shalt  }
0x53: {  	_ =	shalt  }
0x54: {  	_ =	shalt  }
0x55: {  	_ =	shalt  }
0x56: {  	_ =	shalt  }
0x57: {  	_ =	shalt  }
0x58: {  	_ =	shalt  }
0x59: {  	_ =	shalt  }
0x5a: {  	_ =	shalt  }
0x5b: {  	_ =	shalt  }
0x5c: {  	_ =	shalt  }
0x5d: {  	_ =	shalt  }
0x5e: {  	_ =	shalt  }
0x5f: {  	_ =	shalt  }
0x60: {  	_ =	shalt  }
0x61: {  	_ =	shalt  }
0x62: {  	_ =	shalt  }
0x63: {  	_ =	shalt  }
0x64: {  	_ =	shalt  }
0x65: {  	_ =	shalt  }
0x66: {  	_ =	shalt  }
0x67: {  	_ =	shalt  }
0x68: {  	_ =	shalt  }
0x69: {  	_ =	shalt  }
0x6a: {  	_ =	shalt  }
0x6b: {  	_ =	shalt  }
0x6c: {  	_ =	shalt  }
0x6d: {  	_ =	shalt  }
0x6e: {  	_ =	shalt  }
0x6f: {  	_ =	shalt  }
0x70: {  	_ =	shalt  }
0x71: {  	_ =	shalt  }
0x72: {  	_ =	shalt  }
0x73: {  	_ =	shalt  }
0x74: {  	_ =	shalt  }
0x75: {  	_ =	shalt  }
0x76: {  	_ =	shalt  }
0x77: {  	_ =	shalt  }
0x78: {  	_ =	shalt  }
0x79: {  	_ =	shalt  }
0x7a: {  	_ =	shalt  }
0x7b: {  	_ =	shalt  }
0x7c: {  	_ =	shalt  }
0x7d: {  	_ =	shalt  }
0x7e: {  	_ =	shalt  }
0x7f: {  	_ =	shalt  }
0x80: {  	_ =	shalt  }
0x81: {  	_ =	shalt  }
0x82: {  	_ =	shalt  }
0x83: {  	_ =	shalt  }
0x84: {  	_ =	shalt  }
0x85: {  	_ =	shalt  }
0x86: {  	_ =	shalt  }
0x87: {  	_ =	shalt  }
.Lfunc_end0:
.L_simem_size_0:
called_computation.3_lowered:
.L_overlay_start_0:
0x88: {  	s0 =	sld [smem:$0x3FD9]  }
0x89: {  	s1 =	sld [smem:$0x3FFE];
	_ =	sdelay $0x3  }
0x8a: {  	s0 =	sadd.s32 s1, s0  }
0x8b: {  	[smem:$0x3FB5] =	sst s0  }
0x8c: {  	_ = 	snop  }
0x8d: {  	(tm) =	ssettm $0x1  }
0x8e: {  	s15 =	sld [smem:$0x3FFB];
	_ =	sdelay $0x3  }
0x8f: {  	_ =	strace s15  }
0x90: {  	s0 =	sld [smem:$0x3FFC];
	_ =	sdelay $0x3  }
0x91: {  	_ =	strace s0  }
0x92: {  	s0 =	sld [smem:$0x3FFD];
	_ =	sdelay $0x3  }
0x93: {  	_ =	strace s0  }
0x94: {  	_ =	strace $0x8FFFFFFF  }
0x95: {  	s16 =	sld [smem:$0x3FDB];
	_ =	sdelay $0x1  }
0x96: {  	s17 =	simm.s32 $_scs_section_size  }
0x97: {  	s2 =	simm.s32 $_size__tile_overlayer_lowered;
	s3 =	simm.s32 $_tile_overlayer_lowered  }
0x98: {  	s20 =	simm.s32 $0x1BFF;
	s19 =	sshll.u32 s3, $0x1;
	s0 =	sadd.s32 s17, s16  }
0x99: {  	s4 =	simm.s32 $0x0;
	s18 =	sshll.u32 s2, $0x1;
	s2 =	sadd.s32 s19, s0  }
0x9a: {  	[timem:s4], [sflag:s20] =	dma.local [hbm:s2], s18  }
0x9b: {  	_ =	swait.ge [sflag:s20], s18  }
0x9c: {  	s1 =	ssub.s32 $0x0, s18;
	[sflag:s20] =	ssyncset.done $0x0  }
0x9d: {  	[sflag:s20] =	ssyncadd.s32 s1;
	_ =	sdelay $0x1  }
0x9e: {  	s21 =	simm.s32 $0x1B8B  }
0x9f: {  	_ =	swait.ge [sflag:s21], $0x1  }
0xa0: {  	[sflag:s21] =	ssyncset.done $0x0  }
0xa1: {  	s23 =	simm.s32 $0x1B8E;
	s22 =	sld [smem:$0x3FFE];
	[sflag:s21] =	ssyncadd.s32 $0xFFFFFFFF  }
0xa2: {  	s24 =	simm.s32 $execute0_lowered;
	[smem:$0x3FD2] =	sst s23  }
0xa3: {  	s2 =	sshll.u32 s24, $0x1;
	_ =	strace $0x80000055;
	[dreg:$0x1] =	wrdreg $0xFFFFFFFF  }
0xa4: {  	s25 =	simm.s32 $_size_execute0_lowered;
	s0 =	sadd.s32 s0, s2;
	[dreg:$0x0] =	wrdreg $0x0  }
0xa5: {  	s2 =	sshll.u32 s25, $0x1;
	[dreg:$0x2] =	wrdreg s0  }
0xa6: {  	[dreg:$0x3] =	wrdreg s2  }
0xa7: {  	[dreg:$0x4] =	wrdreg $0xC0  }
0xa8: {  	_ =	task [dreg:s4], $0x5FFFF  }
0xa9: {  	[dreg:$0x1] =	wrdreg $0xFFFFFFFF  }
0xaa: {  	[dreg:$0x0] =	wrdreg $0x60  }
0xab: {  	[dreg:$0x2] =	wrdreg s22  }
0xac: {  	[dreg:$0x3] =	wrdreg $0x9  }
0xad: {  	_ =	task.clear_ibuf [dreg:s4], $0x4FFFF;
	_ =	strace $0x90000055  }
0xae: {  	s26 =	simm.s32 $0x9;
	_ =	strace $0x80000057  }
0xaf: {  	_ =	swait.ge [sflag:s26], $0x1  }
0xb0: {  	[sflag:s26] =	ssyncadd.s32 $0xFFFFFFFF  }
0xb1: {  	_ =	strace $0x90000057  }
0xb2: {  	_ =	sfence  }
0xb3: {  	s28 =	sld [smem:$0x0];
	_ =	sdelay $0x1  }
0xb4: {  	s29 =	srdreg.scid  }
0xb5: {  	s30 =	sshll.u32 s29, $0xD;
	s31 =	sshrl.u32 s29, $0x2  }
0xb6: {  	s1 =	sand.u32 $0x1, s29;
	s2 =	sand.u32 $0x4000, s30;
	s0 =	sadd.s32 s31, s28  }
0xb7: {  	s1 =	sor.u32 s2, s1;
	s0 =	sshll.u32 s0, $0x11  }
0xb8: {  	s0 =	sor.u32 s0, s1  }
0xb9: {  	s0 =	sadd.s32 $0x8F2B, s0  }
0xba: {  	[sflag:s0] =	ssyncadd.remote.s32 $0x1  }
0xbb: {  	_ =	sfence.sel $0xFFFF  }
0xbc: {  	[dreg:$0x0] =	wrdreg $0xFFFFFFFF;
	(pc) =	sbr.abs _section_cstart, $3  }
0xbd: {  	[dreg:$0x1] =	wrdreg $0xFFFFFFFF  }
0xbe: {  	_ =	task.clear_ibuf [dreg:s4], $0x2FFFF;
	_ =	strace $0x9FFFFFFF  }
0xbf: {  	(tm) =	ssettm $0x7FFFFFFF  }
tec
execute0_lowered:
.L_overlay_start_1:
0x0: {  	(tag) =	ssettag $0x1  }
0x1: {  	s2 =	rddreg [dreg:$0x0];
	_ =	strace $0x80000056;
	s1 =	simm.s32 $0x1  }
0x2: {  	v0 =	vimm.s32 $0x0;
	[sflag:s1] =	ssyncpa.u1 $0x0  }
0x3: {  	[tilespmem:$0xA8] =	vst v0  }
0x4: {  	[tilespmem:$0xB8] =	vst v0  }
0x5: {  	[tilespmem:$0xC8] =	vst v0  }
0x6: {  	[tilespmem:$0xD8] =	vst v0  }
0x7: {  	[tilespmem:$0xE8] =	vst v0  }
0x8: {  	[tilespmem:$0xF8] =	vst v0  }
0x9: {  	[tilespmem:$0x108] =	vst v0  }
0xa: {  	[tilespmem:$0x118] =	vst v0  }
0xb: {  	[tilespmem:$0x128] =	vst v0  }
0xc: {  	[tilespmem:$0x138] =	vst v0  }
0xd: {  	[tilespmem:$0x148] =	vst v0  }
0xe: {  	[tilespmem:$0x158] =	vst v0  }
0xf: {  	[tilespmem:$0x168] =	vst v0  }
0x10: {  	[tilespmem:$0x178] =	vst v0  }
0x11: {  	[tilespmem:$0x188] =	vst v0  }
0x12: {  	[tilespmem:$0x198] =	vst v0  }
0x13: {  	[tilespmem:$0x1A8] =	vst v0  }
0x14: {  	[tilespmem:$0x1B8] =	vst v0  }
0x15: {  	[tilespmem:$0x1C8] =	vst v0  }
0x16: {  	[tilespmem:$0x1D8] =	vst v0  }
0x17: {  	[tilespmem:$0x1E8] =	vst v0  }
0x18: {  	[tilespmem:$0x1F8] =	vst v0  }
0x19: {  	[tilespmem:$0x208] =	vst v0  }
0x1a: {  	[tilespmem:$0x218] =	vst v0  }
0x1b: {  	[tilespmem:$0x228] =	vst v0  }
0x1c: {  	[tilespmem:$0x238] =	vst v0  }
0x1d: {  	[tilespmem:$0x248] =	vst v0  }
0x1e: {  	[tilespmem:$0x258] =	vst v0  }
0x1f: {  	[tilespmem:$0x268] =	vst v0  }
0x20: {  	[tilespmem:$0x278] =	vst v0  }
0x21: {  	[tilespmem:$0x288] =	vst v0  }
0x22: {  	[tilespmem:$0x298] =	vst v0  }
0x23: {  	[tilespmem:$0x2A8] =	vst v0  }
0x24: {  	[tilespmem:$0x2B8] =	vst v0  }
0x25: {  	[tilespmem:$0x2C8] =	vst v0  }
0x26: {  	[tilespmem:$0x2D8] =	vst v0  }
0x27: {  	[tilespmem:$0x2E8] =	vst v0  }
0x28: {  	[tilespmem:$0x2F8] =	vst v0  }
0x29: {  	[tilespmem:$0x308] =	vst v0  }
0x2a: {  	[tilespmem:$0x318] =	vst v0  }
0x2b: {  	[tilespmem:$0x328] =	vst v0  }
0x2c: {  	[tilespmem:$0x338] =	vst v0  }
0x2d: {  	[tilespmem:$0x348] =	vst v0  }
0x2e: {  	[tilespmem:$0x358] =	vst v0  }
0x2f: {  	[tilespmem:$0x368] =	vst v0  }
0x30: {  	[tilespmem:$0x378] =	vst v0  }
0x31: {  	[tilespmem:$0x388] =	vst v0  }
0x32: {  	[tilespmem:$0x398] =	vst v0  }
0x33: {  	[tilespmem:$0x3A8] =	vst v0  }
0x34: {  	[tilespmem:$0x3B8] =	vst v0  }
0x35: {  	[tilespmem:$0x3C8] =	vst v0  }
0x36: {  	[tilespmem:$0x3D8] =	vst v0  }
0x37: {  	[tilespmem:$0x3E8] =	vst v0  }
0x38: {  	[tilespmem:$0x3F8] =	vst v0  }
0x39: {  	[tilespmem:$0x408] =	vst v0  }
0x3a: {  	[tilespmem:$0x418] =	vst v0  }
0x3b: {  	[tilespmem:$0x428] =	vst v0  }
0x3c: {  	[tilespmem:$0x438] =	vst v0  }
0x3d: {  	[tilespmem:$0x448] =	vst v0  }
0x3e: {  	[tilespmem:$0x458] =	vst v0  }
0x3f: {  	[tilespmem:$0x468] =	vst v0  }
0x40: {  	[tilespmem:$0x478] =	vst v0  }
0x41: {  	[tilespmem:$0x488] =	vst v0  }
0x42: {  	[tilespmem:$0x498] =	vst v0  }
0x43: {  	[tilespmem:$0x4A8] =	vst v0  }
0x44: {  	[tilespmem:$0x4B8] =	vst v0  }
0x45: {  	[tilespmem:$0x4C8] =	vst v0  }
0x46: {  	[tilespmem:$0x4D8] =	vst v0  }
0x47: {  	[tilespmem:$0x4E8] =	vst v0  }
0x48: {  	[tilespmem:$0x4F8] =	vst v0  }
0x49: {  	[tilespmem:$0x508] =	vst v0  }
0x4a: {  	[tilespmem:$0x518] =	vst v0  }
0x4b: {  	[tilespmem:$0x528] =	vst v0  }
0x4c: {  	[tilespmem:$0x538] =	vst v0  }
0x4d: {  	[tilespmem:$0x548] =	vst v0  }
0x4e: {  	[tilespmem:$0x558] =	vst v0  }
0x4f: {  	[tilespmem:$0x568] =	vst v0  }
0x50: {  	[tilespmem:$0x578] =	vst v0  }
0x51: {  	[tilespmem:$0x588] =	vst v0  }
0x52: {  	[tilespmem:$0x598] =	vst v0  }
0x53: {  	[tilespmem:$0x5A8] =	vst v0  }
0x54: {  	[tilespmem:$0x5B8] =	vst v0  }
0x55: {  	[tilespmem:$0x5C8] =	vst v0  }
0x56: {  	[tilespmem:$0x5D8] =	vst v0  }
0x57: {  	[tilespmem:$0x5E8] =	vst v0  }
0x58: {  	[tilespmem:$0x5F8] =	vst v0  }
0x59: {  	[tilespmem:$0x608] =	vst v0  }
0x5a: {  	[tilespmem:$0x618] =	vst v0  }
0x5b: {  	[tilespmem:$0x628] =	vst v0  }
0x5c: {  	[tilespmem:$0x638] =	vst v0  }
0x5d: {  	[tilespmem:$0x648] =	vst v0  }
0x5e: {  	[tilespmem:$0x658] =	vst v0  }
0x5f: {  	[tilespmem:$0x668] =	vst v0  }
0x60: {  	[tilespmem:$0x678] =	vst v0  }
0x61: {  	[tilespmem:$0x688] =	vst v0  }
0x62: {  	[tilespmem:$0x698] =	vst v0  }
0x63: {  	[tilespmem:$0x6A8] =	vst v0  }
0x64: {  	[tilespmem:$0x6B8] =	vst v0  }
0x65: {  	[tilespmem:$0x6C8] =	vst v0  }
0x66: {  	[tilespmem:$0x6D8] =	vst v0  }
0x67: {  	[tilespmem:$0x6E8] =	vst v0  }
0x68: {  	[tilespmem:$0x6F8] =	vst v0  }
0x69: {  	[tilespmem:$0x708] =	vst v0  }
0x6a: {  	[tilespmem:$0x718] =	vst v0  }
0x6b: {  	[tilespmem:$0x728] =	vst v0  }
0x6c: {  	[tilespmem:$0x738] =	vst v0  }
0x6d: {  	[tilespmem:$0x748] =	vst v0  }
0x6e: {  	[tilespmem:$0x758] =	vst v0  }
0x6f: {  	[tilespmem:$0x768] =	vst v0  }
0x70: {  	[tilespmem:$0x778] =	vst v0  }
0x71: {  	[tilespmem:$0x788] =	vst v0  }
0x72: {  	[tilespmem:$0x798] =	vst v0  }
0x73: {  	[tilespmem:$0x7A8] =	vst v0  }
0x74: {  	[tilespmem:$0x7B8] =	vst v0  }
0x75: {  	[tilespmem:$0x7C8] =	vst v0  }
0x76: {  	[tilespmem:$0x7D8] =	vst v0  }
0x77: {  	[tilespmem:$0x7E8] =	vst v0  }
0x78: {  	[tilespmem:$0x7F8] =	vst v0  }
0x79: {  	[tilespmem:$0x808] =	vst v0  }
0x7a: {  	[tilespmem:$0x818] =	vst v0  }
0x7b: {  	[tilespmem:$0x828] =	vst v0  }
0x7c: {  	[tilespmem:$0x838] =	vst v0  }
0x7d: {  	[tilespmem:$0x848] =	vst v0  }
0x7e: {  	[tilespmem:$0x858] =	vst v0  }
0x7f: {  	[tilespmem:$0x868] =	vst v0  }
0x80: {  	[tilespmem:$0x878] =	vst v0  }
0x81: {  	[tilespmem:$0x888] =	vst v0  }
0x82: {  	[tilespmem:$0x898] =	vst v0  }
0x83: {  	[tilespmem:$0x8A8] =	vst v0  }
0x84: {  	[tilespmem:$0x8B8] =	vst v0  }
0x85: {  	[tilespmem:$0x8C8] =	vst v0  }
0x86: {  	[tilespmem:$0x8D8] =	vst v0  }
0x87: {  	[tilespmem:$0x8E8] =	vst v0  }
0x88: {  	[tilespmem:$0x8F8] =	vst v0  }
0x89: {  	[tilespmem:$0x908] =	vst v0  }
0x8a: {  	[tilespmem:$0x918] =	vst v0  }
0x8b: {  	[tilespmem:$0x928] =	vst v0  }
0x8c: {  	[tilespmem:$0x938] =	vst v0  }
0x8d: {  	[tilespmem:$0x948] =	vst v0  }
0x8e: {  	[tilespmem:$0x958] =	vst v0  }
0x8f: {  	[tilespmem:$0x968] =	vst v0  }
0x90: {  	[tilespmem:$0x978] =	vst v0  }
0x91: {  	[tilespmem:$0x988] =	vst v0  }
0x92: {  	[tilespmem:$0x998] =	vst v0  }
0x93: {  	[tilespmem:$0x9A8] =	vst v0  }
0x94: {  	[tilespmem:$0x9B8] =	vst v0  }
0x95: {  	[tilespmem:$0x9C8] =	vst v0  }
0x96: {  	[tilespmem:$0x9D8] =	vst v0  }
0x97: {  	[tilespmem:$0x9E8] =	vst v0  }
0x98: {  	[tilespmem:$0x9F8] =	vst v0  }
0x99: {  	[tilespmem:$0xA08] =	vst v0  }
0x9a: {  	[tilespmem:$0xA18] =	vst v0  }
0x9b: {  	[tilespmem:$0xA28] =	vst v0  }
0x9c: {  	[tilespmem:$0xA38] =	vst v0  }
0x9d: {  	[tilespmem:$0xA48] =	vst v0  }
0x9e: {  	[tilespmem:$0xA58] =	vst v0  }
0x9f: {  	[tilespmem:$0xA68] =	vst v0  }
0xa0: {  	[tilespmem:$0xA78] =	vst v0  }
0xa1: {  	[tilespmem:$0xA88] =	vst v0  }
0xa2: {  	[tilespmem:$0xA98] =	vst v0  }
0xa3: {  	[tilespmem:$0xAA8] =	vst v0  }
0xa4: {  	[tilespmem:$0xAB8] =	vst v0  }
0xa5: {  	[tilespmem:$0xAC8] =	vst v0  }
0xa6: {  	[tilespmem:$0xAD8] =	vst v0  }
0xa7: {  	[tilespmem:$0xAE8] =	vst v0  }
0xa8: {  	[tilespmem:$0xAF8] =	vst v0  }
0xa9: {  	[tilespmem:$0xB08] =	vst v0  }
0xaa: {  	[tilespmem:$0xB18] =	vst v0  }
0xab: {  	[tilespmem:$0xB28] =	vst v0  }
0xac: {  	[tilespmem:$0xB38] =	vst v0  }
0xad: {  	[tilespmem:$0xB48] =	vst v0  }
0xae: {  	[tilespmem:$0xB58] =	vst v0  }
0xaf: {  	[tilespmem:$0xB68] =	vst v0  }
0xb0: {  	[tilespmem:$0xB78] =	vst v0  }
0xb1: {  	[tilespmem:$0xB88] =	vst v0  }
0xb2: {  	[tilespmem:$0xB98] =	vst v0  }
0xb3: {  	[tilespmem:$0xBA8] =	vst v0  }
0xb4: {  	[tilespmem:$0xBB8] =	vst v0  }
0xb5: {  	[tilespmem:$0xBC8] =	vst v0  }
0xb6: {  	[tilespmem:$0xBD8] =	vst v0  }
0xb7: {  	[tilespmem:$0xBE8] =	vst v0  }
0xb8: {  	[tilespmem:$0xBF8] =	vst v0  }
0xb9: {  	[tilespmem:$0xC08] =	vst v0  }
0xba: {  	[tilespmem:$0xC18] =	vst v0  }
0xbb: {  	[tilespmem:$0xC28] =	vst v0  }
0xbc: {  	[tilespmem:$0xC38] =	vst v0  }
0xbd: {  	[tilespmem:$0xC48] =	vst v0  }
0xbe: {  	[tilespmem:$0xC58] =	vst v0  }
0xbf: {  	[tilespmem:$0xC68] =	vst v0  }
0xc0: {  	[tilespmem:$0xC78] =	vst v0  }
0xc1: {  	[tilespmem:$0xC88] =	vst v0  }
0xc2: {  	[tilespmem:$0xC98] =	vst v0  }
0xc3: {  	[tilespmem:$0xCA8] =	vst v0  }
0xc4: {  	[tilespmem:$0xCB8] =	vst v0  }
0xc5: {  	[tilespmem:$0xCC8] =	vst v0  }
0xc6: {  	[tilespmem:$0xCD8] =	vst v0  }
0xc7: {  	[tilespmem:$0xCE8] =	vst v0  }
0xc8: {  	[tilespmem:$0xCF8] =	vst v0  }
0xc9: {  	[tilespmem:$0xD08] =	vst v0  }
0xca: {  	[tilespmem:$0xD18] =	vst v0  }
0xcb: {  	[tilespmem:$0xD28] =	vst v0  }
0xcc: {  	[tilespmem:$0xD38] =	vst v0  }
0xcd: {  	[tilespmem:$0xD48] =	vst v0  }
0xce: {  	[tilespmem:$0xD58] =	vst v0  }
0xcf: {  	[tilespmem:$0xD68] =	vst v0  }
0xd0: {  	[tilespmem:$0xD78] =	vst v0  }
0xd1: {  	[tilespmem:$0xD88] =	vst v0  }
0xd2: {  	[tilespmem:$0xD98] =	vst v0  }
0xd3: {  	[tilespmem:$0xDA8] =	vst v0  }
0xd4: {  	[tilespmem:$0xDB8] =	vst v0  }
0xd5: {  	[tilespmem:$0xDC8] =	vst v0  }
0xd6: {  	[tilespmem:$0xDD8] =	vst v0  }
0xd7: {  	[tilespmem:$0xDE8] =	vst v0  }
0xd8: {  	[tilespmem:$0xDF8] =	vst v0  }
0xd9: {  	[tilespmem:$0xE08] =	vst v0  }
0xda: {  	[tilespmem:$0xE18] =	vst v0  }
0xdb: {  	[tilespmem:$0xE28] =	vst v0  }
0xdc: {  	[tilespmem:$0xE38] =	vst v0  }
0xdd: {  	[tilespmem:$0xE48] =	vst v0  }
0xde: {  	[tilespmem:$0xE58] =	vst v0  }
0xdf: {  	[tilespmem:$0xE68] =	vst v0  }
0xe0: {  	[tilespmem:$0xE78] =	vst v0  }
0xe1: {  	[tilespmem:$0xE88] =	vst v0  }
0xe2: {  	[tilespmem:$0xE98] =	vst v0  }
0xe3: {  	[tilespmem:$0xEA8] =	vst v0  }
0xe4: {  	[tilespmem:$0xEB8] =	vst v0  }
0xe5: {  	[tilespmem:$0xEC8] =	vst v0  }
0xe6: {  	[tilespmem:$0xED8] =	vst v0  }
0xe7: {  	[tilespmem:$0xEE8] =	vst v0  }
0xe8: {  	[tilespmem:$0xEF8] =	vst v0  }
0xe9: {  	[tilespmem:$0xF08] =	vst v0  }
0xea: {  	[tilespmem:$0xF18] =	vst v0  }
0xeb: {  	[tilespmem:$0xF28] =	vst v0  }
0xec: {  	[tilespmem:$0xF38] =	vst v0  }
0xed: {  	[tilespmem:$0xF48] =	vst v0  }
0xee: {  	[tilespmem:$0xF58] =	vst v0  }
0xef: {  	[tilespmem:$0xF68] =	vst v0  }
0xf0: {  	[tilespmem:$0xF78] =	vst v0  }
0xf1: {  	[tilespmem:$0xF88] =	vst v0  }
0xf2: {  	[tilespmem:$0xF98] =	vst v0  }
0xf3: {  	[tilespmem:$0xFA8] =	vst v0  }
0xf4: {  	[tilespmem:$0xFB8] =	vst v0  }
0xf5: {  	[tilespmem:$0xFC8] =	vst v0  }
0xf6: {  	[tilespmem:$0xFD8] =	vst v0  }
0xf7: {  	[tilespmem:$0xFE8] =	vst v0  }
0xf8: {  	[tilespmem:$0xFF8] =	vst v0  }
0xf9: {  	[tilespmem:$0x1008] =	vst v0  }
0xfa: {  	[tilespmem:$0x1018] =	vst v0  }
0xfb: {  	[tilespmem:$0x1028] =	vst v0  }
0xfc: {  	[tilespmem:$0x1038] =	vst v0  }
0xfd: {  	[tilespmem:$0x1048] =	vst v0  }
0xfe: {  	[tilespmem:$0x1058] =	vst v0  }
0xff: {  	[tilespmem:$0x1068] =	vst v0  }
0x100: {  	[tilespmem:$0x1078] =	vst v0  }
0x101: {  	[tilespmem:$0x1088] =	vst v0  }
0x102: {  	[tilespmem:$0x1098] =	vst v0  }
0x103: {  	[tilespmem:$0x10A8] =	vst v0  }
0x104: {  	[tilespmem:$0x10B8] =	vst v0  }
0x105: {  	[tilespmem:$0x10C8] =	vst v0  }
0x106: {  	[tilespmem:$0x10D8] =	vst v0  }
0x107: {  	[tilespmem:$0x10E8] =	vst v0  }
0x108: {  	[tilespmem:$0x10F8] =	vst v0  }
0x109: {  	[tilespmem:$0x1108] =	vst v0  }
0x10a: {  	[tilespmem:$0x1118] =	vst v0  }
0x10b: {  	[tilespmem:$0x1128] =	vst v0  }
0x10c: {  	[tilespmem:$0x1138] =	vst v0  }
0x10d: {  	[tilespmem:$0x1148] =	vst v0  }
0x10e: {  	[tilespmem:$0x1158] =	vst v0  }
0x10f: {  	[tilespmem:$0x1168] =	vst v0  }
0x110: {  	[tilespmem:$0x1178] =	vst v0  }
0x111: {  	[tilespmem:$0x1188] =	vst v0  }
0x112: {  	[tilespmem:$0x1198] =	vst v0  }
0x113: {  	[tilespmem:$0x11A8] =	vst v0  }
0x114: {  	[tilespmem:$0x11B8] =	vst v0  }
0x115: {  	[tilespmem:$0x11C8] =	vst v0  }
0x116: {  	[tilespmem:$0x11D8] =	vst v0  }
0x117: {  	[tilespmem:$0x11E8] =	vst v0  }
0x118: {  	[tilespmem:$0x11F8] =	vst v0  }
0x119: {  	[tilespmem:$0x1208] =	vst v0  }
0x11a: {  	[tilespmem:$0x1218] =	vst v0  }
0x11b: {  	[tilespmem:$0x1228] =	vst v0  }
0x11c: {  	[tilespmem:$0x1238] =	vst v0  }
0x11d: {  	[tilespmem:$0x1248] =	vst v0  }
0x11e: {  	[tilespmem:$0x1258] =	vst v0  }
0x11f: {  	[tilespmem:$0x1268] =	vst v0  }
0x120: {  	[tilespmem:$0x1278] =	vst v0  }
0x121: {  	[tilespmem:$0x1288] =	vst v0  }
0x122: {  	[tilespmem:$0x1298] =	vst v0  }
0x123: {  	[tilespmem:$0x12A8] =	vst v0  }
0x124: {  	[tilespmem:$0x12B8] =	vst v0  }
0x125: {  	[tilespmem:$0x12C8] =	vst v0  }
0x126: {  	[tilespmem:$0x12D8] =	vst v0  }
0x127: {  	[tilespmem:$0x12E8] =	vst v0  }
0x128: {  	[tilespmem:$0x12F8] =	vst v0  }
0x129: {  	[tilespmem:$0x1308] =	vst v0  }
0x12a: {  	[tilespmem:$0x1318] =	vst v0  }
0x12b: {  	[tilespmem:$0x1328] =	vst v0  }
0x12c: {  	[tilespmem:$0x1338] =	vst v0  }
0x12d: {  	[tilespmem:$0x1348] =	vst v0  }
0x12e: {  	[tilespmem:$0x1358] =	vst v0  }
0x12f: {  	[tilespmem:$0x1368] =	vst v0  }
0x130: {  	[tilespmem:$0x1378] =	vst v0  }
0x131: {  	[tilespmem:$0x1388] =	vst v0  }
0x132: {  	[tilespmem:$0x1398] =	vst v0  }
0x133: {  	[tilespmem:$0x13A8] =	vst v0  }
0x134: {  	[tilespmem:$0x13B8] =	vst v0  }
0x135: {  	[tilespmem:$0x13C8] =	vst v0  }
0x136: {  	[tilespmem:$0x13D8] =	vst v0  }
0x137: {  	[tilespmem:$0x13E8] =	vst v0  }
0x138: {  	[tilespmem:$0x13F8] =	vst v0  }
0x139: {  	[tilespmem:$0x1408] =	vst v0  }
0x13a: {  	[tilespmem:$0x1418] =	vst v0  }
0x13b: {  	[tilespmem:$0x1428] =	vst v0  }
0x13c: {  	[tilespmem:$0x1438] =	vst v0  }
0x13d: {  	[tilespmem:$0x1448] =	vst v0  }
0x13e: {  	[tilespmem:$0x1458] =	vst v0  }
0x13f: {  	[tilespmem:$0x1468] =	vst v0  }
0x140: {  	[tilespmem:$0x1478] =	vst v0  }
0x141: {  	[tilespmem:$0x1488] =	vst v0  }
0x142: {  	[tilespmem:$0x1498] =	vst v0  }
0x143: {  	[tilespmem:$0x14A8] =	vst v0  }
0x144: {  	[tilespmem:$0x14B8] =	vst v0  }
0x145: {  	[tilespmem:$0x14C8] =	vst v0  }
0x146: {  	[tilespmem:$0x14D8] =	vst v0  }
0x147: {  	[tilespmem:$0x14E8] =	vst v0  }
0x148: {  	[tilespmem:$0x14F8] =	vst v0  }
0x149: {  	[tilespmem:$0x1508] =	vst v0  }
0x14a: {  	[tilespmem:$0x1518] =	vst v0  }
0x14b: {  	[tilespmem:$0x1528] =	vst v0  }
0x14c: {  	[tilespmem:$0x1538] =	vst v0  }
0x14d: {  	[tilespmem:$0x1548] =	vst v0  }
0x14e: {  	[tilespmem:$0x1558] =	vst v0  }
0x14f: {  	[tilespmem:$0x1568] =	vst v0  }
0x150: {  	[tilespmem:$0x1578] =	vst v0  }
0x151: {  	[tilespmem:$0x1588] =	vst v0  }
0x152: {  	[tilespmem:$0x1598] =	vst v0  }
0x153: {  	[tilespmem:$0x15A8] =	vst v0  }
0x154: {  	[tilespmem:$0x15B8] =	vst v0  }
0x155: {  	[tilespmem:$0x15C8] =	vst v0  }
0x156: {  	[tilespmem:$0x15D8] =	vst v0  }
0x157: {  	[tilespmem:$0x15E8] =	vst v0  }
0x158: {  	[tilespmem:$0x15F8] =	vst v0  }
0x159: {  	[tilespmem:$0x1608] =	vst v0  }
0x15a: {  	[tilespmem:$0x1618] =	vst v0  }
0x15b: {  	[tilespmem:$0x1628] =	vst v0  }
0x15c: {  	[tilespmem:$0x1638] =	vst v0  }
0x15d: {  	[tilespmem:$0x1648] =	vst v0  }
0x15e: {  	[tilespmem:$0x1658] =	vst v0  }
0x15f: {  	[tilespmem:$0x1668] =	vst v0  }
0x160: {  	[tilespmem:$0x1678] =	vst v0  }
0x161: {  	[tilespmem:$0x1688] =	vst v0  }
0x162: {  	[tilespmem:$0x1698] =	vst v0  }
0x163: {  	[tilespmem:$0x16A8] =	vst v0  }
0x164: {  	[tilespmem:$0x16B8] =	vst v0  }
0x165: {  	[tilespmem:$0x16C8] =	vst v0  }
0x166: {  	[tilespmem:$0x16D8] =	vst v0  }
0x167: {  	[tilespmem:$0x16E8] =	vst v0  }
0x168: {  	[tilespmem:$0x16F8] =	vst v0  }
0x169: {  	[tilespmem:$0x1708] =	vst v0  }
0x16a: {  	[tilespmem:$0x1718] =	vst v0  }
0x16b: {  	[tilespmem:$0x1728] =	vst v0  }
0x16c: {  	[tilespmem:$0x1738] =	vst v0  }
0x16d: {  	[tilespmem:$0x1748] =	vst v0  }
0x16e: {  	[tilespmem:$0x1758] =	vst v0  }
0x16f: {  	[tilespmem:$0x1768] =	vst v0  }
0x170: {  	[tilespmem:$0x1778] =	vst v0  }
0x171: {  	[tilespmem:$0x1788] =	vst v0  }
0x172: {  	[tilespmem:$0x1798] =	vst v0  }
0x173: {  	[tilespmem:$0x17A8] =	vst v0  }
0x174: {  	[tilespmem:$0x17B8] =	vst v0  }
0x175: {  	[tilespmem:$0x17C8] =	vst v0  }
0x176: {  	[tilespmem:$0x17D8] =	vst v0  }
0x177: {  	[tilespmem:$0x17E8] =	vst v0  }
0x178: {  	[tilespmem:$0x17F8] =	vst v0  }
0x179: {  	[tilespmem:$0x1808] =	vst v0  }
0x17a: {  	[tilespmem:$0x1818] =	vst v0  }
0x17b: {  	[tilespmem:$0x1828] =	vst v0  }
0x17c: {  	[tilespmem:$0x1838] =	vst v0  }
0x17d: {  	[tilespmem:$0x1848] =	vst v0  }
0x17e: {  	[tilespmem:$0x1858] =	vst v0  }
0x17f: {  	[tilespmem:$0x1868] =	vst v0  }
0x180: {  	[tilespmem:$0x1878] =	vst v0  }
0x181: {  	[tilespmem:$0x1888] =	vst v0  }
0x182: {  	[tilespmem:$0x1898] =	vst v0  }
0x183: {  	[tilespmem:$0x18A8] =	vst v0  }
0x184: {  	[tilespmem:$0x18B8] =	vst v0  }
0x185: {  	[tilespmem:$0x18C8] =	vst v0  }
0x186: {  	[tilespmem:$0x18D8] =	vst v0  }
0x187: {  	[tilespmem:$0x18E8] =	vst v0  }
0x188: {  	[tilespmem:$0x18F8] =	vst v0  }
0x189: {  	[tilespmem:$0x1908] =	vst v0  }
0x18a: {  	[tilespmem:$0x1918] =	vst v0  }
0x18b: {  	[tilespmem:$0x1928] =	vst v0  }
0x18c: {  	[tilespmem:$0x1938] =	vst v0  }
0x18d: {  	[tilespmem:$0x1948] =	vst v0  }
0x18e: {  	[tilespmem:$0x1958] =	vst v0  }
0x18f: {  	[tilespmem:$0x1968] =	vst v0  }
0x190: {  	[tilespmem:$0x1978] =	vst v0  }
0x191: {  	[tilespmem:$0x1988] =	vst v0  }
0x192: {  	[tilespmem:$0x1998] =	vst v0  }
0x193: {  	[tilespmem:$0x19A8] =	vst v0  }
0x194: {  	[tilespmem:$0x19B8] =	vst v0  }
0x195: {  	[tilespmem:$0x19C8] =	vst v0  }
0x196: {  	[tilespmem:$0x19D8] =	vst v0  }
0x197: {  	[tilespmem:$0x19E8] =	vst v0  }
0x198: {  	[tilespmem:$0x19F8] =	vst v0  }
0x199: {  	[tilespmem:$0x1A08] =	vst v0  }
0x19a: {  	[tilespmem:$0x1A18] =	vst v0  }
0x19b: {  	[tilespmem:$0x1A28] =	vst v0  }
0x19c: {  	[tilespmem:$0x1A38] =	vst v0  }
0x19d: {  	[tilespmem:$0x1A48] =	vst v0  }
0x19e: {  	[tilespmem:$0x1A58] =	vst v0  }
0x19f: {  	[tilespmem:$0x1A68] =	vst v0  }
0x1a0: {  	[tilespmem:$0x1A78] =	vst v0  }
0x1a1: {  	[tilespmem:$0x1A88] =	vst v0  }
0x1a2: {  	[tilespmem:$0x1A98] =	vst v0  }
0x1a3: {  	[tilespmem:$0x1AA8] =	vst v0  }
0x1a4: {  	[tilespmem:$0x1AB8] =	vst v0  }
0x1a5: {  	[tilespmem:$0x1AC8] =	vst v0  }
0x1a6: {  	[tilespmem:$0x1AD8] =	vst v0  }
0x1a7: {  	[tilespmem:$0x1AE8] =	vst v0  }
0x1a8: {  	[tilespmem:$0x1AF8] =	vst v0  }
0x1a9: {  	[tilespmem:$0x1B08] =	vst v0  }
0x1aa: {  	[tilespmem:$0x1B18] =	vst v0  }
0x1ab: {  	[tilespmem:$0x1B28] =	vst v0  }
0x1ac: {  	[tilespmem:$0x1B38] =	vst v0  }
0x1ad: {  	[tilespmem:$0x1B48] =	vst v0  }
0x1ae: {  	[tilespmem:$0x1B58] =	vst v0  }
0x1af: {  	[tilespmem:$0x1B68] =	vst v0  }
0x1b0: {  	[tilespmem:$0x1B78] =	vst v0  }
0x1b1: {  	[tilespmem:$0x1B88] =	vst v0  }
0x1b2: {  	[tilespmem:$0x1B98] =	vst v0  }
0x1b3: {  	[tilespmem:$0x1BA8] =	vst v0  }
0x1b4: {  	[tilespmem:$0x1BB8] =	vst v0  }
0x1b5: {  	[tilespmem:$0x1BC8] =	vst v0  }
0x1b6: {  	[tilespmem:$0x1BD8] =	vst v0  }
0x1b7: {  	[tilespmem:$0x1BE8] =	vst v0  }
0x1b8: {  	[tilespmem:$0x1BF8] =	vst v0  }
0x1b9: {  	[tilespmem:$0x1C08] =	vst v0  }
0x1ba: {  	[tilespmem:$0x1C18] =	vst v0  }
0x1bb: {  	[tilespmem:$0x1C28] =	vst v0  }
0x1bc: {  	[tilespmem:$0x1C38] =	vst v0  }
0x1bd: {  	[tilespmem:$0x1C48] =	vst v0  }
0x1be: {  	[tilespmem:$0x1C58] =	vst v0  }
0x1bf: {  	[tilespmem:$0x1C68] =	vst v0  }
0x1c0: {  	[tilespmem:$0x1C78] =	vst v0  }
0x1c1: {  	[tilespmem:$0x1C88] =	vst v0  }
0x1c2: {  	[tilespmem:$0x1C98] =	vst v0  }
0x1c3: {  	[tilespmem:$0x1CA8] =	vst v0  }
0x1c4: {  	[tilespmem:$0x1CB8] =	vst v0  }
0x1c5: {  	[tilespmem:$0x1CC8] =	vst v0  }
0x1c6: {  	[tilespmem:$0x1CD8] =	vst v0  }
0x1c7: {  	[tilespmem:$0x1CE8] =	vst v0  }
0x1c8: {  	[tilespmem:$0x1CF8] =	vst v0  }
0x1c9: {  	[tilespmem:$0x1D08] =	vst v0  }
0x1ca: {  	[tilespmem:$0x1D18] =	vst v0  }
0x1cb: {  	[tilespmem:$0x1D28] =	vst v0  }
0x1cc: {  	[tilespmem:$0x1D38] =	vst v0  }
0x1cd: {  	[tilespmem:$0x1D48] =	vst v0  }
0x1ce: {  	[tilespmem:$0x1D58] =	vst v0  }
0x1cf: {  	[tilespmem:$0x1D68] =	vst v0  }
0x1d0: {  	[tilespmem:$0x1D78] =	vst v0  }
0x1d1: {  	[tilespmem:$0x1D88] =	vst v0  }
0x1d2: {  	[tilespmem:$0x1D98] =	vst v0  }
0x1d3: {  	[tilespmem:$0x1DA8] =	vst v0  }
0x1d4: {  	[tilespmem:$0x1DB8] =	vst v0  }
0x1d5: {  	[tilespmem:$0x1DC8] =	vst v0  }
0x1d6: {  	[tilespmem:$0x1DD8] =	vst v0  }
0x1d7: {  	[tilespmem:$0x1DE8] =	vst v0  }
0x1d8: {  	[tilespmem:$0x1DF8] =	vst v0  }
0x1d9: {  	[tilespmem:$0x1E08] =	vst v0  }
0x1da: {  	[tilespmem:$0x1E18] =	vst v0  }
0x1db: {  	[tilespmem:$0x1E28] =	vst v0  }
0x1dc: {  	[tilespmem:$0x1E38] =	vst v0  }
0x1dd: {  	[tilespmem:$0x1E48] =	vst v0  }
0x1de: {  	[tilespmem:$0x1E58] =	vst v0  }
0x1df: {  	[tilespmem:$0x1E68] =	vst v0  }
0x1e0: {  	[tilespmem:$0x1E78] =	vst v0  }
0x1e1: {  	[tilespmem:$0x1E88] =	vst v0  }
0x1e2: {  	[tilespmem:$0x1E98] =	vst v0  }
0x1e3: {  	[tilespmem:$0x1EA8] =	vst v0  }
0x1e4: {  	[tilespmem:$0x1EB8] =	vst v0  }
0x1e5: {  	[tilespmem:$0x1EC8] =	vst v0  }
0x1e6: {  	[tilespmem:$0x1ED8] =	vst v0  }
0x1e7: {  	[tilespmem:$0x1EE8] =	vst v0  }
0x1e8: {  	[tilespmem:$0x1EF8] =	vst v0  }
0x1e9: {  	[tilespmem:$0x1F08] =	vst v0  }
0x1ea: {  	[tilespmem:$0x1F18] =	vst v0  }
0x1eb: {  	[tilespmem:$0x1F28] =	vst v0  }
0x1ec: {  	[tilespmem:$0x1F38] =	vst v0  }
0x1ed: {  	[tilespmem:$0x1F48] =	vst v0  }
0x1ee: {  	[tilespmem:$0x1F58] =	vst v0  }
0x1ef: {  	[tilespmem:$0x1F68] =	vst v0  }
0x1f0: {  	[tilespmem:$0x1F78] =	vst v0  }
0x1f1: {  	[tilespmem:$0x1F88] =	vst v0  }
0x1f2: {  	[tilespmem:$0x1F98] =	vst v0  }
0x1f3: {  	[tilespmem:$0x1FA8] =	vst v0  }
0x1f4: {  	[tilespmem:$0x1FB8] =	vst v0  }
0x1f5: {  	[tilespmem:$0x1FC8] =	vst v0  }
0x1f6: {  	[tilespmem:$0x1FD8] =	vst v0  }
0x1f7: {  	[tilespmem:$0x1FE8] =	vst v0  }
0x1f8: {  	[tilespmem:$0x1FF8] =	vst v0  }
0x1f9: {  	[tilespmem:$0x2008] =	vst v0  }
0x1fa: {  	[tilespmem:$0x2018] =	vst v0  }
0x1fb: {  	[tilespmem:$0x2028] =	vst v0  }
0x1fc: {  	[tilespmem:$0x2038] =	vst v0  }
0x1fd: {  	[tilespmem:$0x2048] =	vst v0  }
0x1fe: {  	[tilespmem:$0x2058] =	vst v0  }
0x1ff: {  	[tilespmem:$0x2068] =	vst v0  }
0x200: {  	[tilespmem:$0x2078] =	vst v0  }
0x201: {  	[tilespmem:$0x2088] =	vst v0  }
0x202: {  	[tilespmem:$0x2098] =	vst v0  }
0x203: {  	[tilespmem:$0x20A8] =	vst v0  }
0x204: {  	[tilespmem:$0x20B8] =	vst v0  }
0x205: {  	[tilespmem:$0x20C8] =	vst v0  }
0x206: {  	[tilespmem:$0x20D8] =	vst v0  }
0x207: {  	[tilespmem:$0x20E8] =	vst v0  }
0x208: {  	[tilespmem:$0x20F8] =	vst v0  }
0x209: {  	[tilespmem:$0x2108] =	vst v0  }
0x20a: {  	[tilespmem:$0x2118] =	vst v0  }
0x20b: {  	[tilespmem:$0x2128] =	vst v0  }
0x20c: {  	[tilespmem:$0x2138] =	vst v0  }
0x20d: {  	[tilespmem:$0x2148] =	vst v0  }
0x20e: {  	[tilespmem:$0x2158] =	vst v0  }
0x20f: {  	[tilespmem:$0x2168] =	vst v0  }
0x210: {  	[tilespmem:$0x2178] =	vst v0  }
0x211: {  	[tilespmem:$0x2188] =	vst v0  }
0x212: {  	[tilespmem:$0x2198] =	vst v0  }
0x213: {  	[tilespmem:$0x21A8] =	vst v0  }
0x214: {  	[tilespmem:$0x21B8] =	vst v0  }
0x215: {  	[tilespmem:$0x21C8] =	vst v0  }
0x216: {  	[tilespmem:$0x21D8] =	vst v0  }
0x217: {  	[tilespmem:$0x21E8] =	vst v0  }
0x218: {  	[tilespmem:$0x21F8] =	vst v0  }
0x219: {  	[tilespmem:$0x2208] =	vst v0  }
0x21a: {  	[tilespmem:$0x2218] =	vst v0  }
0x21b: {  	[tilespmem:$0x2228] =	vst v0  }
0x21c: {  	[tilespmem:$0x2238] =	vst v0  }
0x21d: {  	[tilespmem:$0x2248] =	vst v0  }
0x21e: {  	[tilespmem:$0x2258] =	vst v0  }
0x21f: {  	[tilespmem:$0x2268] =	vst v0  }
0x220: {  	[tilespmem:$0x2278] =	vst v0  }
0x221: {  	[tilespmem:$0x2288] =	vst v0  }
0x222: {  	[tilespmem:$0x2298] =	vst v0  }
0x223: {  	[tilespmem:$0x22A8] =	vst v0  }
0x224: {  	[tilespmem:$0x22B8] =	vst v0  }
0x225: {  	[tilespmem:$0x22C8] =	vst v0  }
0x226: {  	[tilespmem:$0x22D8] =	vst v0  }
0x227: {  	[tilespmem:$0x22E8] =	vst v0  }
0x228: {  	[tilespmem:$0x22F8] =	vst v0  }
0x229: {  	[tilespmem:$0x2308] =	vst v0  }
0x22a: {  	[tilespmem:$0x2318] =	vst v0  }
0x22b: {  	[tilespmem:$0x2328] =	vst v0  }
0x22c: {  	[tilespmem:$0x2338] =	vst v0  }
0x22d: {  	[tilespmem:$0x2348] =	vst v0  }
0x22e: {  	[tilespmem:$0x2358] =	vst v0  }
0x22f: {  	[tilespmem:$0x2368] =	vst v0  }
0x230: {  	[tilespmem:$0x2378] =	vst v0  }
0x231: {  	[tilespmem:$0x2388] =	vst v0  }
0x232: {  	[tilespmem:$0x2398] =	vst v0  }
0x233: {  	[tilespmem:$0x23A8] =	vst v0  }
0x234: {  	[tilespmem:$0x23B8] =	vst v0  }
0x235: {  	[tilespmem:$0x23C8] =	vst v0  }
0x236: {  	[tilespmem:$0x23D8] =	vst v0  }
0x237: {  	[tilespmem:$0x23E8] =	vst v0  }
0x238: {  	[tilespmem:$0x23F8] =	vst v0  }
0x239: {  	[tilespmem:$0x2408] =	vst v0  }
0x23a: {  	[tilespmem:$0x2418] =	vst v0  }
0x23b: {  	[tilespmem:$0x2428] =	vst v0  }
0x23c: {  	[tilespmem:$0x2438] =	vst v0  }
0x23d: {  	[tilespmem:$0x2448] =	vst v0  }
0x23e: {  	[tilespmem:$0x2458] =	vst v0  }
0x23f: {  	[tilespmem:$0x2468] =	vst v0  }
0x240: {  	[tilespmem:$0x2478] =	vst v0  }
0x241: {  	[tilespmem:$0x2488] =	vst v0  }
0x242: {  	[tilespmem:$0x2498] =	vst v0  }
0x243: {  	[tilespmem:$0x24A8] =	vst v0  }
0x244: {  	[tilespmem:$0x24B8] =	vst v0  }
0x245: {  	[tilespmem:$0x24C8] =	vst v0  }
0x246: {  	[tilespmem:$0x24D8] =	vst v0  }
0x247: {  	[tilespmem:$0x24E8] =	vst v0  }
0x248: {  	[tilespmem:$0x24F8] =	vst v0  }
0x249: {  	[tilespmem:$0x2508] =	vst v0  }
0x24a: {  	[tilespmem:$0x2518] =	vst v0  }
0x24b: {  	[tilespmem:$0x2528] =	vst v0  }
0x24c: {  	[tilespmem:$0x2538] =	vst v0  }
0x24d: {  	[tilespmem:$0x2548] =	vst v0  }
0x24e: {  	[tilespmem:$0x2558] =	vst v0  }
0x24f: {  	[tilespmem:$0x2568] =	vst v0  }
0x250: {  	[tilespmem:$0x2578] =	vst v0  }
0x251: {  	[tilespmem:$0x2588] =	vst v0  }
0x252: {  	[tilespmem:$0x2598] =	vst v0  }
0x253: {  	[tilespmem:$0x25A8] =	vst v0  }
0x254: {  	[tilespmem:$0x25B8] =	vst v0  }
0x255: {  	[tilespmem:$0x25C8] =	vst v0  }
0x256: {  	[tilespmem:$0x25D8] =	vst v0  }
0x257: {  	[tilespmem:$0x25E8] =	vst v0  }
0x258: {  	[tilespmem:$0x25F8] =	vst v0  }
0x259: {  	[tilespmem:$0x2608] =	vst v0  }
0x25a: {  	[tilespmem:$0x2618] =	vst v0  }
0x25b: {  	[tilespmem:$0x2628] =	vst v0  }
0x25c: {  	[tilespmem:$0x2638] =	vst v0  }
0x25d: {  	[tilespmem:$0x2648] =	vst v0  }
0x25e: {  	[tilespmem:$0x2658] =	vst v0  }
0x25f: {  	[tilespmem:$0x2668] =	vst v0  }
0x260: {  	[tilespmem:$0x2678] =	vst v0  }
0x261: {  	[tilespmem:$0x2688] =	vst v0  }
0x262: {  	[tilespmem:$0x2698] =	vst v0  }
0x263: {  	[tilespmem:$0x26A8] =	vst v0  }
0x264: {  	[tilespmem:$0x26B8] =	vst v0  }
0x265: {  	[tilespmem:$0x26C8] =	vst v0  }
0x266: {  	[tilespmem:$0x26D8] =	vst v0  }
0x267: {  	[tilespmem:$0x26E8] =	vst v0  }
0x268: {  	[tilespmem:$0x26F8] =	vst v0  }
0x269: {  	[tilespmem:$0x2708] =	vst v0  }
0x26a: {  	[tilespmem:$0x2718] =	vst v0  }
0x26b: {  	[tilespmem:$0x2728] =	vst v0  }
0x26c: {  	[tilespmem:$0x2738] =	vst v0  }
0x26d: {  	[tilespmem:$0x2748] =	vst v0  }
0x26e: {  	[tilespmem:$0x2758] =	vst v0  }
0x26f: {  	[tilespmem:$0x2768] =	vst v0  }
0x270: {  	[tilespmem:$0x2778] =	vst v0  }
0x271: {  	[tilespmem:$0x2788] =	vst v0  }
0x272: {  	[tilespmem:$0x2798] =	vst v0  }
0x273: {  	[tilespmem:$0x27A8] =	vst v0  }
0x274: {  	[tilespmem:$0x27B8] =	vst v0  }
0x275: {  	[tilespmem:$0x27C8] =	vst v0  }
0x276: {  	[tilespmem:$0x27D8] =	vst v0  }
0x277: {  	[tilespmem:$0x27E8] =	vst v0  }
0x278: {  	[tilespmem:$0x27F8] =	vst v0  }
0x279: {  	[tilespmem:$0x2808] =	vst v0  }
0x27a: {  	[tilespmem:$0x2818] =	vst v0  }
0x27b: {  	[tilespmem:$0x2828] =	vst v0  }
0x27c: {  	[tilespmem:$0x2838] =	vst v0  }
0x27d: {  	[tilespmem:$0x2848] =	vst v0  }
0x27e: {  	[tilespmem:$0x2858] =	vst v0  }
0x27f: {  	[tilespmem:$0x2868] =	vst v0  }
0x280: {  	[tilespmem:$0x2878] =	vst v0  }
0x281: {  	[tilespmem:$0x2888] =	vst v0  }
0x282: {  	[tilespmem:$0x2898] =	vst v0  }
0x283: {  	[tilespmem:$0x28A8] =	vst v0  }
0x284: {  	[tilespmem:$0x28B8] =	vst v0  }
0x285: {  	[tilespmem:$0x28C8] =	vst v0  }
0x286: {  	[tilespmem:$0x28D8] =	vst v0  }
0x287: {  	[tilespmem:$0x28E8] =	vst v0  }
0x288: {  	[tilespmem:$0x28F8] =	vst v0  }
0x289: {  	[tilespmem:$0x2908] =	vst v0  }
0x28a: {  	[tilespmem:$0x2918] =	vst v0  }
0x28b: {  	[tilespmem:$0x2928] =	vst v0  }
0x28c: {  	[tilespmem:$0x2938] =	vst v0  }
0x28d: {  	[tilespmem:$0x2948] =	vst v0  }
0x28e: {  	[tilespmem:$0x2958] =	vst v0  }
0x28f: {  	[tilespmem:$0x2968] =	vst v0  }
0x290: {  	[tilespmem:$0x2978] =	vst v0  }
0x291: {  	[tilespmem:$0x2988] =	vst v0  }
0x292: {  	[tilespmem:$0x2998] =	vst v0  }
0x293: {  	[tilespmem:$0x29A8] =	vst v0  }
0x294: {  	[tilespmem:$0x29B8] =	vst v0  }
0x295: {  	[tilespmem:$0x29C8] =	vst v0  }
0x296: {  	[tilespmem:$0x29D8] =	vst v0  }
0x297: {  	[tilespmem:$0x29E8] =	vst v0  }
0x298: {  	[tilespmem:$0x29F8] =	vst v0  }
0x299: {  	[tilespmem:$0x2A08] =	vst v0  }
0x29a: {  	[tilespmem:$0x2A18] =	vst v0  }
0x29b: {  	[tilespmem:$0x2A28] =	vst v0  }
0x29c: {  	[tilespmem:$0x2A38] =	vst v0  }
0x29d: {  	[tilespmem:$0x2A48] =	vst v0  }
0x29e: {  	[tilespmem:$0x2A58] =	vst v0  }
0x29f: {  	[tilespmem:$0x2A68] =	vst v0  }
0x2a0: {  	[tilespmem:$0x2A78] =	vst v0  }
0x2a1: {  	[tilespmem:$0x2A88] =	vst v0  }
0x2a2: {  	[tilespmem:$0x2A98] =	vst v0  }
0x2a3: {  	[tilespmem:$0x2AA8] =	vst v0  }
0x2a4: {  	[tilespmem:$0x2AB8] =	vst v0  }
0x2a5: {  	[tilespmem:$0x2AC8] =	vst v0  }
0x2a6: {  	[tilespmem:$0x2AD8] =	vst v0  }
0x2a7: {  	[tilespmem:$0x2AE8] =	vst v0  }
0x2a8: {  	[tilespmem:$0x2AF8] =	vst v0  }
0x2a9: {  	[tilespmem:$0x2B08] =	vst v0  }
0x2aa: {  	[tilespmem:$0x2B18] =	vst v0  }
0x2ab: {  	[tilespmem:$0x2B28] =	vst v0  }
0x2ac: {  	[tilespmem:$0x2B38] =	vst v0  }
0x2ad: {  	[tilespmem:$0x2B48] =	vst v0  }
0x2ae: {  	[tilespmem:$0x2B58] =	vst v0  }
0x2af: {  	[tilespmem:$0x2B68] =	vst v0  }
0x2b0: {  	[tilespmem:$0x2B78] =	vst v0  }
0x2b1: {  	[tilespmem:$0x2B88] =	vst v0  }
0x2b2: {  	[tilespmem:$0x2B98] =	vst v0  }
0x2b3: {  	[tilespmem:$0x2BA8] =	vst v0  }
0x2b4: {  	[tilespmem:$0x2BB8] =	vst v0  }
0x2b5: {  	[tilespmem:$0x2BC8] =	vst v0  }
0x2b6: {  	[tilespmem:$0x2BD8] =	vst v0  }
0x2b7: {  	[tilespmem:$0x2BE8] =	vst v0  }
0x2b8: {  	[tilespmem:$0x2BF8] =	vst v0  }
0x2b9: {  	[tilespmem:$0x2C08] =	vst v0  }
0x2ba: {  	[tilespmem:$0x2C18] =	vst v0  }
0x2bb: {  	[tilespmem:$0x2C28] =	vst v0  }
0x2bc: {  	[tilespmem:$0x2C38] =	vst v0  }
0x2bd: {  	[tilespmem:$0x2C48] =	vst v0  }
0x2be: {  	[tilespmem:$0x2C58] =	vst v0  }
0x2bf: {  	[tilespmem:$0x2C68] =	vst v0  }
0x2c0: {  	[tilespmem:$0x2C78] =	vst v0  }
0x2c1: {  	[tilespmem:$0x2C88] =	vst v0  }
0x2c2: {  	[tilespmem:$0x2C98] =	vst v0  }
0x2c3: {  	[tilespmem:$0x2CA8] =	vst v0  }
0x2c4: {  	[tilespmem:$0x2CB8] =	vst v0  }
0x2c5: {  	[tilespmem:$0x2CC8] =	vst v0  }
0x2c6: {  	[tilespmem:$0x2CD8] =	vst v0  }
0x2c7: {  	[tilespmem:$0x2CE8] =	vst v0  }
0x2c8: {  	[tilespmem:$0x2CF8] =	vst v0  }
0x2c9: {  	[tilespmem:$0x2D08] =	vst v0  }
0x2ca: {  	[tilespmem:$0x2D18] =	vst v0  }
0x2cb: {  	[tilespmem:$0x2D28] =	vst v0  }
0x2cc: {  	[tilespmem:$0x2D38] =	vst v0  }
0x2cd: {  	[tilespmem:$0x2D48] =	vst v0  }
0x2ce: {  	[tilespmem:$0x2D58] =	vst v0  }
0x2cf: {  	[tilespmem:$0x2D68] =	vst v0  }
0x2d0: {  	[tilespmem:$0x2D78] =	vst v0  }
0x2d1: {  	[tilespmem:$0x2D88] =	vst v0  }
0x2d2: {  	[tilespmem:$0x2D98] =	vst v0  }
0x2d3: {  	[tilespmem:$0x2DA8] =	vst v0  }
0x2d4: {  	[tilespmem:$0x2DB8] =	vst v0  }
0x2d5: {  	[tilespmem:$0x2DC8] =	vst v0  }
0x2d6: {  	[tilespmem:$0x2DD8] =	vst v0  }
0x2d7: {  	[tilespmem:$0x2DE8] =	vst v0  }
0x2d8: {  	[tilespmem:$0x2DF8] =	vst v0  }
0x2d9: {  	[tilespmem:$0x2E08] =	vst v0  }
0x2da: {  	[tilespmem:$0x2E18] =	vst v0  }
0x2db: {  	[tilespmem:$0x2E28] =	vst v0  }
0x2dc: {  	[tilespmem:$0x2E38] =	vst v0  }
0x2dd: {  	[tilespmem:$0x2E48] =	vst v0  }
0x2de: {  	[tilespmem:$0x2E58] =	vst v0  }
0x2df: {  	[tilespmem:$0x2E68] =	vst v0  }
0x2e0: {  	[tilespmem:$0x2E78] =	vst v0  }
0x2e1: {  	[tilespmem:$0x2E88] =	vst v0  }
0x2e2: {  	[tilespmem:$0x2E98] =	vst v0  }
0x2e3: {  	[tilespmem:$0x2EA8] =	vst v0  }
0x2e4: {  	[tilespmem:$0x2EB8] =	vst v0  }
0x2e5: {  	[tilespmem:$0x2EC8] =	vst v0  }
0x2e6: {  	[tilespmem:$0x2ED8] =	vst v0  }
0x2e7: {  	[tilespmem:$0x2EE8] =	vst v0  }
0x2e8: {  	[tilespmem:$0x2EF8] =	vst v0  }
0x2e9: {  	[tilespmem:$0x2F08] =	vst v0  }
0x2ea: {  	[tilespmem:$0x2F18] =	vst v0  }
0x2eb: {  	[tilespmem:$0x2F28] =	vst v0  }
0x2ec: {  	[tilespmem:$0x2F38] =	vst v0  }
0x2ed: {  	[tilespmem:$0x2F48] =	vst v0  }
0x2ee: {  	[tilespmem:$0x2F58] =	vst v0  }
0x2ef: {  	[tilespmem:$0x2F68] =	vst v0  }
0x2f0: {  	[tilespmem:$0x2F78] =	vst v0  }
0x2f1: {  	[tilespmem:$0x2F88] =	vst v0  }
0x2f2: {  	[tilespmem:$0x2F98] =	vst v0  }
0x2f3: {  	[tilespmem:$0x2FA8] =	vst v0  }
0x2f4: {  	[tilespmem:$0x2FB8] =	vst v0  }
0x2f5: {  	[tilespmem:$0x2FC8] =	vst v0  }
0x2f6: {  	[tilespmem:$0x2FD8] =	vst v0  }
0x2f7: {  	[tilespmem:$0x2FE8] =	vst v0  }
0x2f8: {  	[tilespmem:$0x2FF8] =	vst v0  }
0x2f9: {  	[tilespmem:$0x3008] =	vst v0  }
0x2fa: {  	[tilespmem:$0x3018] =	vst v0  }
0x2fb: {  	[tilespmem:$0x3028] =	vst v0  }
0x2fc: {  	[tilespmem:$0x3038] =	vst v0  }
0x2fd: {  	[tilespmem:$0x3048] =	vst v0  }
0x2fe: {  	[tilespmem:$0x3058] =	vst v0  }
0x2ff: {  	[tilespmem:$0x3068] =	vst v0  }
0x300: {  	[tilespmem:$0x3078] =	vst v0  }
0x301: {  	[tilespmem:$0x3088] =	vst v0  }
0x302: {  	[tilespmem:$0x3098] =	vst v0  }
0x303: {  	[tilespmem:$0x30A8] =	vst v0  }
0x304: {  	[tilespmem:$0x30B8] =	vst v0  }
0x305: {  	[tilespmem:$0x30C8] =	vst v0  }
0x306: {  	[tilespmem:$0x30D8] =	vst v0  }
0x307: {  	[tilespmem:$0x30E8] =	vst v0  }
0x308: {  	[tilespmem:$0x30F8] =	vst v0  }
0x309: {  	[tilespmem:$0x3108] =	vst v0  }
0x30a: {  	[tilespmem:$0x3118] =	vst v0  }
0x30b: {  	[tilespmem:$0x3128] =	vst v0  }
0x30c: {  	[tilespmem:$0x3138] =	vst v0  }
0x30d: {  	[tilespmem:$0x3148] =	vst v0  }
0x30e: {  	[tilespmem:$0x3158] =	vst v0  }
0x30f: {  	[tilespmem:$0x3168] =	vst v0  }
0x310: {  	[tilespmem:$0x3178] =	vst v0  }
0x311: {  	[tilespmem:$0x3188] =	vst v0  }
0x312: {  	[tilespmem:$0x3198] =	vst v0  }
0x313: {  	[tilespmem:$0x31A8] =	vst v0  }
0x314: {  	[tilespmem:$0x31B8] =	vst v0  }
0x315: {  	[tilespmem:$0x31C8] =	vst v0  }
0x316: {  	[tilespmem:$0x31D8] =	vst v0  }
0x317: {  	[tilespmem:$0x31E8] =	vst v0  }
0x318: {  	[tilespmem:$0x31F8] =	vst v0  }
0x319: {  	[tilespmem:$0x3208] =	vst v0  }
0x31a: {  	[tilespmem:$0x3218] =	vst v0  }
0x31b: {  	[tilespmem:$0x3228] =	vst v0  }
0x31c: {  	[tilespmem:$0x3238] =	vst v0  }
0x31d: {  	[tilespmem:$0x3248] =	vst v0  }
0x31e: {  	[tilespmem:$0x3258] =	vst v0  }
0x31f: {  	[tilespmem:$0x3268] =	vst v0  }
0x320: {  	[tilespmem:$0x3278] =	vst v0  }
0x321: {  	[tilespmem:$0x3288] =	vst v0  }
0x322: {  	[tilespmem:$0x3298] =	vst v0  }
0x323: {  	[tilespmem:$0x32A8] =	vst v0  }
0x324: {  	[tilespmem:$0x32B8] =	vst v0  }
0x325: {  	[tilespmem:$0x32C8] =	vst v0  }
0x326: {  	[tilespmem:$0x32D8] =	vst v0  }
0x327: {  	[tilespmem:$0x32E8] =	vst v0  }
0x328: {  	[tilespmem:$0x32F8] =	vst v0  }
0x329: {  	[tilespmem:$0x3308] =	vst v0  }
0x32a: {  	[tilespmem:$0x3318] =	vst v0  }
0x32b: {  	[tilespmem:$0x3328] =	vst v0  }
0x32c: {  	[tilespmem:$0x3338] =	vst v0  }
0x32d: {  	[tilespmem:$0x3348] =	vst v0  }
0x32e: {  	[tilespmem:$0x3358] =	vst v0  }
0x32f: {  	[tilespmem:$0x3368] =	vst v0  }
0x330: {  	[tilespmem:$0x3378] =	vst v0  }
0x331: {  	[tilespmem:$0x3388] =	vst v0  }
0x332: {  	[tilespmem:$0x3398] =	vst v0  }
0x333: {  	[tilespmem:$0x33A8] =	vst v0  }
0x334: {  	[tilespmem:$0x33B8] =	vst v0  }
0x335: {  	[tilespmem:$0x33C8] =	vst v0  }
0x336: {  	[tilespmem:$0x33D8] =	vst v0  }
0x337: {  	[tilespmem:$0x33E8] =	vst v0  }
0x338: {  	[tilespmem:$0x33F8] =	vst v0  }
0x339: {  	[tilespmem:$0x3408] =	vst v0  }
0x33a: {  	[tilespmem:$0x3418] =	vst v0  }
0x33b: {  	[tilespmem:$0x3428] =	vst v0  }
0x33c: {  	[tilespmem:$0x3438] =	vst v0  }
0x33d: {  	[tilespmem:$0x3448] =	vst v0  }
0x33e: {  	[tilespmem:$0x3458] =	vst v0  }
0x33f: {  	[tilespmem:$0x3468] =	vst v0  }
0x340: {  	[tilespmem:$0x3478] =	vst v0  }
0x341: {  	[tilespmem:$0x3488] =	vst v0  }
0x342: {  	[tilespmem:$0x3498] =	vst v0  }
0x343: {  	[tilespmem:$0x34A8] =	vst v0  }
0x344: {  	[tilespmem:$0x34B8] =	vst v0  }
0x345: {  	[tilespmem:$0x34C8] =	vst v0  }
0x346: {  	[tilespmem:$0x34D8] =	vst v0  }
0x347: {  	[tilespmem:$0x34E8] =	vst v0  }
0x348: {  	[tilespmem:$0x34F8] =	vst v0  }
0x349: {  	[tilespmem:$0x3508] =	vst v0  }
0x34a: {  	[tilespmem:$0x3518] =	vst v0  }
0x34b: {  	[tilespmem:$0x3528] =	vst v0  }
0x34c: {  	[tilespmem:$0x3538] =	vst v0  }
0x34d: {  	[tilespmem:$0x3548] =	vst v0  }
0x34e: {  	[tilespmem:$0x3558] =	vst v0  }
0x34f: {  	[tilespmem:$0x3568] =	vst v0  }
0x350: {  	[tilespmem:$0x3578] =	vst v0  }
0x351: {  	[tilespmem:$0x3588] =	vst v0  }
0x352: {  	[tilespmem:$0x3598] =	vst v0  }
0x353: {  	[tilespmem:$0x35A8] =	vst v0  }
0x354: {  	[tilespmem:$0x35B8] =	vst v0  }
0x355: {  	[tilespmem:$0x35C8] =	vst v0  }
0x356: {  	[tilespmem:$0x35D8] =	vst v0  }
0x357: {  	[tilespmem:$0x35E8] =	vst v0  }
0x358: {  	[tilespmem:$0x35F8] =	vst v0  }
0x359: {  	[tilespmem:$0x3608] =	vst v0  }
0x35a: {  	[tilespmem:$0x3618] =	vst v0  }
0x35b: {  	[tilespmem:$0x3628] =	vst v0  }
0x35c: {  	[tilespmem:$0x3638] =	vst v0  }
0x35d: {  	[tilespmem:$0x3648] =	vst v0  }
0x35e: {  	[tilespmem:$0x3658] =	vst v0  }
0x35f: {  	[tilespmem:$0x3668] =	vst v0  }
0x360: {  	[tilespmem:$0x3678] =	vst v0  }
0x361: {  	[tilespmem:$0x3688] =	vst v0  }
0x362: {  	[tilespmem:$0x3698] =	vst v0  }
0x363: {  	[tilespmem:$0x36A8] =	vst v0  }
0x364: {  	[tilespmem:$0x36B8] =	vst v0  }
0x365: {  	[tilespmem:$0x36C8] =	vst v0  }
0x366: {  	[tilespmem:$0x36D8] =	vst v0  }
0x367: {  	[tilespmem:$0x36E8] =	vst v0  }
0x368: {  	[tilespmem:$0x36F8] =	vst v0  }
0x369: {  	[tilespmem:$0x3708] =	vst v0  }
0x36a: {  	[tilespmem:$0x3718] =	vst v0  }
0x36b: {  	[tilespmem:$0x3728] =	vst v0  }
0x36c: {  	[tilespmem:$0x3738] =	vst v0  }
0x36d: {  	[tilespmem:$0x3748] =	vst v0  }
0x36e: {  	[tilespmem:$0x3758] =	vst v0  }
0x36f: {  	[tilespmem:$0x3768] =	vst v0  }
0x370: {  	[tilespmem:$0x3778] =	vst v0  }
0x371: {  	[tilespmem:$0x3788] =	vst v0  }
0x372: {  	[tilespmem:$0x3798] =	vst v0  }
0x373: {  	[tilespmem:$0x37A8] =	vst v0  }
0x374: {  	[tilespmem:$0x37B8] =	vst v0  }
0x375: {  	[tilespmem:$0x37C8] =	vst v0  }
0x376: {  	[tilespmem:$0x37D8] =	vst v0  }
0x377: {  	[tilespmem:$0x37E8] =	vst v0  }
0x378: {  	[tilespmem:$0x37F8] =	vst v0  }
0x379: {  	[tilespmem:$0x3808] =	vst v0  }
0x37a: {  	[tilespmem:$0x3818] =	vst v0  }
0x37b: {  	[tilespmem:$0x3828] =	vst v0  }
0x37c: {  	[tilespmem:$0x3838] =	vst v0  }
0x37d: {  	[tilespmem:$0x3848] =	vst v0  }
0x37e: {  	[tilespmem:$0x3858] =	vst v0  }
0x37f: {  	[tilespmem:$0x3868] =	vst v0  }
0x380: {  	[tilespmem:$0x3878] =	vst v0  }
0x381: {  	[tilespmem:$0x3888] =	vst v0  }
0x382: {  	[tilespmem:$0x3898] =	vst v0  }
0x383: {  	[tilespmem:$0x38A8] =	vst v0  }
0x384: {  	[tilespmem:$0x38B8] =	vst v0  }
0x385: {  	[tilespmem:$0x38C8] =	vst v0  }
0x386: {  	[tilespmem:$0x38D8] =	vst v0  }
0x387: {  	[tilespmem:$0x38E8] =	vst v0  }
0x388: {  	[tilespmem:$0x38F8] =	vst v0  }
0x389: {  	[tilespmem:$0x3908] =	vst v0  }
0x38a: {  	[tilespmem:$0x3918] =	vst v0  }
0x38b: {  	[tilespmem:$0x3928] =	vst v0  }
0x38c: {  	[tilespmem:$0x3938] =	vst v0  }
0x38d: {  	[tilespmem:$0x3948] =	vst v0  }
0x38e: {  	[tilespmem:$0x3958] =	vst v0  }
0x38f: {  	[tilespmem:$0x3968] =	vst v0  }
0x390: {  	[tilespmem:$0x3978] =	vst v0  }
0x391: {  	[tilespmem:$0x3988] =	vst v0  }
0x392: {  	[tilespmem:$0x3998] =	vst v0  }
0x393: {  	[tilespmem:$0x39A8] =	vst v0  }
0x394: {  	[tilespmem:$0x39B8] =	vst v0  }
0x395: {  	[tilespmem:$0x39C8] =	vst v0  }
0x396: {  	[tilespmem:$0x39D8] =	vst v0  }
0x397: {  	[tilespmem:$0x39E8] =	vst v0  }
0x398: {  	[tilespmem:$0x39F8] =	vst v0  }
0x399: {  	[tilespmem:$0x3A08] =	vst v0  }
0x39a: {  	[tilespmem:$0x3A18] =	vst v0  }
0x39b: {  	[tilespmem:$0x3A28] =	vst v0  }
0x39c: {  	[tilespmem:$0x3A38] =	vst v0  }
0x39d: {  	[tilespmem:$0x3A48] =	vst v0  }
0x39e: {  	[tilespmem:$0x3A58] =	vst v0  }
0x39f: {  	[tilespmem:$0x3A68] =	vst v0  }
0x3a0: {  	[tilespmem:$0x3A78] =	vst v0  }
0x3a1: {  	[tilespmem:$0x3A88] =	vst v0  }
0x3a2: {  	[tilespmem:$0x3A98] =	vst v0  }
0x3a3: {  	[tilespmem:$0x3AA8] =	vst v0  }
0x3a4: {  	[tilespmem:$0x3AB8] =	vst v0  }
0x3a5: {  	[tilespmem:$0x3AC8] =	vst v0  }
0x3a6: {  	[tilespmem:$0x3AD8] =	vst v0  }
0x3a7: {  	[tilespmem:$0x3AE8] =	vst v0  }
0x3a8: {  	[tilespmem:$0x3AF8] =	vst v0  }
0x3a9: {  	[tilespmem:$0x3B08] =	vst v0  }
0x3aa: {  	[tilespmem:$0x3B18] =	vst v0  }
0x3ab: {  	[tilespmem:$0x3B28] =	vst v0  }
0x3ac: {  	[tilespmem:$0x3B38] =	vst v0  }
0x3ad: {  	[tilespmem:$0x3B48] =	vst v0  }
0x3ae: {  	[tilespmem:$0x3B58] =	vst v0  }
0x3af: {  	[tilespmem:$0x3B68] =	vst v0  }
0x3b0: {  	[tilespmem:$0x3B78] =	vst v0  }
0x3b1: {  	[tilespmem:$0x3B88] =	vst v0  }
0x3b2: {  	[tilespmem:$0x3B98] =	vst v0  }
0x3b3: {  	[tilespmem:$0x3BA8] =	vst v0  }
0x3b4: {  	[tilespmem:$0x3BB8] =	vst v0  }
0x3b5: {  	[tilespmem:$0x3BC8] =	vst v0  }
0x3b6: {  	[tilespmem:$0x3BD8] =	vst v0  }
0x3b7: {  	[tilespmem:$0x3BE8] =	vst v0  }
0x3b8: {  	[tilespmem:$0x3BF8] =	vst v0  }
0x3b9: {  	[tilespmem:$0x3C08] =	vst v0  }
0x3ba: {  	[tilespmem:$0x3C18] =	vst v0  }
0x3bb: {  	[tilespmem:$0x3C28] =	vst v0  }
0x3bc: {  	[tilespmem:$0x3C38] =	vst v0  }
0x3bd: {  	[tilespmem:$0x3C48] =	vst v0  }
0x3be: {  	[tilespmem:$0x3C58] =	vst v0  }
0x3bf: {  	[tilespmem:$0x3C68] =	vst v0  }
0x3c0: {  	[tilespmem:$0x3C78] =	vst v0  }
0x3c1: {  	[tilespmem:$0x3C88] =	vst v0  }
0x3c2: {  	[tilespmem:$0x3C98] =	vst v0  }
0x3c3: {  	[tilespmem:$0x3CA8] =	vst v0  }
0x3c4: {  	[tilespmem:$0x3CB8] =	vst v0  }
0x3c5: {  	[tilespmem:$0x3CC8] =	vst v0  }
0x3c6: {  	[tilespmem:$0x3CD8] =	vst v0  }
0x3c7: {  	[tilespmem:$0x3CE8] =	vst v0  }
0x3c8: {  	[tilespmem:$0x3CF8] =	vst v0  }
0x3c9: {  	[tilespmem:$0x3D08] =	vst v0  }
0x3ca: {  	[tilespmem:$0x3D18] =	vst v0  }
0x3cb: {  	[tilespmem:$0x3D28] =	vst v0  }
0x3cc: {  	[tilespmem:$0x3D38] =	vst v0  }
0x3cd: {  	[tilespmem:$0x3D48] =	vst v0  }
0x3ce: {  	[tilespmem:$0x3D58] =	vst v0  }
0x3cf: {  	[tilespmem:$0x3D68] =	vst v0  }
0x3d0: {  	[tilespmem:$0x3D78] =	vst v0  }
0x3d1: {  	[tilespmem:$0x3D88] =	vst v0  }
0x3d2: {  	[tilespmem:$0x3D98] =	vst v0  }
0x3d3: {  	[tilespmem:$0x3DA8] =	vst v0  }
0x3d4: {  	[tilespmem:$0x3DB8] =	vst v0  }
0x3d5: {  	[tilespmem:$0x3DC8] =	vst v0  }
0x3d6: {  	[tilespmem:$0x3DD8] =	vst v0  }
0x3d7: {  	[tilespmem:$0x3DE8] =	vst v0  }
0x3d8: {  	[tilespmem:$0x3DF8] =	vst v0  }
0x3d9: {  	[tilespmem:$0x3E08] =	vst v0  }
0x3da: {  	[tilespmem:$0x3E18] =	vst v0  }
0x3db: {  	[tilespmem:$0x3E28] =	vst v0  }
0x3dc: {  	[tilespmem:$0x3E38] =	vst v0  }
0x3dd: {  	[tilespmem:$0x3E48] =	vst v0  }
0x3de: {  	[tilespmem:$0x3E58] =	vst v0  }
0x3df: {  	[tilespmem:$0x3E68] =	vst v0  }
0x3e0: {  	[tilespmem:$0x3E78] =	vst v0  }
0x3e1: {  	[tilespmem:$0x3E88] =	vst v0  }
0x3e2: {  	[tilespmem:$0x3E98] =	vst v0  }
0x3e3: {  	[tilespmem:$0x3EA8] =	vst v0  }
0x3e4: {  	[tilespmem:$0x3EB8] =	vst v0  }
0x3e5: {  	[tilespmem:$0x3EC8] =	vst v0  }
0x3e6: {  	[tilespmem:$0x3ED8] =	vst v0  }
0x3e7: {  	[tilespmem:$0x3EE8] =	vst v0  }
0x3e8: {  	[tilespmem:$0x3EF8] =	vst v0  }
0x3e9: {  	[tilespmem:$0x3F08] =	vst v0  }
0x3ea: {  	[tilespmem:$0x3F18] =	vst v0  }
0x3eb: {  	[tilespmem:$0x3F28] =	vst v0  }
0x3ec: {  	[tilespmem:$0x3F38] =	vst v0  }
0x3ed: {  	[tilespmem:$0x3F48] =	vst v0  }
0x3ee: {  	[tilespmem:$0x3F58] =	vst v0  }
0x3ef: {  	[tilespmem:$0x3F68] =	vst v0  }
0x3f0: {  	[tilespmem:$0x3F78] =	vst v0  }
0x3f1: {  	[tilespmem:$0x3F88] =	vst v0  }
0x3f2: {  	[tilespmem:$0x3F98] =	vst v0  }
0x3f3: {  	[tilespmem:$0x3FA8] =	vst v0  }
0x3f4: {  	[tilespmem:$0x3FB8] =	vst v0  }
0x3f5: {  	[tilespmem:$0x3FC8] =	vst v0  }
0x3f6: {  	[tilespmem:$0x3FD8] =	vst v0  }
0x3f7: {  	[tilespmem:$0x3FE8] =	vst v0  }
0x3f8: {  	[tilespmem:$0x3FF8] =	vst v0  }
0x3f9: {  	[tilespmem:$0x4008] =	vst v0  }
0x3fa: {  	[tilespmem:$0x4018] =	vst v0  }
0x3fb: {  	[tilespmem:$0x4028] =	vst v0  }
0x3fc: {  	[tilespmem:$0x4038] =	vst v0  }
0x3fd: {  	[tilespmem:$0x4048] =	vst v0  }
0x3fe: {  	[tilespmem:$0x4058] =	vst v0  }
0x3ff: {  	[tilespmem:$0x4068] =	vst v0  }
0x400: {  	[tilespmem:$0x4078] =	vst v0  }
0x401: {  	[tilespmem:$0x4088] =	vst v0  }
0x402: {  	[tilespmem:$0x4098] =	vst v0  }
0x403: {  	[tilespmem:$0x40A8] =	vst v0  }
0x404: {  	[tilespmem:$0x40B8] =	vst v0  }
0x405: {  	[tilespmem:$0x40C8] =	vst v0  }
0x406: {  	[tilespmem:$0x40D8] =	vst v0  }
0x407: {  	[tilespmem:$0x40E8] =	vst v0  }
0x408: {  	[tilespmem:$0x40F8] =	vst v0  }
0x409: {  	[tilespmem:$0x4108] =	vst v0  }
0x40a: {  	[tilespmem:$0x4118] =	vst v0  }
0x40b: {  	[tilespmem:$0x4128] =	vst v0  }
0x40c: {  	[tilespmem:$0x4138] =	vst v0  }
0x40d: {  	[tilespmem:$0x4148] =	vst v0  }
0x40e: {  	[tilespmem:$0x4158] =	vst v0  }
0x40f: {  	[tilespmem:$0x4168] =	vst v0  }
0x410: {  	[tilespmem:$0x4178] =	vst v0  }
0x411: {  	[tilespmem:$0x4188] =	vst v0  }
0x412: {  	[tilespmem:$0x4198] =	vst v0  }
0x413: {  	[tilespmem:$0x41A8] =	vst v0  }
0x414: {  	[tilespmem:$0x41B8] =	vst v0  }
0x415: {  	[tilespmem:$0x41C8] =	vst v0  }
0x416: {  	[tilespmem:$0x41D8] =	vst v0  }
0x417: {  	[tilespmem:$0x41E8] =	vst v0  }
0x418: {  	[tilespmem:$0x41F8] =	vst v0  }
0x419: {  	[tilespmem:$0x4208] =	vst v0  }
0x41a: {  	[tilespmem:$0x4218] =	vst v0  }
0x41b: {  	[tilespmem:$0x4228] =	vst v0  }
0x41c: {  	[tilespmem:$0x4238] =	vst v0  }
0x41d: {  	[tilespmem:$0x4248] =	vst v0  }
0x41e: {  	[tilespmem:$0x4258] =	vst v0  }
0x41f: {  	[tilespmem:$0x4268] =	vst v0  }
0x420: {  	[tilespmem:$0x4278] =	vst v0  }
0x421: {  	[tilespmem:$0x4288] =	vst v0  }
0x422: {  	[tilespmem:$0x4298] =	vst v0  }
0x423: {  	[tilespmem:$0x42A8] =	vst v0  }
0x424: {  	[tilespmem:$0x42B8] =	vst v0  }
0x425: {  	[tilespmem:$0x42C8] =	vst v0  }
0x426: {  	[tilespmem:$0x42D8] =	vst v0  }
0x427: {  	[tilespmem:$0x42E8] =	vst v0  }
0x428: {  	[tilespmem:$0x42F8] =	vst v0  }
0x429: {  	[tilespmem:$0x4308] =	vst v0  }
0x42a: {  	[tilespmem:$0x4318] =	vst v0  }
0x42b: {  	[tilespmem:$0x4328] =	vst v0  }
0x42c: {  	[tilespmem:$0x4338] =	vst v0  }
0x42d: {  	[tilespmem:$0x4348] =	vst v0  }
0x42e: {  	[tilespmem:$0x4358] =	vst v0  }
0x42f: {  	[tilespmem:$0x4368] =	vst v0  }
0x430: {  	[tilespmem:$0x4378] =	vst v0  }
0x431: {  	[tilespmem:$0x4388] =	vst v0  }
0x432: {  	[tilespmem:$0x4398] =	vst v0  }
0x433: {  	[tilespmem:$0x43A8] =	vst v0  }
0x434: {  	[tilespmem:$0x43B8] =	vst v0  }
0x435: {  	[tilespmem:$0x43C8] =	vst v0  }
0x436: {  	[tilespmem:$0x43D8] =	vst v0  }
0x437: {  	[tilespmem:$0x43E8] =	vst v0  }
0x438: {  	[tilespmem:$0x43F8] =	vst v0  }
0x439: {  	[tilespmem:$0x4408] =	vst v0  }
0x43a: {  	[tilespmem:$0x4418] =	vst v0  }
0x43b: {  	[tilespmem:$0x4428] =	vst v0  }
0x43c: {  	[tilespmem:$0x4438] =	vst v0  }
0x43d: {  	[tilespmem:$0x4448] =	vst v0  }
0x43e: {  	[tilespmem:$0x4458] =	vst v0  }
0x43f: {  	[tilespmem:$0x4468] =	vst v0  }
0x440: {  	[tilespmem:$0x4478] =	vst v0  }
0x441: {  	[tilespmem:$0x4488] =	vst v0  }
0x442: {  	[tilespmem:$0x4498] =	vst v0  }
0x443: {  	[tilespmem:$0x44A8] =	vst v0  }
0x444: {  	[tilespmem:$0x44B8] =	vst v0  }
0x445: {  	[tilespmem:$0x44C8] =	vst v0  }
0x446: {  	[tilespmem:$0x44D8] =	vst v0  }
0x447: {  	[tilespmem:$0x44E8] =	vst v0  }
0x448: {  	[tilespmem:$0x44F8] =	vst v0  }
0x449: {  	[tilespmem:$0x4508] =	vst v0  }
0x44a: {  	[tilespmem:$0x4518] =	vst v0  }
0x44b: {  	[tilespmem:$0x4528] =	vst v0  }
0x44c: {  	[tilespmem:$0x4538] =	vst v0  }
0x44d: {  	[tilespmem:$0x4548] =	vst v0  }
0x44e: {  	[tilespmem:$0x4558] =	vst v0  }
0x44f: {  	[tilespmem:$0x4568] =	vst v0  }
0x450: {  	[tilespmem:$0x4578] =	vst v0  }
0x451: {  	[tilespmem:$0x4588] =	vst v0  }
0x452: {  	[tilespmem:$0x4598] =	vst v0  }
0x453: {  	[tilespmem:$0x45A8] =	vst v0  }
0x454: {  	[tilespmem:$0x45B8] =	vst v0  }
0x455: {  	[tilespmem:$0x45C8] =	vst v0  }
0x456: {  	[tilespmem:$0x45D8] =	vst v0  }
0x457: {  	[tilespmem:$0x45E8] =	vst v0  }
0x458: {  	[tilespmem:$0x45F8] =	vst v0  }
0x459: {  	[tilespmem:$0x4608] =	vst v0  }
0x45a: {  	[tilespmem:$0x4618] =	vst v0  }
0x45b: {  	[tilespmem:$0x4628] =	vst v0  }
0x45c: {  	[tilespmem:$0x4638] =	vst v0  }
0x45d: {  	[tilespmem:$0x4648] =	vst v0  }
0x45e: {  	[tilespmem:$0x4658] =	vst v0  }
0x45f: {  	[tilespmem:$0x4668] =	vst v0  }
0x460: {  	[tilespmem:$0x4678] =	vst v0  }
0x461: {  	[tilespmem:$0x4688] =	vst v0  }
0x462: {  	[tilespmem:$0x4698] =	vst v0  }
0x463: {  	[tilespmem:$0x46A8] =	vst v0  }
0x464: {  	[tilespmem:$0x46B8] =	vst v0  }
0x465: {  	[tilespmem:$0x46C8] =	vst v0  }
0x466: {  	[tilespmem:$0x46D8] =	vst v0  }
0x467: {  	[tilespmem:$0x46E8] =	vst v0  }
0x468: {  	[tilespmem:$0x46F8] =	vst v0  }
0x469: {  	[tilespmem:$0x4708] =	vst v0  }
0x46a: {  	[tilespmem:$0x4718] =	vst v0  }
0x46b: {  	[tilespmem:$0x4728] =	vst v0  }
0x46c: {  	[tilespmem:$0x4738] =	vst v0  }
0x46d: {  	[tilespmem:$0x4748] =	vst v0  }
0x46e: {  	[tilespmem:$0x4758] =	vst v0  }
0x46f: {  	[tilespmem:$0x4768] =	vst v0  }
0x470: {  	[tilespmem:$0x4778] =	vst v0  }
0x471: {  	[tilespmem:$0x4788] =	vst v0  }
0x472: {  	[tilespmem:$0x4798] =	vst v0  }
0x473: {  	[tilespmem:$0x47A8] =	vst v0  }
0x474: {  	[tilespmem:$0x47B8] =	vst v0  }
0x475: {  	[tilespmem:$0x47C8] =	vst v0  }
0x476: {  	[tilespmem:$0x47D8] =	vst v0  }
0x477: {  	[tilespmem:$0x47E8] =	vst v0  }
0x478: {  	[tilespmem:$0x47F8] =	vst v0  }
0x479: {  	[tilespmem:$0x4808] =	vst v0  }
0x47a: {  	[tilespmem:$0x4818] =	vst v0  }
0x47b: {  	[tilespmem:$0x4828] =	vst v0  }
0x47c: {  	[tilespmem:$0x4838] =	vst v0  }
0x47d: {  	[tilespmem:$0x4848] =	vst v0  }
0x47e: {  	[tilespmem:$0x4858] =	vst v0  }
0x47f: {  	[tilespmem:$0x4868] =	vst v0  }
0x480: {  	[tilespmem:$0x4878] =	vst v0  }
0x481: {  	[tilespmem:$0x4888] =	vst v0  }
0x482: {  	[tilespmem:$0x4898] =	vst v0  }
0x483: {  	[tilespmem:$0x48A8] =	vst v0  }
0x484: {  	[tilespmem:$0x48B8] =	vst v0  }
0x485: {  	[tilespmem:$0x48C8] =	vst v0  }
0x486: {  	[tilespmem:$0x48D8] =	vst v0  }
0x487: {  	[tilespmem:$0x48E8] =	vst v0  }
0x488: {  	[tilespmem:$0x48F8] =	vst v0  }
0x489: {  	[tilespmem:$0x4908] =	vst v0  }
0x48a: {  	[tilespmem:$0x4918] =	vst v0  }
0x48b: {  	[tilespmem:$0x4928] =	vst v0  }
0x48c: {  	[tilespmem:$0x4938] =	vst v0  }
0x48d: {  	[tilespmem:$0x4948] =	vst v0  }
0x48e: {  	[tilespmem:$0x4958] =	vst v0  }
0x48f: {  	[tilespmem:$0x4968] =	vst v0  }
0x490: {  	[tilespmem:$0x4978] =	vst v0  }
0x491: {  	[tilespmem:$0x4988] =	vst v0  }
0x492: {  	[tilespmem:$0x4998] =	vst v0  }
0x493: {  	[tilespmem:$0x49A8] =	vst v0  }
0x494: {  	[tilespmem:$0x49B8] =	vst v0  }
0x495: {  	[tilespmem:$0x49C8] =	vst v0  }
0x496: {  	[tilespmem:$0x49D8] =	vst v0  }
0x497: {  	[tilespmem:$0x49E8] =	vst v0  }
0x498: {  	[tilespmem:$0x49F8] =	vst v0  }
0x499: {  	[tilespmem:$0x4A08] =	vst v0  }
0x49a: {  	[tilespmem:$0x4A18] =	vst v0  }
0x49b: {  	[tilespmem:$0x4A28] =	vst v0  }
0x49c: {  	[tilespmem:$0x4A38] =	vst v0  }
0x49d: {  	[tilespmem:$0x4A48] =	vst v0  }
0x49e: {  	[tilespmem:$0x4A58] =	vst v0  }
0x49f: {  	[tilespmem:$0x4A68] =	vst v0  }
0x4a0: {  	[tilespmem:$0x4A78] =	vst v0  }
0x4a1: {  	[tilespmem:$0x4A88] =	vst v0  }
0x4a2: {  	[tilespmem:$0x4A98] =	vst v0  }
0x4a3: {  	[tilespmem:$0x4AA8] =	vst v0  }
0x4a4: {  	[tilespmem:$0x4AB8] =	vst v0  }
0x4a5: {  	[tilespmem:$0x4AC8] =	vst v0  }
0x4a6: {  	[tilespmem:$0x4AD8] =	vst v0  }
0x4a7: {  	[tilespmem:$0x4AE8] =	vst v0  }
0x4a8: {  	[tilespmem:$0x4AF8] =	vst v0  }
0x4a9: {  	[tilespmem:$0x4B08] =	vst v0  }
0x4aa: {  	[tilespmem:$0x4B18] =	vst v0  }
0x4ab: {  	[tilespmem:$0x4B28] =	vst v0  }
0x4ac: {  	[tilespmem:$0x4B38] =	vst v0  }
0x4ad: {  	[tilespmem:$0x4B48] =	vst v0  }
0x4ae: {  	[tilespmem:$0x4B58] =	vst v0  }
0x4af: {  	[tilespmem:$0x4B68] =	vst v0  }
0x4b0: {  	[tilespmem:$0x4B78] =	vst v0  }
0x4b1: {  	[tilespmem:$0x4B88] =	vst v0  }
0x4b2: {  	[tilespmem:$0x4B98] =	vst v0  }
0x4b3: {  	[tilespmem:$0x4BA8] =	vst v0  }
0x4b4: {  	[tilespmem:$0x4BB8] =	vst v0  }
0x4b5: {  	[tilespmem:$0x4BC8] =	vst v0  }
0x4b6: {  	[tilespmem:$0x4BD8] =	vst v0  }
0x4b7: {  	[tilespmem:$0x4BE8] =	vst v0  }
0x4b8: {  	[tilespmem:$0x4BF8] =	vst v0  }
0x4b9: {  	[tilespmem:$0x4C08] =	vst v0  }
0x4ba: {  	[tilespmem:$0x4C18] =	vst v0  }
0x4bb: {  	[tilespmem:$0x4C28] =	vst v0  }
0x4bc: {  	[tilespmem:$0x4C38] =	vst v0  }
0x4bd: {  	[tilespmem:$0x4C48] =	vst v0  }
0x4be: {  	[tilespmem:$0x4C58] =	vst v0  }
0x4bf: {  	[tilespmem:$0x4C68] =	vst v0  }
0x4c0: {  	[tilespmem:$0x4C78] =	vst v0  }
0x4c1: {  	[tilespmem:$0x4C88] =	vst v0  }
0x4c2: {  	[tilespmem:$0x4C98] =	vst v0  }
0x4c3: {  	[tilespmem:$0x4CA8] =	vst v0  }
0x4c4: {  	[tilespmem:$0x4CB8] =	vst v0  }
0x4c5: {  	[tilespmem:$0x4CC8] =	vst v0  }
0x4c6: {  	[tilespmem:$0x4CD8] =	vst v0  }
0x4c7: {  	[tilespmem:$0x4CE8] =	vst v0  }
0x4c8: {  	[tilespmem:$0x4CF8] =	vst v0  }
0x4c9: {  	[tilespmem:$0x4D08] =	vst v0  }
0x4ca: {  	[tilespmem:$0x4D18] =	vst v0  }
0x4cb: {  	[tilespmem:$0x4D28] =	vst v0  }
0x4cc: {  	[tilespmem:$0x4D38] =	vst v0  }
0x4cd: {  	[tilespmem:$0x4D48] =	vst v0  }
0x4ce: {  	[tilespmem:$0x4D58] =	vst v0  }
0x4cf: {  	[tilespmem:$0x4D68] =	vst v0  }
0x4d0: {  	[tilespmem:$0x4D78] =	vst v0  }
0x4d1: {  	[tilespmem:$0x4D88] =	vst v0  }
0x4d2: {  	[tilespmem:$0x4D98] =	vst v0  }
0x4d3: {  	[tilespmem:$0x4DA8] =	vst v0  }
0x4d4: {  	[tilespmem:$0x4DB8] =	vst v0  }
0x4d5: {  	[tilespmem:$0x4DC8] =	vst v0  }
0x4d6: {  	[tilespmem:$0x4DD8] =	vst v0  }
0x4d7: {  	[tilespmem:$0x4DE8] =	vst v0  }
0x4d8: {  	[tilespmem:$0x4DF8] =	vst v0  }
0x4d9: {  	[tilespmem:$0x4E08] =	vst v0  }
0x4da: {  	[tilespmem:$0x4E18] =	vst v0  }
0x4db: {  	[tilespmem:$0x4E28] =	vst v0  }
0x4dc: {  	[tilespmem:$0x4E38] =	vst v0  }
0x4dd: {  	[tilespmem:$0x4E48] =	vst v0  }
0x4de: {  	[tilespmem:$0x4E58] =	vst v0  }
0x4df: {  	[tilespmem:$0x4E68] =	vst v0  }
0x4e0: {  	[tilespmem:$0x4E78] =	vst v0  }
0x4e1: {  	[tilespmem:$0x4E88] =	vst v0  }
0x4e2: {  	[tilespmem:$0x4E98] =	vst v0  }
0x4e3: {  	[tilespmem:$0x4EA8] =	vst v0  }
0x4e4: {  	[tilespmem:$0x4EB8] =	vst v0  }
0x4e5: {  	[tilespmem:$0x4EC8] =	vst v0  }
0x4e6: {  	[tilespmem:$0x4ED8] =	vst v0  }
0x4e7: {  	[tilespmem:$0x4EE8] =	vst v0  }
0x4e8: {  	[tilespmem:$0x4EF8] =	vst v0  }
0x4e9: {  	[tilespmem:$0x4F08] =	vst v0  }
0x4ea: {  	[tilespmem:$0x4F18] =	vst v0  }
0x4eb: {  	[tilespmem:$0x4F28] =	vst v0  }
0x4ec: {  	[tilespmem:$0x4F38] =	vst v0  }
0x4ed: {  	[tilespmem:$0x4F48] =	vst v0  }
0x4ee: {  	[tilespmem:$0x4F58] =	vst v0  }
0x4ef: {  	[tilespmem:$0x4F68] =	vst v0  }
0x4f0: {  	[tilespmem:$0x4F78] =	vst v0  }
0x4f1: {  	[tilespmem:$0x4F88] =	vst v0  }
0x4f2: {  	[tilespmem:$0x4F98] =	vst v0  }
0x4f3: {  	[tilespmem:$0x4FA8] =	vst v0  }
0x4f4: {  	[tilespmem:$0x4FB8] =	vst v0  }
0x4f5: {  	[tilespmem:$0x4FC8] =	vst v0  }
0x4f6: {  	[tilespmem:$0x4FD8] =	vst v0  }
0x4f7: {  	[tilespmem:$0x4FE8] =	vst v0  }
0x4f8: {  	[tilespmem:$0x4FF8] =	vst v0  }
0x4f9: {  	[tilespmem:$0x5008] =	vst v0  }
0x4fa: {  	[tilespmem:$0x5018] =	vst v0  }
0x4fb: {  	[tilespmem:$0x5028] =	vst v0  }
0x4fc: {  	[tilespmem:$0x5038] =	vst v0  }
0x4fd: {  	[tilespmem:$0x5048] =	vst v0  }
0x4fe: {  	[tilespmem:$0x5058] =	vst v0  }
0x4ff: {  	[tilespmem:$0x5068] =	vst v0  }
0x500: {  	[tilespmem:$0x5078] =	vst v0  }
0x501: {  	[tilespmem:$0x5088] =	vst v0  }
0x502: {  	[tilespmem:$0x5098] =	vst v0  }
0x503: {  	[tilespmem:$0x50A8] =	vst v0  }
0x504: {  	[tilespmem:$0x50B8] =	vst v0  }
0x505: {  	[tilespmem:$0x50C8] =	vst v0  }
0x506: {  	[tilespmem:$0x50D8] =	vst v0  }
0x507: {  	[tilespmem:$0x50E8] =	vst v0  }
0x508: {  	[tilespmem:$0x50F8] =	vst v0  }
0x509: {  	[tilespmem:$0x51B8] =	vst v0  }
0x50a: {  	[tilespmem:$0x5138] =	vst v0  }
0x50b: {  	[tilespmem:$0x5FE8] =	vst v0  }
0x50c: {  	[tilespmem:$0x5FD8] =	vst v0  }
0x50d: {  	[tilespmem:$0x5FC8] =	vst v0  }
0x50e: {  	[tilespmem:$0x5FB8] =	vst v0  }
0x50f: {  	[tilespmem:$0x5FA8] =	vst v0  }
0x510: {  	[tilespmem:$0x5F98] =	vst v0  }
0x511: {  	[tilespmem:$0x5F88] =	vst v0  }
0x512: {  	[tilespmem:$0x5F78] =	vst v0  }
0x513: {  	[tilespmem:$0x5F68] =	vst v0  }
0x514: {  	[tilespmem:$0x5F58] =	vst v0  }
0x515: {  	[tilespmem:$0x5F48] =	vst v0  }
0x516: {  	[tilespmem:$0x5F38] =	vst v0  }
0x517: {  	[tilespmem:$0x5F28] =	vst v0  }
0x518: {  	[tilespmem:$0x5F18] =	vst v0  }
0x519: {  	[tilespmem:$0x5F08] =	vst v0  }
0x51a: {  	[tilespmem:$0x5EF8] =	vst v0  }
0x51b: {  	[tilespmem:$0x5EE8] =	vst v0  }
0x51c: {  	[tilespmem:$0x5ED8] =	vst v0  }
0x51d: {  	[tilespmem:$0x5EC8] =	vst v0  }
0x51e: {  	[tilespmem:$0x5EB8] =	vst v0  }
0x51f: {  	[tilespmem:$0x5EA8] =	vst v0  }
0x520: {  	[tilespmem:$0x5E98] =	vst v0  }
0x521: {  	[tilespmem:$0x5E88] =	vst v0  }
0x522: {  	[tilespmem:$0x5E78] =	vst v0  }
0x523: {  	[tilespmem:$0x5E68] =	vst v0  }
0x524: {  	[tilespmem:$0x5E58] =	vst v0  }
0x525: {  	[tilespmem:$0x5E48] =	vst v0  }
0x526: {  	[tilespmem:$0x5E38] =	vst v0  }
0x527: {  	[tilespmem:$0x5E28] =	vst v0  }
0x528: {  	[tilespmem:$0x5E18] =	vst v0  }
0x529: {  	[tilespmem:$0x5E08] =	vst v0  }
0x52a: {  	[tilespmem:$0x5DF8] =	vst v0  }
0x52b: {  	[tilespmem:$0x5DE8] =	vst v0  }
0x52c: {  	[tilespmem:$0x5DD8] =	vst v0  }
0x52d: {  	[tilespmem:$0x5DC8] =	vst v0  }
0x52e: {  	[tilespmem:$0x5DB8] =	vst v0  }
0x52f: {  	[tilespmem:$0x5DA8] =	vst v0  }
0x530: {  	[tilespmem:$0x5D98] =	vst v0  }
0x531: {  	[tilespmem:$0x5D88] =	vst v0  }
0x532: {  	[tilespmem:$0x5D78] =	vst v0  }
0x533: {  	[tilespmem:$0x5D68] =	vst v0  }
0x534: {  	[tilespmem:$0x5D58] =	vst v0  }
0x535: {  	[tilespmem:$0x5D48] =	vst v0  }
0x536: {  	[tilespmem:$0x5D38] =	vst v0  }
0x537: {  	[tilespmem:$0x5D28] =	vst v0  }
0x538: {  	[tilespmem:$0x5D18] =	vst v0  }
0x539: {  	[tilespmem:$0x5D08] =	vst v0  }
0x53a: {  	[tilespmem:$0x5CF8] =	vst v0  }
0x53b: {  	[tilespmem:$0x5CE8] =	vst v0  }
0x53c: {  	[tilespmem:$0x5CD8] =	vst v0  }
0x53d: {  	[tilespmem:$0x5CC8] =	vst v0  }
0x53e: {  	[tilespmem:$0x5CB8] =	vst v0  }
0x53f: {  	[tilespmem:$0x5CA8] =	vst v0  }
0x540: {  	[tilespmem:$0x5C98] =	vst v0  }
0x541: {  	[tilespmem:$0x5C88] =	vst v0  }
0x542: {  	[tilespmem:$0x5C78] =	vst v0  }
0x543: {  	[tilespmem:$0x5C68] =	vst v0  }
0x544: {  	[tilespmem:$0x5C58] =	vst v0  }
0x545: {  	[tilespmem:$0x5C48] =	vst v0  }
0x546: {  	[tilespmem:$0x5C38] =	vst v0  }
0x547: {  	[tilespmem:$0x5C28] =	vst v0  }
0x548: {  	[tilespmem:$0x5C18] =	vst v0  }
0x549: {  	[tilespmem:$0x5C08] =	vst v0  }
0x54a: {  	[tilespmem:$0x5BF8] =	vst v0  }
0x54b: {  	[tilespmem:$0x5BE8] =	vst v0  }
0x54c: {  	[tilespmem:$0x5BD8] =	vst v0  }
0x54d: {  	[tilespmem:$0x5BC8] =	vst v0  }
0x54e: {  	[tilespmem:$0x5BB8] =	vst v0  }
0x54f: {  	[tilespmem:$0x5BA8] =	vst v0  }
0x550: {  	[tilespmem:$0x5B98] =	vst v0  }
0x551: {  	[tilespmem:$0x5B88] =	vst v0  }
0x552: {  	[tilespmem:$0x5B78] =	vst v0  }
0x553: {  	[tilespmem:$0x5B68] =	vst v0  }
0x554: {  	[tilespmem:$0x5B58] =	vst v0  }
0x555: {  	[tilespmem:$0x5B48] =	vst v0  }
0x556: {  	[tilespmem:$0x5B38] =	vst v0  }
0x557: {  	[tilespmem:$0x5B28] =	vst v0  }
0x558: {  	[tilespmem:$0x5B18] =	vst v0  }
0x559: {  	[tilespmem:$0x5B08] =	vst v0  }
0x55a: {  	[tilespmem:$0x5AF8] =	vst v0  }
0x55b: {  	[tilespmem:$0x5AE8] =	vst v0  }
0x55c: {  	[tilespmem:$0x5AD8] =	vst v0  }
0x55d: {  	[tilespmem:$0x5AC8] =	vst v0  }
0x55e: {  	[tilespmem:$0x5AB8] =	vst v0  }
0x55f: {  	[tilespmem:$0x5AA8] =	vst v0  }
0x560: {  	[tilespmem:$0x5A98] =	vst v0  }
0x561: {  	[tilespmem:$0x5A88] =	vst v0  }
0x562: {  	[tilespmem:$0x5A78] =	vst v0  }
0x563: {  	[tilespmem:$0x5A68] =	vst v0  }
0x564: {  	[tilespmem:$0x5A58] =	vst v0  }
0x565: {  	[tilespmem:$0x5A48] =	vst v0  }
0x566: {  	[tilespmem:$0x5A38] =	vst v0  }
0x567: {  	[tilespmem:$0x5A28] =	vst v0  }
0x568: {  	[tilespmem:$0x5A18] =	vst v0  }
0x569: {  	[tilespmem:$0x5A08] =	vst v0  }
0x56a: {  	[tilespmem:$0x59F8] =	vst v0  }
0x56b: {  	[tilespmem:$0x59E8] =	vst v0  }
0x56c: {  	[tilespmem:$0x59D8] =	vst v0  }
0x56d: {  	[tilespmem:$0x59C8] =	vst v0  }
0x56e: {  	[tilespmem:$0x59B8] =	vst v0  }
0x56f: {  	[tilespmem:$0x59A8] =	vst v0  }
0x570: {  	[tilespmem:$0x5998] =	vst v0  }
0x571: {  	[tilespmem:$0x5988] =	vst v0  }
0x572: {  	[tilespmem:$0x5978] =	vst v0  }
0x573: {  	[tilespmem:$0x5968] =	vst v0  }
0x574: {  	[tilespmem:$0x5958] =	vst v0  }
0x575: {  	[tilespmem:$0x5948] =	vst v0  }
0x576: {  	[tilespmem:$0x5938] =	vst v0  }
0x577: {  	[tilespmem:$0x5928] =	vst v0  }
0x578: {  	[tilespmem:$0x5918] =	vst v0  }
0x579: {  	[tilespmem:$0x5908] =	vst v0  }
0x57a: {  	[tilespmem:$0x58F8] =	vst v0  }
0x57b: {  	[tilespmem:$0x58E8] =	vst v0  }
0x57c: {  	[tilespmem:$0x58D8] =	vst v0  }
0x57d: {  	[tilespmem:$0x58C8] =	vst v0  }
0x57e: {  	[tilespmem:$0x58B8] =	vst v0  }
0x57f: {  	[tilespmem:$0x58A8] =	vst v0  }
0x580: {  	[tilespmem:$0x5898] =	vst v0  }
0x581: {  	[tilespmem:$0x5888] =	vst v0  }
0x582: {  	[tilespmem:$0x5878] =	vst v0  }
0x583: {  	[tilespmem:$0x5868] =	vst v0  }
0x584: {  	[tilespmem:$0x5858] =	vst v0  }
0x585: {  	[tilespmem:$0x5848] =	vst v0  }
0x586: {  	[tilespmem:$0x5838] =	vst v0  }
0x587: {  	[tilespmem:$0x5828] =	vst v0  }
0x588: {  	[tilespmem:$0x5818] =	vst v0  }
0x589: {  	[tilespmem:$0x5808] =	vst v0  }
0x58a: {  	[tilespmem:$0x57F8] =	vst v0  }
0x58b: {  	[tilespmem:$0x57E8] =	vst v0  }
0x58c: {  	[tilespmem:$0x57D8] =	vst v0  }
0x58d: {  	[tilespmem:$0x57C8] =	vst v0  }
0x58e: {  	[tilespmem:$0x57B8] =	vst v0  }
0x58f: {  	[tilespmem:$0x57A8] =	vst v0  }
0x590: {  	[tilespmem:$0x5798] =	vst v0  }
0x591: {  	[tilespmem:$0x5788] =	vst v0  }
0x592: {  	[tilespmem:$0x5778] =	vst v0  }
0x593: {  	[tilespmem:$0x5768] =	vst v0  }
0x594: {  	[tilespmem:$0x5758] =	vst v0  }
0x595: {  	[tilespmem:$0x5748] =	vst v0  }
0x596: {  	[tilespmem:$0x5738] =	vst v0  }
0x597: {  	[tilespmem:$0x5728] =	vst v0  }
0x598: {  	[tilespmem:$0x5718] =	vst v0  }
0x599: {  	[tilespmem:$0x5708] =	vst v0  }
0x59a: {  	[tilespmem:$0x56F8] =	vst v0  }
0x59b: {  	[tilespmem:$0x56E8] =	vst v0  }
0x59c: {  	[tilespmem:$0x56D8] =	vst v0  }
0x59d: {  	[tilespmem:$0x56C8] =	vst v0  }
0x59e: {  	[tilespmem:$0x56B8] =	vst v0  }
0x59f: {  	[tilespmem:$0x56A8] =	vst v0  }
0x5a0: {  	[tilespmem:$0x5698] =	vst v0  }
0x5a1: {  	[tilespmem:$0x5688] =	vst v0  }
0x5a2: {  	[tilespmem:$0x5678] =	vst v0  }
0x5a3: {  	[tilespmem:$0x5668] =	vst v0  }
0x5a4: {  	[tilespmem:$0x5658] =	vst v0  }
0x5a5: {  	[tilespmem:$0x5648] =	vst v0  }
0x5a6: {  	[tilespmem:$0x5638] =	vst v0  }
0x5a7: {  	[tilespmem:$0x5628] =	vst v0  }
0x5a8: {  	[tilespmem:$0x5618] =	vst v0  }
0x5a9: {  	[tilespmem:$0x5608] =	vst v0  }
0x5aa: {  	[tilespmem:$0x55F8] =	vst v0  }
0x5ab: {  	[tilespmem:$0x55E8] =	vst v0  }
0x5ac: {  	[tilespmem:$0x55D8] =	vst v0  }
0x5ad: {  	[tilespmem:$0x55C8] =	vst v0  }
0x5ae: {  	[tilespmem:$0x55B8] =	vst v0  }
0x5af: {  	[tilespmem:$0x55A8] =	vst v0  }
0x5b0: {  	[tilespmem:$0x5598] =	vst v0  }
0x5b1: {  	[tilespmem:$0x5588] =	vst v0  }
0x5b2: {  	[tilespmem:$0x5578] =	vst v0  }
0x5b3: {  	[tilespmem:$0x5568] =	vst v0  }
0x5b4: {  	[tilespmem:$0x5558] =	vst v0  }
0x5b5: {  	[tilespmem:$0x5548] =	vst v0  }
0x5b6: {  	[tilespmem:$0x5538] =	vst v0  }
0x5b7: {  	[tilespmem:$0x5528] =	vst v0  }
0x5b8: {  	[tilespmem:$0x5518] =	vst v0  }
0x5b9: {  	[tilespmem:$0x5508] =	vst v0  }
0x5ba: {  	[tilespmem:$0x54F8] =	vst v0  }
0x5bb: {  	[tilespmem:$0x54E8] =	vst v0  }
0x5bc: {  	[tilespmem:$0x54D8] =	vst v0  }
0x5bd: {  	[tilespmem:$0x54C8] =	vst v0  }
0x5be: {  	[tilespmem:$0x54B8] =	vst v0  }
0x5bf: {  	[tilespmem:$0x54A8] =	vst v0  }
0x5c0: {  	[tilespmem:$0x5498] =	vst v0  }
0x5c1: {  	[tilespmem:$0x5488] =	vst v0  }
0x5c2: {  	[tilespmem:$0x5478] =	vst v0  }
0x5c3: {  	[tilespmem:$0x5468] =	vst v0  }
0x5c4: {  	[tilespmem:$0x5458] =	vst v0  }
0x5c5: {  	[tilespmem:$0x5448] =	vst v0  }
0x5c6: {  	[tilespmem:$0x5438] =	vst v0  }
0x5c7: {  	[tilespmem:$0x5428] =	vst v0  }
0x5c8: {  	[tilespmem:$0x5418] =	vst v0  }
0x5c9: {  	[tilespmem:$0x5408] =	vst v0  }
0x5ca: {  	[tilespmem:$0x53F8] =	vst v0  }
0x5cb: {  	[tilespmem:$0x53E8] =	vst v0  }
0x5cc: {  	[tilespmem:$0x53D8] =	vst v0  }
0x5cd: {  	[tilespmem:$0x53C8] =	vst v0  }
0x5ce: {  	[tilespmem:$0x53B8] =	vst v0  }
0x5cf: {  	[tilespmem:$0x53A8] =	vst v0  }
0x5d0: {  	[tilespmem:$0x5398] =	vst v0  }
0x5d1: {  	[tilespmem:$0x5388] =	vst v0  }
0x5d2: {  	[tilespmem:$0x5378] =	vst v0  }
0x5d3: {  	[tilespmem:$0x5368] =	vst v0  }
0x5d4: {  	[tilespmem:$0x5358] =	vst v0  }
0x5d5: {  	[tilespmem:$0x5348] =	vst v0  }
0x5d6: {  	[tilespmem:$0x5338] =	vst v0  }
0x5d7: {  	[tilespmem:$0x5328] =	vst v0  }
0x5d8: {  	[tilespmem:$0x5318] =	vst v0  }
0x5d9: {  	[tilespmem:$0x5308] =	vst v0  }
0x5da: {  	[tilespmem:$0x52F8] =	vst v0  }
0x5db: {  	[tilespmem:$0x52E8] =	vst v0  }
0x5dc: {  	[tilespmem:$0x52D8] =	vst v0  }
0x5dd: {  	[tilespmem:$0x52C8] =	vst v0  }
0x5de: {  	[tilespmem:$0x52B8] =	vst v0  }
0x5df: {  	[tilespmem:$0x52A8] =	vst v0  }
0x5e0: {  	[tilespmem:$0x5298] =	vst v0  }
0x5e1: {  	[tilespmem:$0x5288] =	vst v0  }
0x5e2: {  	[tilespmem:$0x5278] =	vst v0  }
0x5e3: {  	[tilespmem:$0x5268] =	vst v0  }
0x5e4: {  	[tilespmem:$0x5258] =	vst v0  }
0x5e5: {  	[tilespmem:$0x5248] =	vst v0  }
0x5e6: {  	[tilespmem:$0x5238] =	vst v0  }
0x5e7: {  	[tilespmem:$0x5228] =	vst v0  }
0x5e8: {  	[tilespmem:$0x5218] =	vst v0  }
0x5e9: {  	s9 =	stileid.u32;
	[tilespmem:$0x5208] =	vst v0  }
0x5ea: {  	s0 =	smul.u32 $0x43, s9;
	[tilespmem:$0x51F8] =	vst v0  }
0x5eb: {  	s3 =	smin.u32 s9, $0xE;
	[tilespmem:$0x51E8] =	vst v0  }
0x5ec: {  	[tilespmem:$0x51D8] =	vst v0;
	s0 =	sadd.s32 s3, s0  }
0x5ed: {  	p0 =	slt.u32 s9, $0xE;
	[tilespmem:$0x51C8] =	vst v0;
	s3 =	simm.s32 $0x50C0;
	s5 =	smul.u32 $0x130, s0  }
0x5ee: {  	s3 =	simm.s32 @!p0 $0x4F90;
	[tilespmem:$0x5198] =	vst v0  }
0x5ef: {  	[tilespmem:$0x51A8] =	vst v0;
	s0 =	sadd.s32 s3, s5  }
0x5f0: {  	[tilespmem:$0x5188] =	vst v0;
	s6 =	smin.u32 s0, $0x50910  }
0x5f1: {  	[tilespmem:$0x5118] =	vst v0;
	s0 =	ssub.s32 s6, s5  }
0x5f2: {  	s7 =	simm.s32 $0x2;
	s11 =	simm.s32 $0x7;
	[tilespmem:$0x5178] =	vst v0;
	p0 =	sgt.s32 s0, $0x0  }
0x5f3: {  	s30 =	simm.s32 $0x8;
	s15 =	simm.s32 $0x0;
	[tilespmem:$0x5168] =	vst v0;
	s0 =	simm.s32 @!p0 $0x0  }
0x5f4: {  	p1 =	por $0x0, $0x0;
	s16 =	simm.s32 $0xA;
	[tilespmem:$0x5158] =	vst v0;
	s4 =	smulhi.u32 $0x6BCA1AF3, s0  }
0x5f5: {  	s20 =	simm.s32 $0x0;
	s17 =	simm.s32 $0x0;
	s19 =	simm.s32 $0x0;
	[tilespmem:$0x5148] =	vst v0  }
0x5f6: {  	s8 =	sadd.s32 $0x48600, s2;
	s31 =	smul.u32 $0x280, s9;
	[tilespmem:$0x5128] =	vst v0;
	s4 =	sshrl.u32 s4, $0x7  }
0x5f7: {  	s10 =	sadd.s32 $0xA6EE00, s2;
	[tilespmem:$0x5108] =	vst v0;
	[sflag:s7] =	ssyncpa.u1 $0x0;
	v0 =	vimm.s32 $0xFFFFFFFF;
	s29 =	smul.u32 $0x130, s4  }
.Ltmp0:
0x5f8: {  	[tilespmem:$0xBF48] =	vst v0;
	[sflag:s11] =	ssyncpa.u1 $0x0;
	s11 =	simm.s32 $0x9;
	(pc) =	sbr.rel .LBB2_1-.Ltmp0, $4  }
0x5f9: {  	[sflag:s30] =	ssyncpa.u1 $0x0;
	p0 =	sne.s32 s0, s29;
	s0 =	simm.s32 $0x1  }
0x5fa: {  	s13 =	sshrl.u32 s31, $0x2;
	[sflag:s11] =	ssyncpa.u1 $0x0;
	s0 =	simm.s32 @!p0 $0x0  }
0x5fb: {  	s3 =	sadd.s32 $0x2E00, s2;
	s2 =	sadd.s32 $0x52800, s2;
	s12 =	sadd.s32 s0, s4  }
0x5fc: {  	v0 =	vlaneseq.u32;
	s18 =	smov.u32 s5;
	p0 =	por $0x1, $0x1;
	s14 =	sadd.s32 $0x1, s12  }
.LBB2_22:
0x5fd: {  	s0 =	sshrl.u32 s29, $0x2  }
.LBB2_24:
0x5fe: {  	_ =	swait.ge [sflag:s16], s0  }
0x5ff: {  	s31 =	ssub.s32 $0x0, s0;
	v1 =	vmov s22;
	vm0 =	veq.s32 v0, $0x0;
	[sflag:s16] =	ssyncset.done $0x0  }
0x600: {  	vm15 =	veq.s32 v0, $0x2;
	v1 =	vsel vm0, s28, v1;
	[sflag:s16] =	ssyncadd.s32 s31  }
0x601: {  	v1 =	vsel vm15, s20, v1;
	[sflag:s16] =	ssyncpa.u1 $0x1  }
0x602: {  	[tilespmem:$0xBF48] =	vst v1  }
.LBB2_25:
0x603: {  	s0 =	sadd.s32 $0x130, s18  }
0x604: {  	s4 =	smov.u32 s5;
	p2 =	slt.s32 s0, s6  }
0x605: {  	s4 =	smov.u32 @p2 s0;
	p2 =	sne.s32 s19, s14  }
.Ltmp1:
0x606: {  	_ = 	snop;
	(pc) =	sbr.rel @!p2 .LBB2_26-.Ltmp1, $4  }
0x607: {  	_ = 	snop  }
0x608: {  	s20 =	smov.u32 s17  }
0x609: {  	s31 =	sadd.s32 $0x1, s19;
	s17 =	smov.u32 s18;
	p0 =	por !p0, !p0  }
0x60a: {  	p1 =	por !p1, !p1;
	s19 =	smov.u32 s31;
	s18 =	smov.u32 s4  }
.LBB2_1:
0x60b: {  	p2 =	sge.u32 s19, s12  }
0x60c: {  	s0 =	smulhi.u32 @!p2 $0xAAAAAAAB, s19  }
0x60d: {  	s4 =	smov.u32 s18;
	p3 =	sgt.s32 @!p2 s18, $0x507E0  }
0x60e: {  	s7 =	sshra.s32 @!p2 s18, $0x1F;
	p3 =	por !p3, p2;
	s0 =	sshrl.u32 @!p2 s0, $0x1  }
0x60f: {  	s7 =	sand.u32 @!p2 s7, s18;
	s4 =	simm.s32 @p3 $0x507E0;
	s0 =	smul.u32 @!p2 $0x3, s0  }
0x610: {  	s4 =	ssub.s32 @!p2 s4, s7  }
0x611: {  	s22 =	sadd.s32 $0xFFFFFFFF, s19;
	s4 =	sadd.s32 @!p2 $0xFFFAF820, s4;
	s0 =	ssub.s32 @!p2 s19, s0  }
0x612: {  	s7 =	sshll.u32 @!p2 s4, $0x2;
	p3 =	sgt.s32 @!p2 s4, $0x12F;
	s0 =	smul.u32 @!p2 $0x4C0, s0  }
0x613: {  	s21 =	sand.u32 @!p2 $0x7, s18;
	s4 =	ssub.s32 @!p2 $0x4C0, s7;
	p3 =	por !p3, p2  }
0x614: {  	s7 =	sshrl.u32 @!p2 s18, $0x3;
	s4 =	sshrl.u32 @!p2 s4, $0x2;
	s0 =	sshrl.u32 @!p2 s0, $0x2  }
0x615: {  	s7 =	sadd.s32 @!p2 s2, s7;
	s4 =	simm.s32 @!p3 $0x0;
	s0 =	sadd.s32 @!p2 $0xC978, s0  }
0x616: {  	[tilespmem:s0], [sflag:$0x8] =	stream.linear.gather @!p2 [hbm4b:s7+s21], s4, $0x38;
	[tilespmem:$0x1FF68] =	vst v63  }
0x617: {  	p2 =	sge.u32 s22, s12  }
0x618: {  	p3 =	sgt.s32 @!p2 s17, $0x507E0  }
0x619: {  	s0 =	smov.u32 s17;
	s4 =	sshra.s32 @!p2 s17, $0x1F;
	p3 =	por !p3, p2  }
0x61a: {  	s4 =	sand.u32 @!p2 s4, s17;
	s0 =	simm.s32 @p3 $0x507E0  }
0x61b: {  	s0 =	ssub.s32 @!p2 s0, s4  }
0x61c: {  	s0 =	sadd.s32 @!p2 $0xFFFAF820, s0  }
0x61d: {  	s4 =	sshll.u32 @!p2 s0, $0x2  }
0x61e: {  	p3 =	sgt.s32 @!p2 s0, $0x12F;
	s0 =	ssub.s32 @!p2 $0x4C0, s4  }
0x61f: {  	p3 =	por !p3, p2;
	s0 =	sshrl.u32 @!p2 s0, $0x2  }
0x620: {  	s7 =	simm.s32 @!p2 $0x8;
	s4 =	sand.u32 @!p2 $0x1, s22;
	s0 =	simm.s32 @!p3 $0x0  }
0x621: {  	s4 =	smul.u32 @!p2 $0x4C0, s4;
	_ =	swait.ge @!p2 [sflag:s7], s0  }
0x622: {  	s21 =	ssub.s32 @!p2 $0x0, s0;
	[sflag:s7] =	ssyncset.done @!p2 $0x0  }
0x623: {  	s4 =	sshrl.u32 @!p2 s4, $0x2;
	[sflag:s7] =	ssyncadd.s32 @!p2 s21;
	s7 =	sshrl.u32 @!p2 s17, $0x3  }
0x624: {  	s4 =	sadd.s32 @!p2 $0xCD08, s4;
	s21 =	sand.u32 @!p2 $0x7, s17;
	s7 =	sadd.s32 @!p2 s8, s7  }
0x625: {  	[tilespmem:s4], [sflag:$0x9] =	stream.linear.gather @!p2 [hbm4b:s7+s21], s0, $0x38;
	[tilespmem:$0x1FF68] =	vst v63  }
0x626: {  	s21 =	ssub.s32 @!p2 $0x50910, s17  }
0x627: {  	p3 =	slt.s32 @!p2 s21, $0x1  }
0x628: {  	p3 =	por p2, p3  }
.Ltmp2:
0x629: {  	_ = 	snop;
	(pc) =	sbr.rel @p3 .LBB2_7-.Ltmp2, $1  }
0x62a: {  	_ =	sdelay $0x3  }
0x62b: {  	s0 =	smulhi.u32 $0xAAAAAAAB, s22;
	_ =	sdelay $0x1  }
0x62c: {  	s0 =	sshrl.u32 s0, $0x1  }
0x62d: {  	s0 =	smul.u32 $0x3, s0;
	_ =	sdelay $0x1  }
0x62e: {  	s0 =	ssub.s32 s22, s0  }
0x62f: {  	s4 =	simm.s32 $0x1;
	s0 =	smul.u32 $0x4C0, s0  }
.Ltmp3:
0x630: {  	s4 =	simm.s32 @!p0 $0x0;
	(pc) =	sbr.rel .LBB2_4-.Ltmp3, $4  }
0x631: {  	s4 =	smul.u32 $0x26000, s4  }
0x632: {  	p3 =	slt.s32 @!p2 s21, $0x130;
	s0 =	sshrl.u32 s0, $0x2  }
0x633: {  	p2 =	por !p3, p2;
	s4 =	sshrl.u32 s4, $0x2;
	s0 =	sadd.s32 $0xC978, s0  }
0x634: {  	s23 =	simm.s32 $0x0;
	s21 =	simm.s32 @p2 $0x130;
	s22 =	sadd.s32 $0xCF68, s4;
	v1 =	vmov s0  }
.LBB2_3:
0x635: {  	p2 =	sge.s32 s23, s21  }
.Ltmp4:
0x636: {  	_ = 	snop;
	(pc) =	sbr.rel @p2 .LBB2_7-.Ltmp4, $2  }
0x637: {  	_ =	sdelay $0x2  }
0x638: {  	s22 =	sadd.s32 $0x800, s22  }
.LBB2_4:
0x639: {  	p2 =	sle.s32 s21, s23  }
.Ltmp5:
0x63a: {  	_ = 	snop;
	(pc) =	sbr.rel @p2 .LBB2_3-.Ltmp5, $2  }
0x63b: {  	_ =	sdelay $0x2  }
0x63c: {  	s24 =	smov.u32 s23;
	s23 =	sadd.s32 $0x10, s23  }
0x63d: {  	s0 =	ssub.s32 s21, s24  }
0x63e: {  	p2 =	slt.s32 s0, $0x10  }
0x63f: {  	s0 =	simm.s32 @!p2 $0x10  }
0x640: {  	v2 =	vmov s0  }
0x641: {  	vm0 =	vgt.s32 v2, v0;
	_ =	sdelay $0x5  }
0x642: {  	v2 =	vld.idx.msk [tilespmem:v1+s24+$0x0 ss:$0x1], vm0;
	_ =	sdelay $0x2  }
0x643: {  	p2 =	slt.s32 s23, s21;
	s0 =	smov.u32 s21  }
0x644: {  	s4 =	smov.u32 s22;
	s25 =	simm.s32 $0x0;
	s0 =	smov.u32 @p2 s23  }
.LBB2_6:
0x645: {  	(v2sf) =	vpush v2, s25;
	_ =	sdelay $0xc  }
0x646: {  	s25 =	sadd.s32 $0x1, s25  }
0x647: {  	s31 =	sadd.s32 s25, s24  }
0x648: {  	p2 =	slt.s32 s31, s0;
	s7 =	spop (v2sf)  }
.Ltmp6:
0x649: {  	s7 =	sshll.u32 s7, $0x4;
	(pc) =	sbr.rel @p2 .LBB2_6-.Ltmp6, $4  }
0x64a: {  	s7 =	sand.u32 $0x1FFFFFF0, s7  }
0x64b: {  	s7 =	sadd.s32 s10, s7  }
0x64c: {  	[tilespmem:s4], [sflag:$0x7] =	stream.linear.gather [hbm4b:s7+s15], $0x41, $0x38;
	[tilespmem:$0x1FF68] =	vst v63  }
0x64d: {  	s4 =	sadd.s32 $0x80, s4  }
.Ltmp7:
0x64e: {  	_ = 	snop;
	(pc) =	sbr.rel .LBB2_3-.Ltmp7, $1  }
0x64f: {  	_ =	sdelay $0x3  }
.LBB2_7:
0x650: {  	p2 =	slt.u32 s19, $0x2  }
.Ltmp8:
0x651: {  	_ = 	snop;
	(pc) =	sbr.rel @p2 .LBB2_25-.Ltmp8, $1  }
0x652: {  	_ =	sdelay $0x3  }
0x653: {  	s0 =	ssub.s32 $0x50910, s20;
	p2 =	sgt.s32 s20, $0x507E0;
	s4 =	smov.u32 s20  }
0x654: {  	s7 =	sshra.s32 s20, $0x1F;
	p3 =	slt.s32 s0, $0x130;
	s21 =	smov.u32 s0  }
0x655: {  	s4 =	simm.s32 @!p2 $0x507E0;
	s7 =	sand.u32 s7, s20;
	s21 =	simm.s32 @!p3 $0x130  }
0x656: {  	s4 =	ssub.s32 s4, s7;
	s25 =	smul.u32 $0x104, s21  }
0x657: {  	s4 =	sadd.s32 $0xFFFAF820, s4  }
0x658: {  	s9 =	simm.s32 $0x7;
	s26 =	sshll.u32 s4, $0x2;
	s7 =	sshrl.u32 s25, $0x2  }
0x659: {  	p2 =	sgt.s32 s4, $0x12F;
	s29 =	ssub.s32 $0x4C0, s26;
	_ =	swait.ge [sflag:s9], s7  }
0x65a: {  	s7 =	ssub.s32 $0x0, s7;
	s4 =	sshrl.u32 s29, $0x2;
	[sflag:s9] =	ssyncset.done $0x0  }
0x65b: {  	s4 =	simm.s32 @p2 $0x0;
	[sflag:s9] =	ssyncadd.s32 s7  }
0x65c: {  	_ =	swait.ge [sflag:s11], s4  }
0x65d: {  	s4 =	ssub.s32 $0x0, s4;
	[sflag:s11] =	ssyncset.done $0x0  }
0x65e: {  	[sflag:s11] =	ssyncadd.s32 s4  }
0x65f: {  	v1 =	vld [tilespmem:$0xBF48];
	_ =	sdelay $0x4  }
0x660: {  	(v2sf) =	vpush v1, $0x0  }
0x661: {  	(v2sf) =	vpush v1, $0x1  }
0x662: {  	(v2sf) =	vpush v1, $0x2;
	_ =	sdelay $0x3  }
0x663: {  	s4 =	sadd.s32 $0x130, s20  }
0x664: {  	p2 =	slt.s32 s6, s4  }
0x665: {  	s4 =	smov.u32 @p2 s6;
	p2 =	sgt.s32 s0, $0x0  }
0x666: {  	s23 =	ssub.s32 s4, s20;
	s0 =	simm.s32 @!p2 $0x0  }
0x667: {  	p2 =	slt.s32 s0, s23  }
0x668: {  	s23 =	smov.u32 @p2 s0  }
0x669: {  	s24 =	simm.s32 $0x1;
	p2 =	slt.s32 s23, $0x1  }
.Ltmp9:
0x66a: {  	s24 =	simm.s32 @!p1 $0x0;
	(pc) =	sbr.rel @p2 .LBB2_12-.Ltmp9, $4  }
0x66b: {  	s30 =	smul.u32 $0x4C0, s24  }
0x66c: {  	s25 =	spop (v2sf)  }
0x66d: {  	s31 =	sshrl.u32 s30, $0x2;
	s28 =	spop (v2sf)  }
0x66e: {  	s21 =	sadd.s32 $0xCD08, s31;
	s20 =	spop (v2sf)  }
0x66f: {  	s0 =	smin.u32 s23, $0x10  }
0x670: {  	v1 =	vmov s0  }
0x671: {  	p3 =	sgt.s32 s23, $0x10;
	vm1 =	vgt.u32 v1, v0  }
.Ltmp10:
0x672: {  	_ = 	snop;
	(pc) =	sbr.rel @!p3 .LBB2_11-.Ltmp10, $2  }
0x673: {  	_ =	sdelay $0x2  }
0x674: {  	s26 =	simm.s32 $0x10;
	s29 =	sadd.s32 $0xFFFFFFF0, s23;
	s22 =	smov.u32 s21;
	vm0 =	vmmov vm1  }
.LBB2_10:
0x675: {  	s0 =	smin.u32 s29, $0x10;
	s26 =	sadd.s32 $0x10, s26;
	v1 =	vld.msk [tilespmem:s22+$0x0 ss:$0x1], vm1  }
0x676: {  	v2 =	vmov s0;
	p3 =	slt.s32 s26, s23  }
0x677: {  	vm1 =	vgt.u32 v2, v0  }
.Ltmp11:
0x678: {  	(pc) =	sbr.rel @p3 .LBB2_10-.Ltmp11, $3  }
0x679: {  	_ =	sdelay $0x1  }
0x67a: {  	v1 =	vshll.u32 v1, $0x4  }
0x67b: {  	s29 =	sadd.s32 $0xFFFFFFF0, s29;
	[tilespmem:s22+$0x0] =	vst.msk vm0, v1;
	s22 =	sadd.s32 $0x10, s22;
	vm0 =	vmmov vm1  }
.LBB2_11:
0x67c: {  	_ =	sdelay $0x4  }
0x67d: {  	v1 =	vld.msk [tilespmem:s22+$0x0 ss:$0x1], vm1;
	_ =	sdelay $0x4  }
0x67e: {  	v1 =	vshll.u32 v1, $0x4  }
0x67f: {  	[tilespmem:s22+$0x0] =	vst.msk vm0, v1  }
.LBB2_12:
0x680: {  	s0 =	sand.u32 $0x1, s19  }
0x681: {  	s0 =	smul.u32 $0x130, s0  }
0x682: {  	p3 =	sne.s32 s28, $0xFFFFFFFF  }
0x683: {  	v1 =	vld.msk @!p3 [tilespmem:s0+$0xCD08], $0x1;
	_ =	sdelay $0x4  }
0x684: {  	(v2sf) =	vpush @!p3 v1, $0x0;
	_ =	sdelay $0xc  }
.Ltmp12:
0x685: {  	_ = 	snop;
	(pc) =	sbr.rel @p2 .LBB2_23-.Ltmp12, $4  }
0x686: {  	_ = 	snop  }
0x687: {  	s26 =	spop @!p3 (v2sf)  }
0x688: {  	s20 =	simm.s32 @!p3 $0x0;
	s22 =	smov.u32 s26  }
0x689: {  	[sflag:s16] =	ssyncpa.u1 $0x0;
	s26 =	smov.u32 @p3 s25;
	s22 =	smov.u32 @p3 s28  }
0x68a: {  	v1 =	vld.msk [tilespmem:s21+$0x0], $0x1;
	_ =	sdelay $0x4  }
0x68b: {  	(v2sf) =	vpush v1, $0x0;
	_ =	sdelay $0xd  }
0x68c: {  	s0 =	smul.u32 $0x26000, s24  }
0x68d: {  	s23 =	ssub.s32 $0x0, s23;
	s24 =	simm.s32 $0x0;
	s30 =	spop (v2sf)  }
0x68e: {  	s7 =	smov.u32 s26;
	s28 =	sadd.s32 $0x1, s23;
	p2 =	seq.s32 s26, s30  }
0x68f: {  	p4 =	seq.s32 s28, $0x0;
	p3 =	sgt.s32 @!p2 s26, $0x0;
	s4 =	smul.u32 @!p2 $0x140, s24  }
.Ltmp13:
0x690: {  	s0 =	sshrl.u32 s0, $0x2;
	p3 =	por !p3, p2;
	(pc) =	sbr.rel @p4 .LBB2_15-.Ltmp13, $4  }
0x691: {  	s25 =	sadd.s32 $0xCF88, s0;
	s7 =	simm.s32 @p3 $0x0  }
0x692: {  	s31 =	simm.s32 @!p2 $0x1;
	s0 =	sshra.s32 @!p2 s4, $0x2;
	s4 =	smin.u32 @!p2 s7, $0x270F7  }
0x693: {  	s29 =	sadd.s32 $0x1, s21;
	s31 =	smov.u32 @p2 s24;
	s7 =	sand.u32 @!p2 $0x3FFF8, s4  }
0x694: {  	s0 =	sadd.s32 @!p2 $0x5FF8, s0;
	s4 =	sand.u32 @!p2 $0x7, s4;
	s7 =	sadd.s32 @!p2 s3, s7  }
.LBB2_14:
0x695: {  	s9 =	smov.u32 s31  }
0x696: {  	[tilespmem:s0], [sflag:$0x2] =	stream.linear.gather @!p2 [hbm4b:s7+s4], $0x41, $0x38;
	[tilespmem:$0x1FF68] =	vst v63  }
0x697: {  	s28 =	sadd.s32 $0x1, s28;
	s0 =	smov.u32 s30;
	v1 =	vld.msk [tilespmem:s29+$0x0], $0x1  }
0x698: {  	p3 =	seq.s32 s28, $0x0;
	_ =	sdelay $0x3  }
0x699: {  	(v2sf) =	vpush v1, $0x0;
	_ =	sdelay $0xe  }
0x69a: {  	s30 =	spop (v2sf)  }
0x69b: {  	p2 =	seq.s32 s0, s30  }
0x69c: {  	p4 =	sgt.s32 @!p2 s0, $0x0;
	s4 =	smul.u32 @!p2 $0x140, s31;
	s31 =	sadd.s32 @!p2 $0x1, s31  }
.Ltmp14:
0x69d: {  	p4 =	por !p4, p2;
	s31 =	smov.u32 @p2 s9;
	(pc) =	sbr.rel @!p3 .LBB2_14-.Ltmp14, $4  }
0x69e: {  	s0 =	simm.s32 @p4 $0x0;
	s4 =	sshra.s32 @!p2 s4, $0x2  }
0x69f: {  	s7 =	smin.u32 @!p2 s0, $0x270F7;
	s0 =	sadd.s32 @!p2 $0x5FF8, s4  }
0x6a0: {  	s9 =	sand.u32 @!p2 $0x3FFF8, s7;
	s4 =	sand.u32 @!p2 $0x7, s7  }
0x6a1: {  	s29 =	sadd.s32 $0x1, s29;
	s7 =	sadd.s32 @!p2 s3, s9  }
.LBB2_15:
0x6a2: {  	s9 =	smul.u32 $0x104, s31  }
0x6a3: {  	[tilespmem:s0], [sflag:$0x2] =	stream.linear.gather @!p2 [hbm4b:s7+s4], $0x41, $0x38;
	[tilespmem:$0x1FF68] =	vst v63  }
.Ltmp15:
0x6a4: {  	_ = 	snop;
	(pc) =	sbr.rel .LBB2_16-.Ltmp15, $4  }
0x6a5: {  	s31 =	simm.s32 $0x2;
	s30 =	sshrl.u32 s9, $0x2  }
0x6a6: {  	_ =	swait.ge [sflag:s31], s30  }
0x6a7: {  	s0 =	ssub.s32 $0x0, s30;
	[sflag:s31] =	ssyncset.done $0x0  }
0x6a8: {  	s29 =	simm.s32 $0x0;
	[sflag:s31] =	ssyncadd.s32 s0  }
.LBB2_17:
0x6a9: {  	v1 =	vld [tilespmem:s25+$0xFFFFFFE0];
	_ =	sdelay $0x4  }
0x6aa: {  	[tilespmem:s30+$0xA8] =	vst.add.f32.msk $0xffff, v1  }
0x6ab: {  	v1 =	vld [tilespmem:s25+$0xFFFFFFF0];
	_ =	sdelay $0x4  }
0x6ac: {  	[tilespmem:s30+$0xB8] =	vst.add.f32.msk $0xffff, v1  }
0x6ad: {  	v1 =	vld [tilespmem:s25+$0x0];
	_ =	sdelay $0x4  }
0x6ae: {  	[tilespmem:s30+$0xC8] =	vst.add.f32.msk $0xffff, v1  }
0x6af: {  	v1 =	vld [tilespmem:s25+$0x10];
	_ =	sdelay $0x4  }
0x6b0: {  	[tilespmem:s30+$0xD8] =	vst.add.f32.msk $0xffff, v1  }
0x6b1: {  	v1 =	vld.msk [tilespmem:s25+$0x20], $0x1;
	_ =	sdelay $0x4  }
0x6b2: {  	[tilespmem:s30+$0xE8] =	vst.add.f32.msk $0x1, v1  }
.LBB2_21:
0x6b3: {  	s23 =	sadd.s32 $0x1, s23  }
0x6b4: {  	p2 =	seq.s32 s23, $0x0  }
.Ltmp16:
0x6b5: {  	_ = 	snop;
	(pc) =	sbr.rel @p2 .LBB2_22-.Ltmp16, $2  }
0x6b6: {  	_ =	sdelay $0x2  }
0x6b7: {  	s21 =	sadd.s32 $0x1, s21;
	s25 =	sadd.s32 $0x80, s25;
	s26 =	smov.u32 s28  }
.LBB2_16:
0x6b8: {  	v1 =	vld.msk [tilespmem:s21+$0x0], $0x1;
	_ =	sdelay $0x4  }
0x6b9: {  	(v2sf) =	vpush v1, $0x0;
	_ =	sdelay $0xe  }
0x6ba: {  	s28 =	spop (v2sf)  }
0x6bb: {  	p2 =	sne.s32 s26, s28  }
.Ltmp17:
0x6bc: {  	_ = 	snop;
	(pc) =	sbr.rel @!p2 .LBB2_17-.Ltmp17, $3  }
0x6bd: {  	_ = 	snop  }
0x6be: {  	s0 =	smul.u32 $0x140, s20;
	_ =	sdelay $0x1  }
0x6bf: {  	s30 =	sshra.s32 s0, $0x2  }
0x6c0: {  	p2 =	seq.s32 s26, s22  }
.Ltmp18:
0x6c1: {  	_ = 	snop;
	(pc) =	sbr.rel @!p2 .LBB2_19-.Ltmp18, $1  }
0x6c2: {  	_ =	sdelay $0x3  }
.Ltmp19:
0x6c3: {  	s0 =	sadd.s32 $0xA8, s30;
	(pc) =	sbr.rel .LBB2_20-.Ltmp19, $4  }
0x6c4: {  	[spmem:s13] =	stream.linear.scatter [tilespmem:s0], [sflag:$0x1], $0x41, $0x38;
	[tilespmem:$0x1FF68] =	vst v63  }
0x6c5: {  	_ =	swait.ge [sflag:s1], $0x41  }
0x6c6: {  	[sflag:s1] =	ssyncset.done $0x0  }
0x6c7: {  	[sflag:s1] =	ssyncadd.s32 $0xFFFFFFBF  }
.LBB2_19:
0x6c8: {  	s0 =	smul.u32 $0x140, s24;
	_ =	sdelay $0x1  }
0x6c9: {  	s0 =	sshra.s32 s0, $0x2  }
0x6ca: {  	v1 =	vld [tilespmem:s0+$0x5FF8];
	_ =	sdelay $0x4  }
0x6cb: {  	[tilespmem:s30+$0xA8] =	vst.add.f32.msk $0xffff, v1  }
0x6cc: {  	v1 =	vld [tilespmem:s0+$0x6008];
	_ =	sdelay $0x4  }
0x6cd: {  	[tilespmem:s30+$0xB8] =	vst.add.f32.msk $0xffff, v1  }
0x6ce: {  	v1 =	vld [tilespmem:s0+$0x6018];
	_ =	sdelay $0x4  }
0x6cf: {  	[tilespmem:s30+$0xC8] =	vst.add.f32.msk $0xffff, v1  }
0x6d0: {  	v1 =	vld [tilespmem:s0+$0x6028];
	_ =	sdelay $0x4  }
0x6d1: {  	[tilespmem:s30+$0xD8] =	vst.add.f32.msk $0xffff, v1  }
0x6d2: {  	v1 =	vld.msk [tilespmem:s0+$0x6038], $0x1;
	_ =	sdelay $0x2  }
0x6d3: {  	p2 =	sgt.u32 s26, $0x270F7  }
0x6d4: {  	s0 =	sand.u32 @!p2 $0x3FFF8, s26  }
0x6d5: {  	s4 =	sadd.s32 $0xA8, s30;
	s7 =	sand.u32 @!p2 $0x7, s26;
	s0 =	sadd.s32 @!p2 s3, s0;
	[tilespmem:s30+$0xE8] =	vst.add.f32.msk $0x1, v1  }
0x6d6: {  	[hbm4b:s0+s7] =	stream.linear.scatter @!p2 [tilespmem:s4], [sflag:$0xA], $0x41, $0x38;
	[tilespmem:$0x1FF68] =	vst v63  }
0x6d7: {  	s0 =	simm.s32 $0x0  }
0x6d8: {  	s0 =	simm.s32 @!p2 $0x104  }
0x6d9: {  	s29 =	sadd.s32 s0, s29  }
.LBB2_20:
0x6da: {  	s0 =	sadd.s32 $0x1, s20  }
0x6db: {  	s4 =	sshrl.u32 s0, $0x4  }
0x6dc: {  	s4 =	smulhi.u32 $0xD79435F, s4;
	_ =	sdelay $0x1  }
0x6dd: {  	s4 =	smul.u32 $0x130, s4  }
0x6de: {  	v1 =	vld [tilespmem:s25+$0xFFFFFFE0]  }
0x6df: {  	s20 =	ssub.s32 s0, s4  }
0x6e0: {  	s0 =	smul.u32 $0x140, s20;
	_ =	sdelay $0x1  }
0x6e1: {  	s0 =	sshrl.u32 s0, $0x2  }
0x6e2: {  	[tilespmem:s0+$0xA8] =	vst v1  }
0x6e3: {  	v1 =	vld [tilespmem:s25+$0xFFFFFFF0];
	_ =	sdelay $0x4  }
0x6e4: {  	[tilespmem:s0+$0xB8] =	vst v1  }
0x6e5: {  	v1 =	vld [tilespmem:s25+$0x0];
	_ =	sdelay $0x4  }
0x6e6: {  	[tilespmem:s0+$0xC8] =	vst v1  }
0x6e7: {  	v1 =	vld [tilespmem:s25+$0x10];
	_ =	sdelay $0x4  }
0x6e8: {  	[tilespmem:s0+$0xD8] =	vst v1  }
0x6e9: {  	v1 =	vld.msk [tilespmem:s25+$0x20], $0x1  }
.Ltmp20:
0x6ea: {  	_ = 	snop;
	(pc) =	sbr.rel .LBB2_21-.Ltmp20, $2  }
0x6eb: {  	_ =	sdelay $0x2  }
0x6ec: {  	s24 =	sadd.s32 $0x1, s24;
	[tilespmem:s0+$0xE8] =	vst.msk $0x1, v1  }
.LBB2_23:
.Ltmp21:
0x6ed: {  	(pc) =	sbr.rel .LBB2_24-.Ltmp21, $4  }
0x6ee: {  	_ = 	snop  }
0x6ef: {  	s0 =	simm.s32 $0x2  }
0x6f0: {  	_ =	swait.ge [sflag:s0], $0x0  }
0x6f1: {  	s28 =	smov.u32 s26;
	[sflag:s0] =	ssyncset.done $0x0;
	s0 =	simm.s32 $0x0  }
.LBB2_26:
0x6f2: {  	_ =	sfence.sel $0x180000  }
0x6f3: {  	s0 =	simm.s32 $0x7;
	[bflag:$0x0] =	sbarrier.arrive $0xFFFF  }
0x6f4: {  	s25 =	simm.s32 $0x8;
	[sflag:s0] =	ssyncpa.u1 $0x1  }
0x6f5: {  	s26 =	simm.s32 $0x9;
	[sflag:s25] =	ssyncpa.u1 $0x1  }
0x6f6: {  	s28 =	simm.s32 $0x2;
	[sflag:s26] =	ssyncpa.u1 $0x1  }
0x6f7: {  	[sflag:s28] =	ssyncpa.u1 $0x1  }
0x6f8: {  	v0 =	vld [tilespmem:$0xBF48];
	_ =	sdelay $0x4  }
0x6f9: {  	(v2sf) =	vpush v0, $0x0  }
0x6fa: {  	(v2sf) =	vpush v0, $0x1  }
0x6fb: {  	(v2sf) =	vpush v0, $0x2;
	_ =	sdelay $0xc  }
0x6fc: {  	s0 =	spop (v2sf)  }
0x6fd: {  	s1 =	spop (v2sf)  }
0x6fe: {  	s2 =	smov.u32 s0;
	p0 =	sne.s32 s0, s1;
	s4 =	spop (v2sf)  }
0x6ff: {  	s2 =	simm.s32 @!p0 $0xFFFFFFFF;
	p0 =	seq.s32 s4, $0xFFFFFFFF  }
0x700: {  	v2 =	vimm.s32 $0x1;
	v3 =	vlaneseq.u32;
	v1 =	vmov s2;
	p1 =	sne.s32 @!p0 s0, s1  }
0x701: {  	s7 =	stileid.u32;
	v0 =	vperm.xlane v0, v2;
	s0 =	simm.s32 @!p0 $0x1;
	v1 =	vperm.xlane v1, v3;
	p1 =	por !p1, p0  }
0x702: {  	vm0 =	vcmask $0x3F04;
	s2 =	sshll.u32 s7, $0x1;
	s1 =	smul.u32 @!p0 $0x140, s4;
	s0 =	simm.s32 @p1 $0x0  }
0x703: {  	s6 =	simm.s32 $0xBF48;
	v0 =	vsel vm0, v1, v0;
	s0 =	sor.u32 @!p0 s0, s2  }
0x704: {  	s5 =	sor.u32 $0xA00, s2;
	s1 =	sshra.s32 @!p0 s1, $0x2;
	[tilespmem:$0xBF48] =	vst v0;
	s0 =	smul.u32 @!p0 $0x140, s0  }
0x705: {  	[spmem:s5] =	stream.linear.scatter [tilespmem:s6], [sflag:$0x1], $0x2, $0x38;
	[tilespmem:$0x1FF68] =	vst v63  }
0x706: {  	s1 =	sadd.s32 @!p0 $0xA8, s1;
	s0 =	sshrl.u32 @!p0 s0, $0x2  }
0x707: {  	[spmem:s0] =	stream.linear.scatter @!p0 [tilespmem:s1], [sflag:$0x1], $0x50, $0x38;
	[tilespmem:$0x1FF68] =	vst v63  }
0x708: {  	s1 =	simm.s32 @!p0 $0x52  }
0x709: {  	s0 =	simm.s32 $0x1;
	s1 =	simm.s32 @p0 $0x2  }
0x70a: {  	_ =	swait.ge [sflag:s0], s1  }
0x70b: {  	s1 =	ssub.s32 $0x0, s1;
	[sflag:s0] =	ssyncset.done $0x0  }
0x70c: {  	[sflag:s0] =	ssyncadd.s32 s1  }
0x70d: {  	_ =	sfence.stream.spmem  }
0x70e: {  	s29 =	simm.s32 $0x3;
	[bflag:$0x0] =	sbarrier.arrive $0xFFFF  }
0x70f: {  	s30 =	simm.s32 $0x4;
	[sflag:s29] =	ssyncpa.u1 $0x1  }
0x710: {  	s31 =	simm.s32 $0x3C;
	[sflag:s30] =	ssyncpa.u1 $0x1  }
0x711: {  	p0 =	sne.s32 s7, $0x0;
	[sflag:s31] =	ssyncpa.u1 $0x1  }
0x712: {  	_ =	sfence @p0  }
0x713: {  	[sflag:s0] =	ssyncpa.u1 @p0 $0x1  }
0x714: {  	_ =	strace @p0 $0x90000056  }
0x715: {  	[bflag:$0x2] =	sbarrier.arrive @p0 $0xFFFF  }
0x716: {  	_ =	shalt @p0  }
.LBB2_27:
0x717: {  	_ =	sfence.stream.spmem;
	s0 =	simm.s32 $0x5  }
0x718: {  	s1 =	simm.s32 $0xA00;
	s2 =	simm.s32 $0xBF58;
	[sflag:s0] =	ssyncpa.u1 $0x0  }
0x719: {  	[tilespmem:s2], [sflag:$0x5] =	stream.linear.gather [spmem:s1], $0x20, $0x38;
	[tilespmem:$0x1FF68] =	vst v63  }
0x71a: {  	s30 =	simm.s32 $0xBF78;
	s1 =	simm.s32 $0x0  }
0x71b: {  	[tilespmem:s30], [sflag:$0x5] =	stream.linear.gather [spmem:s1], $0xA00, $0x38;
	[tilespmem:$0x1FF68] =	vst v63  }
.Ltmp22:
0x71c: {  	_ = 	snop;
	(pc) =	sbr.rel .LBB2_28-.Ltmp22, $4  }
0x71d: {  	_ =	swait.ge [sflag:s0], $0xA20  }
0x71e: {  	[sflag:s0] =	ssyncset.done $0x0  }
0x71f: {  	s31 =	simm.s32 $0x6;
	[sflag:s0] =	ssyncadd.s32 $0xFFFFF5E0  }
0x720: {  	s2 =	simm.s32 $0x0;
	[sflag:s31] =	ssyncpa.u1 $0x0  }
.LBB2_34:
0x721: {  	p0 =	slt.u32 s4, $0x270F8  }
0x722: {  	s0 =	sand.u32 @p0 $0x3FFF8, s4  }
0x723: {  	s4 =	sand.u32 @p0 $0x7, s4;
	s5 =	simm.s32 @p0 $0xBEF8;
	s0 =	sadd.s32 @p0 s3, s0  }
0x724: {  	[tilespmem:s5], [sflag:$0x6] =	stream.linear.gather @p0 [hbm4b:s0+s4], $0x41, $0x38;
	[tilespmem:$0x1FF68] =	vst v63  }
0x725: {  	s0 =	simm.s32 @p0 $0x6  }
0x726: {  	_ =	swait.ge @p0 [sflag:s0], $0x41  }
0x727: {  	[sflag:s0] =	ssyncset.done @p0 $0x0  }
0x728: {  	[sflag:s0] =	ssyncadd.s32 @p0 $0xFFFFFFBF  }
0x729: {  	v1 =	vld @p0 [tilespmem:$0xBEF8];
	_ =	sdelay $0x1  }
0x72a: {  	s0 =	smul.u32 @p0 $0x140, s2;
	_ =	sdelay $0x1  }
0x72b: {  	s4 =	sshra.s32 @p0 s0, $0x2  }
0x72c: {  	[tilespmem:s4+$0xBF78] =	vst.add.f32.msk @p0 $0xffff, v1  }
0x72d: {  	v1 =	vld @p0 [tilespmem:$0xBF08];
	_ =	sdelay $0x4  }
0x72e: {  	[tilespmem:s4+$0xBF88] =	vst.add.f32.msk @p0 $0xffff, v1  }
0x72f: {  	v1 =	vld @p0 [tilespmem:$0xBF18];
	_ =	sdelay $0x4  }
0x730: {  	[tilespmem:s4+$0xBF98] =	vst.add.f32.msk @p0 $0xffff, v1  }
0x731: {  	v1 =	vld @p0 [tilespmem:$0xBF28];
	_ =	sdelay $0x4  }
0x732: {  	[tilespmem:s4+$0xBFA8] =	vst.add.f32.msk @p0 $0xffff, v1  }
0x733: {  	v1 =	vld @p0 [tilespmem:$0xBF38];
	_ =	sdelay $0x2  }
0x734: {  	s5 =	smul.u32 @!p0 $0x140, s2;
	_ =	sdelay $0x1  }
0x735: {  	s5 =	smov.u32 @p0 s0;
	[tilespmem:s4+$0xBFB8] =	vst.add.f32.msk @p0 $0xffff, v1  }
0x736: {  	s0 =	sshra.s32 s5, $0x2;
	[tilespmem:s1+$0xBF58] =	vst.msk $0x1, v0  }
0x737: {  	v0 =	vld [tilespmem:s0+$0xBF78];
	_ =	sdelay $0x1  }
0x738: {  	s31 =	smul.u32 $0x140, s1;
	_ =	sdelay $0x1  }
0x739: {  	s4 =	sshra.s32 s31, $0x2  }
0x73a: {  	[tilespmem:s4+$0xBF78] =	vst v0  }
0x73b: {  	v0 =	vld [tilespmem:s0+$0xBF88];
	_ =	sdelay $0x4  }
0x73c: {  	[tilespmem:s4+$0xBF88] =	vst v0  }
0x73d: {  	v0 =	vld [tilespmem:s0+$0xBF98];
	_ =	sdelay $0x4  }
0x73e: {  	[tilespmem:s4+$0xBF98] =	vst v0  }
0x73f: {  	v0 =	vld [tilespmem:s0+$0xBFA8];
	_ =	sdelay $0x4  }
0x740: {  	[tilespmem:s4+$0xBFA8] =	vst v0  }
0x741: {  	v0 =	vld [tilespmem:s0+$0xBFB8];
	_ =	sdelay $0x4  }
0x742: {  	s1 =	sadd.s32 $0x1, s1;
	[tilespmem:s4+$0xBFB8] =	vst v0  }
.LBB2_35:
0x743: {  	s2 =	sadd.s32 $0x1, s2  }
0x744: {  	p0 =	sne.s32 s2, $0x20  }
.Ltmp23:
0x745: {  	_ = 	snop;
	(pc) =	sbr.rel @!p0 .LBB2_36-.Ltmp23, $1  }
0x746: {  	_ =	sdelay $0x3  }
.LBB2_28:
0x747: {  	v0 =	vld.msk [tilespmem:s2+$0xBF58], $0x1;
	_ =	sdelay $0x4  }
0x748: {  	(v2sf) =	vpush v0, $0x0;
	_ =	sdelay $0xe  }
0x749: {  	s4 =	spop (v2sf)  }
0x74a: {  	p0 =	seq.s32 s4, $0xFFFFFFFF  }
.Ltmp24:
0x74b: {  	_ = 	snop;
	(pc) =	sbr.rel @p0 .LBB2_35-.Ltmp24, $1  }
0x74c: {  	_ =	sdelay $0x3  }
0x74d: {  	p0 =	slt.s32 s1, $0x1  }
.Ltmp25:
0x74e: {  	_ = 	snop;
	(pc) =	sbr.rel @p0 .LBB2_34-.Ltmp25, $1  }
0x74f: {  	_ =	sdelay $0x3  }
0x750: {  	s5 =	simm.s32 $0xBF58;
	p0 =	por $0x0, $0x0  }
0x751: {  	v1 =	vld.msk @!p0 [tilespmem:s5+$0x0], $0x1;
	_ =	sdelay $0x4  }
0x752: {  	(v2sf) =	vpush @!p0 v1, $0x0;
	_ =	sdelay $0xd  }
0x753: {  	p2 =	sne.s32 s1, $0x1  }
.Ltmp26:
0x754: {  	s0 =	spop @!p0 (v2sf);
	(pc) =	sbr.rel @!p2 .LBB2_32-.Ltmp26, $4  }
0x755: {  	p1 =	seq.s32 @!p0 s4, s0  }
0x756: {  	s6 =	simm.s32 $0x0;
	p1 =	por !p1, p0  }
0x757: {  	s0 =	simm.s32 $0xFFFFFFFF;
	s6 =	simm.s32 @p1 $0xFFFFFFFF  }
0x758: {  	s7 =	simm.s32 $0x1;
	s6 =	smov.u32 @p0 s0  }
.LBB2_31:
0x759: {  	s0 =	smov.u32 s6;
	p0 =	sne.s32 s6, $0xFFFFFFFF  }
0x75a: {  	s5 =	sadd.s32 $0x1, s5;
	s6 =	smov.u32 s7;
	s7 =	sadd.s32 $0x1, s7  }
0x75b: {  	p1 =	sne.s32 s1, s7;
	v1 =	vld.msk @!p0 [tilespmem:s5+$0x0], $0x1;
	_ =	sdelay $0x4  }
0x75c: {  	(v2sf) =	vpush @!p0 v1, $0x0;
	_ =	sdelay $0xe  }
.Ltmp27:
0x75d: {  	s8 =	spop @!p0 (v2sf);
	(pc) =	sbr.rel @p1 .LBB2_31-.Ltmp27, $4  }
0x75e: {  	p2 =	seq.s32 @!p0 s4, s8  }
0x75f: {  	p2 =	por !p2, p0  }
0x760: {  	s6 =	simm.s32 @p2 $0xFFFFFFFF  }
0x761: {  	s6 =	smov.u32 @p0 s0  }
.LBB2_32:
0x762: {  	p0 =	seq.s32 s6, $0xFFFFFFFF  }
.Ltmp28:
0x763: {  	_ = 	snop;
	(pc) =	sbr.rel @p0 .LBB2_34-.Ltmp28, $1  }
0x764: {  	_ =	sdelay $0x3  }
0x765: {  	s0 =	smul.u32 $0x140, s2;
	_ =	sdelay $0x1  }
0x766: {  	s0 =	sshra.s32 s0, $0x2  }
0x767: {  	v0 =	vld [tilespmem:s0+$0xBF78];
	_ =	sdelay $0x1  }
0x768: {  	s4 =	smul.u32 $0x140, s6;
	_ =	sdelay $0x1  }
0x769: {  	s4 =	sshra.s32 s4, $0x2  }
0x76a: {  	[tilespmem:s4+$0xBF78] =	vst.add.f32.msk $0xffff, v0  }
0x76b: {  	v0 =	vld [tilespmem:s0+$0xBF88];
	_ =	sdelay $0x4  }
0x76c: {  	[tilespmem:s4+$0xBF88] =	vst.add.f32.msk $0xffff, v0  }
0x76d: {  	v0 =	vld [tilespmem:s0+$0xBF98];
	_ =	sdelay $0x4  }
0x76e: {  	[tilespmem:s4+$0xBF98] =	vst.add.f32.msk $0xffff, v0  }
0x76f: {  	v0 =	vld [tilespmem:s0+$0xBFA8];
	_ =	sdelay $0x4  }
0x770: {  	[tilespmem:s4+$0xBFA8] =	vst.add.f32.msk $0xffff, v0  }
0x771: {  	v0 =	vld [tilespmem:s0+$0xBFB8]  }
.Ltmp29:
0x772: {  	_ = 	snop;
	(pc) =	sbr.rel .LBB2_35-.Ltmp29, $2  }
0x773: {  	_ =	sdelay $0x2  }
0x774: {  	[tilespmem:s4+$0xBFB8] =	vst.add.f32.msk $0xffff, v0  }
.LBB2_36:
0x775: {  	p0 =	slt.s32 s1, $0x1  }
.Ltmp30:
0x776: {  	_ = 	snop;
	(pc) =	sbr.rel @p0 .LBB2_40-.Ltmp30, $3  }
0x777: {  	_ =	sdelay $0x1  }
0x778: {  	s0 =	simm.s32 $0x6  }
0x779: {  	s2 =	simm.s32 $0x0;
	[sflag:s0] =	ssyncpa.u1 $0x1  }
0x77a: {  	s0 =	simm.s32 $0xBF58  }
0x77b: {  	v0 =	vld.msk [tilespmem:s0+$0x0], $0x1;
	_ =	sdelay $0x4  }
0x77c: {  	(v2sf) =	vpush v0, $0x0;
	_ =	sdelay $0xd  }
0x77d: {  	s1 =	sadd.s32 $0xFFFFFFFF, s1  }
0x77e: {  	p1 =	sne.s32 s1, $0x0;
	s0 =	spop (v2sf)  }
.Ltmp31:
0x77f: {  	p0 =	sgt.u32 s0, $0x270F7;
	(pc) =	sbr.rel @!p1 .LBB2_39-.Ltmp31, $4  }
0x780: {  	s4 =	simm.s32 $0xBF78;
	s5 =	sand.u32 @!p0 $0x3FFF8, s0  }
0x781: {  	s6 =	simm.s32 $0x0;
	s0 =	sand.u32 @!p0 $0x7, s0;
	s5 =	sadd.s32 @!p0 s3, s5  }
0x782: {  	[hbm4b:s5+s0] =	stream.linear.scatter @!p0 [tilespmem:s4], [sflag:$0x5], $0x41, $0x38;
	[tilespmem:$0x1FF68] =	vst v63  }
0x783: {  	s6 =	simm.s32 @!p0 $0x104;
	s5 =	simm.s32 $0xBF59  }
.LBB2_38:
0x784: {  	v0 =	vld.msk [tilespmem:s5+$0x0], $0x1;
	s1 =	sadd.s32 $0xFFFFFFFF, s1;
	s2 =	sadd.s32 s2, s6  }
0x785: {  	p0 =	sne.s32 s1, $0x0;
	_ =	sdelay $0x3  }
0x786: {  	(v2sf) =	vpush v0, $0x0;
	_ =	sdelay $0xe  }
.Ltmp32:
0x787: {  	s0 =	spop (v2sf);
	(pc) =	sbr.rel @p0 .LBB2_38-.Ltmp32, $4  }
0x788: {  	s6 =	simm.s32 $0x0;
	p1 =	sgt.u32 s0, $0x270F7  }
0x789: {  	s4 =	sadd.s32 $0x50, s4;
	s6 =	simm.s32 @!p1 $0x104;
	s7 =	sand.u32 @!p1 $0x3FFF8, s0  }
0x78a: {  	s5 =	sadd.s32 $0x1, s5;
	s0 =	sand.u32 @!p1 $0x7, s0;
	s7 =	sadd.s32 @!p1 s3, s7  }
0x78b: {  	[hbm4b:s7+s0] =	stream.linear.scatter @!p1 [tilespmem:s4], [sflag:$0x5], $0x41, $0x38;
	[tilespmem:$0x1FF68] =	vst v63  }
.LBB2_39:
0x78c: {  	s0 =	sadd.s32 s2, s6  }
0x78d: {  	s2 =	sshrl.u32 s0, $0x2  }
.LBB2_40:
0x78e: {  	s0 =	simm.s32 $0x5  }
0x78f: {  	_ =	swait.ge [sflag:s0], s2  }
0x790: {  	s1 =	ssub.s32 $0x0, s2;
	[sflag:s0] =	ssyncset.done $0x0  }
0x791: {  	[sflag:s0] =	ssyncadd.s32 s1  }
0x792: {  	[sflag:s0] =	ssyncpa.u1 $0x1  }
0x793: {  	s30 =	simm.s32 $0x1;
	_ =	sfence  }
0x794: {  	[sflag:s30] =	ssyncpa.u1 $0x1  }
0x795: {  	_ =	strace $0x90000056  }
0x796: {  	[bflag:$0x2] =	sbarrier.arrive $0xFFFF  }
0x797: {  	s31 =	rddreg [dreg:$0x1]  }
0x798: {  	s0 =	sadd.s32 $0x100000, s31  }
0x799: {  	[sflag:s0] =	ssyncadd.tile.s32 $0x1;
	_ =	shalt  }
.Lfunc_end2:
_tile_overlayer_lowered:
.L_overlay_start_2:
0x79a: {  	(tag) =	ssettag $0x2  }
0x79b: {  	s0 =	rddreg [dreg:$0x0];
	s2 =	stileid.u32  }
0x79c: {  	s1 =	rddreg [dreg:$0x1];
	p0 =	sne.s32 s2, $0x0  }
0x79d: {  	s3 =	rddreg [dreg:$0x2];
	[bflag:$0x3] =	sbarrier.arrive $0xFFFF;
	s2 =	simm.s32 @!p0 $0x1C01  }
0x79e: {  	[timem:s3], [sflag:s2] =	dma.local @!p0 [hbm:s0], s1  }
0x79f: {  	s0 =	simm.s32 @!p0 $0x1  }
0x7a0: {  	_ =	swait.ge @!p0 [sflag:s0], s1  }
0x7a1: {  	s1 =	ssub.s32 @!p0 $0x0, s1;
	[sflag:s0] =	ssyncset.done @!p0 $0x0  }
0x7a2: {  	[sflag:s0] =	ssyncadd.s32 @!p0 s1  }
0x7a3: {  	[bflag:$0x3] =	sbarrier.arrive $0xFFFF  }
0x7a4: {  	_ =	shalt  }

// kernel: scatter_offload_async_start
scs
__scs_entry_jumppad:
0x0: {  	(pc) =	sbr.rel $0x88, $3  }
0x1: {  	(tag) =	ssettag $0x0;
	lr =	simm.s32 $0x1  }
0x2: {  	[smem:$0x3F8E] =	sst lr;
	_ =	strace $0xD0000000  }
0x3: {  	_ = 	snop  }
0x4: {  	_ = 	snop  }
0x5: {  	_ = 	snop  }
0x6: {  	_ = 	snop  }
0x7: {  	_ = 	snop  }
__scs_overlays_trampoline_lowered:
0x8: {  	[smem:$0x3F9D] =	sst s0  }
0x9: {  	[smem:$0x3F9E] =	sst s1  }
0xa: {  	[smem:$0x3F9F] =	sst s2  }
0xb: {  	[smem:$0x3FA0] =	sst s3  }
0xc: {  	[smem:$0x3FA1] =	sst s4  }
0xd: {  	[smem:$0x3FA2] =	sst s5  }
0xe: {  	[smem:$0x3FA3] =	sst s6  }
0xf: {  	[smem:$0x3FA4] =	sst s7  }
0x10: {  	[smem:$0x3FA5] =	sst s8  }
0x11: {  	[smem:$0x3FA6] =	sst s9;
	s0 =	simm.s32 @!p0 $0x0  }
0x12: {  	s1 =	sld [smem:$0x3F8C];
	s0 =	simm.s32 @p0 $0x1  }
0x13: {  	[smem:$0x3FA7] =	sst s0;
	s0 =	simm.s32 @!p1 $0x0  }
0x14: {  	s2 =	sld [smem:$0x3F8B];
	s0 =	simm.s32 @p1 $0x1  }
0x15: {  	[smem:$0x3FA8] =	sst s0;
	s0 =	simm.s32 @!p2 $0x0  }
0x16: {  	s3 =	sld [smem:$0x3FDB];
	s0 =	simm.s32 @p2 $0x1  }
0x17: {  	s4 =	simm.s32 $0x1BF5;
	[smem:$0x3FAA] =	sst s0  }
0x18: {  	s0 =	sld [smem:$0x3F8D];
	_ =	swait.ge [sflag:s4], $0x0  }
0x19: {  	s7 =	sld [smem:$0x3F8E]  }
0x1a: {  	s8 =	sadd.s32 $0xFFFFE003, lr  }
0x1b: {  	s9 =	sadd.s32 $0xFFFFFEF7, lr;
	s5 =	simm.s32 $0xFFFFFFFF;
	p2 =	slt.u32 s8, $0xFFFFF086  }
0x1c: {  	p1 =	slt.u32 s9, $0xF7A;
	s5 =	simm.s32 @!p2 $0x0  }
0x1d: {  	s5 =	simm.s32 @p1 $0x1;
	p0 =	seq.s32 s7, s2  }
0x1e: {  	s7 =	smul.u32 @!p0 $0xF7A, s2;
	p2 =	seq.s32 @!p0 s5, $0x0  }
0x1f: {  	s9 =	smul.u32 $0xF7A, s1;
	s8 =	simm.s32 @!p0 $0x1BF5;
	p2 =	por !p2, p0  }
0x20: {  	[sflag:s8] =	ssyncset.s32 @!p0 $0xFFFFF086;
	s6 =	sadd.s32 @!p0 s3, s7;
	s7 =	simm.s32 @!p0 $0x108  }
0x21: {  	s3 =	sadd.s32 s3, s9;
	s6 =	sadd.s32 @!p0 $0x88, s6;
	s7 =	simm.s32 @p2 $0x1082  }
0x22: {  	[simem:s7], [sflag:s8] =	dma.local @!p0 [hbm:s6], $0xF7A  }
0x23: {  	s9 =	sor.u32 $0xD0000000, s2;
	s6 =	simm.s32 $0x108;
	_ =	swait.ge @!p0 [sflag:s8], $0x0  }
0x24: {  	s3 =	sadd.s32 $0x88, s3;
	s6 =	simm.s32 @!p1 $0x1082;
	[sflag:s4] =	ssyncset.s32 $0xFFFFF086  }
0x25: {  	[simem:s6], [sflag:s4] =	dma.local [hbm:s3], $0xF7A  }
0x26: {  	[smem:$0x3F8E] =	sst s1;
	(tag) =	ssettag s2;
	_ =	strace s9  }
0x27: {  	s1 =	sld [smem:$0x3F9E]  }
0x28: {  	s2 =	sld [smem:$0x3F9F]  }
0x29: {  	s4 =	sld [smem:$0x3FA1]  }
0x2a: {  	p0 =	seq.s32 s5, $0x0;
	s5 =	sld [smem:$0x3FA2]  }
0x2b: {  	s6 =	sld [smem:$0x3FA3]  }
0x2c: {  	s7 =	sld [smem:$0x3FA4]  }
0x2d: {  	s3 =	simm.s32 $0x108;
	s8 =	sld [smem:$0x3FA5]  }
0x2e: {  	s3 =	simm.s32 @!p0 $0x1082;
	s9 =	sld [smem:$0x3FA6]  }
0x2f: {  	lr =	sadd.s32 s0, s3;
	s0 =	sld [smem:$0x3F9D]  }
0x30: {  	s3 =	sld [smem:$0x3FA0]  }
0x31: {  	[smem:$0x3FA9] =	sst s10  }
0x32: {  	s10 =	sld [smem:$0x3FA7];
	_ =	sdelay $0x3  }
0x33: {  	p0 =	seq.s32 s10, $0x1;
	s10 =	sld [smem:$0x3FA9];
	_ =	sdelay $0x3  }
0x34: {  	[smem:$0x3FA9] =	sst s10  }
0x35: {  	s10 =	sld [smem:$0x3FA8];
	_ =	sdelay $0x3  }
0x36: {  	p1 =	seq.s32 s10, $0x1;
	s10 =	sld [smem:$0x3FA9];
	_ =	sdelay $0x3  }
0x37: {  	[smem:$0x3FA9] =	sst s10  }
0x38: {  	s10 =	sld [smem:$0x3FAA]  }
0x39: {  	_ = 	snop;
	(pc) =	sbr.ind lr, $3  }
0x3a: {  	_ = 	snop  }
0x3b: {  	_ = 	snop  }
0x3c: {  	p2 =	seq.s32 s10, $0x1;
	s10 =	sld [smem:$0x3FA9]  }
0x3d: {  	_ =	shalt  }
0x3e: {  	_ =	shalt  }
0x3f: {  	_ =	shalt  }
0x40: {  	_ =	shalt  }
0x41: {  	_ =	shalt  }
0x42: {  	_ =	shalt  }
0x43: {  	_ =	shalt  }
0x44: {  	_ =	shalt  }
0x45: {  	_ =	shalt  }
0x46: {  	_ =	shalt  }
0x47: {  	_ =	shalt  }
0x48: {  	_ =	shalt  }
0x49: {  	_ =	shalt  }
0x4a: {  	_ =	shalt  }
0x4b: {  	_ =	shalt  }
0x4c: {  	_ =	shalt  }
0x4d: {  	_ =	shalt  }
0x4e: {  	_ =	shalt  }
0x4f: {  	_ =	shalt  }
0x50: {  	_ =	shalt  }
0x51: {  	_ =	shalt  }
0x52: {  	_ =	shalt  }
0x53: {  	_ =	shalt  }
0x54: {  	_ =	shalt  }
0x55: {  	_ =	shalt  }
0x56: {  	_ =	shalt  }
0x57: {  	_ =	shalt  }
0x58: {  	_ =	shalt  }
0x59: {  	_ =	shalt  }
0x5a: {  	_ =	shalt  }
0x5b: {  	_ =	shalt  }
0x5c: {  	_ =	shalt  }
0x5d: {  	_ =	shalt  }
0x5e: {  	_ =	shalt  }
0x5f: {  	_ =	shalt  }
0x60: {  	_ =	shalt  }
0x61: {  	_ =	shalt  }
0x62: {  	_ =	shalt  }
0x63: {  	_ =	shalt  }
0x64: {  	_ =	shalt  }
0x65: {  	_ =	shalt  }
0x66: {  	_ =	shalt  }
0x67: {  	_ =	shalt  }
0x68: {  	_ =	shalt  }
0x69: {  	_ =	shalt  }
0x6a: {  	_ =	shalt  }
0x6b: {  	_ =	shalt  }
0x6c: {  	_ =	shalt  }
0x6d: {  	_ =	shalt  }
0x6e: {  	_ =	shalt  }
0x6f: {  	_ =	shalt  }
0x70: {  	_ =	shalt  }
0x71: {  	_ =	shalt  }
0x72: {  	_ =	shalt  }
0x73: {  	_ =	shalt  }
0x74: {  	_ =	shalt  }
0x75: {  	_ =	shalt  }
0x76: {  	_ =	shalt  }
0x77: {  	_ =	shalt  }
0x78: {  	_ =	shalt  }
0x79: {  	_ =	shalt  }
0x7a: {  	_ =	shalt  }
0x7b: {  	_ =	shalt  }
0x7c: {  	_ =	shalt  }
0x7d: {  	_ =	shalt  }
0x7e: {  	_ =	shalt  }
0x7f: {  	_ =	shalt  }
0x80: {  	_ =	shalt  }
0x81: {  	_ =	shalt  }
0x82: {  	_ =	shalt  }
0x83: {  	_ =	shalt  }
0x84: {  	_ =	shalt  }
0x85: {  	_ =	shalt  }
0x86: {  	_ =	shalt  }
0x87: {  	_ =	shalt  }
.Lfunc_end0:
.L_simem_size_0:
called_computation_lowered:
.L_overlay_start_0:
0x88: {  	s0 =	sld [smem:$0x3FD9]  }
0x89: {  	s1 =	sld [smem:$0x3FFE];
	_ =	sdelay $0x3  }
0x8a: {  	s0 =	sadd.s32 s1, s0  }
0x8b: {  	[smem:$0x3FB5] =	sst s0  }
0x8c: {  	_ = 	snop  }
0x8d: {  	(tm) =	ssettm $0x1  }
0x8e: {  	s15 =	sld [smem:$0x3FFB];
	_ =	sdelay $0x3  }
0x8f: {  	_ =	strace s15  }
0x90: {  	s0 =	sld [smem:$0x3FFC];
	_ =	sdelay $0x3  }
0x91: {  	_ =	strace s0  }
0x92: {  	s0 =	sld [smem:$0x3FFD];
	_ =	sdelay $0x3  }
0x93: {  	_ =	strace s0  }
0x94: {  	_ =	strace $0x8FFFFFFF  }
0x95: {  	s16 =	sld [smem:$0x3FDB];
	_ =	sdelay $0x1  }
0x96: {  	s17 =	simm.s32 $_scs_section_size  }
0x97: {  	s2 =	simm.s32 $_size__tile_overlayer_lowered;
	s3 =	simm.s32 $_tile_overlayer_lowered  }
0x98: {  	s20 =	simm.s32 $0x1BFF;
	s19 =	sshll.u32 s3, $0x1;
	s0 =	sadd.s32 s17, s16  }
0x99: {  	s4 =	simm.s32 $0x0;
	s18 =	sshll.u32 s2, $0x1;
	s2 =	sadd.s32 s19, s0  }
0x9a: {  	[timem:s4], [sflag:s20] =	dma.local [hbm:s2], s18  }
0x9b: {  	_ =	swait.ge [sflag:s20], s18  }
0x9c: {  	s1 =	ssub.s32 $0x0, s18;
	[sflag:s20] =	ssyncset.done $0x0  }
0x9d: {  	[sflag:s20] =	ssyncadd.s32 s1;
	_ =	sdelay $0x1  }
0x9e: {  	s21 =	simm.s32 $0x1B8B  }
0x9f: {  	_ =	swait.ge [sflag:s21], $0x1  }
0xa0: {  	[sflag:s21] =	ssyncset.done $0x0  }
0xa1: {  	s23 =	simm.s32 $0x1B8E;
	s22 =	sld [smem:$0x3FFE];
	[sflag:s21] =	ssyncadd.s32 $0xFFFFFFFF  }
0xa2: {  	s24 =	simm.s32 $execute0_lowered;
	[smem:$0x3FD2] =	sst s23  }
0xa3: {  	s2 =	sshll.u32 s24, $0x1;
	_ =	strace $0x80000049;
	[dreg:$0x1] =	wrdreg $0xFFFFFFFF  }
0xa4: {  	s25 =	simm.s32 $_size_execute0_lowered;
	s0 =	sadd.s32 s0, s2;
	[dreg:$0x0] =	wrdreg $0x0  }
0xa5: {  	s2 =	sshll.u32 s25, $0x1;
	[dreg:$0x2] =	wrdreg s0  }
0xa6: {  	[dreg:$0x3] =	wrdreg s2  }
0xa7: {  	[dreg:$0x4] =	wrdreg $0xC0  }
0xa8: {  	_ =	task [dreg:s4], $0x5FFFF  }
0xa9: {  	[dreg:$0x1] =	wrdreg $0xFFFFFFFF  }
0xaa: {  	[dreg:$0x0] =	wrdreg $0x60  }
0xab: {  	[dreg:$0x2] =	wrdreg s22  }
0xac: {  	[dreg:$0x3] =	wrdreg $0x9  }
0xad: {  	_ =	task.clear_ibuf [dreg:s4], $0x4FFFF;
	_ =	strace $0x90000049  }
0xae: {  	s26 =	simm.s32 $0x9;
	_ =	strace $0x8000004B  }
0xaf: {  	_ =	swait.ge [sflag:s26], $0x1  }
0xb0: {  	[sflag:s26] =	ssyncadd.s32 $0xFFFFFFFF  }
0xb1: {  	_ =	strace $0x9000004B  }
0xb2: {  	_ =	sfence  }
0xb3: {  	s28 =	sld [smem:$0x0];
	_ =	sdelay $0x1  }
0xb4: {  	s29 =	srdreg.scid  }
0xb5: {  	s30 =	sshll.u32 s29, $0xD;
	s31 =	sshrl.u32 s29, $0x2  }
0xb6: {  	s1 =	sand.u32 $0x1, s29;
	s2 =	sand.u32 $0x4000, s30;
	s0 =	sadd.s32 s31, s28  }
0xb7: {  	s1 =	sor.u32 s2, s1;
	s0 =	sshll.u32 s0, $0x11  }
0xb8: {  	s0 =	sor.u32 s0, s1  }
0xb9: {  	s0 =	sadd.s32 $0x8F2B, s0  }
0xba: {  	[sflag:s0] =	ssyncadd.remote.s32 $0x1  }
0xbb: {  	_ =	sfence.sel $0xFFFF  }
0xbc: {  	[dreg:$0x0] =	wrdreg $0xFFFFFFFF;
	(pc) =	sbr.abs _section_cstart, $3  }
0xbd: {  	[dreg:$0x1] =	wrdreg $0xFFFFFFFF  }
0xbe: {  	_ =	task.clear_ibuf [dreg:s4], $0x2FFFF;
	_ =	strace $0x9FFFFFFF  }
0xbf: {  	(tm) =	ssettm $0x7FFFFFFF  }
tec
execute0_lowered:
.L_overlay_start_1:
0x0: {  	(tag) =	ssettag $0x1  }
0x1: {  	s8 =	rddreg [dreg:$0x0];
	_ =	strace $0x8000004A;
	s11 =	simm.s32 $0x1  }
0x2: {  	v0 =	vimm.s32 $0x0;
	[sflag:s11] =	ssyncpa.u1 $0x0  }
0x3: {  	[tilespmem:$0x28] =	vst v0  }
0x4: {  	[tilespmem:$0x38] =	vst v0  }
0x5: {  	[tilespmem:$0x48] =	vst v0  }
0x6: {  	[tilespmem:$0x58] =	vst v0  }
0x7: {  	[tilespmem:$0x68] =	vst v0  }
0x8: {  	[tilespmem:$0x78] =	vst v0  }
0x9: {  	[tilespmem:$0x88] =	vst v0  }
0xa: {  	[tilespmem:$0x98] =	vst v0  }
0xb: {  	[tilespmem:$0xA8] =	vst v0  }
0xc: {  	[tilespmem:$0xB8] =	vst v0  }
0xd: {  	[tilespmem:$0xC8] =	vst v0  }
0xe: {  	[tilespmem:$0xD8] =	vst v0  }
0xf: {  	[tilespmem:$0xE8] =	vst v0  }
0x10: {  	[tilespmem:$0xF8] =	vst v0  }
0x11: {  	[tilespmem:$0x108] =	vst v0  }
0x12: {  	[tilespmem:$0x118] =	vst v0  }
0x13: {  	[tilespmem:$0x128] =	vst v0  }
0x14: {  	[tilespmem:$0x138] =	vst v0  }
0x15: {  	[tilespmem:$0x148] =	vst v0  }
0x16: {  	[tilespmem:$0x158] =	vst v0  }
0x17: {  	[tilespmem:$0x168] =	vst v0  }
0x18: {  	[tilespmem:$0x178] =	vst v0  }
0x19: {  	[tilespmem:$0x188] =	vst v0  }
0x1a: {  	[tilespmem:$0x198] =	vst v0  }
0x1b: {  	[tilespmem:$0x1A8] =	vst v0  }
0x1c: {  	[tilespmem:$0x1B8] =	vst v0  }
0x1d: {  	[tilespmem:$0x1C8] =	vst v0  }
0x1e: {  	[tilespmem:$0x1D8] =	vst v0  }
0x1f: {  	[tilespmem:$0x1E8] =	vst v0  }
0x20: {  	[tilespmem:$0x1F8] =	vst v0  }
0x21: {  	[tilespmem:$0x208] =	vst v0  }
0x22: {  	[tilespmem:$0x218] =	vst v0  }
0x23: {  	[tilespmem:$0x228] =	vst v0  }
0x24: {  	[tilespmem:$0x238] =	vst v0  }
0x25: {  	[tilespmem:$0x248] =	vst v0  }
0x26: {  	[tilespmem:$0x258] =	vst v0  }
0x27: {  	[tilespmem:$0x268] =	vst v0  }
0x28: {  	[tilespmem:$0x278] =	vst v0  }
0x29: {  	[tilespmem:$0x288] =	vst v0  }
0x2a: {  	[tilespmem:$0x298] =	vst v0  }
0x2b: {  	[tilespmem:$0x2A8] =	vst v0  }
0x2c: {  	[tilespmem:$0x2B8] =	vst v0  }
0x2d: {  	[tilespmem:$0x2C8] =	vst v0  }
0x2e: {  	[tilespmem:$0x2D8] =	vst v0  }
0x2f: {  	[tilespmem:$0x2E8] =	vst v0  }
0x30: {  	[tilespmem:$0x2F8] =	vst v0  }
0x31: {  	[tilespmem:$0x308] =	vst v0  }
0x32: {  	[tilespmem:$0x318] =	vst v0  }
0x33: {  	[tilespmem:$0x328] =	vst v0  }
0x34: {  	[tilespmem:$0x338] =	vst v0  }
0x35: {  	[tilespmem:$0x348] =	vst v0  }
0x36: {  	[tilespmem:$0x358] =	vst v0  }
0x37: {  	[tilespmem:$0x368] =	vst v0  }
0x38: {  	[tilespmem:$0x378] =	vst v0  }
0x39: {  	[tilespmem:$0x388] =	vst v0  }
0x3a: {  	[tilespmem:$0x398] =	vst v0  }
0x3b: {  	[tilespmem:$0x3A8] =	vst v0  }
0x3c: {  	[tilespmem:$0x3B8] =	vst v0  }
0x3d: {  	[tilespmem:$0x3C8] =	vst v0  }
0x3e: {  	[tilespmem:$0x3D8] =	vst v0  }
0x3f: {  	[tilespmem:$0x3E8] =	vst v0  }
0x40: {  	[tilespmem:$0x3F8] =	vst v0  }
0x41: {  	[tilespmem:$0x408] =	vst v0  }
0x42: {  	[tilespmem:$0x418] =	vst v0  }
0x43: {  	[tilespmem:$0x428] =	vst v0  }
0x44: {  	[tilespmem:$0x438] =	vst v0  }
0x45: {  	[tilespmem:$0x448] =	vst v0  }
0x46: {  	[tilespmem:$0x458] =	vst v0  }
0x47: {  	[tilespmem:$0x468] =	vst v0  }
0x48: {  	[tilespmem:$0x478] =	vst v0  }
0x49: {  	[tilespmem:$0x488] =	vst v0  }
0x4a: {  	[tilespmem:$0x498] =	vst v0  }
0x4b: {  	[tilespmem:$0x4A8] =	vst v0  }
0x4c: {  	[tilespmem:$0x4B8] =	vst v0  }
0x4d: {  	[tilespmem:$0x4C8] =	vst v0  }
0x4e: {  	[tilespmem:$0x4D8] =	vst v0  }
0x4f: {  	[tilespmem:$0x4E8] =	vst v0  }
0x50: {  	[tilespmem:$0x4F8] =	vst v0  }
0x51: {  	[tilespmem:$0x508] =	vst v0  }
0x52: {  	[tilespmem:$0x518] =	vst v0  }
0x53: {  	[tilespmem:$0x528] =	vst v0  }
0x54: {  	[tilespmem:$0x538] =	vst v0  }
0x55: {  	[tilespmem:$0x548] =	vst v0  }
0x56: {  	[tilespmem:$0x558] =	vst v0  }
0x57: {  	[tilespmem:$0x568] =	vst v0  }
0x58: {  	[tilespmem:$0x578] =	vst v0  }
0x59: {  	[tilespmem:$0x588] =	vst v0  }
0x5a: {  	[tilespmem:$0x598] =	vst v0  }
0x5b: {  	[tilespmem:$0x5A8] =	vst v0  }
0x5c: {  	[tilespmem:$0x5B8] =	vst v0  }
0x5d: {  	[tilespmem:$0x5C8] =	vst v0  }
0x5e: {  	[tilespmem:$0x5D8] =	vst v0  }
0x5f: {  	[tilespmem:$0x5E8] =	vst v0  }
0x60: {  	[tilespmem:$0x5F8] =	vst v0  }
0x61: {  	[tilespmem:$0x608] =	vst v0  }
0x62: {  	[tilespmem:$0x618] =	vst v0  }
0x63: {  	[tilespmem:$0x628] =	vst v0  }
0x64: {  	[tilespmem:$0x638] =	vst v0  }
0x65: {  	[tilespmem:$0x648] =	vst v0  }
0x66: {  	[tilespmem:$0x658] =	vst v0  }
0x67: {  	[tilespmem:$0x668] =	vst v0  }
0x68: {  	[tilespmem:$0x678] =	vst v0  }
0x69: {  	[tilespmem:$0x688] =	vst v0  }
0x6a: {  	[tilespmem:$0x698] =	vst v0  }
0x6b: {  	[tilespmem:$0x6A8] =	vst v0  }
0x6c: {  	[tilespmem:$0x6B8] =	vst v0  }
0x6d: {  	[tilespmem:$0x6C8] =	vst v0  }
0x6e: {  	[tilespmem:$0x6D8] =	vst v0  }
0x6f: {  	[tilespmem:$0x6E8] =	vst v0  }
0x70: {  	[tilespmem:$0x6F8] =	vst v0  }
0x71: {  	[tilespmem:$0x708] =	vst v0  }
0x72: {  	[tilespmem:$0x718] =	vst v0  }
0x73: {  	[tilespmem:$0x728] =	vst v0  }
0x74: {  	[tilespmem:$0x738] =	vst v0  }
0x75: {  	[tilespmem:$0x748] =	vst v0  }
0x76: {  	[tilespmem:$0x758] =	vst v0  }
0x77: {  	[tilespmem:$0x768] =	vst v0  }
0x78: {  	[tilespmem:$0x778] =	vst v0  }
0x79: {  	[tilespmem:$0x788] =	vst v0  }
0x7a: {  	[tilespmem:$0x798] =	vst v0  }
0x7b: {  	[tilespmem:$0x7A8] =	vst v0  }
0x7c: {  	[tilespmem:$0x7B8] =	vst v0  }
0x7d: {  	[tilespmem:$0x7C8] =	vst v0  }
0x7e: {  	[tilespmem:$0x7D8] =	vst v0  }
0x7f: {  	[tilespmem:$0x7E8] =	vst v0  }
0x80: {  	[tilespmem:$0x7F8] =	vst v0  }
0x81: {  	[tilespmem:$0x808] =	vst v0  }
0x82: {  	[tilespmem:$0x818] =	vst v0  }
0x83: {  	[tilespmem:$0x828] =	vst v0  }
0x84: {  	[tilespmem:$0x838] =	vst v0  }
0x85: {  	[tilespmem:$0x848] =	vst v0  }
0x86: {  	[tilespmem:$0x858] =	vst v0  }
0x87: {  	[tilespmem:$0x868] =	vst v0  }
0x88: {  	[tilespmem:$0x878] =	vst v0  }
0x89: {  	[tilespmem:$0x888] =	vst v0  }
0x8a: {  	[tilespmem:$0x898] =	vst v0  }
0x8b: {  	[tilespmem:$0x8A8] =	vst v0  }
0x8c: {  	[tilespmem:$0x8B8] =	vst v0  }
0x8d: {  	[tilespmem:$0x8C8] =	vst v0  }
0x8e: {  	[tilespmem:$0x8D8] =	vst v0  }
0x8f: {  	[tilespmem:$0x8E8] =	vst v0  }
0x90: {  	[tilespmem:$0x8F8] =	vst v0  }
0x91: {  	[tilespmem:$0x908] =	vst v0  }
0x92: {  	[tilespmem:$0x918] =	vst v0  }
0x93: {  	[tilespmem:$0x928] =	vst v0  }
0x94: {  	[tilespmem:$0x938] =	vst v0  }
0x95: {  	[tilespmem:$0x948] =	vst v0  }
0x96: {  	[tilespmem:$0x958] =	vst v0  }
0x97: {  	[tilespmem:$0x968] =	vst v0  }
0x98: {  	[tilespmem:$0x978] =	vst v0  }
0x99: {  	[tilespmem:$0x988] =	vst v0  }
0x9a: {  	[tilespmem:$0x998] =	vst v0  }
0x9b: {  	[tilespmem:$0x9A8] =	vst v0  }
0x9c: {  	[tilespmem:$0x9B8] =	vst v0  }
0x9d: {  	[tilespmem:$0x9C8] =	vst v0  }
0x9e: {  	[tilespmem:$0x9D8] =	vst v0  }
0x9f: {  	[tilespmem:$0x9E8] =	vst v0  }
0xa0: {  	[tilespmem:$0x9F8] =	vst v0  }
0xa1: {  	[tilespmem:$0xA08] =	vst v0  }
0xa2: {  	[tilespmem:$0xA18] =	vst v0  }
0xa3: {  	[tilespmem:$0xA28] =	vst v0  }
0xa4: {  	[tilespmem:$0xA38] =	vst v0  }
0xa5: {  	[tilespmem:$0xA48] =	vst v0  }
0xa6: {  	[tilespmem:$0xA58] =	vst v0  }
0xa7: {  	[tilespmem:$0xA68] =	vst v0  }
0xa8: {  	[tilespmem:$0xA78] =	vst v0  }
0xa9: {  	[tilespmem:$0xA88] =	vst v0  }
0xaa: {  	[tilespmem:$0xA98] =	vst v0  }
0xab: {  	[tilespmem:$0xAA8] =	vst v0  }
0xac: {  	[tilespmem:$0xAB8] =	vst v0  }
0xad: {  	[tilespmem:$0xAC8] =	vst v0  }
0xae: {  	[tilespmem:$0xAD8] =	vst v0  }
0xaf: {  	[tilespmem:$0xAE8] =	vst v0  }
0xb0: {  	[tilespmem:$0xAF8] =	vst v0  }
0xb1: {  	[tilespmem:$0xB08] =	vst v0  }
0xb2: {  	[tilespmem:$0xB18] =	vst v0  }
0xb3: {  	[tilespmem:$0xB28] =	vst v0  }
0xb4: {  	[tilespmem:$0xB38] =	vst v0  }
0xb5: {  	[tilespmem:$0xB48] =	vst v0  }
0xb6: {  	[tilespmem:$0xB58] =	vst v0  }
0xb7: {  	[tilespmem:$0xB68] =	vst v0  }
0xb8: {  	[tilespmem:$0xB78] =	vst v0  }
0xb9: {  	[tilespmem:$0xB88] =	vst v0  }
0xba: {  	[tilespmem:$0xB98] =	vst v0  }
0xbb: {  	[tilespmem:$0xBA8] =	vst v0  }
0xbc: {  	[tilespmem:$0xBB8] =	vst v0  }
0xbd: {  	[tilespmem:$0xBC8] =	vst v0  }
0xbe: {  	[tilespmem:$0xBD8] =	vst v0  }
0xbf: {  	[tilespmem:$0xBE8] =	vst v0  }
0xc0: {  	[tilespmem:$0xBF8] =	vst v0  }
0xc1: {  	[tilespmem:$0xC08] =	vst v0  }
0xc2: {  	[tilespmem:$0xC18] =	vst v0  }
0xc3: {  	[tilespmem:$0xC28] =	vst v0  }
0xc4: {  	[tilespmem:$0xC38] =	vst v0  }
0xc5: {  	[tilespmem:$0xC48] =	vst v0  }
0xc6: {  	[tilespmem:$0xC58] =	vst v0  }
0xc7: {  	[tilespmem:$0xC68] =	vst v0  }
0xc8: {  	[tilespmem:$0xC78] =	vst v0  }
0xc9: {  	[tilespmem:$0xC88] =	vst v0  }
0xca: {  	[tilespmem:$0xC98] =	vst v0  }
0xcb: {  	[tilespmem:$0xCA8] =	vst v0  }
0xcc: {  	[tilespmem:$0xCB8] =	vst v0  }
0xcd: {  	[tilespmem:$0xCC8] =	vst v0  }
0xce: {  	[tilespmem:$0xCD8] =	vst v0  }
0xcf: {  	[tilespmem:$0xCE8] =	vst v0  }
0xd0: {  	[tilespmem:$0xCF8] =	vst v0  }
0xd1: {  	[tilespmem:$0xD08] =	vst v0  }
0xd2: {  	[tilespmem:$0xD18] =	vst v0  }
0xd3: {  	[tilespmem:$0xD28] =	vst v0  }
0xd4: {  	[tilespmem:$0xD38] =	vst v0  }
0xd5: {  	[tilespmem:$0xD48] =	vst v0  }
0xd6: {  	[tilespmem:$0xD58] =	vst v0  }
0xd7: {  	[tilespmem:$0xD68] =	vst v0  }
0xd8: {  	[tilespmem:$0xD78] =	vst v0  }
0xd9: {  	[tilespmem:$0xD88] =	vst v0  }
0xda: {  	[tilespmem:$0xD98] =	vst v0  }
0xdb: {  	[tilespmem:$0xDA8] =	vst v0  }
0xdc: {  	[tilespmem:$0xDB8] =	vst v0  }
0xdd: {  	[tilespmem:$0xDC8] =	vst v0  }
0xde: {  	[tilespmem:$0xDD8] =	vst v0  }
0xdf: {  	[tilespmem:$0xDE8] =	vst v0  }
0xe0: {  	[tilespmem:$0xDF8] =	vst v0  }
0xe1: {  	[tilespmem:$0xE08] =	vst v0  }
0xe2: {  	[tilespmem:$0xE18] =	vst v0  }
0xe3: {  	[tilespmem:$0xE28] =	vst v0  }
0xe4: {  	[tilespmem:$0xE38] =	vst v0  }
0xe5: {  	[tilespmem:$0xE48] =	vst v0  }
0xe6: {  	[tilespmem:$0xE58] =	vst v0  }
0xe7: {  	[tilespmem:$0xE68] =	vst v0  }
0xe8: {  	[tilespmem:$0xE78] =	vst v0  }
0xe9: {  	[tilespmem:$0xE88] =	vst v0  }
0xea: {  	[tilespmem:$0xE98] =	vst v0  }
0xeb: {  	[tilespmem:$0xEA8] =	vst v0  }
0xec: {  	[tilespmem:$0xEB8] =	vst v0  }
0xed: {  	[tilespmem:$0xEC8] =	vst v0  }
0xee: {  	[tilespmem:$0xED8] =	vst v0  }
0xef: {  	[tilespmem:$0xEE8] =	vst v0  }
0xf0: {  	[tilespmem:$0xEF8] =	vst v0  }
0xf1: {  	[tilespmem:$0xF08] =	vst v0  }
0xf2: {  	[tilespmem:$0xF18] =	vst v0  }
0xf3: {  	[tilespmem:$0xF28] =	vst v0  }
0xf4: {  	[tilespmem:$0xF38] =	vst v0  }
0xf5: {  	[tilespmem:$0xF48] =	vst v0  }
0xf6: {  	[tilespmem:$0xF58] =	vst v0  }
0xf7: {  	[tilespmem:$0xF68] =	vst v0  }
0xf8: {  	[tilespmem:$0xF78] =	vst v0  }
0xf9: {  	[tilespmem:$0xF88] =	vst v0  }
0xfa: {  	[tilespmem:$0xF98] =	vst v0  }
0xfb: {  	[tilespmem:$0xFA8] =	vst v0  }
0xfc: {  	[tilespmem:$0xFB8] =	vst v0  }
0xfd: {  	[tilespmem:$0xFC8] =	vst v0  }
0xfe: {  	[tilespmem:$0xFD8] =	vst v0  }
0xff: {  	[tilespmem:$0xFE8] =	vst v0  }
0x100: {  	[tilespmem:$0xFF8] =	vst v0  }
0x101: {  	[tilespmem:$0x1018] =	vst v0  }
0x102: {  	[tilespmem:$0x10D8] =	vst v0  }
0x103: {  	[tilespmem:$0x1B28] =	vst v0  }
0x104: {  	[tilespmem:$0x1B18] =	vst v0  }
0x105: {  	[tilespmem:$0x1B08] =	vst v0  }
0x106: {  	[tilespmem:$0x1AF8] =	vst v0  }
0x107: {  	[tilespmem:$0x1AE8] =	vst v0  }
0x108: {  	[tilespmem:$0x1AD8] =	vst v0  }
0x109: {  	[tilespmem:$0x1AC8] =	vst v0  }
0x10a: {  	[tilespmem:$0x1AB8] =	vst v0  }
0x10b: {  	[tilespmem:$0x1AA8] =	vst v0  }
0x10c: {  	[tilespmem:$0x1A98] =	vst v0  }
0x10d: {  	[tilespmem:$0x1A88] =	vst v0  }
0x10e: {  	[tilespmem:$0x1A78] =	vst v0  }
0x10f: {  	[tilespmem:$0x1A68] =	vst v0  }
0x110: {  	[tilespmem:$0x1A58] =	vst v0  }
0x111: {  	[tilespmem:$0x1A48] =	vst v0  }
0x112: {  	[tilespmem:$0x1A38] =	vst v0  }
0x113: {  	[tilespmem:$0x1A28] =	vst v0  }
0x114: {  	[tilespmem:$0x1A18] =	vst v0  }
0x115: {  	[tilespmem:$0x1A08] =	vst v0  }
0x116: {  	[tilespmem:$0x19F8] =	vst v0  }
0x117: {  	[tilespmem:$0x19E8] =	vst v0  }
0x118: {  	[tilespmem:$0x19D8] =	vst v0  }
0x119: {  	[tilespmem:$0x19C8] =	vst v0  }
0x11a: {  	[tilespmem:$0x19B8] =	vst v0  }
0x11b: {  	[tilespmem:$0x19A8] =	vst v0  }
0x11c: {  	[tilespmem:$0x1998] =	vst v0  }
0x11d: {  	[tilespmem:$0x1988] =	vst v0  }
0x11e: {  	[tilespmem:$0x1978] =	vst v0  }
0x11f: {  	[tilespmem:$0x1968] =	vst v0  }
0x120: {  	[tilespmem:$0x1958] =	vst v0  }
0x121: {  	[tilespmem:$0x1948] =	vst v0  }
0x122: {  	[tilespmem:$0x1938] =	vst v0  }
0x123: {  	[tilespmem:$0x1928] =	vst v0  }
0x124: {  	[tilespmem:$0x1918] =	vst v0  }
0x125: {  	[tilespmem:$0x1908] =	vst v0  }
0x126: {  	[tilespmem:$0x18F8] =	vst v0  }
0x127: {  	[tilespmem:$0x18E8] =	vst v0  }
0x128: {  	[tilespmem:$0x18D8] =	vst v0  }
0x129: {  	[tilespmem:$0x18C8] =	vst v0  }
0x12a: {  	[tilespmem:$0x18B8] =	vst v0  }
0x12b: {  	[tilespmem:$0x18A8] =	vst v0  }
0x12c: {  	[tilespmem:$0x1898] =	vst v0  }
0x12d: {  	[tilespmem:$0x1888] =	vst v0  }
0x12e: {  	[tilespmem:$0x1878] =	vst v0  }
0x12f: {  	[tilespmem:$0x1868] =	vst v0  }
0x130: {  	[tilespmem:$0x1858] =	vst v0  }
0x131: {  	[tilespmem:$0x1848] =	vst v0  }
0x132: {  	[tilespmem:$0x1838] =	vst v0  }
0x133: {  	[tilespmem:$0x1828] =	vst v0  }
0x134: {  	[tilespmem:$0x1818] =	vst v0  }
0x135: {  	[tilespmem:$0x1808] =	vst v0  }
0x136: {  	[tilespmem:$0x17F8] =	vst v0  }
0x137: {  	[tilespmem:$0x17E8] =	vst v0  }
0x138: {  	[tilespmem:$0x17D8] =	vst v0  }
0x139: {  	[tilespmem:$0x17C8] =	vst v0  }
0x13a: {  	[tilespmem:$0x17B8] =	vst v0  }
0x13b: {  	[tilespmem:$0x17A8] =	vst v0  }
0x13c: {  	[tilespmem:$0x1798] =	vst v0  }
0x13d: {  	[tilespmem:$0x1788] =	vst v0  }
0x13e: {  	[tilespmem:$0x1778] =	vst v0  }
0x13f: {  	[tilespmem:$0x1768] =	vst v0  }
0x140: {  	[tilespmem:$0x1758] =	vst v0  }
0x141: {  	[tilespmem:$0x1748] =	vst v0  }
0x142: {  	[tilespmem:$0x1738] =	vst v0  }
0x143: {  	[tilespmem:$0x1728] =	vst v0  }
0x144: {  	[tilespmem:$0x1718] =	vst v0  }
0x145: {  	[tilespmem:$0x1708] =	vst v0  }
0x146: {  	[tilespmem:$0x16F8] =	vst v0  }
0x147: {  	[tilespmem:$0x16E8] =	vst v0  }
0x148: {  	[tilespmem:$0x16D8] =	vst v0  }
0x149: {  	[tilespmem:$0x16C8] =	vst v0  }
0x14a: {  	[tilespmem:$0x16B8] =	vst v0  }
0x14b: {  	[tilespmem:$0x16A8] =	vst v0  }
0x14c: {  	[tilespmem:$0x1698] =	vst v0  }
0x14d: {  	[tilespmem:$0x1688] =	vst v0  }
0x14e: {  	[tilespmem:$0x1678] =	vst v0  }
0x14f: {  	[tilespmem:$0x1668] =	vst v0  }
0x150: {  	[tilespmem:$0x1658] =	vst v0  }
0x151: {  	[tilespmem:$0x1648] =	vst v0  }
0x152: {  	[tilespmem:$0x1638] =	vst v0  }
0x153: {  	[tilespmem:$0x1628] =	vst v0  }
0x154: {  	[tilespmem:$0x1618] =	vst v0  }
0x155: {  	[tilespmem:$0x1608] =	vst v0  }
0x156: {  	[tilespmem:$0x15F8] =	vst v0  }
0x157: {  	[tilespmem:$0x15E8] =	vst v0  }
0x158: {  	[tilespmem:$0x15D8] =	vst v0  }
0x159: {  	[tilespmem:$0x15C8] =	vst v0  }
0x15a: {  	[tilespmem:$0x15B8] =	vst v0  }
0x15b: {  	[tilespmem:$0x15A8] =	vst v0  }
0x15c: {  	[tilespmem:$0x1598] =	vst v0  }
0x15d: {  	[tilespmem:$0x1588] =	vst v0  }
0x15e: {  	[tilespmem:$0x1578] =	vst v0  }
0x15f: {  	[tilespmem:$0x1568] =	vst v0  }
0x160: {  	[tilespmem:$0x1558] =	vst v0  }
0x161: {  	[tilespmem:$0x1548] =	vst v0  }
0x162: {  	[tilespmem:$0x1538] =	vst v0  }
0x163: {  	[tilespmem:$0x1528] =	vst v0  }
0x164: {  	[tilespmem:$0x1518] =	vst v0  }
0x165: {  	[tilespmem:$0x1508] =	vst v0  }
0x166: {  	[tilespmem:$0x14F8] =	vst v0  }
0x167: {  	[tilespmem:$0x14E8] =	vst v0  }
0x168: {  	[tilespmem:$0x14D8] =	vst v0  }
0x169: {  	[tilespmem:$0x14C8] =	vst v0  }
0x16a: {  	[tilespmem:$0x14B8] =	vst v0  }
0x16b: {  	[tilespmem:$0x14A8] =	vst v0  }
0x16c: {  	[tilespmem:$0x1498] =	vst v0  }
0x16d: {  	[tilespmem:$0x1488] =	vst v0  }
0x16e: {  	[tilespmem:$0x1478] =	vst v0  }
0x16f: {  	[tilespmem:$0x1468] =	vst v0  }
0x170: {  	[tilespmem:$0x1458] =	vst v0  }
0x171: {  	[tilespmem:$0x1448] =	vst v0  }
0x172: {  	[tilespmem:$0x1438] =	vst v0  }
0x173: {  	[tilespmem:$0x1428] =	vst v0  }
0x174: {  	[tilespmem:$0x1418] =	vst v0  }
0x175: {  	[tilespmem:$0x1408] =	vst v0  }
0x176: {  	[tilespmem:$0x13F8] =	vst v0  }
0x177: {  	[tilespmem:$0x13E8] =	vst v0  }
0x178: {  	[tilespmem:$0x13D8] =	vst v0  }
0x179: {  	[tilespmem:$0x13C8] =	vst v0  }
0x17a: {  	[tilespmem:$0x13B8] =	vst v0  }
0x17b: {  	[tilespmem:$0x13A8] =	vst v0  }
0x17c: {  	[tilespmem:$0x1398] =	vst v0  }
0x17d: {  	[tilespmem:$0x1388] =	vst v0  }
0x17e: {  	[tilespmem:$0x1378] =	vst v0  }
0x17f: {  	[tilespmem:$0x1368] =	vst v0  }
0x180: {  	[tilespmem:$0x1358] =	vst v0  }
0x181: {  	[tilespmem:$0x1348] =	vst v0  }
0x182: {  	[tilespmem:$0x1338] =	vst v0  }
0x183: {  	[tilespmem:$0x1328] =	vst v0  }
0x184: {  	[tilespmem:$0x1318] =	vst v0  }
0x185: {  	[tilespmem:$0x1308] =	vst v0  }
0x186: {  	[tilespmem:$0x12F8] =	vst v0  }
0x187: {  	[tilespmem:$0x12E8] =	vst v0  }
0x188: {  	[tilespmem:$0x12D8] =	vst v0  }
0x189: {  	[tilespmem:$0x12C8] =	vst v0  }
0x18a: {  	[tilespmem:$0x12B8] =	vst v0  }
0x18b: {  	[tilespmem:$0x12A8] =	vst v0  }
0x18c: {  	[tilespmem:$0x1298] =	vst v0  }
0x18d: {  	[tilespmem:$0x1288] =	vst v0  }
0x18e: {  	[tilespmem:$0x1278] =	vst v0  }
0x18f: {  	[tilespmem:$0x1268] =	vst v0  }
0x190: {  	[tilespmem:$0x1258] =	vst v0  }
0x191: {  	[tilespmem:$0x1248] =	vst v0  }
0x192: {  	[tilespmem:$0x1238] =	vst v0  }
0x193: {  	[tilespmem:$0x1228] =	vst v0  }
0x194: {  	[tilespmem:$0x1218] =	vst v0  }
0x195: {  	[tilespmem:$0x1208] =	vst v0  }
0x196: {  	[tilespmem:$0x11F8] =	vst v0  }
0x197: {  	[tilespmem:$0x11E8] =	vst v0  }
0x198: {  	[tilespmem:$0x11D8] =	vst v0  }
0x199: {  	[tilespmem:$0x11C8] =	vst v0  }
0x19a: {  	[tilespmem:$0x11B8] =	vst v0  }
0x19b: {  	[tilespmem:$0x11A8] =	vst v0  }
0x19c: {  	[tilespmem:$0x1198] =	vst v0  }
0x19d: {  	[tilespmem:$0x1188] =	vst v0  }
0x19e: {  	[tilespmem:$0x1178] =	vst v0  }
0x19f: {  	[tilespmem:$0x1168] =	vst v0  }
0x1a0: {  	[tilespmem:$0x1158] =	vst v0  }
0x1a1: {  	[tilespmem:$0x1148] =	vst v0  }
0x1a2: {  	[tilespmem:$0x1138] =	vst v0  }
0x1a3: {  	[tilespmem:$0x1128] =	vst v0  }
0x1a4: {  	[tilespmem:$0x1118] =	vst v0  }
0x1a5: {  	s2 =	stileid.u32;
	[tilespmem:$0x1108] =	vst v0  }
0x1a6: {  	s0 =	smul.u32 $0x2F, s2;
	[tilespmem:$0x10F8] =	vst v0  }
0x1a7: {  	s1 =	smin.u32 s2, $0xC;
	[tilespmem:$0x10E8] =	vst v0  }
0x1a8: {  	[tilespmem:$0x10B8] =	vst v0;
	s0 =	sadd.s32 s1, s0  }
0x1a9: {  	p0 =	slt.u32 s2, $0xC;
	[tilespmem:$0x10C8] =	vst v0;
	s1 =	simm.s32 $0x5100;
	s3 =	smul.u32 $0x1B0, s0  }
0x1aa: {  	s1 =	simm.s32 @!p0 $0x4F50;
	[tilespmem:$0x10A8] =	vst v0  }
0x1ab: {  	[tilespmem:$0x1038] =	vst v0;
	s0 =	sadd.s32 s1, s3  }
0x1ac: {  	[tilespmem:$0x1098] =	vst v0;
	s4 =	smin.u32 s0, $0x50910  }
0x1ad: {  	[tilespmem:$0x1088] =	vst v0;
	s0 =	ssub.s32 s4, s3  }
0x1ae: {  	s5 =	simm.s32 $0x2;
	[tilespmem:$0x1078] =	vst v0;
	p0 =	sgt.s32 s0, $0x0  }
0x1af: {  	s29 =	simm.s32 $0x7;
	s13 =	simm.s32 $0x8;
	[tilespmem:$0x1068] =	vst v0;
	s0 =	simm.s32 @!p0 $0x0  }
0x1b0: {  	s30 =	simm.s32 $0x9;
	p4 =	por $0x0, $0x0;
	[tilespmem:$0x1058] =	vst v0;
	s6 =	smulhi.u32 $0x4BDA12F7, s0  }
0x1b1: {  	s14 =	simm.s32 $0xA;
	s18 =	simm.s32 $0x0;
	s15 =	simm.s32 $0x0;
	[tilespmem:$0x1048] =	vst v0  }
0x1b2: {  	s17 =	simm.s32 $0x0;
	s7 =	sadd.s32 $0xF8E00, s8;
	[tilespmem:$0x1028] =	vst v0;
	s12 =	sshrl.u32 s6, $0x7  }
0x1b3: {  	s31 =	sshll.u32 s2, $0x5;
	[tilespmem:$0x1008] =	vst v0;
	[sflag:s5] =	ssyncpa.u1 $0x0;
	v0 =	vimm.s32 $0xFFFFFFFF;
	s10 =	smul.u32 $0x1B0, s12  }
.Ltmp0:
0x1b4: {  	[dreg:$0x2] =	wrdreg s31;
	[tilespmem:$0x3648] =	vst v0;
	[sflag:s29] =	ssyncpa.u1 $0x0;
	(pc) =	sbr.rel .LBB2_1-.Ltmp0, $4  }
0x1b5: {  	[sflag:s13] =	ssyncpa.u1 $0x0;
	s13 =	simm.s32 $0x0;
	p0 =	sne.s32 s0, s10  }
0x1b6: {  	[sflag:s30] =	ssyncpa.u1 $0x0;
	s1 =	sadd.s32 $0x2E00, s8;
	s11 =	simm.s32 @!p0 $0x0  }
0x1b7: {  	s16 =	smov.u32 s3;
	s6 =	sadd.s32 $0x48600, s8;
	s11 =	sadd.s32 s11, s12  }
0x1b8: {  	v0 =	vlaneseq.u32;
	s8 =	sadd.s32 $0x52800, s8;
	p0 =	por $0x1, $0x1;
	s12 =	sadd.s32 $0x1, s11  }
.LBB2_18:
0x1b9: {  	s0 =	simm.s32 $0x2  }
0x1ba: {  	_ =	swait.ge [sflag:s0], $0x0  }
0x1bb: {  	[sflag:s0] =	ssyncset.done $0x0;
	s0 =	simm.s32 $0x0  }
.LBB2_19:
0x1bc: {  	_ =	swait.ge [sflag:s14], s0  }
0x1bd: {  	s31 =	ssub.s32 $0x0, s0;
	v1 =	vmov s20;
	vm0 =	veq.s32 v0, $0x0;
	[sflag:s14] =	ssyncset.done $0x0  }
0x1be: {  	vm15 =	veq.s32 v0, $0x2;
	v1 =	vsel vm0, s24, v1;
	[sflag:s14] =	ssyncadd.s32 s31  }
0x1bf: {  	v1 =	vsel vm15, s18, v1;
	[sflag:s14] =	ssyncpa.u1 $0x1  }
0x1c0: {  	[tilespmem:$0x3648] =	vst v1  }
.LBB2_20:
0x1c1: {  	s0 =	sadd.s32 $0x1B0, s16  }
0x1c2: {  	s2 =	smov.u32 s3;
	p1 =	slt.s32 s0, s4  }
0x1c3: {  	s2 =	smov.u32 @p1 s0;
	p1 =	sne.s32 s17, s12  }
.Ltmp1:
0x1c4: {  	_ = 	snop;
	(pc) =	sbr.rel @!p1 .LBB2_21-.Ltmp1, $4  }
0x1c5: {  	_ = 	snop  }
0x1c6: {  	s18 =	smov.u32 s15  }
0x1c7: {  	s31 =	sadd.s32 $0x1, s17;
	s15 =	smov.u32 s16;
	p0 =	por !p0, !p0  }
0x1c8: {  	p4 =	por !p4, !p4;
	s17 =	smov.u32 s31;
	s16 =	smov.u32 s2  }
.LBB2_1:
0x1c9: {  	p2 =	sge.u32 s17, s11  }
0x1ca: {  	s0 =	smulhi.u32 @!p2 $0xAAAAAAAB, s17  }
0x1cb: {  	s19 =	smov.u32 s16;
	p3 =	sgt.s32 @!p2 s16, $0x50760  }
0x1cc: {  	s20 =	sshra.s32 @!p2 s16, $0x1F;
	p3 =	por !p3, p2;
	s0 =	sshrl.u32 @!p2 s0, $0x1  }
0x1cd: {  	s20 =	sand.u32 @!p2 s20, s16;
	s19 =	simm.s32 @p3 $0x50760;
	s0 =	smul.u32 @!p2 $0x3, s0  }
0x1ce: {  	s19 =	ssub.s32 @!p2 s19, s20  }
0x1cf: {  	s19 =	sadd.s32 @!p2 $0xFFFAF8A0, s19;
	s0 =	ssub.s32 @!p2 s17, s0  }
0x1d0: {  	s20 =	sshll.u32 @!p2 s19, $0x2;
	p3 =	sgt.s32 @!p2 s19, $0x1AF;
	s0 =	smul.u32 @!p2 $0x6C0, s0  }
0x1d1: {  	s21 =	sand.u32 @!p2 $0x7, s16;
	s19 =	ssub.s32 @!p2 $0x6C0, s20;
	p3 =	por !p3, p2  }
0x1d2: {  	s20 =	sshrl.u32 @!p2 s16, $0x3;
	s19 =	sshrl.u32 @!p2 s19, $0x2;
	s0 =	sshrl.u32 @!p2 s0, $0x2  }
0x1d3: {  	s20 =	sadd.s32 @!p2 s8, s20;
	s19 =	simm.s32 @!p3 $0x0;
	s0 =	sadd.s32 @!p2 $0x3878, s0  }
0x1d4: {  	[tilespmem:s0], [sflag:$0x8] =	stream.linear.gather @!p2 [hbm4b:s20+s21], s19, $0x38;
	[tilespmem:$0x1F0E8] =	vst v63  }
0x1d5: {  	s20 =	sadd.s32 $0xFFFFFFFF, s17  }
0x1d6: {  	p2 =	sge.u32 s20, s11  }
0x1d7: {  	p3 =	sgt.s32 @!p2 s15, $0x50760  }
0x1d8: {  	s0 =	smov.u32 s15;
	s19 =	sshra.s32 @!p2 s15, $0x1F;
	p3 =	por !p3, p2  }
0x1d9: {  	s19 =	sand.u32 @!p2 s19, s15;
	s0 =	simm.s32 @p3 $0x50760  }
0x1da: {  	s0 =	ssub.s32 @!p2 s0, s19  }
0x1db: {  	s0 =	sadd.s32 @!p2 $0xFFFAF8A0, s0  }
0x1dc: {  	s19 =	sshll.u32 @!p2 s0, $0x2  }
0x1dd: {  	p3 =	sgt.s32 @!p2 s0, $0x1AF;
	s0 =	ssub.s32 @!p2 $0x6C0, s19  }
0x1de: {  	p3 =	por !p3, p2;
	s0 =	sshrl.u32 @!p2 s0, $0x2  }
0x1df: {  	s21 =	simm.s32 @!p2 $0x8;
	s19 =	sand.u32 @!p2 $0x1, s20;
	s0 =	simm.s32 @!p3 $0x0  }
0x1e0: {  	s19 =	smul.u32 @!p2 $0x6C0, s19;
	_ =	swait.ge @!p2 [sflag:s21], s0  }
0x1e1: {  	s22 =	ssub.s32 @!p2 $0x0, s0;
	[sflag:s21] =	ssyncset.done @!p2 $0x0  }
0x1e2: {  	s19 =	sshrl.u32 @!p2 s19, $0x2;
	[sflag:s21] =	ssyncadd.s32 @!p2 s22;
	s21 =	sshrl.u32 @!p2 s15, $0x3  }
0x1e3: {  	s19 =	sadd.s32 @!p2 $0x3D88, s19;
	s22 =	sand.u32 @!p2 $0x7, s15;
	s21 =	sadd.s32 @!p2 s6, s21  }
0x1e4: {  	[tilespmem:s19], [sflag:$0x9] =	stream.linear.gather @!p2 [hbm4b:s21+s22], s0, $0x38;
	[tilespmem:$0x1F0E8] =	vst v63  }
0x1e5: {  	s19 =	ssub.s32 @!p2 $0x50910, s15  }
0x1e6: {  	p3 =	slt.s32 @!p2 s19, $0x1  }
0x1e7: {  	p3 =	por p2, p3  }
.Ltmp2:
0x1e8: {  	_ = 	snop;
	(pc) =	sbr.rel @p3 .LBB2_7-.Ltmp2, $1  }
0x1e9: {  	_ =	sdelay $0x3  }
0x1ea: {  	s0 =	smulhi.u32 $0xAAAAAAAB, s20;
	_ =	sdelay $0x1  }
0x1eb: {  	s0 =	sshrl.u32 s0, $0x1  }
0x1ec: {  	s0 =	smul.u32 $0x3, s0;
	_ =	sdelay $0x1  }
0x1ed: {  	s0 =	ssub.s32 s20, s0  }
0x1ee: {  	s21 =	simm.s32 $0x1;
	s0 =	smul.u32 $0x6C0, s0  }
.Ltmp3:
0x1ef: {  	s21 =	simm.s32 @!p0 $0x0;
	(pc) =	sbr.rel .LBB2_4-.Ltmp3, $4  }
0x1f0: {  	s31 =	smul.u32 $0x36000, s21  }
0x1f1: {  	p3 =	slt.s32 @!p2 s19, $0x1B0;
	s0 =	sshrl.u32 s0, $0x2  }
0x1f2: {  	p2 =	por !p3, p2;
	s20 =	sshrl.u32 s31, $0x2;
	s0 =	sadd.s32 $0x3878, s0  }
0x1f3: {  	s19 =	simm.s32 @p2 $0x1B0;
	s21 =	simm.s32 $0x0;
	s20 =	sadd.s32 $0x40E8, s20;
	v1 =	vmov s0  }
.LBB2_3:
0x1f4: {  	p2 =	sge.s32 s21, s19  }
.Ltmp4:
0x1f5: {  	_ = 	snop;
	(pc) =	sbr.rel @p2 .LBB2_7-.Ltmp4, $2  }
0x1f6: {  	_ =	sdelay $0x2  }
0x1f7: {  	s20 =	sadd.s32 $0x800, s20  }
.LBB2_4:
0x1f8: {  	p2 =	sle.s32 s19, s21  }
.Ltmp5:
0x1f9: {  	_ = 	snop;
	(pc) =	sbr.rel @p2 .LBB2_3-.Ltmp5, $2  }
0x1fa: {  	_ =	sdelay $0x2  }
0x1fb: {  	s22 =	smov.u32 s21;
	s21 =	sadd.s32 $0x10, s21  }
0x1fc: {  	s0 =	ssub.s32 s19, s22  }
0x1fd: {  	p2 =	slt.s32 s0, $0x10  }
0x1fe: {  	s0 =	simm.s32 @!p2 $0x10  }
0x1ff: {  	v2 =	vmov s0  }
0x200: {  	vm0 =	vgt.s32 v2, v0;
	_ =	sdelay $0x5  }
0x201: {  	v2 =	vld.idx.msk [tilespmem:v1+s22+$0x0 ss:$0x1], vm0;
	_ =	sdelay $0x2  }
0x202: {  	s23 =	smov.u32 s19;
	p2 =	slt.s32 s21, s19  }
0x203: {  	s24 =	smov.u32 s20;
	s25 =	simm.s32 $0x0;
	s23 =	smov.u32 @p2 s21  }
.LBB2_6:
0x204: {  	(v2sf) =	vpush v2, s25;
	_ =	sdelay $0xc  }
0x205: {  	s25 =	sadd.s32 $0x1, s25  }
0x206: {  	s31 =	sadd.s32 s25, s22  }
0x207: {  	p2 =	slt.s32 s31, s23;
	s0 =	spop (v2sf)  }
.Ltmp6:
0x208: {  	s0 =	sshll.u32 s0, $0x4;
	(pc) =	sbr.rel @p2 .LBB2_6-.Ltmp6, $4  }
0x209: {  	s0 =	sand.u32 $0x1FFFFFF0, s0  }
0x20a: {  	s0 =	sadd.s32 s7, s0  }
0x20b: {  	[tilespmem:s24], [sflag:$0x7] =	stream.linear.gather [hbm4b:s0+s13], $0x8, $0x38;
	[tilespmem:$0x1F0E8] =	vst v63  }
0x20c: {  	s24 =	sadd.s32 $0x80, s24  }
.Ltmp7:
0x20d: {  	_ = 	snop;
	(pc) =	sbr.rel .LBB2_3-.Ltmp7, $1  }
0x20e: {  	_ =	sdelay $0x3  }
.LBB2_7:
0x20f: {  	p2 =	slt.u32 s17, $0x2  }
.Ltmp8:
0x210: {  	_ = 	snop;
	(pc) =	sbr.rel @p2 .LBB2_20-.Ltmp8, $1  }
0x211: {  	_ =	sdelay $0x3  }
0x212: {  	p2 =	sgt.s32 s18, $0x50760;
	s0 =	smov.u32 s18  }
0x213: {  	s19 =	sshra.s32 s18, $0x1F;
	s20 =	ssub.s32 $0x50910, s18;
	s0 =	simm.s32 @!p2 $0x50760  }
0x214: {  	s19 =	sand.u32 s19, s18;
	p2 =	slt.s32 s20, $0x1B0;
	s21 =	smov.u32 s20  }
0x215: {  	s0 =	ssub.s32 s0, s19;
	s21 =	simm.s32 @!p2 $0x1B0  }
0x216: {  	s0 =	sadd.s32 $0xFFFAF8A0, s0;
	s26 =	sshll.u32 s21, $0x3  }
0x217: {  	s2 =	simm.s32 $0x7;
	s28 =	sshll.u32 s0, $0x2;
	s19 =	sand.u32 $0x3FFFFFF8, s26  }
0x218: {  	p2 =	sgt.s32 s0, $0x1AF;
	s29 =	ssub.s32 $0x6C0, s28;
	_ =	swait.ge [sflag:s2], s19  }
0x219: {  	s19 =	ssub.s32 $0x0, s19;
	[sflag:s2] =	ssyncset.done $0x0;
	s0 =	sshrl.u32 s29, $0x2  }
0x21a: {  	s30 =	simm.s32 $0x9;
	[sflag:s2] =	ssyncadd.s32 s19;
	s0 =	simm.s32 @p2 $0x0  }
0x21b: {  	_ =	swait.ge [sflag:s30], s0  }
0x21c: {  	s0 =	ssub.s32 $0x0, s0;
	[sflag:s30] =	ssyncset.done $0x0  }
0x21d: {  	[sflag:s30] =	ssyncadd.s32 s0  }
0x21e: {  	v1 =	vld [tilespmem:$0x3648];
	_ =	sdelay $0x4  }
0x21f: {  	(v2sf) =	vpush v1, $0x0  }
0x220: {  	(v2sf) =	vpush v1, $0x1  }
0x221: {  	(v2sf) =	vpush v1, $0x2;
	_ =	sdelay $0x3  }
0x222: {  	s0 =	sadd.s32 $0x1B0, s18  }
0x223: {  	p2 =	slt.s32 s4, s0  }
0x224: {  	s0 =	smov.u32 @p2 s4;
	p2 =	sgt.s32 s20, $0x0  }
0x225: {  	s22 =	ssub.s32 s0, s18;
	s20 =	simm.s32 @!p2 $0x0  }
0x226: {  	p2 =	slt.s32 s20, s22  }
0x227: {  	s22 =	smov.u32 @p2 s20  }
0x228: {  	s21 =	simm.s32 $0x1;
	p2 =	slt.s32 s22, $0x1  }
.Ltmp9:
0x229: {  	s21 =	simm.s32 @!p4 $0x0;
	(pc) =	sbr.rel @p2 .LBB2_12-.Ltmp9, $4  }
0x22a: {  	s31 =	smul.u32 $0x6C0, s21  }
0x22b: {  	s23 =	spop (v2sf)  }
0x22c: {  	s0 =	sshrl.u32 s31, $0x2;
	s25 =	spop (v2sf)  }
0x22d: {  	s19 =	sadd.s32 $0x3D88, s0;
	s18 =	spop (v2sf)  }
0x22e: {  	s0 =	smin.u32 s22, $0x10  }
0x22f: {  	v1 =	vmov s0  }
0x230: {  	p3 =	sgt.s32 s22, $0x10;
	vm1 =	vgt.u32 v1, v0  }
.Ltmp10:
0x231: {  	_ = 	snop;
	(pc) =	sbr.rel @!p3 .LBB2_11-.Ltmp10, $2  }
0x232: {  	_ =	sdelay $0x2  }
0x233: {  	s24 =	simm.s32 $0x10;
	s26 =	sadd.s32 $0xFFFFFFF0, s22;
	s20 =	smov.u32 s19;
	vm0 =	vmmov vm1  }
.LBB2_10:
0x234: {  	s0 =	smin.u32 s26, $0x10;
	s24 =	sadd.s32 $0x10, s24;
	v1 =	vld.msk [tilespmem:s20+$0x0 ss:$0x1], vm1  }
0x235: {  	v2 =	vmov s0;
	p3 =	slt.s32 s24, s22  }
0x236: {  	vm1 =	vgt.u32 v2, v0  }
.Ltmp11:
0x237: {  	(pc) =	sbr.rel @p3 .LBB2_10-.Ltmp11, $3  }
0x238: {  	_ =	sdelay $0x1  }
0x239: {  	v1 =	vshll.u32 v1, $0x4  }
0x23a: {  	s26 =	sadd.s32 $0xFFFFFFF0, s26;
	[tilespmem:s20+$0x0] =	vst.msk vm0, v1;
	s20 =	sadd.s32 $0x10, s20;
	vm0 =	vmmov vm1  }
.LBB2_11:
0x23b: {  	_ =	sdelay $0x4  }
0x23c: {  	v1 =	vld.msk [tilespmem:s20+$0x0 ss:$0x1], vm1;
	_ =	sdelay $0x4  }
0x23d: {  	v1 =	vshll.u32 v1, $0x4  }
0x23e: {  	[tilespmem:s20+$0x0] =	vst.msk vm0, v1  }
.LBB2_12:
0x23f: {  	s0 =	sand.u32 $0x1, s17  }
0x240: {  	s20 =	smul.u32 $0x1B0, s0  }
0x241: {  	p3 =	sne.s32 s25, $0xFFFFFFFF  }
0x242: {  	v1 =	vld.msk @!p3 [tilespmem:s20+$0x3D88], $0x1;
	_ =	sdelay $0x4  }
0x243: {  	(v2sf) =	vpush @!p3 v1, $0x0;
	_ =	sdelay $0x9  }
0x244: {  	s0 =	smul.u32 $0xD800, s0;
	_ =	sdelay $0x1  }
0x245: {  	v1 =	vld.msk @!p3 [tilespmem:s0+$0x40E8], $0xff  }
.Ltmp12:
0x246: {  	_ = 	snop;
	(pc) =	sbr.rel @p2 .LBB2_18-.Ltmp12, $4  }
0x247: {  	_ = 	snop  }
0x248: {  	s24 =	spop @!p3 (v2sf)  }
0x249: {  	s18 =	simm.s32 @!p3 $0x0;
	s0 =	simm.s32 @!p3 $0x28;
	s20 =	smov.u32 s24  }
0x24a: {  	[tilespmem:s0+$0x0] =	vst.msk @!p3 $0xff, v1;
	[sflag:s14] =	ssyncpa.u1 $0x0;
	s24 =	smov.u32 @p3 s23;
	s20 =	smov.u32 @p3 s25  }
0x24b: {  	v1 =	vld.msk [tilespmem:s19+$0x0], $0x1;
	_ =	sdelay $0x4  }
0x24c: {  	(v2sf) =	vpush v1, $0x0;
	_ =	sdelay $0xd  }
0x24d: {  	s0 =	simm.s32 @!p4 $0x0  }
0x24e: {  	s26 =	smul.u32 $0x36000, s21;
	s25 =	ssub.s32 $0x0, s22;
	s28 =	spop (v2sf)  }
0x24f: {  	s0 =	simm.s32 @p4 $0x1;
	s23 =	sadd.s32 $0x1, s25;
	p2 =	seq.s32 s24, s28  }
0x250: {  	[smem:$0x7FD] =	sst s0;
	s0 =	sshrl.u32 s26, $0x2;
	p3 =	sgt.s32 @!p2 s24, $0x0  }
0x251: {  	s21 =	sadd.s32 $0x40E8, s0;
	s0 =	smov.u32 s24;
	p3 =	por !p3, p2  }
0x252: {  	s0 =	simm.s32 @p3 $0x0;
	p3 =	seq.s32 s23, $0x0  }
.Ltmp13:
0x253: {  	_ = 	snop;
	(pc) =	sbr.rel @p3 .LBB2_15-.Ltmp13, $4  }
0x254: {  	_ = 	snop  }
0x255: {  	s22 =	simm.s32 $0x0;
	s29 =	simm.s32 @!p2 $0x1;
	s0 =	smin.u32 @!p2 s0, $0x270FF  }
0x256: {  	s30 =	simm.s32 @!p2 $0x1B38;
	s29 =	smov.u32 @p2 s22;
	s26 =	sand.u32 @!p2 $0x3FFF8, s0  }
0x257: {  	s31 =	sand.u32 @!p2 $0x7, s0;
	s0 =	sadd.s32 @!p2 s1, s26;
	s26 =	sadd.s32 $0x1, s19  }
.LBB2_14:
0x258: {  	s2 =	smov.u32 s29  }
0x259: {  	[tilespmem:s30], [sflag:$0x2] =	stream.linear.gather @!p2 [hbm4b:s0+s31], $0x8, $0x38;
	[tilespmem:$0x1F0E8] =	vst v63  }
0x25a: {  	s23 =	sadd.s32 $0x1, s23;
	s0 =	smov.u32 s28;
	v1 =	vld.msk [tilespmem:s26+$0x0], $0x1  }
0x25b: {  	p3 =	seq.s32 s23, $0x0;
	_ =	sdelay $0x3  }
0x25c: {  	(v2sf) =	vpush v1, $0x0;
	_ =	sdelay $0xe  }
0x25d: {  	s28 =	spop (v2sf)  }
0x25e: {  	p2 =	seq.s32 s0, s28  }
0x25f: {  	p4 =	sgt.s32 @!p2 s0, $0x0;
	s30 =	sshll.u32 @!p2 s29, $0x6;
	s29 =	sadd.s32 @!p2 $0x1, s29  }
.Ltmp14:
0x260: {  	p4 =	por !p4, p2;
	s30 =	sshra.s32 @!p2 s30, $0x2;
	(pc) =	sbr.rel @!p3 .LBB2_14-.Ltmp14, $4  }
0x261: {  	s29 =	smov.u32 @p2 s2;
	s0 =	simm.s32 @p4 $0x0;
	s30 =	sadd.s32 @!p2 $0x1B38, s30  }
0x262: {  	s0 =	smin.u32 @!p2 s0, $0x270FF  }
0x263: {  	s2 =	sand.u32 @!p2 $0x3FFF8, s0;
	s31 =	sand.u32 @!p2 $0x7, s0  }
0x264: {  	s26 =	sadd.s32 $0x1, s26;
	s0 =	sadd.s32 @!p2 s1, s2  }
.LBB2_15:
0x265: {  	[tilespmem:s30], [sflag:$0x2] =	stream.linear.gather @!p2 [hbm4b:s0+s31], $0x8, $0x38;
	[tilespmem:$0x1F0E8] =	vst v63  }
0x266: {  	s31 =	sshll.u32 s29, $0x3  }
0x267: {  	s2 =	simm.s32 $0x2;
	s0 =	sand.u32 $0x3FFFFFF8, s31  }
0x268: {  	_ =	swait.ge [sflag:s2], s0  }
0x269: {  	s0 =	ssub.s32 $0x0, s0;
	[sflag:s2] =	ssyncset.done $0x0  }
0x26a: {  	[sflag:s2] =	ssyncadd.s32 s0  }
0x26b: {  	v1 =	vld.msk [tilespmem:s19+$0x0], $0x1;
	_ =	sdelay $0x4  }
0x26c: {  	(v2sf) =	vpush v1, $0x0;
	_ =	sdelay $0xe  }
0x26d: {  	s23 =	spop (v2sf)  }
0x26e: {  	p2 =	sne.s32 s24, s23  }
0x26f: {  	p4 =	sne.s32 @p2 s24, s20  }
0x270: {  	p3 =	por !p4, !p2  }
0x271: {  	s0 =	sshll.u32 @!p3 s18, $0x6;
	s2 =	simm.s32 @!p3 $0x0  }
0x272: {  	s0 =	sshra.s32 @!p3 s0, $0x2;
	v1 =	vld.msk @!p3 [tilespmem:s2+$0x1B38], $0xff  }
0x273: {  	v2 =	vld.msk @!p3 [tilespmem:s0+$0x28], $0xff;
	_ =	sdelay $0x1  }
0x274: {  	p5 =	sgt.u32 @!p3 s24, $0x270FF  }
0x275: {  	p6 =	por @p2 p5, !p4  }
0x276: {  	p1 =	por p6, !p2;
	p6 =	por p4, !p2  }
0x277: {  	s26 =	sadd.s32 @!p3 $0x28, s0;
	s2 =	sand.u32 @!p1 $0x3FFF8, s24;
	s28 =	sshll.u32 @!p6 s18, $0x6;
	v1 =	vmax.f32 @!p3 v1, v2  }
0x278: {  	s24 =	sand.u32 @!p1 $0x7, s24;
	s2 =	sadd.s32 @!p1 s1, s2;
	[tilespmem:s0+$0x28] =	vst.msk @!p3 $0xff, v1;
	s0 =	sshra.s32 @!p6 s28, $0x2  }
0x279: {  	[hbm4b:s2+s24] =	stream.linear.scatter @!p1 [tilespmem:s26], [sflag:$0xA], $0x8, $0x38;
	[tilespmem:$0x1F0E8] =	vst v63  }
0x27a: {  	s29 =	rddreg [dreg:$0x2];
	s0 =	sadd.s32 @!p6 $0x28, s0;
	s2 =	simm.s32 @!p6 $0x1  }
0x27b: {  	[spmem:s29] =	stream.linear.scatter @!p6 [tilespmem:s0], [sflag:$0x1], $0x8, $0x38;
	[tilespmem:$0x1F0E8] =	vst v63  }
0x27c: {  	s0 =	sadd.s32 @p2 $0x1, s18;
	_ =	swait.ge @!p6 [sflag:s2], $0x8  }
0x27d: {  	s24 =	sshrl.u32 @p2 s0, $0x4;
	[sflag:s2] =	ssyncset.done @!p6 $0x0  }
0x27e: {  	s26 =	smulhi.u32 @p2 $0x97B425F, s24;
	[sflag:s2] =	ssyncadd.s32 @!p6 $0xFFFFFFF8  }
0x27f: {  	v1 =	vld.msk @p2 [tilespmem:s21+$0x0], $0xff  }
0x280: {  	p1 =	por @p2 !p5, !p4;
	s24 =	sadd.s32 $0x1, s25;
	s2 =	smul.u32 @p2 $0x1B0, s26  }
0x281: {  	p1 =	por !p1, !p2;
	p6 =	seq.s32 s24, $0x0  }
.Ltmp15:
0x282: {  	s26 =	simm.s32 @!p3 $0x0;
	s0 =	ssub.s32 @p2 s0, s2;
	(pc) =	sbr.rel @p6 .LBB2_17-.Ltmp15, $4  }
0x283: {  	s26 =	simm.s32 @!p1 $0x20;
	s28 =	sshll.u32 @p2 s0, $0x4  }
0x284: {  	s29 =	simm.s32 @p2 $0x1;
	s2 =	sshll.u32 @!p2 s18, $0x6;
	s26 =	sadd.s32 @!p3 $0x0, s26;
	[tilespmem:s28+$0x28] =	vst.msk @p2 $0xff, v1  }
0x285: {  	s25 =	simm.s32 $0x0;
	s26 =	smov.u32 @p3 s22;
	s28 =	sshra.s32 @!p2 s2, $0x2;
	v1 =	vld.msk @!p2 [tilespmem:s21+$0x0], $0xff  }
0x286: {  	s25 =	smov.u32 @p2 s29;
	s18 =	smov.u32 @p2 s0;
	s22 =	smov.u32 @p2 s26;
	v2 =	vld.msk @!p2 [tilespmem:s28+$0x28], $0xff  }
.LBB2_16:
0x287: {  	_ =	sdelay $0x3  }
0x288: {  	v1 =	vmax.f32 @!p2 v1, v2  }
0x289: {  	s19 =	sadd.s32 $0x1, s19;
	[tilespmem:s28+$0x28] =	vst.msk @!p2 $0xff, v1  }
0x28a: {  	v1 =	vld.msk [tilespmem:s19+$0x0], $0x1;
	_ =	sdelay $0x4  }
0x28b: {  	(v2sf) =	vpush v1, $0x0;
	_ =	sdelay $0xe  }
0x28c: {  	s26 =	smov.u32 s23;
	s23 =	spop (v2sf)  }
0x28d: {  	p2 =	sne.s32 s26, s23  }
0x28e: {  	p5 =	sne.s32 @p2 s26, s20  }
0x28f: {  	s0 =	sadd.s32 @p2 $0x1, s18;
	p4 =	por !p5, !p2  }
0x290: {  	s28 =	sshll.u32 @!p2 s18, $0x6;
	s29 =	sadd.s32 @p2 $0x1, s25;
	s30 =	sshll.u32 @!p4 s25, $0x6  }
0x291: {  	s2 =	sshrl.u32 @p2 s0, $0x4;
	s31 =	sshll.u32 @!p4 s18, $0x6;
	s30 =	sshra.s32 @!p4 s30, $0x2  }
0x292: {  	p1 =	sgt.u32 @!p4 s26, $0x270FF;
	s2 =	smulhi.u32 @p2 $0x97B425F, s2;
	s31 =	sshra.s32 @!p4 s31, $0x2;
	v1 =	vld.msk @!p4 [tilespmem:s30+$0x1B38], $0xff  }
0x293: {  	s5 =	simm.s32 @!p4 $0x0;
	s25 =	smov.u32 @p2 s29;
	s29 =	rddreg [dreg:$0x2];
	v2 =	vld.msk @!p4 [tilespmem:s31+$0x28], $0xff  }
0x294: {  	p6 =	por @p2 p1, !p5;
	p1 =	por @p2 !p1, !p5;
	p5 =	por p5, !p2  }
0x295: {  	s30 =	sadd.s32 @!p4 $0x28, s31;
	p6 =	por p6, !p2;
	p1 =	por !p1, !p2  }
0x296: {  	s2 =	smul.u32 @p2 $0x1B0, s2;
	s10 =	sshll.u32 @!p5 s18, $0x6;
	s5 =	simm.s32 @!p1 $0x20  }
0x297: {  	s9 =	sand.u32 @!p6 $0x3FFF8, s26;
	s26 =	sand.u32 @!p6 $0x7, s26;
	s5 =	sadd.s32 @!p4 s5, s22  }
0x298: {  	s9 =	sadd.s32 @!p6 s1, s9;
	s0 =	ssub.s32 @p2 s0, s2;
	s5 =	smov.u32 @p4 s22;
	v1 =	vmax.f32 @!p4 v1, v2  }
0x299: {  	s2 =	sshll.u32 @p2 s0, $0x4;
	s22 =	smov.u32 @p2 s5;
	s5 =	sshra.s32 @!p5 s10, $0x2;
	[tilespmem:s31+$0x28] =	vst.msk @!p4 $0xff, v1  }
0x29a: {  	[hbm4b:s9+s26] =	stream.linear.scatter @!p6 [tilespmem:s30], [sflag:$0xA], $0x8, $0x38;
	[tilespmem:$0x1F0E8] =	vst v63  }
0x29b: {  	s18 =	smov.u32 @p2 s0;
	s0 =	sadd.s32 @!p5 $0x28, s5;
	s5 =	simm.s32 @!p5 $0x1  }
0x29c: {  	[spmem:s29] =	stream.linear.scatter @!p5 [tilespmem:s0], [sflag:$0x1], $0x8, $0x38;
	[tilespmem:$0x1F0E8] =	vst v63  }
0x29d: {  	_ =	swait.ge @!p5 [sflag:s5], $0x8  }
0x29e: {  	[sflag:s5] =	ssyncset.done @!p5 $0x0  }
0x29f: {  	s21 =	sadd.s32 $0x80, s21;
	[sflag:s5] =	ssyncadd.s32 @!p5 $0xFFFFFFF8  }
0x2a0: {  	v1 =	vld.msk @p2 [tilespmem:s21+$0x0], $0xff  }
0x2a1: {  	s24 =	sadd.s32 $0x1, s24  }
0x2a2: {  	p3 =	seq.s32 s24, $0x0  }
.Ltmp16:
0x2a3: {  	_ = 	snop;
	(pc) =	sbr.rel @!p3 .LBB2_16-.Ltmp16, $4  }
0x2a4: {  	_ = 	snop  }
0x2a5: {  	[tilespmem:s2+$0x28] =	vst.msk @p2 $0xff, v1  }
0x2a6: {  	s28 =	sshra.s32 @!p2 s28, $0x2;
	v1 =	vld.msk @!p2 [tilespmem:s21+$0x0], $0xff  }
0x2a7: {  	v2 =	vld.msk @!p2 [tilespmem:s28+$0x28], $0xff  }
.LBB2_17:
0x2a8: {  	_ = 	snop  }
.Ltmp17:
0x2a9: {  	_ = 	snop;
	(pc) =	sbr.rel .LBB2_19-.Ltmp17, $3  }
0x2aa: {  	s2 =	sld [smem:$0x7FD];
	_ =	sdelay $0x1  }
0x2ab: {  	v1 =	vmax.f32 @!p2 v1, v2  }
0x2ac: {  	s0 =	sshrl.u32 s22, $0x2;
	s24 =	smov.u32 s23;
	p4 =	seq.s32 s2, $0x1;
	[tilespmem:s28+$0x28] =	vst.msk @!p2 $0xff, v1  }
.LBB2_21:
0x2ad: {  	_ =	sfence.sel $0x180000  }
0x2ae: {  	s0 =	simm.s32 $0x7;
	[bflag:$0x0] =	sbarrier.arrive $0xFFFF  }
0x2af: {  	s25 =	simm.s32 $0x8;
	[sflag:s0] =	ssyncpa.u1 $0x1  }
0x2b0: {  	s26 =	simm.s32 $0x9;
	[sflag:s25] =	ssyncpa.u1 $0x1  }
0x2b1: {  	s28 =	simm.s32 $0x2;
	[sflag:s26] =	ssyncpa.u1 $0x1  }
0x2b2: {  	[sflag:s28] =	ssyncpa.u1 $0x1  }
0x2b3: {  	v0 =	vld [tilespmem:$0x3648];
	_ =	sdelay $0x4  }
0x2b4: {  	(v2sf) =	vpush v0, $0x0  }
0x2b5: {  	(v2sf) =	vpush v0, $0x1;
	_ =	sdelay $0x1  }
0x2b6: {  	(v2sf) =	vpush v0, $0x2;
	_ =	sdelay $0xb  }
0x2b7: {  	s0 =	spop (v2sf)  }
0x2b8: {  	s2 =	spop (v2sf)  }
0x2b9: {  	s3 =	smov.u32 s0;
	p0 =	sne.s32 s0, s2  }
0x2ba: {  	s4 =	spop (v2sf);
	s3 =	simm.s32 @!p0 $0xFFFFFFFF  }
0x2bb: {  	v2 =	vimm.s32 $0x1;
	v3 =	vlaneseq.u32;
	p0 =	seq.s32 s4, $0xFFFFFFFF;
	v1 =	vmov s3  }
0x2bc: {  	s7 =	stileid.u32;
	v0 =	vperm.xlane v0, v2;
	p1 =	sne.s32 @!p0 s0, s2;
	v1 =	vperm.xlane v1, v3  }
0x2bd: {  	vm0 =	vcmask $0x3F04;
	s6 =	simm.s32 $0x3648;
	s0 =	simm.s32 @!p0 $0x1;
	p1 =	por !p1, p0  }
0x2be: {  	s3 =	sshll.u32 s7, $0x1;
	s2 =	sshll.u32 @!p0 s4, $0x6;
	s0 =	simm.s32 @p1 $0x0;
	v0 =	vsel vm0, v1, v0  }
0x2bf: {  	s5 =	sor.u32 $0x200, s3;
	s2 =	sshra.s32 @!p0 s2, $0x2;
	s0 =	sor.u32 @!p0 s0, s3;
	[tilespmem:$0x3648] =	vst v0  }
0x2c0: {  	[spmem:s5] =	stream.linear.scatter [tilespmem:s6], [sflag:$0x1], $0x2, $0x38;
	[tilespmem:$0x1F0E8] =	vst v63  }
0x2c1: {  	s2 =	sadd.s32 @!p0 $0x28, s2;
	s0 =	sshll.u32 @!p0 s0, $0x4  }
0x2c2: {  	[spmem:s0] =	stream.linear.scatter @!p0 [tilespmem:s2], [sflag:$0x1], $0x10, $0x38;
	[tilespmem:$0x1F0E8] =	vst v63  }
0x2c3: {  	s0 =	simm.s32 @!p0 $0x12  }
0x2c4: {  	s3 =	simm.s32 $0x1;
	s0 =	simm.s32 @p0 $0x2  }
0x2c5: {  	_ =	swait.ge [sflag:s3], s0  }
0x2c6: {  	s0 =	ssub.s32 $0x0, s0;
	[sflag:s3] =	ssyncset.done $0x0  }
0x2c7: {  	[sflag:s3] =	ssyncadd.s32 s0  }
0x2c8: {  	_ =	sfence.stream.spmem  }
0x2c9: {  	s29 =	simm.s32 $0x3;
	[bflag:$0x0] =	sbarrier.arrive $0xFFFF  }
0x2ca: {  	s30 =	simm.s32 $0x4;
	[sflag:s29] =	ssyncpa.u1 $0x1  }
0x2cb: {  	s31 =	simm.s32 $0x3C;
	[sflag:s30] =	ssyncpa.u1 $0x1  }
0x2cc: {  	p0 =	sne.s32 s7, $0x0;
	[sflag:s31] =	ssyncpa.u1 $0x1  }
0x2cd: {  	_ =	sfence @p0  }
0x2ce: {  	[sflag:s3] =	ssyncpa.u1 @p0 $0x1  }
0x2cf: {  	_ =	strace @p0 $0x9000004A  }
0x2d0: {  	[bflag:$0x2] =	sbarrier.arrive @p0 $0xFFFF  }
0x2d1: {  	_ =	shalt @p0  }
.LBB2_22:
0x2d2: {  	_ =	sfence.stream.spmem;
	s0 =	simm.s32 $0x5  }
0x2d3: {  	s2 =	simm.s32 $0x200;
	s3 =	simm.s32 $0x3658;
	[sflag:s0] =	ssyncpa.u1 $0x0  }
0x2d4: {  	[tilespmem:s3], [sflag:$0x5] =	stream.linear.gather [spmem:s2], $0x20, $0x38;
	[tilespmem:$0x1F0E8] =	vst v63  }
0x2d5: {  	s30 =	simm.s32 $0x3678;
	s2 =	simm.s32 $0x0  }
0x2d6: {  	[tilespmem:s30], [sflag:$0x5] =	stream.linear.gather [spmem:s2], $0x200, $0x38;
	[tilespmem:$0x1F0E8] =	vst v63  }
.Ltmp18:
0x2d7: {  	_ = 	snop;
	(pc) =	sbr.rel .LBB2_23-.Ltmp18, $4  }
0x2d8: {  	_ =	swait.ge [sflag:s0], $0x220  }
0x2d9: {  	[sflag:s0] =	ssyncset.done $0x0  }
0x2da: {  	s31 =	simm.s32 $0x6;
	[sflag:s0] =	ssyncadd.s32 $0xFFFFFDE0  }
0x2db: {  	s3 =	simm.s32 $0x0;
	[sflag:s31] =	ssyncpa.u1 $0x0  }
.LBB2_28:
0x2dc: {  	p0 =	slt.u32 s4, $0x27100  }
0x2dd: {  	s0 =	sand.u32 @p0 $0x3FFF8, s4  }
0x2de: {  	s4 =	sand.u32 @p0 $0x7, s4;
	s5 =	simm.s32 @p0 $0x3638;
	s0 =	sadd.s32 @p0 s1, s0  }
0x2df: {  	[tilespmem:s5], [sflag:$0x6] =	stream.linear.gather @p0 [hbm4b:s0+s4], $0x8, $0x38;
	[tilespmem:$0x1F0E8] =	vst v63  }
0x2e0: {  	s0 =	simm.s32 @p0 $0x6  }
0x2e1: {  	_ =	swait.ge @p0 [sflag:s0], $0x8  }
0x2e2: {  	[sflag:s0] =	ssyncset.done @p0 $0x0  }
0x2e3: {  	[sflag:s0] =	ssyncadd.s32 @p0 $0xFFFFFFF8;
	s0 =	sshll.u32 @p0 s3, $0x6  }
0x2e4: {  	v1 =	vld @p0 [tilespmem:$0x3638];
	s4 =	sshrl.u32 @p0 s0, $0x2  }
0x2e5: {  	v2 =	vld @p0 [tilespmem:s4+$0x3678];
	_ =	sdelay $0x4  }
0x2e6: {  	s5 =	sshll.u32 @!p0 s3, $0x6;
	v1 =	vmax.f32 @p0 v1, v2  }
0x2e7: {  	s5 =	smov.u32 @p0 s0;
	[tilespmem:s4+$0x3678] =	vst @p0 v1  }
0x2e8: {  	s0 =	sshrl.u32 s5, $0x2;
	[tilespmem:s2+$0x3658] =	vst.msk $0x1, v0  }
0x2e9: {  	v0 =	vld [tilespmem:s0+$0x3678];
	_ =	sdelay $0x2  }
0x2ea: {  	s31 =	sshll.u32 s2, $0x6  }
0x2eb: {  	s0 =	sshra.s32 s31, $0x2  }
0x2ec: {  	s2 =	sadd.s32 $0x1, s2;
	[tilespmem:s0+$0x3678] =	vst v0  }
.LBB2_30:
0x2ed: {  	s3 =	sadd.s32 $0x1, s3  }
0x2ee: {  	p0 =	sne.s32 s3, $0x20  }
.Ltmp19:
0x2ef: {  	_ = 	snop;
	(pc) =	sbr.rel @!p0 .LBB2_31-.Ltmp19, $1  }
0x2f0: {  	_ =	sdelay $0x3  }
.LBB2_23:
0x2f1: {  	v0 =	vld.msk [tilespmem:s3+$0x3658], $0x1;
	_ =	sdelay $0x4  }
0x2f2: {  	(v2sf) =	vpush v0, $0x0;
	_ =	sdelay $0xe  }
0x2f3: {  	s4 =	spop (v2sf)  }
0x2f4: {  	p0 =	seq.s32 s4, $0xFFFFFFFF  }
.Ltmp20:
0x2f5: {  	_ = 	snop;
	(pc) =	sbr.rel @p0 .LBB2_30-.Ltmp20, $1  }
0x2f6: {  	_ =	sdelay $0x3  }
0x2f7: {  	p0 =	slt.s32 s2, $0x1  }
.Ltmp21:
0x2f8: {  	_ = 	snop;
	(pc) =	sbr.rel @p0 .LBB2_28-.Ltmp21, $1  }
0x2f9: {  	_ =	sdelay $0x3  }
0x2fa: {  	s5 =	simm.s32 $0x3658;
	p0 =	por $0x0, $0x0  }
0x2fb: {  	v1 =	vld.msk @!p0 [tilespmem:s5+$0x0], $0x1;
	_ =	sdelay $0x4  }
0x2fc: {  	(v2sf) =	vpush @!p0 v1, $0x0;
	_ =	sdelay $0xd  }
0x2fd: {  	p2 =	sne.s32 s2, $0x1  }
.Ltmp22:
0x2fe: {  	s0 =	spop @!p0 (v2sf);
	(pc) =	sbr.rel @!p2 .LBB2_27-.Ltmp22, $4  }
0x2ff: {  	p1 =	seq.s32 @!p0 s4, s0  }
0x300: {  	s6 =	simm.s32 $0x0;
	p1 =	por !p1, p0  }
0x301: {  	s0 =	simm.s32 $0xFFFFFFFF;
	s6 =	simm.s32 @p1 $0xFFFFFFFF  }
0x302: {  	s7 =	simm.s32 $0x1;
	s6 =	smov.u32 @p0 s0  }
.LBB2_26:
0x303: {  	s0 =	smov.u32 s6;
	p0 =	sne.s32 s6, $0xFFFFFFFF  }
0x304: {  	s5 =	sadd.s32 $0x1, s5;
	s6 =	smov.u32 s7;
	s7 =	sadd.s32 $0x1, s7  }
0x305: {  	p1 =	sne.s32 s2, s7;
	v1 =	vld.msk @!p0 [tilespmem:s5+$0x0], $0x1;
	_ =	sdelay $0x4  }
0x306: {  	(v2sf) =	vpush @!p0 v1, $0x0;
	_ =	sdelay $0xe  }
.Ltmp23:
0x307: {  	s8 =	spop @!p0 (v2sf);
	(pc) =	sbr.rel @p1 .LBB2_26-.Ltmp23, $4  }
0x308: {  	p2 =	seq.s32 @!p0 s4, s8  }
0x309: {  	p2 =	por !p2, p0  }
0x30a: {  	s6 =	simm.s32 @p2 $0xFFFFFFFF  }
0x30b: {  	s6 =	smov.u32 @p0 s0  }
.LBB2_27:
0x30c: {  	p0 =	sne.s32 s6, $0xFFFFFFFF  }
.Ltmp24:
0x30d: {  	_ = 	snop;
	(pc) =	sbr.rel @!p0 .LBB2_28-.Ltmp24, $1  }
0x30e: {  	_ =	sdelay $0x3  }
0x30f: {  	s0 =	sshll.u32 s3, $0x4  }
0x310: {  	s4 =	sshll.u32 s6, $0x6;
	s0 =	sand.u32 $0x3FFFFFF0, s0  }
0x311: {  	s31 =	sshra.s32 s4, $0x2;
	v0 =	vld [tilespmem:s0+$0x3678]  }
0x312: {  	v1 =	vld [tilespmem:s31+$0x3678];
	_ =	sdelay $0x1  }
.Ltmp25:
0x313: {  	_ = 	snop;
	(pc) =	sbr.rel .LBB2_30-.Ltmp25, $3  }
0x314: {  	_ =	sdelay $0x1  }
0x315: {  	v0 =	vmax.f32 v0, v1  }
0x316: {  	[tilespmem:s31+$0x3678] =	vst v0  }
.LBB2_31:
0x317: {  	p0 =	slt.s32 s2, $0x1  }
.Ltmp26:
0x318: {  	_ = 	snop;
	(pc) =	sbr.rel @p0 .LBB2_35-.Ltmp26, $3  }
0x319: {  	_ =	sdelay $0x1  }
0x31a: {  	s0 =	simm.s32 $0x6  }
0x31b: {  	s3 =	simm.s32 $0x0;
	[sflag:s0] =	ssyncpa.u1 $0x1  }
0x31c: {  	s0 =	simm.s32 $0x3658  }
0x31d: {  	v0 =	vld.msk [tilespmem:s0+$0x0], $0x1;
	_ =	sdelay $0x4  }
0x31e: {  	(v2sf) =	vpush v0, $0x0;
	_ =	sdelay $0xd  }
0x31f: {  	s2 =	sadd.s32 $0xFFFFFFFF, s2  }
0x320: {  	p1 =	sne.s32 s2, $0x0;
	s0 =	spop (v2sf)  }
.Ltmp27:
0x321: {  	p0 =	sgt.u32 s0, $0x270FF;
	(pc) =	sbr.rel @!p1 .LBB2_34-.Ltmp27, $4  }
0x322: {  	s4 =	simm.s32 $0x3678;
	s5 =	sand.u32 @!p0 $0x3FFF8, s0  }
0x323: {  	s6 =	simm.s32 $0x0;
	s0 =	sand.u32 @!p0 $0x7, s0;
	s5 =	sadd.s32 @!p0 s1, s5  }
0x324: {  	[hbm4b:s5+s0] =	stream.linear.scatter @!p0 [tilespmem:s4], [sflag:$0x5], $0x8, $0x38;
	[tilespmem:$0x1F0E8] =	vst v63  }
0x325: {  	s6 =	simm.s32 @!p0 $0x20;
	s5 =	simm.s32 $0x3659  }
.LBB2_33:
0x326: {  	v0 =	vld.msk [tilespmem:s5+$0x0], $0x1;
	s2 =	sadd.s32 $0xFFFFFFFF, s2;
	s3 =	sadd.s32 s3, s6  }
0x327: {  	p0 =	sne.s32 s2, $0x0;
	_ =	sdelay $0x3  }
0x328: {  	(v2sf) =	vpush v0, $0x0;
	_ =	sdelay $0xe  }
.Ltmp28:
0x329: {  	s0 =	spop (v2sf);
	(pc) =	sbr.rel @p0 .LBB2_33-.Ltmp28, $4  }
0x32a: {  	s6 =	simm.s32 $0x0;
	p1 =	sgt.u32 s0, $0x270FF  }
0x32b: {  	s4 =	sadd.s32 $0x10, s4;
	s6 =	simm.s32 @!p1 $0x20;
	s7 =	sand.u32 @!p1 $0x3FFF8, s0  }
0x32c: {  	s5 =	sadd.s32 $0x1, s5;
	s0 =	sand.u32 @!p1 $0x7, s0;
	s7 =	sadd.s32 @!p1 s1, s7  }
0x32d: {  	[hbm4b:s7+s0] =	stream.linear.scatter @!p1 [tilespmem:s4], [sflag:$0x5], $0x8, $0x38;
	[tilespmem:$0x1F0E8] =	vst v63  }
.LBB2_34:
0x32e: {  	s0 =	sadd.s32 s3, s6  }
0x32f: {  	s3 =	sshrl.u32 s0, $0x2  }
.LBB2_35:
0x330: {  	s0 =	simm.s32 $0x5  }
0x331: {  	_ =	swait.ge [sflag:s0], s3  }
0x332: {  	s1 =	ssub.s32 $0x0, s3;
	[sflag:s0] =	ssyncset.done $0x0  }
0x333: {  	[sflag:s0] =	ssyncadd.s32 s1  }
0x334: {  	[sflag:s0] =	ssyncpa.u1 $0x1  }
0x335: {  	s30 =	simm.s32 $0x1;
	_ =	sfence  }
0x336: {  	[sflag:s30] =	ssyncpa.u1 $0x1  }
0x337: {  	_ =	strace $0x9000004A  }
0x338: {  	[bflag:$0x2] =	sbarrier.arrive $0xFFFF  }
0x339: {  	s31 =	rddreg [dreg:$0x1]  }
0x33a: {  	s0 =	sadd.s32 $0x100000, s31  }
0x33b: {  	[sflag:s0] =	ssyncadd.tile.s32 $0x1;
	_ =	shalt  }
.Lfunc_end2:
_tile_overlayer_lowered:
.L_overlay_start_2:
0x33c: {  	(tag) =	ssettag $0x2  }
0x33d: {  	s0 =	rddreg [dreg:$0x0];
	s2 =	stileid.u32  }
0x33e: {  	s1 =	rddreg [dreg:$0x1];
	p0 =	sne.s32 s2, $0x0  }
0x33f: {  	s3 =	rddreg [dreg:$0x2];
	[bflag:$0x3] =	sbarrier.arrive $0xFFFF;
	s2 =	simm.s32 @!p0 $0x1C01  }
0x340: {  	[timem:s3], [sflag:s2] =	dma.local @!p0 [hbm:s0], s1  }
0x341: {  	s0 =	simm.s32 @!p0 $0x1  }
0x342: {  	_ =	swait.ge @!p0 [sflag:s0], s1  }
0x343: {  	s1 =	ssub.s32 @!p0 $0x0, s1;
	[sflag:s0] =	ssyncset.done @!p0 $0x0  }
0x344: {  	[sflag:s0] =	ssyncadd.s32 @!p0 s1  }
0x345: {  	[bflag:$0x3] =	sbarrier.arrive $0xFFFF  }
0x346: {  	_ =	shalt  }

// kernel: sparse-core-data-format-call.cloned.1.call-start
scs
called_computation.4_lowered:
.L_overlay_start_0:
0x0: {  	s1 =	sld [smem:$0x3FD9]  }
0x1: {  	s2 =	sld [smem:$0x3FFE];
	_ =	sdelay $0x1  }
0x2: {  	s3 =	srdreg.scid  }
0x3: {  	s0 =	sand.u32 $0x1, s3  }
0x4: {  	s17 =	sshll.u32 s0, $0xA;
	s1 =	sadd.s32 s2, s1  }
0x5: {  	s1 =	sadd.s32 s1, s17  }
0x6: {  	[smem:$0x3FB5] =	sst s1  }
0x7: {  	_ = 	snop  }
0x8: {  	(tm) =	ssettm $0x1  }
0x9: {  	s18 =	sld [smem:$0x3FFB];
	_ =	sdelay $0x3  }
0xa: {  	_ =	strace s18  }
0xb: {  	s1 =	sld [smem:$0x3FFC];
	_ =	sdelay $0x3  }
0xc: {  	_ =	strace s1  }
0xd: {  	s1 =	sld [smem:$0x3FFD];
	_ =	sdelay $0x3  }
0xe: {  	_ =	strace s1  }
0xf: {  	_ =	strace $0x8FFFFFFF  }
0x10: {  	s19 =	sld [smem:$0x3FDB];
	_ =	sdelay $0x1  }
0x11: {  	s20 =	simm.s32 $_scs_section_size  }
0x12: {  	s4 =	simm.s32 $_size__tile_overlayer_lowered;
	s5 =	simm.s32 $_tile_overlayer_lowered  }
0x13: {  	s23 =	simm.s32 $0x1BFF;
	s22 =	sshll.u32 s5, $0x1;
	s1 =	sadd.s32 s20, s19  }
0x14: {  	s6 =	simm.s32 $0x0;
	s21 =	sshll.u32 s4, $0x1;
	s4 =	sadd.s32 s22, s1  }
0x15: {  	[timem:s6], [sflag:s23] =	dma.local [hbm:s4], s21  }
0x16: {  	_ =	swait.ge [sflag:s23], s21  }
0x17: {  	s2 =	ssub.s32 $0x0, s21;
	[sflag:s23] =	ssyncset.done $0x0  }
0x18: {  	[sflag:s23] =	ssyncadd.s32 s2;
	_ =	sdelay $0x1  }
0x19: {  	s24 =	simm.s32 $0x1B8B  }
0x1a: {  	_ =	swait.ge [sflag:s24], $0x1  }
0x1b: {  	[sflag:s24] =	ssyncset.done $0x0  }
0x1c: {  	s26 =	simm.s32 $0x1B8E;
	s25 =	sld [smem:$0x3FFE];
	[sflag:s24] =	ssyncadd.s32 $0xFFFFFFFF  }
0x1d: {  	s27 =	simm.s32 $execute0_lowered;
	[smem:$0x3FD2] =	sst s26  }
0x1e: {  	s4 =	sshll.u32 s27, $0x1;
	_ =	strace $0x8000004C;
	[dreg:$0x1] =	wrdreg $0xFFFFFFFF  }
0x1f: {  	s28 =	simm.s32 $_size_execute0_lowered;
	s1 =	sadd.s32 s1, s4;
	[dreg:$0x0] =	wrdreg $0x0  }
0x20: {  	s4 =	sshll.u32 s28, $0x1;
	[dreg:$0x2] =	wrdreg s1  }
0x21: {  	[dreg:$0x3] =	wrdreg s4  }
0x22: {  	[dreg:$0x4] =	wrdreg $0xC0  }
0x23: {  	_ =	task [dreg:s6], $0x5FFFF  }
0x24: {  	[dreg:$0x1] =	wrdreg $0xFFFFFFFF  }
0x25: {  	[dreg:$0x0] =	wrdreg $0x60  }
0x26: {  	[dreg:$0x2] =	wrdreg s25  }
0x27: {  	[dreg:$0x3] =	wrdreg $0x9  }
0x28: {  	_ =	task.clear_ibuf [dreg:s6], $0x4FFFF;
	_ =	strace $0x9000004C  }
0x29: {  	s29 =	simm.s32 $0x9;
	_ =	strace $0x8000004E  }
0x2a: {  	_ =	swait.ge [sflag:s29], $0x1  }
0x2b: {  	[sflag:s29] =	ssyncadd.s32 $0xFFFFFFFF  }
0x2c: {  	_ =	strace $0x9000004E  }
0x2d: {  	_ =	sfence  }
0x2e: {  	s30 =	sld [smem:$0x0];
	_ =	sdelay $0x2  }
0x2f: {  	s31 =	sshll.u32 s3, $0xD;
	s3 =	sshrl.u32 s3, $0x2  }
0x30: {  	s2 =	sand.u32 $0x4000, s31;
	s1 =	sadd.s32 s3, s30  }
0x31: {  	s0 =	sor.u32 s2, s0;
	s1 =	sshll.u32 s1, $0x11  }
0x32: {  	s0 =	sor.u32 s1, s0  }
0x33: {  	s0 =	sadd.s32 $0x8F2B, s0  }
0x34: {  	[sflag:s0] =	ssyncadd.remote.s32 $0x1  }
0x35: {  	_ =	sfence.sel $0xFFFF  }
0x36: {  	[dreg:$0x0] =	wrdreg $0xFFFFFFFF;
	(pc) =	sbr.abs _section_cstart, $3  }
0x37: {  	[dreg:$0x1] =	wrdreg $0xFFFFFFFF  }
0x38: {  	_ =	task.clear_ibuf [dreg:s6], $0x2FFFF;
	_ =	strace $0x9FFFFFFF  }
0x39: {  	(tm) =	ssettm $0x7FFFFFFF  }
tec
execute0_lowered:
.L_overlay_start_1:
0x0: {  	(tag) =	ssettag $0x1  }
0x1: {  	s0 =	stileid.u32  }
0x2: {  	s1 =	srdreg.scid;
	s7 =	rddreg [dreg:$0x0]  }
0x3: {  	s31 =	simm.s32 $0x2;
	s16 =	simm.s32 $0x0;
	s9 =	simm.s32 $0x1000  }
0x4: {  	s15 =	simm.s32 $0x0;
	s10 =	simm.s32 $0x0;
	s11 =	simm.s32 $0x0  }
0x5: {  	s2 =	sshll.u32 s0, $0x7;
	s3 =	sshll.u32 s0, $0x5;
	s1 =	sshll.u32 s1, $0x9  }
0x6: {  	s14 =	simm.s32 $0x0;
	s2 =	sand.u32 $0x180, s2;
	s3 =	sor.u32 s3, s1  }
0x7: {  	s1 =	rddreg [dreg:$0x1];
	s4 =	ssub.s32 $0x200, s2;
	s3 =	sand.u32 $0x380, s3  }
0x8: {  	_ =	strace $0x8000004D;
	s5 =	sand.u32 $0x180, s4;
	s6 =	ssub.s32 $0x50900, s3  }
0x9: {  	s4 =	sshrl.u32 s4, $0x9;
	p0 =	sne.s32 s5, $0x0;
	s5 =	simm.s32 $0x1  }
.Ltmp0:
0xa: {  	s6 =	sshrl.u32 s6, $0xA;
	s5 =	simm.s32 @!p0 $0x0;
	(pc) =	sbr.rel .LBB1_1-.Ltmp0, $4  }
0xb: {  	s13 =	smov.u32 s2;
	s6 =	sadd.s32 $0x1, s6;
	s8 =	sadd.s32 s5, s4  }
0xc: {  	s12 =	smov.u32 s3;
	s5 =	simm.s32 $0x1;
	s6 =	smul.u32 s8, s6  }
0xd: {  	p0 =	por $0x0, $0x0;
	s4 =	sadd.s32 $0x602000, s7;
	[sflag:s5] =	ssyncpa.u1 $0x0  }
0xe: {  	s7 =	sadd.s32 $0x1A28000, s7;
	[sflag:s31] =	ssyncpa.u1 $0x0;
	s8 =	sadd.s32 $0x1, s6  }
.LBB1_4:
0xf: {  	s21 =	sshra.s32 s21, $0x2;
	s22 =	sshll.u32 s10, $0x9  }
0x10: {  	s23 =	sshll.u32 s11, $0x3;
	s24 =	sshll.u32 s10, $0x7;
	s27 =	sand.u32 $0x78, s11  }
0x11: {  	p1 =	sgt.s32 s10, $0x50890;
	s22 =	sand.u32 $0xFFFFF000, s22;
	s23 =	sand.u32 $0xFFFFFC00, s23  }
0x12: {  	s20 =	sadd.s32 s21, s20;
	s26 =	sand.u32 $0x200, s24;
	s28 =	sand.u32 $0x180, s24  }
0x13: {  	v5 =	vld [tilespmem:s18+$0xFFFFFFD0];
	[tilespmem:s19+$0x2040 ss:$0x81] =	vst.msk $0xffff, v4;
	s25 =	sadd.s32 s23, s22;
	s22 =	sor.u32 s27, s28;
	s23 =	smov.u32 s10  }
0x14: {  	v58 =	vld [tilespmem:s18+$0xFFFFFFE0];
	[tilespmem:s19+$0x2850 ss:$0x81] =	vst.msk $0xffff, v3;
	s21 =	sor.u32 s26, s25;
	s23 =	simm.s32 @!p1 $0x50890;
	s25 =	sshra.s32 s10, $0x1F  }
0x15: {  	v59 =	vld [tilespmem:s18+$0xFFFFFFF0];
	[tilespmem:s19+$0x3060 ss:$0x81] =	vst.msk $0xffff, v2;
	p1 =	sgt.s32 s11, $0x180;
	s26 =	sshra.s32 s11, $0x1F;
	s21 =	sshrl.u32 s21, $0x9  }
0x16: {  	v60 =	vld [tilespmem:s18+$0x0];
	[tilespmem:s19+$0x0 ss:$0x81] =	vst.msk $0xffff, v1;
	s30 =	sand.u32 s25, s10;
	s25 =	smov.u32 s11;
	s31 =	sand.u32 s26, s11  }
0x17: {  	v61 =	vld [tilespmem:s18+$0x10];
	[tilespmem:s20+$0x3870 ss:$0x81] =	vst.msk $0xffff, v0;
	s29 =	smulhi.u32 $0x65AE1B, s21;
	s19 =	ssub.s32 s23, s30;
	s25 =	simm.s32 @!p1 $0x180  }
0x18: {  	v62 =	vld [tilespmem:s18+$0x20];
	[tilespmem:s20+$0x810 ss:$0x81] =	vst.msk $0xffff, v5;
	s23 =	ssub.s32 s25, s31;
	s26 =	sadd.s32 $0xFFFAF770, s19;
	s19 =	ssub.s32 $0x50910, s19  }
0x19: {  	v63 =	vld [tilespmem:s18+$0xFFFFFFC0];
	[tilespmem:s20+$0x1020 ss:$0x81] =	vst.msk $0xffff, v58;
	s24 =	sshrl.u32 s29, $0x9;
	p1 =	sgt.s32 s26, $0x7F;
	s28 =	sadd.s32 $0xFFFFFE80, s23  }
0x1a: {  	[tilespmem:s20+$0x1830 ss:$0x81] =	vst.msk $0xffff, v59;
	s23 =	ssub.s32 $0x200, s23;
	s27 =	smul.u32 $0x50910, s24;
	p2 =	sgt.s32 s28, $0x7F  }
0x1b: {  	[tilespmem:s20+$0x2040 ss:$0x81] =	vst.msk $0xffff, v60;
	s30 =	sand.u32 $0x7, s11;
	s19 =	simm.s32 @p1 $0x0;
	s23 =	simm.s32 @p2 $0x0  }
0x1c: {  	[tilespmem:s20+$0x2850 ss:$0x81] =	vst.msk $0xffff, v61;
	s29 =	sshrl.u32 s22, $0x3;
	s18 =	ssub.s32 s21, s27;
	s19 =	smul.u32 s23, s19  }
0x1d: {  	[tilespmem:s20+$0x3060 ss:$0x81] =	vst.msk $0xffff, v62;
	s22 =	sshll.u32 s30, $0x12;
	s21 =	sadd.s32 s7, s29;
	s18 =	sshll.u32 s18, $0x6  }
0x1e: {  	[tilespmem:s20+$0x0 ss:$0x81] =	vst.msk $0xffff, v63;
	s31 =	sor.u32 $0x400, s22;
	s19 =	sand.u32 $0x3FFFFFFF, s19;
	s18 =	sadd.s32 s18, s21  }
0x1f: {  	[hbm4b:s18+s31] =	stream.strided.scatter [tilespmem:s17], [sflag:$0x2], s19, s9, s31, $0x20;
	[tilespmem:$0x10100] =	vst v63  }
.LBB1_5:
0x20: {  	p1 =	slt.u32 s14, $0x2  }
0x21: {  	s18 =	smov.u32 s16;
	p2 =	sgt.s32 @!p1 s16, $0x50890;
	s17 =	sshra.s32 @!p1 s16, $0x1F  }
0x22: {  	p3 =	sgt.s32 @!p1 s15, $0x180;
	s19 =	sshra.s32 @!p1 s15, $0x1F;
	p2 =	por !p2, p1  }
0x23: {  	s16 =	sand.u32 @!p1 s17, s16;
	p3 =	por !p3, p1;
	s17 =	smov.u32 s15  }
0x24: {  	s15 =	sand.u32 @!p1 s19, s15;
	s18 =	simm.s32 @p2 $0x50890;
	s17 =	simm.s32 @p3 $0x180  }
0x25: {  	s16 =	ssub.s32 @!p1 s18, s16;
	s15 =	ssub.s32 @!p1 s17, s15  }
0x26: {  	s19 =	smov.u32 s13;
	s17 =	sadd.s32 @!p1 $0xFFFAF770, s16;
	s18 =	sadd.s32 @!p1 $0xFFFFFE80, s15  }
0x27: {  	s16 =	ssub.s32 @!p1 $0x50910, s16;
	p2 =	sgt.s32 @!p1 s17, $0x7F;
	p3 =	sgt.s32 @!p1 s18, $0x7F  }
0x28: {  	s15 =	ssub.s32 @!p1 $0x200, s15;
	p2 =	por !p2, p1;
	p3 =	por !p3, p1  }
0x29: {  	s17 =	sadd.s32 $0x400, s12;
	s16 =	simm.s32 @!p2 $0x0;
	s15 =	simm.s32 @!p3 $0x0  }
0x2a: {  	p2 =	sgt.s32 s17, $0x5090F;
	s15 =	smul.u32 @!p1 s15, s16;
	s16 =	sadd.s32 $0x200, s13  }
0x2b: {  	s19 =	smov.u32 @p2 s16  }
0x2c: {  	s17 =	smov.u32 @p2 s3;
	p2 =	sgt.s32 s19, $0x1FF  }
0x2d: {  	s19 =	smov.u32 @p2 s2;
	p2 =	sne.s32 s14, s8  }
.Ltmp1:
0x2e: {  	p0 =	por !p0, !p0;
	s18 =	simm.s32 @!p1 $0x2;
	(pc) =	sbr.rel @!p2 .LBB1_6-.Ltmp1, $4  }
0x2f: {  	s16 =	smov.u32 s10;
	s10 =	smov.u32 s12;
	s15 =	sand.u32 @!p1 $0x3FFFFFFF, s15  }
0x30: {  	s12 =	smov.u32 s17;
	_ =	swait.ge @!p1 [sflag:s18], s15;
	s20 =	ssub.s32 @!p1 $0x0, s15  }
0x31: {  	s15 =	smov.u32 s11;
	s14 =	sadd.s32 $0x1, s14;
	[sflag:s18] =	ssyncset.done @!p1 $0x0  }
0x32: {  	s11 =	smov.u32 s13;
	s13 =	smov.u32 s19;
	[sflag:s18] =	ssyncadd.s32 @!p1 s20  }
.LBB1_1:
0x33: {  	p1 =	sge.u32 s14, s6  }
0x34: {  	s17 =	sshrl.u32 @!p1 s13, $0x3  }
0x35: {  	s18 =	sshll.u32 @!p1 s12, $0x3;
	s17 =	smul.u32 @!p1 $0x284C00, s17  }
0x36: {  	s19 =	sshll.u32 @!p1 s13, $0x7;
	s18 =	sand.u32 @!p1 $0xFFFFFC00, s18  }
0x37: {  	s17 =	sadd.s32 @!p1 s17, s18;
	s18 =	sand.u32 @!p1 $0x380, s19  }
0x38: {  	s17 =	sor.u32 @!p1 s18, s17  }
0x39: {  	s18 =	sshrl.u32 @!p1 s17, $0x7  }
0x3a: {  	s18 =	smulhi.u32 @!p1 $0x32D2A3, s18;
	_ =	sdelay $0x1  }
0x3b: {  	s18 =	sshrl.u32 @!p1 s18, $0x1  }
0x3c: {  	s19 =	sand.u32 @!p1 $0x7F, s12;
	s20 =	smul.u32 @!p1 $0x50980, s18  }
0x3d: {  	s31 =	sadd.s32 $0xFFFFFFFF, s14;
	s17 =	sor.u32 @!p1 s19, s17;
	s19 =	sxor.u32 @!p1 $0xFFFFFFFF, s14  }
0x3e: {  	s19 =	sshll.u32 @!p1 s19, $0xE;
	s18 =	sand.u32 @!p1 $0x1FF, s18;
	s17 =	ssub.s32 @!p1 s17, s20  }
0x3f: {  	s18 =	smul.u32 @!p1 $0xA130, s18;
	s20 =	sshrl.u32 @!p1 s17, $0x3;
	s17 =	sand.u32 @!p1 $0x7, s17  }
0x40: {  	s19 =	sand.u32 @!p1 $0x4000, s19;
	s20 =	sadd.s32 @!p1 s4, s20;
	s17 =	sshll.u32 @!p1 s17, $0x12  }
0x41: {  	s18 =	sadd.s32 @!p1 s18, s20;
	s17 =	sor.u32 @!p1 $0x400, s17;
	s20 =	simm.s32 @!p1 $0x284C00  }
0x42: {  	[tilespmem:s19], [sflag:$0x1] =	stream.strided.gather @!p1 [hbm4b:s18+s17], $0x4000, s20, s17, $0x38;
	[tilespmem:$0x10100] =	vst v63  }
0x43: {  	p1 =	sge.u32 s31, s6  }
.Ltmp2:
0x44: {  	_ = 	snop;
	(pc) =	sbr.rel @p1 .LBB1_5-.Ltmp2, $1  }
0x45: {  	_ =	sdelay $0x3  }
0x46: {  	s17 =	simm.s32 $0x1  }
0x47: {  	_ =	swait.ge [sflag:s5], $0x4000;
	s17 =	simm.s32 @!p0 $0x0  }
0x48: {  	[sflag:s5] =	ssyncset.done $0x0;
	s18 =	sshll.u32 s17, $0xE  }
0x49: {  	[sflag:s5] =	ssyncadd.s32 $0xFFFFC000;
	s18 =	sor.u32 $0x40, s18  }
0x4a: {  	s17 =	smul.u32 $0x10200, s17;
	v0 =	vld [tilespmem:s18+$0x30]  }
0x4b: {  	v1 =	vld [tilespmem:s18+$0xFFFFFFD0]  }
0x4c: {  	s17 =	sshrl.u32 s17, $0x2;
	v5 =	vld [tilespmem:s18+$0xFFFFFFE0]  }
0x4d: {  	v6 =	vld [tilespmem:s18+$0xFFFFFFF0];
	s20 =	sor.u32 $0x8000, s17  }
0x4e: {  	s31 =	sand.u32 $0x1, s14;
	v4 =	vld [tilespmem:s18+$0x0];
	s19 =	sadd.s32 $0x0, s20  }
0x4f: {  	v3 =	vld [tilespmem:s18+$0x10];
	s17 =	smul.u32 $0x10200, s31;
	[tilespmem:s19+$0x3870 ss:$0x81] =	vst.msk $0xffff, v0  }
0x50: {  	v2 =	vld [tilespmem:s18+$0x20];
	[tilespmem:s19+$0x810 ss:$0x81] =	vst.msk $0xffff, v1  }
0x51: {  	s17 =	sshrl.u32 s17, $0x2;
	v1 =	vld [tilespmem:s18+$0xFFFFFFC0];
	[tilespmem:s19+$0x1020 ss:$0x81] =	vst.msk $0xffff, v5;
	s18 =	sadd.s32 $0x80, s18  }
0x52: {  	s21 =	simm.s32 $0x4;
	s22 =	simm.s32 $0x8;
	s17 =	sor.u32 $0x8000, s17;
	[tilespmem:s19+$0x1830 ss:$0x81] =	vst.msk $0xffff, v6;
	v0 =	vld [tilespmem:s18+$0x30]  }
.LBB1_3:
0x53: {  	p1 =	sne.s32 s22, $0x1FC;
	v5 =	vld [tilespmem:s18+$0xFFFFFFD0];
	[tilespmem:s19+$0x2040 ss:$0x81] =	vst.msk $0xffff, v4  }
0x54: {  	v6 =	vld [tilespmem:s18+$0xFFFFFFE0];
	[tilespmem:s19+$0x2850 ss:$0x81] =	vst.msk $0xffff, v3  }
0x55: {  	s23 =	sshra.s32 s21, $0x2;
	s21 =	smov.u32 s22;
	v7 =	vld [tilespmem:s18+$0xFFFFFFF0];
	[tilespmem:s19+$0x3060 ss:$0x81] =	vst.msk $0xffff, v2  }
.Ltmp3:
0x56: {  	v4 =	vld [tilespmem:s18+$0x0];
	[tilespmem:s19+$0x0 ss:$0x81] =	vst.msk $0xffff, v1;
	s19 =	sadd.s32 s23, s20;
	(pc) =	sbr.rel @p1 .LBB1_3-.Ltmp3, $4  }
0x57: {  	v3 =	vld [tilespmem:s18+$0x10];
	[tilespmem:s19+$0x3870 ss:$0x81] =	vst.msk $0xffff, v0  }
0x58: {  	[tilespmem:s19+$0x810 ss:$0x81] =	vst.msk $0xffff, v5;
	v2 =	vld [tilespmem:s18+$0x20]  }
0x59: {  	v1 =	vld [tilespmem:s18+$0xFFFFFFC0];
	[tilespmem:s19+$0x1020 ss:$0x81] =	vst.msk $0xffff, v6;
	s18 =	sadd.s32 $0x80, s18  }
0x5a: {  	s22 =	sadd.s32 $0x4, s22;
	v0 =	vld [tilespmem:s18+$0x30];
	[tilespmem:s19+$0x1830 ss:$0x81] =	vst.msk $0xffff, v7  }
.Ltmp4:
0x5b: {  	_ = 	snop;
	(pc) =	sbr.rel .LBB1_4-.Ltmp4, $1  }
0x5c: {  	_ =	sdelay $0x3  }
.LBB1_6:
0x5d: {  	_ =	sfence.sel $0x180000  }
0x5e: {  	s2 =	simm.s32 $0x1;
	[bflag:$0x0] =	sbarrier.arrive $0xFFFF  }
0x5f: {  	s31 =	simm.s32 $0x2;
	[sflag:s2] =	ssyncpa.u1 $0x1  }
0x60: {  	[sflag:s31] =	ssyncpa.u1 $0x1  }
0x61: {  	p0 =	sne.s32 s0, $0x0;
	_ =	strace $0x9000004D  }
0x62: {  	s0 =	sadd.s32 @!p0 $0x100000, s1;
	[bflag:$0x2] =	sbarrier.arrive $0xFFFF  }
0x63: {  	[sflag:s0] =	ssyncadd.tile.s32 @!p0 $0x1;
	_ =	shalt  }
.Lfunc_end1:
_tile_overlayer_lowered:
.L_overlay_start_2:
0x64: {  	(tag) =	ssettag $0x2  }
0x65: {  	s0 =	rddreg [dreg:$0x0];
	s2 =	stileid.u32  }
0x66: {  	s1 =	rddreg [dreg:$0x1];
	p0 =	sne.s32 s2, $0x0  }
0x67: {  	s3 =	rddreg [dreg:$0x2];
	[bflag:$0x3] =	sbarrier.arrive $0xFFFF;
	s2 =	simm.s32 @!p0 $0x1C01  }
0x68: {  	[timem:s3], [sflag:s2] =	dma.local @!p0 [hbm:s0], s1  }
0x69: {  	s0 =	simm.s32 @!p0 $0x1  }
0x6a: {  	_ =	swait.ge @!p0 [sflag:s0], s1  }
0x6b: {  	s1 =	ssub.s32 @!p0 $0x0, s1;
	[sflag:s0] =	ssyncset.done @!p0 $0x0  }
0x6c: {  	[sflag:s0] =	ssyncadd.s32 @!p0 s1  }
0x6d: {  	[bflag:$0x3] =	sbarrier.arrive $0xFFFF  }
0x6e: {  	_ =	shalt  }

</sc_bundles>
